<compile_context>
chip_gen: v7x
topology: tpu7x:2x2x1
jax: 0.10.2.dev20260603
libtpu: 0.0.44.dev20260713+nightly
codegen_flags: <defaults>
</compile_context>

<pallas_src>
import functools

import jax
import jax.numpy as jnp
from jax import lax
from jax.experimental import pallas as pl
from jax.experimental.pallas import tpu as pltpu
from jax.experimental.pallas import tpu_sc as plsc

_VOCAB = 100000
_DIM = 768
_SEQ = 8192

_NC = 2
_NS = 16
_NW = _NC * _NS
_ROWS_PER_W = _SEQ // _NW
_CHUNK = 8
_NCHUNKS = _ROWS_PER_W // _CHUNK
_NBUF = 4
_LANES = 16
_VECS_PER_ROW = _DIM // _LANES


def _embed_body(x_hbm, emb0_hbm, emb1_hbm, out_hbm, idx_v, tok_v, pos_v,
                sem_g, sem_p, sem_s):
    wid = lax.axis_index("s") * _NC + lax.axis_index("c")
    base = wid * _ROWS_PER_W

    pltpu.sync_copy(x_hbm.at[pl.ds(base, _ROWS_PER_W)], idx_v)

    def loads(c, b):
        g = pltpu.make_async_copy(
            emb0_hbm.at[idx_v.at[pl.ds(c * _CHUNK, _CHUNK)]], tok_v.at[b],
            sem_g.at[b])
        p = pltpu.make_async_copy(
            emb1_hbm.at[pl.ds(base + c * _CHUNK, _CHUNK)], pos_v.at[b],
            sem_p.at[b])
        return g, p

    def store(c, b):
        return pltpu.make_async_copy(
            pos_v.at[b], out_hbm.at[pl.ds(base + c * _CHUNK, _CHUNK)],
            sem_s.at[b])

    for f in range(_NBUF - 1):
        g, p = loads(f, f)
        g.start()
        p.start()

    def group(gi, carry):
        for b in range(_NBUF):
            c = gi * _NBUF + b
            g, p = loads(c, b)
            g.wait()
            p.wait()

            def add_row(r, cc):
                for j in range(_VECS_PER_ROW):
                    v = tok_v[b, r, pl.ds(j * _LANES, _LANES)]
                    plsc.addupdate(pos_v.at[b, r, pl.ds(j * _LANES, _LANES)],
                                   v)
                return cc

            lax.fori_loop(0, _CHUNK, add_row, 0)

            store(c, b).start()
            f = c + _NBUF - 1
            fslot = (b + _NBUF - 1) % _NBUF

            @pl.when(f < _NCHUNKS)
            def _issue():
                @pl.when(f >= _NBUF)
                def _wait_prev_store():
                    store(f - _NBUF, fslot).wait()
                g2, p2 = loads(f, fslot)
                g2.start()
                p2.start()

        return carry

    lax.fori_loop(0, _NCHUNKS // _NBUF, group, 0)

    for i in range(_NBUF):
        c = _NCHUNKS - _NBUF + i
        store(c, c % _NBUF).wait()


@jax.jit
def _embed(x, emb0, emb1):
    mesh = plsc.VectorSubcoreMesh(core_axis_name="c", subcore_axis_name="s")
    run = functools.partial(
        pl.kernel,
        out_type=jax.ShapeDtypeStruct((_SEQ, _DIM), jnp.float32),
        mesh=mesh,
        scratch_types=[
            pltpu.VMEM((_ROWS_PER_W,), jnp.int32),
            pltpu.VMEM((_NBUF, _CHUNK, _DIM), jnp.float32),
            pltpu.VMEM((_NBUF, _CHUNK, _DIM), jnp.float32),
            pltpu.SemaphoreType.DMA((_NBUF,)),
            pltpu.SemaphoreType.DMA((_NBUF,)),
            pltpu.SemaphoreType.DMA((_NBUF,)),
        ],
    )(_embed_body)
    return run(x, emb0, emb1)


def kernel(x, emb0, emb1):
    return _embed(x, emb0, emb1)

# --- scband reference (transcript-rebuilt; emitter-appended) ---
"""Pipeline reference for scband-gpt2-embedder-49435073577417 (READ-ONLY COPY).

The authoritative reference and input builder live on the scoring server;
editing this copy changes nothing except your own understanding.
"""

import jax, jax.numpy as jnp
import numpy as np

VOCAB = 100000
DIM = 768
SEQ = 8192

def setup_inputs(seed: int = 0) -> dict:
    key = jax.random.key(seed)
    k1, k2, k3 = jax.random.split(key, 3)
    x = jax.random.randint(k1, (SEQ,), 0, VOCAB, dtype=jnp.int64 if jax.config.jax_enable_x64 else jnp.int32).astype(jnp.int32)
    emb0 = jax.random.normal(k2, (VOCAB, DIM), dtype=jnp.float32) * 0.02
    emb1 = jax.random.normal(k3, (VOCAB, DIM), dtype=jnp.float32) * 0.02
    return {"x": x, "emb0": emb0, "emb1": emb1}

def reference(x, emb0, emb1):
    # positions = arange(0, len(x)); embedding0(x) + embedding1(positions)
    positions = jnp.arange(x.shape[0], dtype=x.dtype)
    tok = jnp.take(emb0, x, axis=0)
    pos = jnp.take(emb1, positions, axis=0)
    return tok + pos

if __name__ == "__main__":
    import jax
    _d = setup_inputs()
    print(jax.jit(kernel)(*tuple(_d.values())))

</pallas_src>

<mosaic_0001>
#map = affine_map<(d0, d1) -> (0)>
#map1 = affine_map<(d0, d1) -> (0, 0)>
module attributes {stable_mosaic.version = 14 : i64} {
  func.func @_embed_body(%arg0: i32, %arg1: i32, %arg2: memref<8192xi32, #tpu.memory_space<hbm>>, %arg3: memref<100000x768xf32, #tpu.memory_space<hbm>>, %arg4: memref<100000x768xf32, #tpu.memory_space<hbm>>, %arg5: memref<8192x768xf32, #tpu.memory_space<hbm>>, %arg6: memref<256xi32, #tpu.memory_space<vmem>>, %arg7: memref<4x8x768xf32, #tpu.memory_space<vmem>>, %arg8: memref<4x8x768xf32, #tpu.memory_space<vmem>>, %arg9: memref<4x!tpu.dma_semaphore, #tpu.memory_space<semaphore_mem>>, %arg10: memref<4x!tpu.dma_semaphore, #tpu.memory_space<semaphore_mem>>, %arg11: memref<4x!tpu.dma_semaphore, #tpu.memory_space<semaphore_mem>>) attributes {dimension_semantics = [#tpu.dimension_semantics<core_parallel>, #tpu.dimension_semantics<subcore_parallel>], iteration_bounds = array<i64: 2, 16>, scalar_prefetch = 0 : i64, scratch_operands = 6 : i64, tpu.core_type = #tpu.core_type<sc_vector_subcore>, window_params = [{transform_indices = #map}, {transform_indices = #map1}, {transform_indices = #map1}, {transform_indices = #map1}]} {
    %mul3A = arith.constant 2 : i32
    %mul3A_0 = arith.muli %arg1, %mul3A : i32
    %add3A = arith.addi %mul3A_0, %arg0 : i32
    %mul3A_1 = arith.constant 256 : i32
    %mul3A_2 = arith.muli %add3A, %mul3A_1 : i32
    "tpu.region"() ({
      %run_scoped3A = tpu.sem_alloc : memref<!tpu.dma_semaphore, #tpu.memory_space<semaphore_mem>>
      %dma_start3A_171 = tpu.memref_slice %arg2[%mul3A_2] : memref<8192xi32, #tpu.memory_space<hbm>> -> memref<256xi32, #tpu.memory_space<hbm>>
      %dma_start3A_172 = tpu.memref_slice %arg2[%mul3A_2] : memref<8192xi32, #tpu.memory_space<hbm>> -> memref<256xi32, #tpu.memory_space<hbm>>
      tpu.enqueue_dma source(%dma_start3A_172 : memref<256xi32, #tpu.memory_space<hbm>>) target(%arg6 : memref<256xi32, #tpu.memory_space<vmem>>) target_semaphore(%run_scoped3A : memref<!tpu.dma_semaphore, #tpu.memory_space<semaphore_mem>>)
      %dma_wait3A_173 = tpu.memref_slice %arg2[%mul3A_2] : memref<8192xi32, #tpu.memory_space<hbm>> -> memref<256xi32, #tpu.memory_space<hbm>>
      %dma_wait3A_174 = tpu.memref_slice %arg2[%mul3A_2] : memref<8192xi32, #tpu.memory_space<hbm>> -> memref<256xi32, #tpu.memory_space<hbm>>
      tpu.wait_dma2 semaphore(%run_scoped3A : memref<!tpu.dma_semaphore, #tpu.memory_space<semaphore_mem>>) src(%dma_wait3A_174 : memref<256xi32, #tpu.memory_space<hbm>>) dst(%arg6 : memref<256xi32, #tpu.memory_space<vmem>>)
      tpu.yield
    }) : () -> ()
    %add3A_3 = arith.constant 0 : i32
    %add3A_4 = arith.addi %mul3A_2, %add3A_3 : i32
    %dma_start3A = arith.constant 0 : i32
    %dma_start3A_5 = arith.constant 0 : i32
    %dma_start3A_6 = arith.constant 0 : i32
    %dma_start3A_7 = arith.constant 0 : i32
    %dma_start3A_8 = tpu.memref_slice %arg7[%dma_start3A, %dma_start3A_6, %dma_start3A_7] : memref<4x8x768xf32, #tpu.memory_space<vmem>> -> memref<1x8x768xf32, #tpu.memory_space<vmem>>
    %dma_start3A_9 = tpu.memref_squeeze %dma_start3A_8 : memref<1x8x768xf32, #tpu.memory_space<vmem>> -> memref<8x768xf32, #tpu.memory_space<vmem>>
    %dma_start3A_10 = arith.constant 0 : i32
    %dma_start3A_11 = tpu.memref_slice %arg6[%dma_start3A_10] : memref<256xi32, #tpu.memory_space<vmem>> -> memref<8xi32, #tpu.memory_space<vmem>>
    %dma_start3A_12 = arith.constant 0 : i32
    %dma_start3A_13 = arith.constant 0 : i32
    %dma_start3A_14 = tpu.memref_slice %arg3[%dma_start3A_12, %dma_start3A_13] : memref<100000x768xf32, #tpu.memory_space<hbm>> -> memref<100000x768xf32, #tpu.memory_space<hbm>>
    %dma_start3A_15 = tpu.memref_slice %arg9[%dma_start3A_5] : memref<4x!tpu.dma_semaphore, #tpu.memory_space<semaphore_mem>> -> memref<1x!tpu.dma_semaphore, #tpu.memory_space<semaphore_mem>>
    %dma_start3A_16 = tpu.memref_squeeze %dma_start3A_15 : memref<1x!tpu.dma_semaphore, #tpu.memory_space<semaphore_mem>> -> memref<!tpu.dma_semaphore, #tpu.memory_space<semaphore_mem>>
    tpu.enqueue_indirect_dma source(%dma_start3A_14 : memref<100000x768xf32, #tpu.memory_space<hbm>>) target(%dma_start3A_9 : memref<8x768xf32, #tpu.memory_space<vmem>>) offsets(%dma_start3A_11 : memref<8xi32, #tpu.memory_space<vmem>>) semaphore(%dma_start3A_16 : memref<!tpu.dma_semaphore, #tpu.memory_space<semaphore_mem>>)
    %dma_start3A_17 = arith.constant 0 : i32
    %dma_start3A_18 = arith.constant 0 : i32
    %dma_start3A_19 = arith.constant 0 : i32
    %dma_start3A_20 = arith.constant 0 : i32
    %dma_start3A_21 = tpu.memref_slice %arg8[%dma_start3A_17, %dma_start3A_19, %dma_start3A_20] : memref<4x8x768xf32, #tpu.memory_space<vmem>> -> memref<1x8x768xf32, #tpu.memory_space<vmem>>
    %dma_start3A_22 = tpu.memref_squeeze %dma_start3A_21 : memref<1x8x768xf32, #tpu.memory_space<vmem>> -> memref<8x768xf32, #tpu.memory_space<vmem>>
    %dma_start3A_23 = arith.constant 0 : i32
    %dma_start3A_24 = tpu.memref_slice %arg4[%add3A_4, %dma_start3A_23] : memref<100000x768xf32, #tpu.memory_space<hbm>> -> memref<8x768xf32, #tpu.memory_space<hbm>>
    %dma_start3A_25 = tpu.memref_slice %arg10[%dma_start3A_18] : memref<4x!tpu.dma_semaphore, #tpu.memory_space<semaphore_mem>> -> memref<1x!tpu.dma_semaphore, #tpu.memory_space<semaphore_mem>>
    %dma_start3A_26 = tpu.memref_squeeze %dma_start3A_25 : memref<1x!tpu.dma_semaphore, #tpu.memory_space<semaphore_mem>> -> memref<!tpu.dma_semaphore, #tpu.memory_space<semaphore_mem>>
    %dma_start3A_27 = arith.constant 0 : i32
    %dma_start3A_28 = arith.constant 0 : i32
    %dma_start3A_29 = tpu.memref_slice %arg8[%dma_start3A_17, %dma_start3A_27, %dma_start3A_28] : memref<4x8x768xf32, #tpu.memory_space<vmem>> -> memref<1x8x768xf32, #tpu.memory_space<vmem>>
    %dma_start3A_30 = tpu.memref_squeeze %dma_start3A_29 : memref<1x8x768xf32, #tpu.memory_space<vmem>> -> memref<8x768xf32, #tpu.memory_space<vmem>>
    %dma_start3A_31 = arith.constant 0 : i32
    %dma_start3A_32 = tpu.memref_slice %arg4[%add3A_4, %dma_start3A_31] : memref<100000x768xf32, #tpu.memory_space<hbm>> -> memref<8x768xf32, #tpu.memory_space<hbm>>
    tpu.enqueue_dma source(%dma_start3A_32 : memref<8x768xf32, #tpu.memory_space<hbm>>) target(%dma_start3A_30 : memref<8x768xf32, #tpu.memory_space<vmem>>) target_semaphore(%dma_start3A_26 : memref<!tpu.dma_semaphore, #tpu.memory_space<semaphore_mem>>)
    %add3A_33 = arith.constant 8 : i32
    %add3A_34 = arith.addi %mul3A_2, %add3A_33 : i32
    %dma_start3A_35 = arith.constant 1 : i32
    %dma_start3A_36 = arith.constant 1 : i32
    %dma_start3A_37 = arith.constant 0 : i32
    %dma_start3A_38 = arith.constant 0 : i32
    %dma_start3A_39 = tpu.memref_slice %arg7[%dma_start3A_35, %dma_start3A_37, %dma_start3A_38] : memref<4x8x768xf32, #tpu.memory_space<vmem>> -> memref<1x8x768xf32, #tpu.memory_space<vmem>>
    %dma_start3A_40 = tpu.memref_squeeze %dma_start3A_39 : memref<1x8x768xf32, #tpu.memory_space<vmem>> -> memref<8x768xf32, #tpu.memory_space<vmem>>
    %dma_start3A_41 = arith.constant 8 : i32
    %dma_start3A_42 = tpu.memref_slice %arg6[%dma_start3A_41] : memref<256xi32, #tpu.memory_space<vmem>> -> memref<8xi32, #tpu.memory_space<vmem>>
    %dma_start3A_43 = arith.constant 0 : i32
    %dma_start3A_44 = arith.constant 0 : i32
    %dma_start3A_45 = tpu.memref_slice %arg3[%dma_start3A_43, %dma_start3A_44] : memref<100000x768xf32, #tpu.memory_space<hbm>> -> memref<100000x768xf32, #tpu.memory_space<hbm>>
    %dma_start3A_46 = tpu.memref_slice %arg9[%dma_start3A_36] : memref<4x!tpu.dma_semaphore, #tpu.memory_space<semaphore_mem>> -> memref<1x!tpu.dma_semaphore, #tpu.memory_space<semaphore_mem>>
    %dma_start3A_47 = tpu.memref_squeeze %dma_start3A_46 : memref<1x!tpu.dma_semaphore, #tpu.memory_space<semaphore_mem>> -> memref<!tpu.dma_semaphore, #tpu.memory_space<semaphore_mem>>
    tpu.enqueue_indirect_dma source(%dma_start3A_45 : memref<100000x768xf32, #tpu.memory_space<hbm>>) target(%dma_start3A_40 : memref<8x768xf32, #tpu.memory_space<vmem>>) offsets(%dma_start3A_42 : memref<8xi32, #tpu.memory_space<vmem>>) semaphore(%dma_start3A_47 : memref<!tpu.dma_semaphore, #tpu.memory_space<semaphore_mem>>)
    %dma_start3A_48 = arith.constant 1 : i32
    %dma_start3A_49 = arith.constant 1 : i32
    %dma_start3A_50 = arith.constant 0 : i32
    %dma_start3A_51 = arith.constant 0 : i32
    %dma_start3A_52 = tpu.memref_slice %arg8[%dma_start3A_48, %dma_start3A_50, %dma_start3A_51] : memref<4x8x768xf32, #tpu.memory_space<vmem>> -> memref<1x8x768xf32, #tpu.memory_space<vmem>>
    %dma_start3A_53 = tpu.memref_squeeze %dma_start3A_52 : memref<1x8x768xf32, #tpu.memory_space<vmem>> -> memref<8x768xf32, #tpu.memory_space<vmem>>
    %dma_start3A_54 = arith.constant 0 : i32
    %dma_start3A_55 = tpu.memref_slice %arg4[%add3A_34, %dma_start3A_54] : memref<100000x768xf32, #tpu.memory_space<hbm>> -> memref<8x768xf32, #tpu.memory_space<hbm>>
    %dma_start3A_56 = tpu.memref_slice %arg10[%dma_start3A_49] : memref<4x!tpu.dma_semaphore, #tpu.memory_space<semaphore_mem>> -> memref<1x!tpu.dma_semaphore, #tpu.memory_space<semaphore_mem>>
    %dma_start3A_57 = tpu.memref_squeeze %dma_start3A_56 : memref<1x!tpu.dma_semaphore, #tpu.memory_space<semaphore_mem>> -> memref<!tpu.dma_semaphore, #tpu.memory_space<semaphore_mem>>
    %dma_start3A_58 = arith.constant 0 : i32
    %dma_start3A_59 = arith.constant 0 : i32
    %dma_start3A_60 = tpu.memref_slice %arg8[%dma_start3A_48, %dma_start3A_58, %dma_start3A_59] : memref<4x8x768xf32, #tpu.memory_space<vmem>> -> memref<1x8x768xf32, #tpu.memory_space<vmem>>
    %dma_start3A_61 = tpu.memref_squeeze %dma_start3A_60 : memref<1x8x768xf32, #tpu.memory_space<vmem>> -> memref<8x768xf32, #tpu.memory_space<vmem>>
    %dma_start3A_62 = arith.constant 0 : i32
    %dma_start3A_63 = tpu.memref_slice %arg4[%add3A_34, %dma_start3A_62] : memref<100000x768xf32, #tpu.memory_space<hbm>> -> memref<8x768xf32, #tpu.memory_space<hbm>>
    tpu.enqueue_dma source(%dma_start3A_63 : memref<8x768xf32, #tpu.memory_space<hbm>>) target(%dma_start3A_61 : memref<8x768xf32, #tpu.memory_space<vmem>>) target_semaphore(%dma_start3A_57 : memref<!tpu.dma_semaphore, #tpu.memory_space<semaphore_mem>>)
    %add3A_64 = arith.constant 16 : i32
    %add3A_65 = arith.addi %mul3A_2, %add3A_64 : i32
    %dma_start3A_66 = arith.constant 2 : i32
    %dma_start3A_67 = arith.constant 2 : i32
    %dma_start3A_68 = arith.constant 0 : i32
    %dma_start3A_69 = arith.constant 0 : i32
    %dma_start3A_70 = tpu.memref_slice %arg7[%dma_start3A_66, %dma_start3A_68, %dma_start3A_69] : memref<4x8x768xf32, #tpu.memory_space<vmem>> -> memref<1x8x768xf32, #tpu.memory_space<vmem>>
    %dma_start3A_71 = tpu.memref_squeeze %dma_start3A_70 : memref<1x8x768xf32, #tpu.memory_space<vmem>> -> memref<8x768xf32, #tpu.memory_space<vmem>>
    %dma_start3A_72 = arith.constant 16 : i32
    %dma_start3A_73 = tpu.memref_slice %arg6[%dma_start3A_72] : memref<256xi32, #tpu.memory_space<vmem>> -> memref<8xi32, #tpu.memory_space<vmem>>
    %dma_start3A_74 = arith.constant 0 : i32
    %dma_start3A_75 = arith.constant 0 : i32
    %dma_start3A_76 = tpu.memref_slice %arg3[%dma_start3A_74, %dma_start3A_75] : memref<100000x768xf32, #tpu.memory_space<hbm>> -> memref<100000x768xf32, #tpu.memory_space<hbm>>
    %dma_start3A_77 = tpu.memref_slice %arg9[%dma_start3A_67] : memref<4x!tpu.dma_semaphore, #tpu.memory_space<semaphore_mem>> -> memref<1x!tpu.dma_semaphore, #tpu.memory_space<semaphore_mem>>
    %dma_start3A_78 = tpu.memref_squeeze %dma_start3A_77 : memref<1x!tpu.dma_semaphore, #tpu.memory_space<semaphore_mem>> -> memref<!tpu.dma_semaphore, #tpu.memory_space<semaphore_mem>>
    tpu.enqueue_indirect_dma source(%dma_start3A_76 : memref<100000x768xf32, #tpu.memory_space<hbm>>) target(%dma_start3A_71 : memref<8x768xf32, #tpu.memory_space<vmem>>) offsets(%dma_start3A_73 : memref<8xi32, #tpu.memory_space<vmem>>) semaphore(%dma_start3A_78 : memref<!tpu.dma_semaphore, #tpu.memory_space<semaphore_mem>>)
    %dma_start3A_79 = arith.constant 2 : i32
    %dma_start3A_80 = arith.constant 2 : i32
    %dma_start3A_81 = arith.constant 0 : i32
    %dma_start3A_82 = arith.constant 0 : i32
    %dma_start3A_83 = tpu.memref_slice %arg8[%dma_start3A_79, %dma_start3A_81, %dma_start3A_82] : memref<4x8x768xf32, #tpu.memory_space<vmem>> -> memref<1x8x768xf32, #tpu.memory_space<vmem>>
    %dma_start3A_84 = tpu.memref_squeeze %dma_start3A_83 : memref<1x8x768xf32, #tpu.memory_space<vmem>> -> memref<8x768xf32, #tpu.memory_space<vmem>>
    %dma_start3A_85 = arith.constant 0 : i32
    %dma_start3A_86 = tpu.memref_slice %arg4[%add3A_65, %dma_start3A_85] : memref<100000x768xf32, #tpu.memory_space<hbm>> -> memref<8x768xf32, #tpu.memory_space<hbm>>
    %dma_start3A_87 = tpu.memref_slice %arg10[%dma_start3A_80] : memref<4x!tpu.dma_semaphore, #tpu.memory_space<semaphore_mem>> -> memref<1x!tpu.dma_semaphore, #tpu.memory_space<semaphore_mem>>
    %dma_start3A_88 = tpu.memref_squeeze %dma_start3A_87 : memref<1x!tpu.dma_semaphore, #tpu.memory_space<semaphore_mem>> -> memref<!tpu.dma_semaphore, #tpu.memory_space<semaphore_mem>>
    %dma_start3A_89 = arith.constant 0 : i32
    %dma_start3A_90 = arith.constant 0 : i32
    %dma_start3A_91 = tpu.memref_slice %arg8[%dma_start3A_79, %dma_start3A_89, %dma_start3A_90] : memref<4x8x768xf32, #tpu.memory_space<vmem>> -> memref<1x8x768xf32, #tpu.memory_space<vmem>>
    %dma_start3A_92 = tpu.memref_squeeze %dma_start3A_91 : memref<1x8x768xf32, #tpu.memory_space<vmem>> -> memref<8x768xf32, #tpu.memory_space<vmem>>
    %dma_start3A_93 = arith.constant 0 : i32
    %dma_start3A_94 = tpu.memref_slice %arg4[%add3A_65, %dma_start3A_93] : memref<100000x768xf32, #tpu.memory_space<hbm>> -> memref<8x768xf32, #tpu.memory_space<hbm>>
    tpu.enqueue_dma source(%dma_start3A_94 : memref<8x768xf32, #tpu.memory_space<hbm>>) target(%dma_start3A_92 : memref<8x768xf32, #tpu.memory_space<vmem>>) target_semaphore(%dma_start3A_88 : memref<!tpu.dma_semaphore, #tpu.memory_space<semaphore_mem>>)
    %scan3A = arith.constant 0 : i32
    %scan3A_95 = arith.constant 0 : i32
    %scan3A_96 = arith.constant 8 : i32
    %scan3A_97 = arith.addi %scan3A_95, %scan3A_96 : i32
    %scan3A_98 = arith.constant 1 : i32
    scf.for %scan3A_171 = %scan3A_95 to %scan3A_97 step %scan3A_98  : i32 {
      %mul3A_172 = arith.constant 4 : i32
      %mul3A_173 = arith.muli %scan3A_171, %mul3A_172 : i32
      %add3A_174 = arith.constant 0 : i32
      %add3A_175 = arith.addi %mul3A_173, %add3A_174 : i32
      %mul3A_176 = arith.constant 8 : i32
      %mul3A_177 = arith.muli %add3A_175, %mul3A_176 : i32
      %mul3A_178 = arith.constant 8 : i32
      %mul3A_179 = arith.muli %add3A_175, %mul3A_178 : i32
      %add3A_180 = arith.addi %mul3A_2, %mul3A_179 : i32
      %dma_wait3A_181 = arith.constant 0 : i32
      %dma_wait3A_182 = arith.constant 0 : i32
      %dma_wait3A_183 = arith.constant 0 : i32
      %dma_wait3A_184 = arith.constant 0 : i32
      %dma_wait3A_185 = tpu.memref_slice %arg7[%dma_wait3A_181, %dma_wait3A_183, %dma_wait3A_184] : memref<4x8x768xf32, #tpu.memory_space<vmem>> -> memref<1x8x768xf32, #tpu.memory_space<vmem>>
      %dma_wait3A_186 = tpu.memref_squeeze %dma_wait3A_185 : memref<1x8x768xf32, #tpu.memory_space<vmem>> -> memref<8x768xf32, #tpu.memory_space<vmem>>
      %dma_wait3A_187 = tpu.memref_slice %arg6[%mul3A_177] : memref<256xi32, #tpu.memory_space<vmem>> -> memref<8xi32, #tpu.memory_space<vmem>>
      %dma_wait3A_188 = arith.constant 0 : i32
      %dma_wait3A_189 = arith.constant 0 : i32
      %dma_wait3A_190 = tpu.memref_slice %arg3[%dma_wait3A_188, %dma_wait3A_189] : memref<100000x768xf32, #tpu.memory_space<hbm>> -> memref<100000x768xf32, #tpu.memory_space<hbm>>
      %dma_wait3A_191 = tpu.memref_slice %arg9[%dma_wait3A_182] : memref<4x!tpu.dma_semaphore, #tpu.memory_space<semaphore_mem>> -> memref<1x!tpu.dma_semaphore, #tpu.memory_space<semaphore_mem>>
      %dma_wait3A_192 = tpu.memref_squeeze %dma_wait3A_191 : memref<1x!tpu.dma_semaphore, #tpu.memory_space<semaphore_mem>> -> memref<!tpu.dma_semaphore, #tpu.memory_space<semaphore_mem>>
      tpu.wait_indirect_dma semaphore(%dma_wait3A_192 : memref<!tpu.dma_semaphore, #tpu.memory_space<semaphore_mem>>) src(%dma_wait3A_190 : memref<100000x768xf32, #tpu.memory_space<hbm>>) dst(%dma_wait3A_186 : memref<8x768xf32, #tpu.memory_space<vmem>>)
      %dma_wait3A_193 = arith.constant 0 : i32
      %dma_wait3A_194 = arith.constant 0 : i32
      %dma_wait3A_195 = arith.constant 0 : i32
      %dma_wait3A_196 = arith.constant 0 : i32
      %dma_wait3A_197 = tpu.memref_slice %arg8[%dma_wait3A_193, %dma_wait3A_195, %dma_wait3A_196] : memref<4x8x768xf32, #tpu.memory_space<vmem>> -> memref<1x8x768xf32, #tpu.memory_space<vmem>>
      %dma_wait3A_198 = tpu.memref_squeeze %dma_wait3A_197 : memref<1x8x768xf32, #tpu.memory_space<vmem>> -> memref<8x768xf32, #tpu.memory_space<vmem>>
      %dma_wait3A_199 = arith.constant 0 : i32
      %dma_wait3A_200 = tpu.memref_slice %arg4[%add3A_180, %dma_wait3A_199] : memref<100000x768xf32, #tpu.memory_space<hbm>> -> memref<8x768xf32, #tpu.memory_space<hbm>>
      %dma_wait3A_201 = tpu.memref_slice %arg10[%dma_wait3A_194] : memref<4x!tpu.dma_semaphore, #tpu.memory_space<semaphore_mem>> -> memref<1x!tpu.dma_semaphore, #tpu.memory_space<semaphore_mem>>
      %dma_wait3A_202 = tpu.memref_squeeze %dma_wait3A_201 : memref<1x!tpu.dma_semaphore, #tpu.memory_space<semaphore_mem>> -> memref<!tpu.dma_semaphore, #tpu.memory_space<semaphore_mem>>
      %dma_wait3A_203 = arith.constant 0 : i32
      %dma_wait3A_204 = arith.constant 0 : i32
      %dma_wait3A_205 = tpu.memref_slice %arg8[%dma_wait3A_193, %dma_wait3A_203, %dma_wait3A_204] : memref<4x8x768xf32, #tpu.memory_space<vmem>> -> memref<1x8x768xf32, #tpu.memory_space<vmem>>
      %dma_wait3A_206 = tpu.memref_squeeze %dma_wait3A_205 : memref<1x8x768xf32, #tpu.memory_space<vmem>> -> memref<8x768xf32, #tpu.memory_space<vmem>>
      %dma_wait3A_207 = arith.constant 0 : i32
      %dma_wait3A_208 = tpu.memref_slice %arg4[%add3A_180, %dma_wait3A_207] : memref<100000x768xf32, #tpu.memory_space<hbm>> -> memref<8x768xf32, #tpu.memory_space<hbm>>
      tpu.wait_dma2 semaphore(%dma_wait3A_202 : memref<!tpu.dma_semaphore, #tpu.memory_space<semaphore_mem>>) src(%dma_wait3A_208 : memref<8x768xf32, #tpu.memory_space<hbm>>) dst(%dma_wait3A_206 : memref<8x768xf32, #tpu.memory_space<vmem>>)
      %scan3A_209 = arith.constant 0 : i32
      %scan3A_210 = arith.constant 0 : i32
      %scan3A_211 = arith.constant 8 : i32
      %scan3A_212 = arith.addi %scan3A_210, %scan3A_211 : i32
      %scan3A_213 = arith.constant 1 : i32
      scf.for %scan3A_452 = %scan3A_210 to %scan3A_212 step %scan3A_213  : i32 {
        %get3A = arith.constant 0 : i32
        %get3A_453 = arith.index_cast %get3A : i32 to index
        %get3A_454 = arith.index_cast %scan3A_452 : i32 to index
        %get3A_455 = arith.constant 0 : index
        %get3A_456 = tpu.vector_load %arg7[%get3A_453, %get3A_454, %get3A_455] {strides = array<i32>} : memref<4x8x768xf32, #tpu.memory_space<vmem>>, vector<1x1x16xf32>,
        %get3A_457 = vector.shape_cast %get3A_456 : vector<1x1x16xf32> to vector<16xf32>
        %swap3A = arith.constant 0 : i32
        %swap3A_458 = arith.index_cast %swap3A : i32 to index
        %swap3A_459 = arith.index_cast %scan3A_452 : i32 to index
        %swap3A_460 = arith.constant 0 : index
        %swap3A_461 = tpu.vector_load %arg8[%swap3A_458, %swap3A_459, %swap3A_460] {strides = array<i32>} : memref<4x8x768xf32, #tpu.memory_space<vmem>>, vector<1x1x16xf32>,
        %swap3A_462 = vector.shape_cast %swap3A_461 : vector<1x1x16xf32> to vector<16xf32>
        %swap3A_463 = vector.shape_cast %get3A_457 : vector<16xf32> to vector<1x1x16xf32>
        tpu.vector_store %arg8[%swap3A_458, %swap3A_459, %swap3A_460], %swap3A_463 {add = true, strides = array<i32>} : memref<4x8x768xf32, #tpu.memory_space<vmem>>, vector<1x1x16xf32>,
        %get3A_464 = arith.constant 0 : i32
        %get3A_465 = arith.index_cast %get3A_464 : i32 to index
        %get3A_466 = arith.index_cast %scan3A_452 : i32 to index
        %get3A_467 = arith.constant 16 : index
        %get3A_468 = tpu.vector_load %arg7[%get3A_465, %get3A_466, %get3A_467] {strides = array<i32>} : memref<4x8x768xf32, #tpu.memory_space<vmem>>, vector<1x1x16xf32>,
        %get3A_469 = vector.shape_cast %get3A_468 : vector<1x1x16xf32> to vector<16xf32>
        %swap3A_470 = arith.constant 0 : i32
        %swap3A_471 = arith.index_cast %swap3A_470 : i32 to index
        %swap3A_472 = arith.index_cast %scan3A_452 : i32 to index
        %swap3A_473 = arith.constant 16 : index
        %swap3A_474 = tpu.vector_load %arg8[%swap3A_471, %swap3A_472, %swap3A_473] {strides = array<i32>} : memref<4x8x768xf32, #tpu.memory_space<vmem>>, vector<1x1x16xf32>,
        %swap3A_475 = vector.shape_cast %swap3A_474 : vector<1x1x16xf32> to vector<16xf32>
        %swap3A_476 = vector.shape_cast %get3A_469 : vector<16xf32> to vector<1x1x16xf32>
        tpu.vector_store %arg8[%swap3A_471, %swap3A_472, %swap3A_473], %swap3A_476 {add = true, strides = array<i32>} : memref<4x8x768xf32, #tpu.memory_space<vmem>>, vector<1x1x16xf32>,
        %get3A_477 = arith.constant 0 : i32
        %get3A_478 = arith.index_cast %get3A_477 : i32 to index
        %get3A_479 = arith.index_cast %scan3A_452 : i32 to index
        %get3A_480 = arith.constant 32 : index
        %get3A_481 = tpu.vector_load %arg7[%get3A_478, %get3A_479, %get3A_480] {strides = array<i32>} : memref<4x8x768xf32, #tpu.memory_space<vmem>>, vector<1x1x16xf32>,
        %get3A_482 = vector.shape_cast %get3A_481 : vector<1x1x16xf32> to vector<16xf32>
        %swap3A_483 = arith.constant 0 : i32
        %swap3A_484 = arith.index_cast %swap3A_483 : i32 to index
        %swap3A_485 = arith.index_cast %scan3A_452 : i32 to index
        %swap3A_486 = arith.constant 32 : index
        %swap3A_487 = tpu.vector_load %arg8[%swap3A_484, %swap3A_485, %swap3A_486] {strides = array<i32>} : memref<4x8x768xf32, #tpu.memory_space<vmem>>, vector<1x1x16xf32>,
        %swap3A_488 = vector.shape_cast %swap3A_487 : vector<1x1x16xf32> to vector<16xf32>
        %swap3A_489 = vector.shape_cast %get3A_482 : vector<16xf32> to vector<1x1x16xf32>
        tpu.vector_store %arg8[%swap3A_484, %swap3A_485, %swap3A_486], %swap3A_489 {add = true, strides = array<i32>} : memref<4x8x768xf32, #tpu.memory_space<vmem>>, vector<1x1x16xf32>,
        %get3A_490 = arith.constant 0 : i32
        %get3A_491 = arith.index_cast %get3A_490 : i32 to index
        %get3A_492 = arith.index_cast %scan3A_452 : i32 to index
        %get3A_493 = arith.constant 48 : index
        %get3A_494 = tpu.vector_load %arg7[%get3A_491, %get3A_492, %get3A_493] {strides = array<i32>} : memref<4x8x768xf32, #tpu.memory_space<vmem>>, vector<1x1x16xf32>,
        %get3A_495 = vector.shape_cast %get3A_494 : vector<1x1x16xf32> to vector<16xf32>
        %swap3A_496 = arith.constant 0 : i32
        %swap3A_497 = arith.index_cast %swap3A_496 : i32 to index
        %swap3A_498 = arith.index_cast %scan3A_452 : i32 to index
        %swap3A_499 = arith.constant 48 : index
        %swap3A_500 = tpu.vector_load %arg8[%swap3A_497, %swap3A_498, %swap3A_499] {strides = array<i32>} : memref<4x8x768xf32, #tpu.memory_space<vmem>>, vector<1x1x16xf32>,
        %swap3A_501 = vector.shape_cast %swap3A_500 : vector<1x1x16xf32> to vector<16xf32>
        %swap3A_502 = vector.shape_cast %get3A_495 : vector<16xf32> to vector<1x1x16xf32>
        tpu.vector_store %arg8[%swap3A_497, %swap3A_498, %swap3A_499], %swap3A_502 {add = true, strides = array<i32>} : memref<4x8x768xf32, #tpu.memory_space<vmem>>, vector<1x1x16xf32>,
        %get3A_503 = arith.constant 0 : i32
        %get3A_504 = arith.index_cast %get3A_503 : i32 to index
        %get3A_505 = arith.index_cast %scan3A_452 : i32 to index
        %get3A_506 = arith.constant 64 : index
        %get3A_507 = tpu.vector_load %arg7[%get3A_504, %get3A_505, %get3A_506] {strides = array<i32>} : memref<4x8x768xf32, #tpu.memory_space<vmem>>, vector<1x1x16xf32>,
        %get3A_508 = vector.shape_cast %get3A_507 : vector<1x1x16xf32> to vector<16xf32>
        %swap3A_509 = arith.constant 0 : i32
        %swap3A_510 = arith.index_cast %swap3A_509 : i32 to index
        %swap3A_511 = arith.index_cast %scan3A_452 : i32 to index
        %swap3A_512 = arith.constant 64 : index
        %swap3A_513 = tpu.vector_load %arg8[%swap3A_510, %swap3A_511, %swap3A_512] {strides = array<i32>} : memref<4x8x768xf32, #tpu.memory_space<vmem>>, vector<1x1x16xf32>,
        %swap3A_514 = vector.shape_cast %swap3A_513 : vector<1x1x16xf32> to vector<16xf32>
        %swap3A_515 = vector.shape_cast %get3A_508 : vector<16xf32> to vector<1x1x16xf32>
        tpu.vector_store %arg8[%swap3A_510, %swap3A_511, %swap3A_512], %swap3A_515 {add = true, strides = array<i32>} : memref<4x8x768xf32, #tpu.memory_space<vmem>>, vector<1x1x16xf32>,
        %get3A_516 = arith.constant 0 : i32
        %get3A_517 = arith.index_cast %get3A_516 : i32 to index
        %get3A_518 = arith.index_cast %scan3A_452 : i32 to index
        %get3A_519 = arith.constant 80 : index
        %get3A_520 = tpu.vector_load %arg7[%get3A_517, %get3A_518, %get3A_519] {strides = array<i32>} : memref<4x8x768xf32, #tpu.memory_space<vmem>>, vector<1x1x16xf32>,
        %get3A_521 = vector.shape_cast %get3A_520 : vector<1x1x16xf32> to vector<16xf32>
        %swap3A_522 = arith.constant 0 : i32
        %swap3A_523 = arith.index_cast %swap3A_522 : i32 to index
        %swap3A_524 = arith.index_cast %scan3A_452 : i32 to index
        %swap3A_525 = arith.constant 80 : index
        %swap3A_526 = tpu.vector_load %arg8[%swap3A_523, %swap3A_524, %swap3A_525] {strides = array<i32>} : memref<4x8x768xf32, #tpu.memory_space<vmem>>, vector<1x1x16xf32>,
        %swap3A_527 = vector.shape_cast %swap3A_526 : vector<1x1x16xf32> to vector<16xf32>
        %swap3A_528 = vector.shape_cast %get3A_521 : vector<16xf32> to vector<1x1x16xf32>
        tpu.vector_store %arg8[%swap3A_523, %swap3A_524, %swap3A_525], %swap3A_528 {add = true, strides = array<i32>} : memref<4x8x768xf32, #tpu.memory_space<vmem>>, vector<1x1x16xf32>,
        %get3A_529 = arith.constant 0 : i32
        %get3A_530 = arith.index_cast %get3A_529 : i32 to index
        %get3A_531 = arith.index_cast %scan3A_452 : i32 to index
        %get3A_532 = arith.constant 96 : index
        %get3A_533 = tpu.vector_load %arg7[%get3A_530, %get3A_531, %get3A_532] {strides = array<i32>} : memref<4x8x768xf32, #tpu.memory_space<vmem>>, vector<1x1x16xf32>,
        %get3A_534 = vector.shape_cast %get3A_533 : vector<1x1x16xf32> to vector<16xf32>
        %swap3A_535 = arith.constant 0 : i32
        %swap3A_536 = arith.index_cast %swap3A_535 : i32 to index
        %swap3A_537 = arith.index_cast %scan3A_452 : i32 to index
        %swap3A_538 = arith.constant 96 : index
        %swap3A_539 = tpu.vector_load %arg8[%swap3A_536, %swap3A_537, %swap3A_538] {strides = array<i32>} : memref<4x8x768xf32, #tpu.memory_space<vmem>>, vector<1x1x16xf32>,
        %swap3A_540 = vector.shape_cast %swap3A_539 : vector<1x1x16xf32> to vector<16xf32>
        %swap3A_541 = vector.shape_cast %get3A_534 : vector<16xf32> to vector<1x1x16xf32>
        tpu.vector_store %arg8[%swap3A_536, %swap3A_537, %swap3A_538], %swap3A_541 {add = true, strides = array<i32>} : memref<4x8x768xf32, #tpu.memory_space<vmem>>, vector<1x1x16xf32>,
        %get3A_542 = arith.constant 0 : i32
        %get3A_543 = arith.index_cast %get3A_542 : i32 to index
        %get3A_544 = arith.index_cast %scan3A_452 : i32 to index
        %get3A_545 = arith.constant 112 : index
        %get3A_546 = tpu.vector_load %arg7[%get3A_543, %get3A_544, %get3A_545] {strides = array<i32>} : memref<4x8x768xf32, #tpu.memory_space<vmem>>, vector<1x1x16xf32>,
        %get3A_547 = vector.shape_cast %get3A_546 : vector<1x1x16xf32> to vector<16xf32>
        %swap3A_548 = arith.constant 0 : i32
        %swap3A_549 = arith.index_cast %swap3A_548 : i32 to index
        %swap3A_550 = arith.index_cast %scan3A_452 : i32 to index
        %swap3A_551 = arith.constant 112 : index
        %swap3A_552 = tpu.vector_load %arg8[%swap3A_549, %swap3A_550, %swap3A_551] {strides = array<i32>} : memref<4x8x768xf32, #tpu.memory_space<vmem>>, vector<1x1x16xf32>,
        %swap3A_553 = vector.shape_cast %swap3A_552 : vector<1x1x16xf32> to vector<16xf32>
        %swap3A_554 = vector.shape_cast %get3A_547 : vector<16xf32> to vector<1x1x16xf32>
        tpu.vector_store %arg8[%swap3A_549, %swap3A_550, %swap3A_551], %swap3A_554 {add = true, strides = array<i32>} : memref<4x8x768xf32, #tpu.memory_space<vmem>>, vector<1x1x16xf32>,
        %get3A_555 = arith.constant 0 : i32
        %get3A_556 = arith.index_cast %get3A_555 : i32 to index
        %get3A_557 = arith.index_cast %scan3A_452 : i32 to index
        %get3A_558 = arith.constant 128 : index
        %get3A_559 = tpu.vector_load %arg7[%get3A_556, %get3A_557, %get3A_558] {strides = array<i32>} : memref<4x8x768xf32, #tpu.memory_space<vmem>>, vector<1x1x16xf32>,
        %get3A_560 = vector.shape_cast %get3A_559 : vector<1x1x16xf32> to vector<16xf32>
        %swap3A_561 = arith.constant 0 : i32
        %swap3A_562 = arith.index_cast %swap3A_561 : i32 to index
        %swap3A_563 = arith.index_cast %scan3A_452 : i32 to index
        %swap3A_564 = arith.constant 128 : index
        %swap3A_565 = tpu.vector_load %arg8[%swap3A_562, %swap3A_563, %swap3A_564] {strides = array<i32>} : memref<4x8x768xf32, #tpu.memory_space<vmem>>, vector<1x1x16xf32>,
        %swap3A_566 = vector.shape_cast %swap3A_565 : vector<1x1x16xf32> to vector<16xf32>
        %swap3A_567 = vector.shape_cast %get3A_560 : vector<16xf32> to vector<1x1x16xf32>
        tpu.vector_store %arg8[%swap3A_562, %swap3A_563, %swap3A_564], %swap3A_567 {add = true, strides = array<i32>} : memref<4x8x768xf32, #tpu.memory_space<vmem>>, vector<1x1x16xf32>,
        %get3A_568 = arith.constant 0 : i32
        %get3A_569 = arith.index_cast %get3A_568 : i32 to index
        %get3A_570 = arith.index_cast %scan3A_452 : i32 to index
        %get3A_571 = arith.constant 144 : index
        %get3A_572 = tpu.vector_load %arg7[%get3A_569, %get3A_570, %get3A_571] {strides = array<i32>} : memref<4x8x768xf32, #tpu.memory_space<vmem>>, vector<1x1x16xf32>,
        %get3A_573 = vector.shape_cast %get3A_572 : vector<1x1x16xf32> to vector<16xf32>
        %swap3A_574 = arith.constant 0 : i32
        %swap3A_575 = arith.index_cast %swap3A_574 : i32 to index
        %swap3A_576 = arith.index_cast %scan3A_452 : i32 to index
        %swap3A_577 = arith.constant 144 : index
        %swap3A_578 = tpu.vector_load %arg8[%swap3A_575, %swap3A_576, %swap3A_577] {strides = array<i32>} : memref<4x8x768xf32, #tpu.memory_space<vmem>>, vector<1x1x16xf32>,
        %swap3A_579 = vector.shape_cast %swap3A_578 : vector<1x1x16xf32> to vector<16xf32>
        %swap3A_580 = vector.shape_cast %get3A_573 : vector<16xf32> to vector<1x1x16xf32>
        tpu.vector_store %arg8[%swap3A_575, %swap3A_576, %swap3A_577], %swap3A_580 {add = true, strides = array<i32>} : memref<4x8x768xf32, #tpu.memory_space<vmem>>, vector<1x1x16xf32>,
        %get3A_581 = arith.constant 0 : i32
        %get3A_582 = arith.index_cast %get3A_581 : i32 to index
        %get3A_583 = arith.index_cast %scan3A_452 : i32 to index
        %get3A_584 = arith.constant 160 : index
        %get3A_585 = tpu.vector_load %arg7[%get3A_582, %get3A_583, %get3A_584] {strides = array<i32>} : memref<4x8x768xf32, #tpu.memory_space<vmem>>, vector<1x1x16xf32>,
        %get3A_586 = vector.shape_cast %get3A_585 : vector<1x1x16xf32> to vector<16xf32>
        %swap3A_587 = arith.constant 0 : i32
        %swap3A_588 = arith.index_cast %swap3A_587 : i32 to index
        %swap3A_589 = arith.index_cast %scan3A_452 : i32 to index
        %swap3A_590 = arith.constant 160 : index
        %swap3A_591 = tpu.vector_load %arg8[%swap3A_588, %swap3A_589, %swap3A_590] {strides = array<i32>} : memref<4x8x768xf32, #tpu.memory_space<vmem>>, vector<1x1x16xf32>,
        %swap3A_592 = vector.shape_cast %swap3A_591 : vector<1x1x16xf32> to vector<16xf32>
        %swap3A_593 = vector.shape_cast %get3A_586 : vector<16xf32> to vector<1x1x16xf32>
        tpu.vector_store %arg8[%swap3A_588, %swap3A_589, %swap3A_590], %swap3A_593 {add = true, strides = array<i32>} : memref<4x8x768xf32, #tpu.memory_space<vmem>>, vector<1x1x16xf32>,
        %get3A_594 = arith.constant 0 : i32
        %get3A_595 = arith.index_cast %get3A_594 : i32 to index
        %get3A_596 = arith.index_cast %scan3A_452 : i32 to index
        %get3A_597 = arith.constant 176 : index
        %get3A_598 = tpu.vector_load %arg7[%get3A_595, %get3A_596, %get3A_597] {strides = array<i32>} : memref<4x8x768xf32, #tpu.memory_space<vmem>>, vector<1x1x16xf32>,
        %get3A_599 = vector.shape_cast %get3A_598 : vector<1x1x16xf32> to vector<16xf32>
        %swap3A_600 = arith.constant 0 : i32
        %swap3A_601 = arith.index_cast %swap3A_600 : i32 to index
        %swap3A_602 = arith.index_cast %scan3A_452 : i32 to index
        %swap3A_603 = arith.constant 176 : index
        %swap3A_604 = tpu.vector_load %arg8[%swap3A_601, %swap3A_602, %swap3A_603] {strides = array<i32>} : memref<4x8x768xf32, #tpu.memory_space<vmem>>, vector<1x1x16xf32>,
        %swap3A_605 = vector.shape_cast %swap3A_604 : vector<1x1x16xf32> to vector<16xf32>
        %swap3A_606 = vector.shape_cast %get3A_599 : vector<16xf32> to vector<1x1x16xf32>
        tpu.vector_store %arg8[%swap3A_601, %swap3A_602, %swap3A_603], %swap3A_606 {add = true, strides = array<i32>} : memref<4x8x768xf32, #tpu.memory_space<vmem>>, vector<1x1x16xf32>,
        %get3A_607 = arith.constant 0 : i32
        %get3A_608 = arith.index_cast %get3A_607 : i32 to index
        %get3A_609 = arith.index_cast %scan3A_452 : i32 to index
        %get3A_610 = arith.constant 192 : index
        %get3A_611 = tpu.vector_load %arg7[%get3A_608, %get3A_609, %get3A_610] {strides = array<i32>} : memref<4x8x768xf32, #tpu.memory_space<vmem>>, vector<1x1x16xf32>,
        %get3A_612 = vector.shape_cast %get3A_611 : vector<1x1x16xf32> to vector<16xf32>
        %swap3A_613 = arith.constant 0 : i32
        %swap3A_614 = arith.index_cast %swap3A_613 : i32 to index
        %swap3A_615 = arith.index_cast %scan3A_452 : i32 to index
        %swap3A_616 = arith.constant 192 : index
        %swap3A_617 = tpu.vector_load %arg8[%swap3A_614, %swap3A_615, %swap3A_616] {strides = array<i32>} : memref<4x8x768xf32, #tpu.memory_space<vmem>>, vector<1x1x16xf32>,
        %swap3A_618 = vector.shape_cast %swap3A_617 : vector<1x1x16xf32> to vector<16xf32>
        %swap3A_619 = vector.shape_cast %get3A_612 : vector<16xf32> to vector<1x1x16xf32>
        tpu.vector_store %arg8[%swap3A_614, %swap3A_615, %swap3A_616], %swap3A_619 {add = true, strides = array<i32>} : memref<4x8x768xf32, #tpu.memory_space<vmem>>, vector<1x1x16xf32>,
        %get3A_620 = arith.constant 0 : i32
        %get3A_621 = arith.index_cast %get3A_620 : i32 to index
        %get3A_622 = arith.index_cast %scan3A_452 : i32 to index
        %get3A_623 = arith.constant 208 : index
        %get3A_624 = tpu.vector_load %arg7[%get3A_621, %get3A_622, %get3A_623] {strides = array<i32>} : memref<4x8x768xf32, #tpu.memory_space<vmem>>, vector<1x1x16xf32>,
        %get3A_625 = vector.shape_cast %get3A_624 : vector<1x1x16xf32> to vector<16xf32>
        %swap3A_626 = arith.constant 0 : i32
        %swap3A_627 = arith.index_cast %swap3A_626 : i32 to index
        %swap3A_628 = arith.index_cast %scan3A_452 : i32 to index
        %swap3A_629 = arith.constant 208 : index
        %swap3A_630 = tpu.vector_load %arg8[%swap3A_627, %swap3A_628, %swap3A_629] {strides = array<i32>} : memref<4x8x768xf32, #tpu.memory_space<vmem>>, vector<1x1x16xf32>,
        %swap3A_631 = vector.shape_cast %swap3A_630 : vector<1x1x16xf32> to vector<16xf32>
        %swap3A_632 = vector.shape_cast %get3A_625 : vector<16xf32> to vector<1x1x16xf32>
        tpu.vector_store %arg8[%swap3A_627, %swap3A_628, %swap3A_629], %swap3A_632 {add = true, strides = array<i32>} : memref<4x8x768xf32, #tpu.memory_space<vmem>>, vector<1x1x16xf32>,
        %get3A_633 = arith.constant 0 : i32
        %get3A_634 = arith.index_cast %get3A_633 : i32 to index
        %get3A_635 = arith.index_cast %scan3A_452 : i32 to index
        %get3A_636 = arith.constant 224 : index
        %get3A_637 = tpu.vector_load %arg7[%get3A_634, %get3A_635, %get3A_636] {strides = array<i32>} : memref<4x8x768xf32, #tpu.memory_space<vmem>>, vector<1x1x16xf32>,
        %get3A_638 = vector.shape_cast %get3A_637 : vector<1x1x16xf32> to vector<16xf32>
        %swap3A_639 = arith.constant 0 : i32
        %swap3A_640 = arith.index_cast %swap3A_639 : i32 to index
        %swap3A_641 = arith.index_cast %scan3A_452 : i32 to index
        %swap3A_642 = arith.constant 224 : index
        %swap3A_643 = tpu.vector_load %arg8[%swap3A_640, %swap3A_641, %swap3A_642] {strides = array<i32>} : memref<4x8x768xf32, #tpu.memory_space<vmem>>, vector<1x1x16xf32>,
        %swap3A_644 = vector.shape_cast %swap3A_643 : vector<1x1x16xf32> to vector<16xf32>
        %swap3A_645 = vector.shape_cast %get3A_638 : vector<16xf32> to vector<1x1x16xf32>
        tpu.vector_store %arg8[%swap3A_640, %swap3A_641, %swap3A_642], %swap3A_645 {add = true, strides = array<i32>} : memref<4x8x768xf32, #tpu.memory_space<vmem>>, vector<1x1x16xf32>,
        %get3A_646 = arith.constant 0 : i32
        %get3A_647 = arith.index_cast %get3A_646 : i32 to index
        %get3A_648 = arith.index_cast %scan3A_452 : i32 to index
        %get3A_649 = arith.constant 240 : index
        %get3A_650 = tpu.vector_load %arg7[%get3A_647, %get3A_648, %get3A_649] {strides = array<i32>} : memref<4x8x768xf32, #tpu.memory_space<vmem>>, vector<1x1x16xf32>,
        %get3A_651 = vector.shape_cast %get3A_650 : vector<1x1x16xf32> to vector<16xf32>
        %swap3A_652 = arith.constant 0 : i32
        %swap3A_653 = arith.index_cast %swap3A_652 : i32 to index
        %swap3A_654 = arith.index_cast %scan3A_452 : i32 to index
        %swap3A_655 = arith.constant 240 : index
        %swap3A_656 = tpu.vector_load %arg8[%swap3A_653, %swap3A_654, %swap3A_655] {strides = array<i32>} : memref<4x8x768xf32, #tpu.memory_space<vmem>>, vector<1x1x16xf32>,
        %swap3A_657 = vector.shape_cast %swap3A_656 : vector<1x1x16xf32> to vector<16xf32>
        %swap3A_658 = vector.shape_cast %get3A_651 : vector<16xf32> to vector<1x1x16xf32>
        tpu.vector_store %arg8[%swap3A_653, %swap3A_654, %swap3A_655], %swap3A_658 {add = true, strides = array<i32>} : memref<4x8x768xf32, #tpu.memory_space<vmem>>, vector<1x1x16xf32>,
        %get3A_659 = arith.constant 0 : i32
        %get3A_660 = arith.index_cast %get3A_659 : i32 to index
        %get3A_661 = arith.index_cast %scan3A_452 : i32 to index
        %get3A_662 = arith.constant 256 : index
        %get3A_663 = tpu.vector_load %arg7[%get3A_660, %get3A_661, %get3A_662] {strides = array<i32>} : memref<4x8x768xf32, #tpu.memory_space<vmem>>, vector<1x1x16xf32>,
        %get3A_664 = vector.shape_cast %get3A_663 : vector<1x1x16xf32> to vector<16xf32>
        %swap3A_665 = arith.constant 0 : i32
        %swap3A_666 = arith.index_cast %swap3A_665 : i32 to index
        %swap3A_667 = arith.index_cast %scan3A_452 : i32 to index
        %swap3A_668 = arith.constant 256 : index
        %swap3A_669 = tpu.vector_load %arg8[%swap3A_666, %swap3A_667, %swap3A_668] {strides = array<i32>} : memref<4x8x768xf32, #tpu.memory_space<vmem>>, vector<1x1x16xf32>,
        %swap3A_670 = vector.shape_cast %swap3A_669 : vector<1x1x16xf32> to vector<16xf32>
        %swap3A_671 = vector.shape_cast %get3A_664 : vector<16xf32> to vector<1x1x16xf32>
        tpu.vector_store %arg8[%swap3A_666, %swap3A_667, %swap3A_668], %swap3A_671 {add = true, strides = array<i32>} : memref<4x8x768xf32, #tpu.memory_space<vmem>>, vector<1x1x16xf32>,
        %get3A_672 = arith.constant 0 : i32
        %get3A_673 = arith.index_cast %get3A_672 : i32 to index
        %get3A_674 = arith.index_cast %scan3A_452 : i32 to index
        %get3A_675 = arith.constant 272 : index
        %get3A_676 = tpu.vector_load %arg7[%get3A_673, %get3A_674, %get3A_675] {strides = array<i32>} : memref<4x8x768xf32, #tpu.memory_space<vmem>>, vector<1x1x16xf32>,
        %get3A_677 = vector.shape_cast %get3A_676 : vector<1x1x16xf32> to vector<16xf32>
        %swap3A_678 = arith.constant 0 : i32
        %swap3A_679 = arith.index_cast %swap3A_678 : i32 to index
        %swap3A_680 = arith.index_cast %scan3A_452 : i32 to index
        %swap3A_681 = arith.constant 272 : index
        %swap3A_682 = tpu.vector_load %arg8[%swap3A_679, %swap3A_680, %swap3A_681] {strides = array<i32>} : memref<4x8x768xf32, #tpu.memory_space<vmem>>, vector<1x1x16xf32>,
        %swap3A_683 = vector.shape_cast %swap3A_682 : vector<1x1x16xf32> to vector<16xf32>
        %swap3A_684 = vector.shape_cast %get3A_677 : vector<16xf32> to vector<1x1x16xf32>
        tpu.vector_store %arg8[%swap3A_679, %swap3A_680, %swap3A_681], %swap3A_684 {add = true, strides = array<i32>} : memref<4x8x768xf32, #tpu.memory_space<vmem>>, vector<1x1x16xf32>,
        %get3A_685 = arith.constant 0 : i32
        %get3A_686 = arith.index_cast %get3A_685 : i32 to index
        %get3A_687 = arith.index_cast %scan3A_452 : i32 to index
        %get3A_688 = arith.constant 288 : index
        %get3A_689 = tpu.vector_load %arg7[%get3A_686, %get3A_687, %get3A_688] {strides = array<i32>} : memref<4x8x768xf32, #tpu.memory_space<vmem>>, vector<1x1x16xf32>,
        %get3A_690 = vector.shape_cast %get3A_689 : vector<1x1x16xf32> to vector<16xf32>
        %swap3A_691 = arith.constant 0 : i32
        %swap3A_692 = arith.index_cast %swap3A_691 : i32 to index
        %swap3A_693 = arith.index_cast %scan3A_452 : i32 to index
        %swap3A_694 = arith.constant 288 : index
        %swap3A_695 = tpu.vector_load %arg8[%swap3A_692, %swap3A_693, %swap3A_694] {strides = array<i32>} : memref<4x8x768xf32, #tpu.memory_space<vmem>>, vector<1x1x16xf32>,
        %swap3A_696 = vector.shape_cast %swap3A_695 : vector<1x1x16xf32> to vector<16xf32>
        %swap3A_697 = vector.shape_cast %get3A_690 : vector<16xf32> to vector<1x1x16xf32>
        tpu.vector_store %arg8[%swap3A_692, %swap3A_693, %swap3A_694], %swap3A_697 {add = true, strides = array<i32>} : memref<4x8x768xf32, #tpu.memory_space<vmem>>, vector<1x1x16xf32>,
        %get3A_698 = arith.constant 0 : i32
        %get3A_699 = arith.index_cast %get3A_698 : i32 to index
        %get3A_700 = arith.index_cast %scan3A_452 : i32 to index
        %get3A_701 = arith.constant 304 : index
        %get3A_702 = tpu.vector_load %arg7[%get3A_699, %get3A_700, %get3A_701] {strides = array<i32>} : memref<4x8x768xf32, #tpu.memory_space<vmem>>, vector<1x1x16xf32>,
        %get3A_703 = vector.shape_cast %get3A_702 : vector<1x1x16xf32> to vector<16xf32>
        %swap3A_704 = arith.constant 0 : i32
        %swap3A_705 = arith.index_cast %swap3A_704 : i32 to index
        %swap3A_706 = arith.index_cast %scan3A_452 : i32 to index
        %swap3A_707 = arith.constant 304 : index
        %swap3A_708 = tpu.vector_load %arg8[%swap3A_705, %swap3A_706, %swap3A_707] {strides = array<i32>} : memref<4x8x768xf32, #tpu.memory_space<vmem>>, vector<1x1x16xf32>,
        %swap3A_709 = vector.shape_cast %swap3A_708 : vector<1x1x16xf32> to vector<16xf32>
        %swap3A_710 = vector.shape_cast %get3A_703 : vector<16xf32> to vector<1x1x16xf32>
        tpu.vector_store %arg8[%swap3A_705, %swap3A_706, %swap3A_707], %swap3A_710 {add = true, strides = array<i32>} : memref<4x8x768xf32, #tpu.memory_space<vmem>>, vector<1x1x16xf32>,
        %get3A_711 = arith.constant 0 : i32
        %get3A_712 = arith.index_cast %get3A_711 : i32 to index
        %get3A_713 = arith.index_cast %scan3A_452 : i32 to index
        %get3A_714 = arith.constant 320 : index
        %get3A_715 = tpu.vector_load %arg7[%get3A_712, %get3A_713, %get3A_714] {strides = array<i32>} : memref<4x8x768xf32, #tpu.memory_space<vmem>>, vector<1x1x16xf32>,
        %get3A_716 = vector.shape_cast %get3A_715 : vector<1x1x16xf32> to vector<16xf32>
        %swap3A_717 = arith.constant 0 : i32
        %swap3A_718 = arith.index_cast %swap3A_717 : i32 to index
        %swap3A_719 = arith.index_cast %scan3A_452 : i32 to index
        %swap3A_720 = arith.constant 320 : index
        %swap3A_721 = tpu.vector_load %arg8[%swap3A_718, %swap3A_719, %swap3A_720] {strides = array<i32>} : memref<4x8x768xf32, #tpu.memory_space<vmem>>, vector<1x1x16xf32>,
        %swap3A_722 = vector.shape_cast %swap3A_721 : vector<1x1x16xf32> to vector<16xf32>
        %swap3A_723 = vector.shape_cast %get3A_716 : vector<16xf32> to vector<1x1x16xf32>
        tpu.vector_store %arg8[%swap3A_718, %swap3A_719, %swap3A_720], %swap3A_723 {add = true, strides = array<i32>} : memref<4x8x768xf32, #tpu.memory_space<vmem>>, vector<1x1x16xf32>,
        %get3A_724 = arith.constant 0 : i32
        %get3A_725 = arith.index_cast %get3A_724 : i32 to index
        %get3A_726 = arith.index_cast %scan3A_452 : i32 to index
        %get3A_727 = arith.constant 336 : index
        %get3A_728 = tpu.vector_load %arg7[%get3A_725, %get3A_726, %get3A_727] {strides = array<i32>} : memref<4x8x768xf32, #tpu.memory_space<vmem>>, vector<1x1x16xf32>,
        %get3A_729 = vector.shape_cast %get3A_728 : vector<1x1x16xf32> to vector<16xf32>
        %swap3A_730 = arith.constant 0 : i32
        %swap3A_731 = arith.index_cast %swap3A_730 : i32 to index
        %swap3A_732 = arith.index_cast %scan3A_452 : i32 to index
        %swap3A_733 = arith.constant 336 : index
        %swap3A_734 = tpu.vector_load %arg8[%swap3A_731, %swap3A_732, %swap3A_733] {strides = array<i32>} : memref<4x8x768xf32, #tpu.memory_space<vmem>>, vector<1x1x16xf32>,
        %swap3A_735 = vector.shape_cast %swap3A_734 : vector<1x1x16xf32> to vector<16xf32>
        %swap3A_736 = vector.shape_cast %get3A_729 : vector<16xf32> to vector<1x1x16xf32>
        tpu.vector_store %arg8[%swap3A_731, %swap3A_732, %swap3A_733], %swap3A_736 {add = true, strides = array<i32>} : memref<4x8x768xf32, #tpu.memory_space<vmem>>, vector<1x1x16xf32>,
        %get3A_737 = arith.constant 0 : i32
        %get3A_738 = arith.index_cast %get3A_737 : i32 to index
        %get3A_739 = arith.index_cast %scan3A_452 : i32 to index
        %get3A_740 = arith.constant 352 : index
        %get3A_741 = tpu.vector_load %arg7[%get3A_738, %get3A_739, %get3A_740] {strides = array<i32>} : memref<4x8x768xf32, #tpu.memory_space<vmem>>, vector<1x1x16xf32>,
        %get3A_742 = vector.shape_cast %get3A_741 : vector<1x1x16xf32> to vector<16xf32>
        %swap3A_743 = arith.constant 0 : i32
        %swap3A_744 = arith.index_cast %swap3A_743 : i32 to index
        %swap3A_745 = arith.index_cast %scan3A_452 : i32 to index
        %swap3A_746 = arith.constant 352 : index
        %swap3A_747 = tpu.vector_load %arg8[%swap3A_744, %swap3A_745, %swap3A_746] {strides = array<i32>} : memref<4x8x768xf32, #tpu.memory_space<vmem>>, vector<1x1x16xf32>,
        %swap3A_748 = vector.shape_cast %swap3A_747 : vector<1x1x16xf32> to vector<16xf32>
        %swap3A_749 = vector.shape_cast %get3A_742 : vector<16xf32> to vector<1x1x16xf32>
        tpu.vector_store %arg8[%swap3A_744, %swap3A_745, %swap3A_746], %swap3A_749 {add = true, strides = array<i32>} : memref<4x8x768xf32, #tpu.memory_space<vmem>>, vector<1x1x16xf32>,
        %get3A_750 = arith.constant 0 : i32
        %get3A_751 = arith.index_cast %get3A_750 : i32 to index
        %get3A_752 = arith.index_cast %scan3A_452 : i32 to index
        %get3A_753 = arith.constant 368 : index
        %get3A_754 = tpu.vector_load %arg7[%get3A_751, %get3A_752, %get3A_753] {strides = array<i32>} : memref<4x8x768xf32, #tpu.memory_space<vmem>>, vector<1x1x16xf32>,
        %get3A_755 = vector.shape_cast %get3A_754 : vector<1x1x16xf32> to vector<16xf32>
        %swap3A_756 = arith.constant 0 : i32
        %swap3A_757 = arith.index_cast %swap3A_756 : i32 to index
        %swap3A_758 = arith.index_cast %scan3A_452 : i32 to index
        %swap3A_759 = arith.constant 368 : index
        %swap3A_760 = tpu.vector_load %arg8[%swap3A_757, %swap3A_758, %swap3A_759] {strides = array<i32>} : memref<4x8x768xf32, #tpu.memory_space<vmem>>, vector<1x1x16xf32>,
        %swap3A_761 = vector.shape_cast %swap3A_760 : vector<1x1x16xf32> to vector<16xf32>
        %swap3A_762 = vector.shape_cast %get3A_755 : vector<16xf32> to vector<1x1x16xf32>
        tpu.vector_store %arg8[%swap3A_757, %swap3A_758, %swap3A_759], %swap3A_762 {add = true, strides = array<i32>} : memref<4x8x768xf32, #tpu.memory_space<vmem>>, vector<1x1x16xf32>,
        %get3A_763 = arith.constant 0 : i32
        %get3A_764 = arith.index_cast %get3A_763 : i32 to index
        %get3A_765 = arith.index_cast %scan3A_452 : i32 to index
        %get3A_766 = arith.constant 384 : index
        %get3A_767 = tpu.vector_load %arg7[%get3A_764, %get3A_765, %get3A_766] {strides = array<i32>} : memref<4x8x768xf32, #tpu.memory_space<vmem>>, vector<1x1x16xf32>,
        %get3A_768 = vector.shape_cast %get3A_767 : vector<1x1x16xf32> to vector<16xf32>
        %swap3A_769 = arith.constant 0 : i32
        %swap3A_770 = arith.index_cast %swap3A_769 : i32 to index
        %swap3A_771 = arith.index_cast %scan3A_452 : i32 to index
        %swap3A_772 = arith.constant 384 : index
        %swap3A_773 = tpu.vector_load %arg8[%swap3A_770, %swap3A_771, %swap3A_772] {strides = array<i32>} : memref<4x8x768xf32, #tpu.memory_space<vmem>>, vector<1x1x16xf32>,
        %swap3A_774 = vector.shape_cast %swap3A_773 : vector<1x1x16xf32> to vector<16xf32>
        %swap3A_775 = vector.shape_cast %get3A_768 : vector<16xf32> to vector<1x1x16xf32>
        tpu.vector_store %arg8[%swap3A_770, %swap3A_771, %swap3A_772], %swap3A_775 {add = true, strides = array<i32>} : memref<4x8x768xf32, #tpu.memory_space<vmem>>, vector<1x1x16xf32>,
        %get3A_776 = arith.constant 0 : i32
        %get3A_777 = arith.index_cast %get3A_776 : i32 to index
        %get3A_778 = arith.index_cast %scan3A_452 : i32 to index
        %get3A_779 = arith.constant 400 : index
        %get3A_780 = tpu.vector_load %arg7[%get3A_777, %get3A_778, %get3A_779] {strides = array<i32>} : memref<4x8x768xf32, #tpu.memory_space<vmem>>, vector<1x1x16xf32>,
        %get3A_781 = vector.shape_cast %get3A_780 : vector<1x1x16xf32> to vector<16xf32>
        %swap3A_782 = arith.constant 0 : i32
        %swap3A_783 = arith.index_cast %swap3A_782 : i32 to index
        %swap3A_784 = arith.index_cast %scan3A_452 : i32 to index
        %swap3A_785 = arith.constant 400 : index
        %swap3A_786 = tpu.vector_load %arg8[%swap3A_783, %swap3A_784, %swap3A_785] {strides = array<i32>} : memref<4x8x768xf32, #tpu.memory_space<vmem>>, vector<1x1x16xf32>,
        %swap3A_787 = vector.shape_cast %swap3A_786 : vector<1x1x16xf32> to vector<16xf32>
        %swap3A_788 = vector.shape_cast %get3A_781 : vector<16xf32> to vector<1x1x16xf32>
        tpu.vector_store %arg8[%swap3A_783, %swap3A_784, %swap3A_785], %swap3A_788 {add = true, strides = array<i32>} : memref<4x8x768xf32, #tpu.memory_space<vmem>>, vector<1x1x16xf32>,
        %get3A_789 = arith.constant 0 : i32
        %get3A_790 = arith.index_cast %get3A_789 : i32 to index
        %get3A_791 = arith.index_cast %scan3A_452 : i32 to index
        %get3A_792 = arith.constant 416 : index
        %get3A_793 = tpu.vector_load %arg7[%get3A_790, %get3A_791, %get3A_792] {strides = array<i32>} : memref<4x8x768xf32, #tpu.memory_space<vmem>>, vector<1x1x16xf32>,
        %get3A_794 = vector.shape_cast %get3A_793 : vector<1x1x16xf32> to vector<16xf32>
        %swap3A_795 = arith.constant 0 : i32
        %swap3A_796 = arith.index_cast %swap3A_795 : i32 to index
        %swap3A_797 = arith.index_cast %scan3A_452 : i32 to index
        %swap3A_798 = arith.constant 416 : index
        %swap3A_799 = tpu.vector_load %arg8[%swap3A_796, %swap3A_797, %swap3A_798] {strides = array<i32>} : memref<4x8x768xf32, #tpu.memory_space<vmem>>, vector<1x1x16xf32>,
        %swap3A_800 = vector.shape_cast %swap3A_799 : vector<1x1x16xf32> to vector<16xf32>
        %swap3A_801 = vector.shape_cast %get3A_794 : vector<16xf32> to vector<1x1x16xf32>
        tpu.vector_store %arg8[%swap3A_796, %swap3A_797, %swap3A_798], %swap3A_801 {add = true, strides = array<i32>} : memref<4x8x768xf32, #tpu.memory_space<vmem>>, vector<1x1x16xf32>,
        %get3A_802 = arith.constant 0 : i32
        %get3A_803 = arith.index_cast %get3A_802 : i32 to index
        %get3A_804 = arith.index_cast %scan3A_452 : i32 to index
        %get3A_805 = arith.constant 432 : index
        %get3A_806 = tpu.vector_load %arg7[%get3A_803, %get3A_804, %get3A_805] {strides = array<i32>} : memref<4x8x768xf32, #tpu.memory_space<vmem>>, vector<1x1x16xf32>,
        %get3A_807 = vector.shape_cast %get3A_806 : vector<1x1x16xf32> to vector<16xf32>
        %swap3A_808 = arith.constant 0 : i32
        %swap3A_809 = arith.index_cast %swap3A_808 : i32 to index
        %swap3A_810 = arith.index_cast %scan3A_452 : i32 to index
        %swap3A_811 = arith.constant 432 : index
        %swap3A_812 = tpu.vector_load %arg8[%swap3A_809, %swap3A_810, %swap3A_811] {strides = array<i32>} : memref<4x8x768xf32, #tpu.memory_space<vmem>>, vector<1x1x16xf32>,
        %swap3A_813 = vector.shape_cast %swap3A_812 : vector<1x1x16xf32> to vector<16xf32>
        %swap3A_814 = vector.shape_cast %get3A_807 : vector<16xf32> to vector<1x1x16xf32>
        tpu.vector_store %arg8[%swap3A_809, %swap3A_810, %swap3A_811], %swap3A_814 {add = true, strides = array<i32>} : memref<4x8x768xf32, #tpu.memory_space<vmem>>, vector<1x1x16xf32>,
        %get3A_815 = arith.constant 0 : i32
        %get3A_816 = arith.index_cast %get3A_815 : i32 to index
        %get3A_817 = arith.index_cast %scan3A_452 : i32 to index
        %get3A_818 = arith.constant 448 : index
        %get3A_819 = tpu.vector_load %arg7[%get3A_816, %get3A_817, %get3A_818] {strides = array<i32>} : memref<4x8x768xf32, #tpu.memory_space<vmem>>, vector<1x1x16xf32>,
        %get3A_820 = vector.shape_cast %get3A_819 : vector<1x1x16xf32> to vector<16xf32>
        %swap3A_821 = arith.constant 0 : i32
        %swap3A_822 = arith.index_cast %swap3A_821 : i32 to index
        %swap3A_823 = arith.index_cast %scan3A_452 : i32 to index
        %swap3A_824 = arith.constant 448 : index
        %swap3A_825 = tpu.vector_load %arg8[%swap3A_822, %swap3A_823, %swap3A_824] {strides = array<i32>} : memref<4x8x768xf32, #tpu.memory_space<vmem>>, vector<1x1x16xf32>,
        %swap3A_826 = vector.shape_cast %swap3A_825 : vector<1x1x16xf32> to vector<16xf32>
        %swap3A_827 = vector.shape_cast %get3A_820 : vector<16xf32> to vector<1x1x16xf32>
        tpu.vector_store %arg8[%swap3A_822, %swap3A_823, %swap3A_824], %swap3A_827 {add = true, strides = array<i32>} : memref<4x8x768xf32, #tpu.memory_space<vmem>>, vector<1x1x16xf32>,
        %get3A_828 = arith.constant 0 : i32
        %get3A_829 = arith.index_cast %get3A_828 : i32 to index
        %get3A_830 = arith.index_cast %scan3A_452 : i32 to index
        %get3A_831 = arith.constant 464 : index
        %get3A_832 = tpu.vector_load %arg7[%get3A_829, %get3A_830, %get3A_831] {strides = array<i32>} : memref<4x8x768xf32, #tpu.memory_space<vmem>>, vector<1x1x16xf32>,
        %get3A_833 = vector.shape_cast %get3A_832 : vector<1x1x16xf32> to vector<16xf32>
        %swap3A_834 = arith.constant 0 : i32
        %swap3A_835 = arith.index_cast %swap3A_834 : i32 to index
        %swap3A_836 = arith.index_cast %scan3A_452 : i32 to index
        %swap3A_837 = arith.constant 464 : index
        %swap3A_838 = tpu.vector_load %arg8[%swap3A_835, %swap3A_836, %swap3A_837] {strides = array<i32>} : memref<4x8x768xf32, #tpu.memory_space<vmem>>, vector<1x1x16xf32>,
        %swap3A_839 = vector.shape_cast %swap3A_838 : vector<1x1x16xf32> to vector<16xf32>
        %swap3A_840 = vector.shape_cast %get3A_833 : vector<16xf32> to vector<1x1x16xf32>
        tpu.vector_store %arg8[%swap3A_835, %swap3A_836, %swap3A_837], %swap3A_840 {add = true, strides = array<i32>} : memref<4x8x768xf32, #tpu.memory_space<vmem>>, vector<1x1x16xf32>,
        %get3A_841 = arith.constant 0 : i32
        %get3A_842 = arith.index_cast %get3A_841 : i32 to index
        %get3A_843 = arith.index_cast %scan3A_452 : i32 to index
        %get3A_844 = arith.constant 480 : index
        %get3A_845 = tpu.vector_load %arg7[%get3A_842, %get3A_843, %get3A_844] {strides = array<i32>} : memref<4x8x768xf32, #tpu.memory_space<vmem>>, vector<1x1x16xf32>,
        %get3A_846 = vector.shape_cast %get3A_845 : vector<1x1x16xf32> to vector<16xf32>
        %swap3A_847 = arith.constant 0 : i32
        %swap3A_848 = arith.index_cast %swap3A_847 : i32 to index
        %swap3A_849 = arith.index_cast %scan3A_452 : i32 to index
        %swap3A_850 = arith.constant 480 : index
        %swap3A_851 = tpu.vector_load %arg8[%swap3A_848, %swap3A_849, %swap3A_850] {strides = array<i32>} : memref<4x8x768xf32, #tpu.memory_space<vmem>>, vector<1x1x16xf32>,
        %swap3A_852 = vector.shape_cast %swap3A_851 : vector<1x1x16xf32> to vector<16xf32>
        %swap3A_853 = vector.shape_cast %get3A_846 : vector<16xf32> to vector<1x1x16xf32>
        tpu.vector_store %arg8[%swap3A_848, %swap3A_849, %swap3A_850], %swap3A_853 {add = true, strides = array<i32>} : memref<4x8x768xf32, #tpu.memory_space<vmem>>, vector<1x1x16xf32>,
        %get3A_854 = arith.constant 0 : i32
        %get3A_855 = arith.index_cast %get3A_854 : i32 to index
        %get3A_856 = arith.index_cast %scan3A_452 : i32 to index
        %get3A_857 = arith.constant 496 : index
        %get3A_858 = tpu.vector_load %arg7[%get3A_855, %get3A_856, %get3A_857] {strides = array<i32>} : memref<4x8x768xf32, #tpu.memory_space<vmem>>, vector<1x1x16xf32>,
        %get3A_859 = vector.shape_cast %get3A_858 : vector<1x1x16xf32> to vector<16xf32>
        %swap3A_860 = arith.constant 0 : i32
        %swap3A_861 = arith.index_cast %swap3A_860 : i32 to index
        %swap3A_862 = arith.index_cast %scan3A_452 : i32 to index
        %swap3A_863 = arith.constant 496 : index
        %swap3A_864 = tpu.vector_load %arg8[%swap3A_861, %swap3A_862, %swap3A_863] {strides = array<i32>} : memref<4x8x768xf32, #tpu.memory_space<vmem>>, vector<1x1x16xf32>,
        %swap3A_865 = vector.shape_cast %swap3A_864 : vector<1x1x16xf32> to vector<16xf32>
        %swap3A_866 = vector.shape_cast %get3A_859 : vector<16xf32> to vector<1x1x16xf32>
        tpu.vector_store %arg8[%swap3A_861, %swap3A_862, %swap3A_863], %swap3A_866 {add = true, strides = array<i32>} : memref<4x8x768xf32, #tpu.memory_space<vmem>>, vector<1x1x16xf32>,
        %get3A_867 = arith.constant 0 : i32
        %get3A_868 = arith.index_cast %get3A_867 : i32 to index
        %get3A_869 = arith.index_cast %scan3A_452 : i32 to index
        %get3A_870 = arith.constant 512 : index
        %get3A_871 = tpu.vector_load %arg7[%get3A_868, %get3A_869, %get3A_870] {strides = array<i32>} : memref<4x8x768xf32, #tpu.memory_space<vmem>>, vector<1x1x16xf32>,
        %get3A_872 = vector.shape_cast %get3A_871 : vector<1x1x16xf32> to vector<16xf32>
        %swap3A_873 = arith.constant 0 : i32
        %swap3A_874 = arith.index_cast %swap3A_873 : i32 to index
        %swap3A_875 = arith.index_cast %scan3A_452 : i32 to index
        %swap3A_876 = arith.constant 512 : index
        %swap3A_877 = tpu.vector_load %arg8[%swap3A_874, %swap3A_875, %swap3A_876] {strides = array<i32>} : memref<4x8x768xf32, #tpu.memory_space<vmem>>, vector<1x1x16xf32>,
        %swap3A_878 = vector.shape_cast %swap3A_877 : vector<1x1x16xf32> to vector<16xf32>
        %swap3A_879 = vector.shape_cast %get3A_872 : vector<16xf32> to vector<1x1x16xf32>
        tpu.vector_store %arg8[%swap3A_874, %swap3A_875, %swap3A_876], %swap3A_879 {add = true, strides = array<i32>} : memref<4x8x768xf32, #tpu.memory_space<vmem>>, vector<1x1x16xf32>,
        %get3A_880 = arith.constant 0 : i32
        %get3A_881 = arith.index_cast %get3A_880 : i32 to index
        %get3A_882 = arith.index_cast %scan3A_452 : i32 to index
        %get3A_883 = arith.constant 528 : index
        %get3A_884 = tpu.vector_load %arg7[%get3A_881, %get3A_882, %get3A_883] {strides = array<i32>} : memref<4x8x768xf32, #tpu.memory_space<vmem>>, vector<1x1x16xf32>,
        %get3A_885 = vector.shape_cast %get3A_884 : vector<1x1x16xf32> to vector<16xf32>
        %swap3A_886 = arith.constant 0 : i32
        %swap3A_887 = arith.index_cast %swap3A_886 : i32 to index
        %swap3A_888 = arith.index_cast %scan3A_452 : i32 to index
        %swap3A_889 = arith.constant 528 : index
        %swap3A_890 = tpu.vector_load %arg8[%swap3A_887, %swap3A_888, %swap3A_889] {strides = array<i32>} : memref<4x8x768xf32, #tpu.memory_space<vmem>>, vector<1x1x16xf32>,
        %swap3A_891 = vector.shape_cast %swap3A_890 : vector<1x1x16xf32> to vector<16xf32>
        %swap3A_892 = vector.shape_cast %get3A_885 : vector<16xf32> to vector<1x1x16xf32>
        tpu.vector_store %arg8[%swap3A_887, %swap3A_888, %swap3A_889], %swap3A_892 {add = true, strides = array<i32>} : memref<4x8x768xf32, #tpu.memory_space<vmem>>, vector<1x1x16xf32>,
        %get3A_893 = arith.constant 0 : i32
        %get3A_894 = arith.index_cast %get3A_893 : i32 to index
        %get3A_895 = arith.index_cast %scan3A_452 : i32 to index
        %get3A_896 = arith.constant 544 : index
        %get3A_897 = tpu.vector_load %arg7[%get3A_894, %get3A_895, %get3A_896] {strides = array<i32>} : memref<4x8x768xf32, #tpu.memory_space<vmem>>, vector<1x1x16xf32>,
        %get3A_898 = vector.shape_cast %get3A_897 : vector<1x1x16xf32> to vector<16xf32>
        %swap3A_899 = arith.constant 0 : i32
        %swap3A_900 = arith.index_cast %swap3A_899 : i32 to index
        %swap3A_901 = arith.index_cast %scan3A_452 : i32 to index
        %swap3A_902 = arith.constant 544 : index
        %swap3A_903 = tpu.vector_load %arg8[%swap3A_900, %swap3A_901, %swap3A_902] {strides = array<i32>} : memref<4x8x768xf32, #tpu.memory_space<vmem>>, vector<1x1x16xf32>,
        %swap3A_904 = vector.shape_cast %swap3A_903 : vector<1x1x16xf32> to vector<16xf32>
        %swap3A_905 = vector.shape_cast %get3A_898 : vector<16xf32> to vector<1x1x16xf32>
        tpu.vector_store %arg8[%swap3A_900, %swap3A_901, %swap3A_902], %swap3A_905 {add = true, strides = array<i32>} : memref<4x8x768xf32, #tpu.memory_space<vmem>>, vector<1x1x16xf32>,
        %get3A_906 = arith.constant 0 : i32
        %get3A_907 = arith.index_cast %get3A_906 : i32 to index
        %get3A_908 = arith.index_cast %scan3A_452 : i32 to index
        %get3A_909 = arith.constant 560 : index
        %get3A_910 = tpu.vector_load %arg7[%get3A_907, %get3A_908, %get3A_909] {strides = array<i32>} : memref<4x8x768xf32, #tpu.memory_space<vmem>>, vector<1x1x16xf32>,
        %get3A_911 = vector.shape_cast %get3A_910 : vector<1x1x16xf32> to vector<16xf32>
        %swap3A_912 = arith.constant 0 : i32
        %swap3A_913 = arith.index_cast %swap3A_912 : i32 to index
        %swap3A_914 = arith.index_cast %scan3A_452 : i32 to index
        %swap3A_915 = arith.constant 560 : index
        %swap3A_916 = tpu.vector_load %arg8[%swap3A_913, %swap3A_914, %swap3A_915] {strides = array<i32>} : memref<4x8x768xf32, #tpu.memory_space<vmem>>, vector<1x1x16xf32>,
        %swap3A_917 = vector.shape_cast %swap3A_916 : vector<1x1x16xf32> to vector<16xf32>
        %swap3A_918 = vector.shape_cast %get3A_911 : vector<16xf32> to vector<1x1x16xf32>
        tpu.vector_store %arg8[%swap3A_913, %swap3A_914, %swap3A_915], %swap3A_918 {add = true, strides = array<i32>} : memref<4x8x768xf32, #tpu.memory_space<vmem>>, vector<1x1x16xf32>,
        %get3A_919 = arith.constant 0 : i32
        %get3A_920 = arith.index_cast %get3A_919 : i32 to index
        %get3A_921 = arith.index_cast %scan3A_452 : i32 to index
        %get3A_922 = arith.constant 576 : index
        %get3A_923 = tpu.vector_load %arg7[%get3A_920, %get3A_921, %get3A_922] {strides = array<i32>} : memref<4x8x768xf32, #tpu.memory_space<vmem>>, vector<1x1x16xf32>,
        %get3A_924 = vector.shape_cast %get3A_923 : vector<1x1x16xf32> to vector<16xf32>
        %swap3A_925 = arith.constant 0 : i32
        %swap3A_926 = arith.index_cast %swap3A_925 : i32 to index
        %swap3A_927 = arith.index_cast %scan3A_452 : i32 to index
        %swap3A_928 = arith.constant 576 : index
        %swap3A_929 = tpu.vector_load %arg8[%swap3A_926, %swap3A_927, %swap3A_928] {strides = array<i32>} : memref<4x8x768xf32, #tpu.memory_space<vmem>>, vector<1x1x16xf32>,
        %swap3A_930 = vector.shape_cast %swap3A_929 : vector<1x1x16xf32> to vector<16xf32>
        %swap3A_931 = vector.shape_cast %get3A_924 : vector<16xf32> to vector<1x1x16xf32>
        tpu.vector_store %arg8[%swap3A_926, %swap3A_927, %swap3A_928], %swap3A_931 {add = true, strides = array<i32>} : memref<4x8x768xf32, #tpu.memory_space<vmem>>, vector<1x1x16xf32>,
        %get3A_932 = arith.constant 0 : i32
        %get3A_933 = arith.index_cast %get3A_932 : i32 to index
        %get3A_934 = arith.index_cast %scan3A_452 : i32 to index
        %get3A_935 = arith.constant 592 : index
        %get3A_936 = tpu.vector_load %arg7[%get3A_933, %get3A_934, %get3A_935] {strides = array<i32>} : memref<4x8x768xf32, #tpu.memory_space<vmem>>, vector<1x1x16xf32>,
        %get3A_937 = vector.shape_cast %get3A_936 : vector<1x1x16xf32> to vector<16xf32>
        %swap3A_938 = arith.constant 0 : i32
        %swap3A_939 = arith.index_cast %swap3A_938 : i32 to index
        %swap3A_940 = arith.index_cast %scan3A_452 : i32 to index
        %swap3A_941 = arith.constant 592 : index
        %swap3A_942 = tpu.vector_load %arg8[%swap3A_939, %swap3A_940, %swap3A_941] {strides = array<i32>} : memref<4x8x768xf32, #tpu.memory_space<vmem>>, vector<1x1x16xf32>,
        %swap3A_943 = vector.shape_cast %swap3A_942 : vector<1x1x16xf32> to vector<16xf32>
        %swap3A_944 = vector.shape_cast %get3A_937 : vector<16xf32> to vector<1x1x16xf32>
        tpu.vector_store %arg8[%swap3A_939, %swap3A_940, %swap3A_941], %swap3A_944 {add = true, strides = array<i32>} : memref<4x8x768xf32, #tpu.memory_space<vmem>>, vector<1x1x16xf32>,
        %get3A_945 = arith.constant 0 : i32
        %get3A_946 = arith.index_cast %get3A_945 : i32 to index
        %get3A_947 = arith.index_cast %scan3A_452 : i32 to index
        %get3A_948 = arith.constant 608 : index
        %get3A_949 = tpu.vector_load %arg7[%get3A_946, %get3A_947, %get3A_948] {strides = array<i32>} : memref<4x8x768xf32, #tpu.memory_space<vmem>>, vector<1x1x16xf32>,
        %get3A_950 = vector.shape_cast %get3A_949 : vector<1x1x16xf32> to vector<16xf32>
        %swap3A_951 = arith.constant 0 : i32
        %swap3A_952 = arith.index_cast %swap3A_951 : i32 to index
        %swap3A_953 = arith.index_cast %scan3A_452 : i32 to index
        %swap3A_954 = arith.constant 608 : index
        %swap3A_955 = tpu.vector_load %arg8[%swap3A_952, %swap3A_953, %swap3A_954] {strides = array<i32>} : memref<4x8x768xf32, #tpu.memory_space<vmem>>, vector<1x1x16xf32>,
        %swap3A_956 = vector.shape_cast %swap3A_955 : vector<1x1x16xf32> to vector<16xf32>
        %swap3A_957 = vector.shape_cast %get3A_950 : vector<16xf32> to vector<1x1x16xf32>
        tpu.vector_store %arg8[%swap3A_952, %swap3A_953, %swap3A_954], %swap3A_957 {add = true, strides = array<i32>} : memref<4x8x768xf32, #tpu.memory_space<vmem>>, vector<1x1x16xf32>,
        %get3A_958 = arith.constant 0 : i32
        %get3A_959 = arith.index_cast %get3A_958 : i32 to index
        %get3A_960 = arith.index_cast %scan3A_452 : i32 to index
        %get3A_961 = arith.constant 624 : index
        %get3A_962 = tpu.vector_load %arg7[%get3A_959, %get3A_960, %get3A_961] {strides = array<i32>} : memref<4x8x768xf32, #tpu.memory_space<vmem>>, vector<1x1x16xf32>,
        %get3A_963 = vector.shape_cast %get3A_962 : vector<1x1x16xf32> to vector<16xf32>
        %swap3A_964 = arith.constant 0 : i32
        %swap3A_965 = arith.index_cast %swap3A_964 : i32 to index
        %swap3A_966 = arith.index_cast %scan3A_452 : i32 to index
        %swap3A_967 = arith.constant 624 : index
        %swap3A_968 = tpu.vector_load %arg8[%swap3A_965, %swap3A_966, %swap3A_967] {strides = array<i32>} : memref<4x8x768xf32, #tpu.memory_space<vmem>>, vector<1x1x16xf32>,
        %swap3A_969 = vector.shape_cast %swap3A_968 : vector<1x1x16xf32> to vector<16xf32>
        %swap3A_970 = vector.shape_cast %get3A_963 : vector<16xf32> to vector<1x1x16xf32>
        tpu.vector_store %arg8[%swap3A_965, %swap3A_966, %swap3A_967], %swap3A_970 {add = true, strides = array<i32>} : memref<4x8x768xf32, #tpu.memory_space<vmem>>, vector<1x1x16xf32>,
        %get3A_971 = arith.constant 0 : i32
        %get3A_972 = arith.index_cast %get3A_971 : i32 to index
        %get3A_973 = arith.index_cast %scan3A_452 : i32 to index
        %get3A_974 = arith.constant 640 : index
        %get3A_975 = tpu.vector_load %arg7[%get3A_972, %get3A_973, %get3A_974] {strides = array<i32>} : memref<4x8x768xf32, #tpu.memory_space<vmem>>, vector<1x1x16xf32>,
        %get3A_976 = vector.shape_cast %get3A_975 : vector<1x1x16xf32> to vector<16xf32>
        %swap3A_977 = arith.constant 0 : i32
        %swap3A_978 = arith.index_cast %swap3A_977 : i32 to index
        %swap3A_979 = arith.index_cast %scan3A_452 : i32 to index
        %swap3A_980 = arith.constant 640 : index
        %swap3A_981 = tpu.vector_load %arg8[%swap3A_978, %swap3A_979, %swap3A_980] {strides = array<i32>} : memref<4x8x768xf32, #tpu.memory_space<vmem>>, vector<1x1x16xf32>,
        %swap3A_982 = vector.shape_cast %swap3A_981 : vector<1x1x16xf32> to vector<16xf32>
        %swap3A_983 = vector.shape_cast %get3A_976 : vector<16xf32> to vector<1x1x16xf32>
        tpu.vector_store %arg8[%swap3A_978, %swap3A_979, %swap3A_980], %swap3A_983 {add = true, strides = array<i32>} : memref<4x8x768xf32, #tpu.memory_space<vmem>>, vector<1x1x16xf32>,
        %get3A_984 = arith.constant 0 : i32
        %get3A_985 = arith.index_cast %get3A_984 : i32 to index
        %get3A_986 = arith.index_cast %scan3A_452 : i32 to index
        %get3A_987 = arith.constant 656 : index
        %get3A_988 = tpu.vector_load %arg7[%get3A_985, %get3A_986, %get3A_987] {strides = array<i32>} : memref<4x8x768xf32, #tpu.memory_space<vmem>>, vector<1x1x16xf32>,
        %get3A_989 = vector.shape_cast %get3A_988 : vector<1x1x16xf32> to vector<16xf32>
        %swap3A_990 = arith.constant 0 : i32
        %swap3A_991 = arith.index_cast %swap3A_990 : i32 to index
        %swap3A_992 = arith.index_cast %scan3A_452 : i32 to index
        %swap3A_993 = arith.constant 656 : index
        %swap3A_994 = tpu.vector_load %arg8[%swap3A_991, %swap3A_992, %swap3A_993] {strides = array<i32>} : memref<4x8x768xf32, #tpu.memory_space<vmem>>, vector<1x1x16xf32>,
        %swap3A_995 = vector.shape_cast %swap3A_994 : vector<1x1x16xf32> to vector<16xf32>
        %swap3A_996 = vector.shape_cast %get3A_989 : vector<16xf32> to vector<1x1x16xf32>
        tpu.vector_store %arg8[%swap3A_991, %swap3A_992, %swap3A_993], %swap3A_996 {add = true, strides = array<i32>} : memref<4x8x768xf32, #tpu.memory_space<vmem>>, vector<1x1x16xf32>,
        %get3A_997 = arith.constant 0 : i32
        %get3A_998 = arith.index_cast %get3A_997 : i32 to index
        %get3A_999 = arith.index_cast %scan3A_452 : i32 to index
        %get3A_1000 = arith.constant 672 : index
        %get3A_1001 = tpu.vector_load %arg7[%get3A_998, %get3A_999, %get3A_1000] {strides = array<i32>} : memref<4x8x768xf32, #tpu.memory_space<vmem>>, vector<1x1x16xf32>,
        %get3A_1002 = vector.shape_cast %get3A_1001 : vector<1x1x16xf32> to vector<16xf32>
        %swap3A_1003 = arith.constant 0 : i32
        %swap3A_1004 = arith.index_cast %swap3A_1003 : i32 to index
        %swap3A_1005 = arith.index_cast %scan3A_452 : i32 to index
        %swap3A_1006 = arith.constant 672 : index
        %swap3A_1007 = tpu.vector_load %arg8[%swap3A_1004, %swap3A_1005, %swap3A_1006] {strides = array<i32>} : memref<4x8x768xf32, #tpu.memory_space<vmem>>, vector<1x1x16xf32>,
        %swap3A_1008 = vector.shape_cast %swap3A_1007 : vector<1x1x16xf32> to vector<16xf32>
        %swap3A_1009 = vector.shape_cast %get3A_1002 : vector<16xf32> to vector<1x1x16xf32>
        tpu.vector_store %arg8[%swap3A_1004, %swap3A_1005, %swap3A_1006], %swap3A_1009 {add = true, strides = array<i32>} : memref<4x8x768xf32, #tpu.memory_space<vmem>>, vector<1x1x16xf32>,
        %get3A_1010 = arith.constant 0 : i32
        %get3A_1011 = arith.index_cast %get3A_1010 : i32 to index
        %get3A_1012 = arith.index_cast %scan3A_452 : i32 to index
        %get3A_1013 = arith.constant 688 : index
        %get3A_1014 = tpu.vector_load %arg7[%get3A_1011, %get3A_1012, %get3A_1013] {strides = array<i32>} : memref<4x8x768xf32, #tpu.memory_space<vmem>>, vector<1x1x16xf32>,
        %get3A_1015 = vector.shape_cast %get3A_1014 : vector<1x1x16xf32> to vector<16xf32>
        %swap3A_1016 = arith.constant 0 : i32
        %swap3A_1017 = arith.index_cast %swap3A_1016 : i32 to index
        %swap3A_1018 = arith.index_cast %scan3A_452 : i32 to index
        %swap3A_1019 = arith.constant 688 : index
        %swap3A_1020 = tpu.vector_load %arg8[%swap3A_1017, %swap3A_1018, %swap3A_1019] {strides = array<i32>} : memref<4x8x768xf32, #tpu.memory_space<vmem>>, vector<1x1x16xf32>,
        %swap3A_1021 = vector.shape_cast %swap3A_1020 : vector<1x1x16xf32> to vector<16xf32>
        %swap3A_1022 = vector.shape_cast %get3A_1015 : vector<16xf32> to vector<1x1x16xf32>
        tpu.vector_store %arg8[%swap3A_1017, %swap3A_1018, %swap3A_1019], %swap3A_1022 {add = true, strides = array<i32>} : memref<4x8x768xf32, #tpu.memory_space<vmem>>, vector<1x1x16xf32>,
        %get3A_1023 = arith.constant 0 : i32
        %get3A_1024 = arith.index_cast %get3A_1023 : i32 to index
        %get3A_1025 = arith.index_cast %scan3A_452 : i32 to index
        %get3A_1026 = arith.constant 704 : index
        %get3A_1027 = tpu.vector_load %arg7[%get3A_1024, %get3A_1025, %get3A_1026] {strides = array<i32>} : memref<4x8x768xf32, #tpu.memory_space<vmem>>, vector<1x1x16xf32>,
        %get3A_1028 = vector.shape_cast %get3A_1027 : vector<1x1x16xf32> to vector<16xf32>
        %swap3A_1029 = arith.constant 0 : i32
        %swap3A_1030 = arith.index_cast %swap3A_1029 : i32 to index
        %swap3A_1031 = arith.index_cast %scan3A_452 : i32 to index
        %swap3A_1032 = arith.constant 704 : index
        %swap3A_1033 = tpu.vector_load %arg8[%swap3A_1030, %swap3A_1031, %swap3A_1032] {strides = array<i32>} : memref<4x8x768xf32, #tpu.memory_space<vmem>>, vector<1x1x16xf32>,
        %swap3A_1034 = vector.shape_cast %swap3A_1033 : vector<1x1x16xf32> to vector<16xf32>
        %swap3A_1035 = vector.shape_cast %get3A_1028 : vector<16xf32> to vector<1x1x16xf32>
        tpu.vector_store %arg8[%swap3A_1030, %swap3A_1031, %swap3A_1032], %swap3A_1035 {add = true, strides = array<i32>} : memref<4x8x768xf32, #tpu.memory_space<vmem>>, vector<1x1x16xf32>,
        %get3A_1036 = arith.constant 0 : i32
        %get3A_1037 = arith.index_cast %get3A_1036 : i32 to index
        %get3A_1038 = arith.index_cast %scan3A_452 : i32 to index
        %get3A_1039 = arith.constant 720 : index
        %get3A_1040 = tpu.vector_load %arg7[%get3A_1037, %get3A_1038, %get3A_1039] {strides = array<i32>} : memref<4x8x768xf32, #tpu.memory_space<vmem>>, vector<1x1x16xf32>,
        %get3A_1041 = vector.shape_cast %get3A_1040 : vector<1x1x16xf32> to vector<16xf32>
        %swap3A_1042 = arith.constant 0 : i32
        %swap3A_1043 = arith.index_cast %swap3A_1042 : i32 to index
        %swap3A_1044 = arith.index_cast %scan3A_452 : i32 to index
        %swap3A_1045 = arith.constant 720 : index
        %swap3A_1046 = tpu.vector_load %arg8[%swap3A_1043, %swap3A_1044, %swap3A_1045] {strides = array<i32>} : memref<4x8x768xf32, #tpu.memory_space<vmem>>, vector<1x1x16xf32>,
        %swap3A_1047 = vector.shape_cast %swap3A_1046 : vector<1x1x16xf32> to vector<16xf32>
        %swap3A_1048 = vector.shape_cast %get3A_1041 : vector<16xf32> to vector<1x1x16xf32>
        tpu.vector_store %arg8[%swap3A_1043, %swap3A_1044, %swap3A_1045], %swap3A_1048 {add = true, strides = array<i32>} : memref<4x8x768xf32, #tpu.memory_space<vmem>>, vector<1x1x16xf32>,
        %get3A_1049 = arith.constant 0 : i32
        %get3A_1050 = arith.index_cast %get3A_1049 : i32 to index
        %get3A_1051 = arith.index_cast %scan3A_452 : i32 to index
        %get3A_1052 = arith.constant 736 : index
        %get3A_1053 = tpu.vector_load %arg7[%get3A_1050, %get3A_1051, %get3A_1052] {strides = array<i32>} : memref<4x8x768xf32, #tpu.memory_space<vmem>>, vector<1x1x16xf32>,
        %get3A_1054 = vector.shape_cast %get3A_1053 : vector<1x1x16xf32> to vector<16xf32>
        %swap3A_1055 = arith.constant 0 : i32
        %swap3A_1056 = arith.index_cast %swap3A_1055 : i32 to index
        %swap3A_1057 = arith.index_cast %scan3A_452 : i32 to index
        %swap3A_1058 = arith.constant 736 : index
        %swap3A_1059 = tpu.vector_load %arg8[%swap3A_1056, %swap3A_1057, %swap3A_1058] {strides = array<i32>} : memref<4x8x768xf32, #tpu.memory_space<vmem>>, vector<1x1x16xf32>,
        %swap3A_1060 = vector.shape_cast %swap3A_1059 : vector<1x1x16xf32> to vector<16xf32>
        %swap3A_1061 = vector.shape_cast %get3A_1054 : vector<16xf32> to vector<1x1x16xf32>
        tpu.vector_store %arg8[%swap3A_1056, %swap3A_1057, %swap3A_1058], %swap3A_1061 {add = true, strides = array<i32>} : memref<4x8x768xf32, #tpu.memory_space<vmem>>, vector<1x1x16xf32>,
        %get3A_1062 = arith.constant 0 : i32
        %get3A_1063 = arith.index_cast %get3A_1062 : i32 to index
        %get3A_1064 = arith.index_cast %scan3A_452 : i32 to index
        %get3A_1065 = arith.constant 752 : index
        %get3A_1066 = tpu.vector_load %arg7[%get3A_1063, %get3A_1064, %get3A_1065] {strides = array<i32>} : memref<4x8x768xf32, #tpu.memory_space<vmem>>, vector<1x1x16xf32>,
        %get3A_1067 = vector.shape_cast %get3A_1066 : vector<1x1x16xf32> to vector<16xf32>
        %swap3A_1068 = arith.constant 0 : i32
        %swap3A_1069 = arith.index_cast %swap3A_1068 : i32 to index
        %swap3A_1070 = arith.index_cast %scan3A_452 : i32 to index
        %swap3A_1071 = arith.constant 752 : index
        %swap3A_1072 = tpu.vector_load %arg8[%swap3A_1069, %swap3A_1070, %swap3A_1071] {strides = array<i32>} : memref<4x8x768xf32, #tpu.memory_space<vmem>>, vector<1x1x16xf32>,
        %swap3A_1073 = vector.shape_cast %swap3A_1072 : vector<1x1x16xf32> to vector<16xf32>
        %swap3A_1074 = vector.shape_cast %get3A_1067 : vector<16xf32> to vector<1x1x16xf32>
        tpu.vector_store %arg8[%swap3A_1069, %swap3A_1070, %swap3A_1071], %swap3A_1074 {add = true, strides = array<i32>} : memref<4x8x768xf32, #tpu.memory_space<vmem>>, vector<1x1x16xf32>,
      }
      %scan3A_214 = arith.constant 8 : i32
      %mul3A_215 = arith.constant 8 : i32
      %mul3A_216 = arith.muli %add3A_175, %mul3A_215 : i32
      %add3A_217 = arith.addi %mul3A_2, %mul3A_216 : i32
      %dma_start3A_218 = arith.constant 0 : i32
      %dma_start3A_219 = arith.constant 0 : i32
      %dma_start3A_220 = arith.constant 0 : i32
      %dma_start3A_221 = arith.constant 0 : i32
      %dma_start3A_222 = tpu.memref_slice %arg8[%dma_start3A_218, %dma_start3A_220, %dma_start3A_221] : memref<4x8x768xf32, #tpu.memory_space<vmem>> -> memref<1x8x768xf32, #tpu.memory_space<vmem>>
      %dma_start3A_223 = tpu.memref_squeeze %dma_start3A_222 : memref<1x8x768xf32, #tpu.memory_space<vmem>> -> memref<8x768xf32, #tpu.memory_space<vmem>>
      %dma_start3A_224 = arith.constant 0 : i32
      %dma_start3A_225 = tpu.memref_slice %arg5[%add3A_217, %dma_start3A_224] : memref<8192x768xf32, #tpu.memory_space<hbm>> -> memref<8x768xf32, #tpu.memory_space<hbm>>
      %dma_start3A_226 = tpu.memref_slice %arg11[%dma_start3A_219] : memref<4x!tpu.dma_semaphore, #tpu.memory_space<semaphore_mem>> -> memref<1x!tpu.dma_semaphore, #tpu.memory_space<semaphore_mem>>
      %dma_start3A_227 = tpu.memref_squeeze %dma_start3A_226 : memref<1x!tpu.dma_semaphore, #tpu.memory_space<semaphore_mem>> -> memref<!tpu.dma_semaphore, #tpu.memory_space<semaphore_mem>>
      %dma_start3A_228 = arith.constant 0 : i32
      %dma_start3A_229 = tpu.memref_slice %arg5[%add3A_217, %dma_start3A_228] : memref<8192x768xf32, #tpu.memory_space<hbm>> -> memref<8x768xf32, #tpu.memory_space<hbm>>
      %dma_start3A_230 = arith.constant 0 : i32
      %dma_start3A_231 = arith.constant 0 : i32
      %dma_start3A_232 = tpu.memref_slice %arg8[%dma_start3A_218, %dma_start3A_230, %dma_start3A_231] : memref<4x8x768xf32, #tpu.memory_space<vmem>> -> memref<1x8x768xf32, #tpu.memory_space<vmem>>
      %dma_start3A_233 = tpu.memref_squeeze %dma_start3A_232 : memref<1x8x768xf32, #tpu.memory_space<vmem>> -> memref<8x768xf32, #tpu.memory_space<vmem>>
      tpu.enqueue_dma source(%dma_start3A_233 : memref<8x768xf32, #tpu.memory_space<vmem>>) target(%dma_start3A_229 : memref<8x768xf32, #tpu.memory_space<hbm>>) target_semaphore(%dma_start3A_227 : memref<!tpu.dma_semaphore, #tpu.memory_space<semaphore_mem>>)
      %add3A_234 = arith.constant 4 : i32
      %add3A_235 = arith.addi %add3A_175, %add3A_234 : i32
      %sub3A = arith.constant 1 : i32
      %sub3A_236 = arith.subi %add3A_235, %sub3A : i32
      %lt3A = arith.constant 32 : i32
      %lt3A_237 = arith.cmpi slt, %sub3A_236, %lt3A : i32
      %convert_element_type3A = arith.extui %lt3A_237 : i1 to i32
      %cond3A = arith.constant 0 : i32
      %cond3A_238 = arith.cmpi ne, %convert_element_type3A, %cond3A : i32
      scf.if %cond3A_238 {
        %ge3A = arith.constant 4 : i32
        %ge3A_452 = arith.cmpi sge, %sub3A_236, %ge3A : i32
        %convert_element_type3A_453 = arith.extui %ge3A_452 : i1 to i32
        %cond3A_454 = arith.constant 0 : i32
        %cond3A_455 = arith.cmpi ne, %convert_element_type3A_453, %cond3A_454 : i32
        scf.if %cond3A_455 {
          %sub3A_489 = arith.constant 4 : i32
          %sub3A_490 = arith.subi %sub3A_236, %sub3A_489 : i32
          %mul3A_491 = arith.constant 8 : i32
          %mul3A_492 = arith.muli %sub3A_490, %mul3A_491 : i32
          %add3A_493 = arith.addi %mul3A_2, %mul3A_492 : i32
          %dma_wait3A_494 = arith.constant 3 : i32
          %dma_wait3A_495 = arith.constant 3 : i32
          %dma_wait3A_496 = arith.constant 0 : i32
          %dma_wait3A_497 = arith.constant 0 : i32
          %dma_wait3A_498 = tpu.memref_slice %arg8[%dma_wait3A_494, %dma_wait3A_496, %dma_wait3A_497] : memref<4x8x768xf32, #tpu.memory_space<vmem>> -> memref<1x8x768xf32, #tpu.memory_space<vmem>>
          %dma_wait3A_499 = tpu.memref_squeeze %dma_wait3A_498 : memref<1x8x768xf32, #tpu.memory_space<vmem>> -> memref<8x768xf32, #tpu.memory_space<vmem>>
          %dma_wait3A_500 = arith.constant 0 : i32
          %dma_wait3A_501 = tpu.memref_slice %arg5[%add3A_493, %dma_wait3A_500] : memref<8192x768xf32, #tpu.memory_space<hbm>> -> memref<8x768xf32, #tpu.memory_space<hbm>>
          %dma_wait3A_502 = tpu.memref_slice %arg11[%dma_wait3A_495] : memref<4x!tpu.dma_semaphore, #tpu.memory_space<semaphore_mem>> -> memref<1x!tpu.dma_semaphore, #tpu.memory_space<semaphore_mem>>
          %dma_wait3A_503 = tpu.memref_squeeze %dma_wait3A_502 : memref<1x!tpu.dma_semaphore, #tpu.memory_space<semaphore_mem>> -> memref<!tpu.dma_semaphore, #tpu.memory_space<semaphore_mem>>
          %dma_wait3A_504 = arith.constant 0 : i32
          %dma_wait3A_505 = tpu.memref_slice %arg5[%add3A_493, %dma_wait3A_504] : memref<8192x768xf32, #tpu.memory_space<hbm>> -> memref<8x768xf32, #tpu.memory_space<hbm>>
          %dma_wait3A_506 = arith.constant 0 : i32
          %dma_wait3A_507 = arith.constant 0 : i32
          %dma_wait3A_508 = tpu.memref_slice %arg8[%dma_wait3A_494, %dma_wait3A_506, %dma_wait3A_507] : memref<4x8x768xf32, #tpu.memory_space<vmem>> -> memref<1x8x768xf32, #tpu.memory_space<vmem>>
          %dma_wait3A_509 = tpu.memref_squeeze %dma_wait3A_508 : memref<1x8x768xf32, #tpu.memory_space<vmem>> -> memref<8x768xf32, #tpu.memory_space<vmem>>
          tpu.wait_dma2 semaphore(%dma_wait3A_503 : memref<!tpu.dma_semaphore, #tpu.memory_space<semaphore_mem>>) src(%dma_wait3A_509 : memref<8x768xf32, #tpu.memory_space<vmem>>) dst(%dma_wait3A_505 : memref<8x768xf32, #tpu.memory_space<hbm>>)
        } else {
        }
        %mul3A_456 = arith.constant 8 : i32
        %mul3A_457 = arith.muli %sub3A_236, %mul3A_456 : i32
        %mul3A_458 = arith.constant 8 : i32
        %mul3A_459 = arith.muli %sub3A_236, %mul3A_458 : i32
        %add3A_460 = arith.addi %mul3A_2, %mul3A_459 : i32
        %dma_start3A_461 = arith.constant 3 : i32
        %dma_start3A_462 = arith.constant 3 : i32
        %dma_start3A_463 = arith.constant 0 : i32
        %dma_start3A_464 = arith.constant 0 : i32
        %dma_start3A_465 = tpu.memref_slice %arg7[%dma_start3A_461, %dma_start3A_463, %dma_start3A_464] : memref<4x8x768xf32, #tpu.memory_space<vmem>> -> memref<1x8x768xf32, #tpu.memory_space<vmem>>
        %dma_start3A_466 = tpu.memref_squeeze %dma_start3A_465 : memref<1x8x768xf32, #tpu.memory_space<vmem>> -> memref<8x768xf32, #tpu.memory_space<vmem>>
        %dma_start3A_467 = tpu.memref_slice %arg6[%mul3A_457] : memref<256xi32, #tpu.memory_space<vmem>> -> memref<8xi32, #tpu.memory_space<vmem>>
        %dma_start3A_468 = arith.constant 0 : i32
        %dma_start3A_469 = arith.constant 0 : i32
        %dma_start3A_470 = tpu.memref_slice %arg3[%dma_start3A_468, %dma_start3A_469] : memref<100000x768xf32, #tpu.memory_space<hbm>> -> memref<100000x768xf32, #tpu.memory_space<hbm>>
        %dma_start3A_471 = tpu.memref_slice %arg9[%dma_start3A_462] : memref<4x!tpu.dma_semaphore, #tpu.memory_space<semaphore_mem>> -> memref<1x!tpu.dma_semaphore, #tpu.memory_space<semaphore_mem>>
        %dma_start3A_472 = tpu.memref_squeeze %dma_start3A_471 : memref<1x!tpu.dma_semaphore, #tpu.memory_space<semaphore_mem>> -> memref<!tpu.dma_semaphore, #tpu.memory_space<semaphore_mem>>
        tpu.enqueue_indirect_dma source(%dma_start3A_470 : memref<100000x768xf32, #tpu.memory_space<hbm>>) target(%dma_start3A_466 : memref<8x768xf32, #tpu.memory_space<vmem>>) offsets(%dma_start3A_467 : memref<8xi32, #tpu.memory_space<vmem>>) semaphore(%dma_start3A_472 : memref<!tpu.dma_semaphore, #tpu.memory_space<semaphore_mem>>)
        %dma_start3A_473 = arith.constant 3 : i32
        %dma_start3A_474 = arith.constant 3 : i32
        %dma_start3A_475 = arith.constant 0 : i32
        %dma_start3A_476 = arith.constant 0 : i32
        %dma_start3A_477 = tpu.memref_slice %arg8[%dma_start3A_473, %dma_start3A_475, %dma_start3A_476] : memref<4x8x768xf32, #tpu.memory_space<vmem>> -> memref<1x8x768xf32, #tpu.memory_space<vmem>>
        %dma_start3A_478 = tpu.memref_squeeze %dma_start3A_477 : memref<1x8x768xf32, #tpu.memory_space<vmem>> -> memref<8x768xf32, #tpu.memory_space<vmem>>
        %dma_start3A_479 = arith.constant 0 : i32
        %dma_start3A_480 = tpu.memref_slice %arg4[%add3A_460, %dma_start3A_479] : memref<100000x768xf32, #tpu.memory_space<hbm>> -> memref<8x768xf32, #tpu.memory_space<hbm>>
        %dma_start3A_481 = tpu.memref_slice %arg10[%dma_start3A_474] : memref<4x!tpu.dma_semaphore, #tpu.memory_space<semaphore_mem>> -> memref<1x!tpu.dma_semaphore, #tpu.memory_space<semaphore_mem>>
        %dma_start3A_482 = tpu.memref_squeeze %dma_start3A_481 : memref<1x!tpu.dma_semaphore, #tpu.memory_space<semaphore_mem>> -> memref<!tpu.dma_semaphore, #tpu.memory_space<semaphore_mem>>
        %dma_start3A_483 = arith.constant 0 : i32
        %dma_start3A_484 = arith.constant 0 : i32
        %dma_start3A_485 = tpu.memref_slice %arg8[%dma_start3A_473, %dma_start3A_483, %dma_start3A_484] : memref<4x8x768xf32, #tpu.memory_space<vmem>> -> memref<1x8x768xf32, #tpu.memory_space<vmem>>
        %dma_start3A_486 = tpu.memref_squeeze %dma_start3A_485 : memref<1x8x768xf32, #tpu.memory_space<vmem>> -> memref<8x768xf32, #tpu.memory_space<vmem>>
        %dma_start3A_487 = arith.constant 0 : i32
        %dma_start3A_488 = tpu.memref_slice %arg4[%add3A_460, %dma_start3A_487] : memref<100000x768xf32, #tpu.memory_space<hbm>> -> memref<8x768xf32, #tpu.memory_space<hbm>>
        tpu.enqueue_dma source(%dma_start3A_488 : memref<8x768xf32, #tpu.memory_space<hbm>>) target(%dma_start3A_486 : memref<8x768xf32, #tpu.memory_space<vmem>>) target_semaphore(%dma_start3A_482 : memref<!tpu.dma_semaphore, #tpu.memory_space<semaphore_mem>>)
      } else {
      }
      %mul3A_239 = arith.constant 4 : i32
      %mul3A_240 = arith.muli %scan3A_171, %mul3A_239 : i32
      %add3A_241 = arith.constant 1 : i32
      %add3A_242 = arith.addi %mul3A_240, %add3A_241 : i32
      %mul3A_243 = arith.constant 8 : i32
      %mul3A_244 = arith.muli %add3A_242, %mul3A_243 : i32
      %mul3A_245 = arith.constant 8 : i32
      %mul3A_246 = arith.muli %add3A_242, %mul3A_245 : i32
      %add3A_247 = arith.addi %mul3A_2, %mul3A_246 : i32
      %dma_wait3A_248 = arith.constant 1 : i32
      %dma_wait3A_249 = arith.constant 1 : i32
      %dma_wait3A_250 = arith.constant 0 : i32
      %dma_wait3A_251 = arith.constant 0 : i32
      %dma_wait3A_252 = tpu.memref_slice %arg7[%dma_wait3A_248, %dma_wait3A_250, %dma_wait3A_251] : memref<4x8x768xf32, #tpu.memory_space<vmem>> -> memref<1x8x768xf32, #tpu.memory_space<vmem>>
      %dma_wait3A_253 = tpu.memref_squeeze %dma_wait3A_252 : memref<1x8x768xf32, #tpu.memory_space<vmem>> -> memref<8x768xf32, #tpu.memory_space<vmem>>
      %dma_wait3A_254 = tpu.memref_slice %arg6[%mul3A_244] : memref<256xi32, #tpu.memory_space<vmem>> -> memref<8xi32, #tpu.memory_space<vmem>>
      %dma_wait3A_255 = arith.constant 0 : i32
      %dma_wait3A_256 = arith.constant 0 : i32
      %dma_wait3A_257 = tpu.memref_slice %arg3[%dma_wait3A_255, %dma_wait3A_256] : memref<100000x768xf32, #tpu.memory_space<hbm>> -> memref<100000x768xf32, #tpu.memory_space<hbm>>
      %dma_wait3A_258 = tpu.memref_slice %arg9[%dma_wait3A_249] : memref<4x!tpu.dma_semaphore, #tpu.memory_space<semaphore_mem>> -> memref<1x!tpu.dma_semaphore, #tpu.memory_space<semaphore_mem>>
      %dma_wait3A_259 = tpu.memref_squeeze %dma_wait3A_258 : memref<1x!tpu.dma_semaphore, #tpu.memory_space<semaphore_mem>> -> memref<!tpu.dma_semaphore, #tpu.memory_space<semaphore_mem>>
      tpu.wait_indirect_dma semaphore(%dma_wait3A_259 : memref<!tpu.dma_semaphore, #tpu.memory_space<semaphore_mem>>) src(%dma_wait3A_257 : memref<100000x768xf32, #tpu.memory_space<hbm>>) dst(%dma_wait3A_253 : memref<8x768xf32, #tpu.memory_space<vmem>>)
      %dma_wait3A_260 = arith.constant 1 : i32
      %dma_wait3A_261 = arith.constant 1 : i32
      %dma_wait3A_262 = arith.constant 0 : i32
      %dma_wait3A_263 = arith.constant 0 : i32
      %dma_wait3A_264 = tpu.memref_slice %arg8[%dma_wait3A_260, %dma_wait3A_262, %dma_wait3A_263] : memref<4x8x768xf32, #tpu.memory_space<vmem>> -> memref<1x8x768xf32, #tpu.memory_space<vmem>>
      %dma_wait3A_265 = tpu.memref_squeeze %dma_wait3A_264 : memref<1x8x768xf32, #tpu.memory_space<vmem>> -> memref<8x768xf32, #tpu.memory_space<vmem>>
      %dma_wait3A_266 = arith.constant 0 : i32
      %dma_wait3A_267 = tpu.memref_slice %arg4[%add3A_247, %dma_wait3A_266] : memref<100000x768xf32, #tpu.memory_space<hbm>> -> memref<8x768xf32, #tpu.memory_space<hbm>>
      %dma_wait3A_268 = tpu.memref_slice %arg10[%dma_wait3A_261] : memref<4x!tpu.dma_semaphore, #tpu.memory_space<semaphore_mem>> -> memref<1x!tpu.dma_semaphore, #tpu.memory_space<semaphore_mem>>
      %dma_wait3A_269 = tpu.memref_squeeze %dma_wait3A_268 : memref<1x!tpu.dma_semaphore, #tpu.memory_space<semaphore_mem>> -> memref<!tpu.dma_semaphore, #tpu.memory_space<semaphore_mem>>
      %dma_wait3A_270 = arith.constant 0 : i32
      %dma_wait3A_271 = arith.constant 0 : i32
      %dma_wait3A_272 = tpu.memref_slice %arg8[%dma_wait3A_260, %dma_wait3A_270, %dma_wait3A_271] : memref<4x8x768xf32, #tpu.memory_space<vmem>> -> memref<1x8x768xf32, #tpu.memory_space<vmem>>
      %dma_wait3A_273 = tpu.memref_squeeze %dma_wait3A_272 : memref<1x8x768xf32, #tpu.memory_space<vmem>> -> memref<8x768xf32, #tpu.memory_space<vmem>>
      %dma_wait3A_274 = arith.constant 0 : i32
      %dma_wait3A_275 = tpu.memref_slice %arg4[%add3A_247, %dma_wait3A_274] : memref<100000x768xf32, #tpu.memory_space<hbm>> -> memref<8x768xf32, #tpu.memory_space<hbm>>
      tpu.wait_dma2 semaphore(%dma_wait3A_269 : memref<!tpu.dma_semaphore, #tpu.memory_space<semaphore_mem>>) src(%dma_wait3A_275 : memref<8x768xf32, #tpu.memory_space<hbm>>) dst(%dma_wait3A_273 : memref<8x768xf32, #tpu.memory_space<vmem>>)
      %scan3A_276 = arith.constant 0 : i32
      %scan3A_277 = arith.constant 0 : i32
      %scan3A_278 = arith.constant 8 : i32
      %scan3A_279 = arith.addi %scan3A_277, %scan3A_278 : i32
      %scan3A_280 = arith.constant 1 : i32
      scf.for %scan3A_452 = %scan3A_277 to %scan3A_279 step %scan3A_280  : i32 {
        %get3A = arith.constant 1 : i32
        %get3A_453 = arith.index_cast %get3A : i32 to index
        %get3A_454 = arith.index_cast %scan3A_452 : i32 to index
        %get3A_455 = arith.constant 0 : index
        %get3A_456 = tpu.vector_load %arg7[%get3A_453, %get3A_454, %get3A_455] {strides = array<i32>} : memref<4x8x768xf32, #tpu.memory_space<vmem>>, vector<1x1x16xf32>,
        %get3A_457 = vector.shape_cast %get3A_456 : vector<1x1x16xf32> to vector<16xf32>
        %swap3A = arith.constant 1 : i32
        %swap3A_458 = arith.index_cast %swap3A : i32 to index
        %swap3A_459 = arith.index_cast %scan3A_452 : i32 to index
        %swap3A_460 = arith.constant 0 : index
        %swap3A_461 = tpu.vector_load %arg8[%swap3A_458, %swap3A_459, %swap3A_460] {strides = array<i32>} : memref<4x8x768xf32, #tpu.memory_space<vmem>>, vector<1x1x16xf32>,
        %swap3A_462 = vector.shape_cast %swap3A_461 : vector<1x1x16xf32> to vector<16xf32>
        %swap3A_463 = vector.shape_cast %get3A_457 : vector<16xf32> to vector<1x1x16xf32>
        tpu.vector_store %arg8[%swap3A_458, %swap3A_459, %swap3A_460], %swap3A_463 {add = true, strides = array<i32>} : memref<4x8x768xf32, #tpu.memory_space<vmem>>, vector<1x1x16xf32>,
        %get3A_464 = arith.constant 1 : i32
        %get3A_465 = arith.index_cast %get3A_464 : i32 to index
        %get3A_466 = arith.index_cast %scan3A_452 : i32 to index
        %get3A_467 = arith.constant 16 : index
        %get3A_468 = tpu.vector_load %arg7[%get3A_465, %get3A_466, %get3A_467] {strides = array<i32>} : memref<4x8x768xf32, #tpu.memory_space<vmem>>, vector<1x1x16xf32>,
        %get3A_469 = vector.shape_cast %get3A_468 : vector<1x1x16xf32> to vector<16xf32>
        %swap3A_470 = arith.constant 1 : i32
        %swap3A_471 = arith.index_cast %swap3A_470 : i32 to index
        %swap3A_472 = arith.index_cast %scan3A_452 : i32 to index
        %swap3A_473 = arith.constant 16 : index
        %swap3A_474 = tpu.vector_load %arg8[%swap3A_471, %swap3A_472, %swap3A_473] {strides = array<i32>} : memref<4x8x768xf32, #tpu.memory_space<vmem>>, vector<1x1x16xf32>,
        %swap3A_475 = vector.shape_cast %swap3A_474 : vector<1x1x16xf32> to vector<16xf32>
        %swap3A_476 = vector.shape_cast %get3A_469 : vector<16xf32> to vector<1x1x16xf32>
        tpu.vector_store %arg8[%swap3A_471, %swap3A_472, %swap3A_473], %swap3A_476 {add = true, strides = array<i32>} : memref<4x8x768xf32, #tpu.memory_space<vmem>>, vector<1x1x16xf32>,
        %get3A_477 = arith.constant 1 : i32
        %get3A_478 = arith.index_cast %get3A_477 : i32 to index
        %get3A_479 = arith.index_cast %scan3A_452 : i32 to index
        %get3A_480 = arith.constant 32 : index
        %get3A_481 = tpu.vector_load %arg7[%get3A_478, %get3A_479, %get3A_480] {strides = array<i32>} : memref<4x8x768xf32, #tpu.memory_space<vmem>>, vector<1x1x16xf32>,
        %get3A_482 = vector.shape_cast %get3A_481 : vector<1x1x16xf32> to vector<16xf32>
        %swap3A_483 = arith.constant 1 : i32
        %swap3A_484 = arith.index_cast %swap3A_483 : i32 to index
        %swap3A_485 = arith.index_cast %scan3A_452 : i32 to index
        %swap3A_486 = arith.constant 32 : index
        %swap3A_487 = tpu.vector_load %arg8[%swap3A_484, %swap3A_485, %swap3A_486] {strides = array<i32>} : memref<4x8x768xf32, #tpu.memory_space<vmem>>, vector<1x1x16xf32>,
        %swap3A_488 = vector.shape_cast %swap3A_487 : vector<1x1x16xf32> to vector<16xf32>
        %swap3A_489 = vector.shape_cast %get3A_482 : vector<16xf32> to vector<1x1x16xf32>
        tpu.vector_store %arg8[%swap3A_484, %swap3A_485, %swap3A_486], %swap3A_489 {add = true, strides = array<i32>} : memref<4x8x768xf32, #tpu.memory_space<vmem>>, vector<1x1x16xf32>,
        %get3A_490 = arith.constant 1 : i32
        %get3A_491 = arith.index_cast %get3A_490 : i32 to index
        %get3A_492 = arith.index_cast %scan3A_452 : i32 to index
        %get3A_493 = arith.constant 48 : index
        %get3A_494 = tpu.vector_load %arg7[%get3A_491, %get3A_492, %get3A_493] {strides = array<i32>} : memref<4x8x768xf32, #tpu.memory_space<vmem>>, vector<1x1x16xf32>,
        %get3A_495 = vector.shape_cast %get3A_494 : vector<1x1x16xf32> to vector<16xf32>
        %swap3A_496 = arith.constant 1 : i32
        %swap3A_497 = arith.index_cast %swap3A_496 : i32 to index
        %swap3A_498 = arith.index_cast %scan3A_452 : i32 to index
        %swap3A_499 = arith.constant 48 : index
        %swap3A_500 = tpu.vector_load %arg8[%swap3A_497, %swap3A_498, %swap3A_499] {strides = array<i32>} : memref<4x8x768xf32, #tpu.memory_space<vmem>>, vector<1x1x16xf32>,
        %swap3A_501 = vector.shape_cast %swap3A_500 : vector<1x1x16xf32> to vector<16xf32>
        %swap3A_502 = vector.shape_cast %get3A_495 : vector<16xf32> to vector<1x1x16xf32>
        tpu.vector_store %arg8[%swap3A_497, %swap3A_498, %swap3A_499], %swap3A_502 {add = true, strides = array<i32>} : memref<4x8x768xf32, #tpu.memory_space<vmem>>, vector<1x1x16xf32>,
        %get3A_503 = arith.constant 1 : i32
        %get3A_504 = arith.index_cast %get3A_503 : i32 to index
        %get3A_505 = arith.index_cast %scan3A_452 : i32 to index
        %get3A_506 = arith.constant 64 : index
        %get3A_507 = tpu.vector_load %arg7[%get3A_504, %get3A_505, %get3A_506] {strides = array<i32>} : memref<4x8x768xf32, #tpu.memory_space<vmem>>, vector<1x1x16xf32>,
        %get3A_508 = vector.shape_cast %get3A_507 : vector<1x1x16xf32> to vector<16xf32>
        %swap3A_509 = arith.constant 1 : i32
        %swap3A_510 = arith.index_cast %swap3A_509 : i32 to index
        %swap3A_511 = arith.index_cast %scan3A_452 : i32 to index
        %swap3A_512 = arith.constant 64 : index
        %swap3A_513 = tpu.vector_load %arg8[%swap3A_510, %swap3A_511, %swap3A_512] {strides = array<i32>} : memref<4x8x768xf32, #tpu.memory_space<vmem>>, vector<1x1x16xf32>,
        %swap3A_514 = vector.shape_cast %swap3A_513 : vector<1x1x16xf32> to vector<16xf32>
        %swap3A_515 = vector.shape_cast %get3A_508 : vector<16xf32> to vector<1x1x16xf32>
        tpu.vector_store %arg8[%swap3A_510, %swap3A_511, %swap3A_512], %swap3A_515 {add = true, strides = array<i32>} : memref<4x8x768xf32, #tpu.memory_space<vmem>>, vector<1x1x16xf32>,
        %get3A_516 = arith.constant 1 : i32
        %get3A_517 = arith.index_cast %get3A_516 : i32 to index
        %get3A_518 = arith.index_cast %scan3A_452 : i32 to index
        %get3A_519 = arith.constant 80 : index
        %get3A_520 = tpu.vector_load %arg7[%get3A_517, %get3A_518, %get3A_519] {strides = array<i32>} : memref<4x8x768xf32, #tpu.memory_space<vmem>>, vector<1x1x16xf32>,
        %get3A_521 = vector.shape_cast %get3A_520 : vector<1x1x16xf32> to vector<16xf32>
        %swap3A_522 = arith.constant 1 : i32
        %swap3A_523 = arith.index_cast %swap3A_522 : i32 to index
        %swap3A_524 = arith.index_cast %scan3A_452 : i32 to index
        %swap3A_525 = arith.constant 80 : index
        %swap3A_526 = tpu.vector_load %arg8[%swap3A_523, %swap3A_524, %swap3A_525] {strides = array<i32>} : memref<4x8x768xf32, #tpu.memory_space<vmem>>, vector<1x1x16xf32>,
        %swap3A_527 = vector.shape_cast %swap3A_526 : vector<1x1x16xf32> to vector<16xf32>
        %swap3A_528 = vector.shape_cast %get3A_521 : vector<16xf32> to vector<1x1x16xf32>
        tpu.vector_store %arg8[%swap3A_523, %swap3A_524, %swap3A_525], %swap3A_528 {add = true, strides = array<i32>} : memref<4x8x768xf32, #tpu.memory_space<vmem>>, vector<1x1x16xf32>,
        %get3A_529 = arith.constant 1 : i32
        %get3A_530 = arith.index_cast %get3A_529 : i32 to index
        %get3A_531 = arith.index_cast %scan3A_452 : i32 to index
        %get3A_532 = arith.constant 96 : index
        %get3A_533 = tpu.vector_load %arg7[%get3A_530, %get3A_531, %get3A_532] {strides = array<i32>} : memref<4x8x768xf32, #tpu.memory_space<vmem>>, vector<1x1x16xf32>,
        %get3A_534 = vector.shape_cast %get3A_533 : vector<1x1x16xf32> to vector<16xf32>
        %swap3A_535 = arith.constant 1 : i32
        %swap3A_536 = arith.index_cast %swap3A_535 : i32 to index
        %swap3A_537 = arith.index_cast %scan3A_452 : i32 to index
        %swap3A_538 = arith.constant 96 : index
        %swap3A_539 = tpu.vector_load %arg8[%swap3A_536, %swap3A_537, %swap3A_538] {strides = array<i32>} : memref<4x8x768xf32, #tpu.memory_space<vmem>>, vector<1x1x16xf32>,
        %swap3A_540 = vector.shape_cast %swap3A_539 : vector<1x1x16xf32> to vector<16xf32>
        %swap3A_541 = vector.shape_cast %get3A_534 : vector<16xf32> to vector<1x1x16xf32>
        tpu.vector_store %arg8[%swap3A_536, %swap3A_537, %swap3A_538], %swap3A_541 {add = true, strides = array<i32>} : memref<4x8x768xf32, #tpu.memory_space<vmem>>, vector<1x1x16xf32>,
        %get3A_542 = arith.constant 1 : i32
        %get3A_543 = arith.index_cast %get3A_542 : i32 to index
        %get3A_544 = arith.index_cast %scan3A_452 : i32 to index
        %get3A_545 = arith.constant 112 : index
        %get3A_546 = tpu.vector_load %arg7[%get3A_543, %get3A_544, %get3A_545] {strides = array<i32>} : memref<4x8x768xf32, #tpu.memory_space<vmem>>, vector<1x1x16xf32>,
        %get3A_547 = vector.shape_cast %get3A_546 : vector<1x1x16xf32> to vector<16xf32>
        %swap3A_548 = arith.constant 1 : i32
        %swap3A_549 = arith.index_cast %swap3A_548 : i32 to index
        %swap3A_550 = arith.index_cast %scan3A_452 : i32 to index
        %swap3A_551 = arith.constant 112 : index
        %swap3A_552 = tpu.vector_load %arg8[%swap3A_549, %swap3A_550, %swap3A_551] {strides = array<i32>} : memref<4x8x768xf32, #tpu.memory_space<vmem>>, vector<1x1x16xf32>,
        %swap3A_553 = vector.shape_cast %swap3A_552 : vector<1x1x16xf32> to vector<16xf32>
        %swap3A_554 = vector.shape_cast %get3A_547 : vector<16xf32> to vector<1x1x16xf32>
        tpu.vector_store %arg8[%swap3A_549, %swap3A_550, %swap3A_551], %swap3A_554 {add = true, strides = array<i32>} : memref<4x8x768xf32, #tpu.memory_space<vmem>>, vector<1x1x16xf32>,
        %get3A_555 = arith.constant 1 : i32
        %get3A_556 = arith.index_cast %get3A_555 : i32 to index
        %get3A_557 = arith.index_cast %scan3A_452 : i32 to index
        %get3A_558 = arith.constant 128 : index
        %get3A_559 = tpu.vector_load %arg7[%get3A_556, %get3A_557, %get3A_558] {strides = array<i32>} : memref<4x8x768xf32, #tpu.memory_space<vmem>>, vector<1x1x16xf32>,
        %get3A_560 = vector.shape_cast %get3A_559 : vector<1x1x16xf32> to vector<16xf32>
        %swap3A_561 = arith.constant 1 : i32
        %swap3A_562 = arith.index_cast %swap3A_561 : i32 to index
        %swap3A_563 = arith.index_cast %scan3A_452 : i32 to index
        %swap3A_564 = arith.constant 128 : index
        %swap3A_565 = tpu.vector_load %arg8[%swap3A_562, %swap3A_563, %swap3A_564] {strides = array<i32>} : memref<4x8x768xf32, #tpu.memory_space<vmem>>, vector<1x1x16xf32>,
        %swap3A_566 = vector.shape_cast %swap3A_565 : vector<1x1x16xf32> to vector<16xf32>
        %swap3A_567 = vector.shape_cast %get3A_560 : vector<16xf32> to vector<1x1x16xf32>
        tpu.vector_store %arg8[%swap3A_562, %swap3A_563, %swap3A_564], %swap3A_567 {add = true, strides = array<i32>} : memref<4x8x768xf32, #tpu.memory_space<vmem>>, vector<1x1x16xf32>,
        %get3A_568 = arith.constant 1 : i32
        %get3A_569 = arith.index_cast %get3A_568 : i32 to index
        %get3A_570 = arith.index_cast %scan3A_452 : i32 to index
        %get3A_571 = arith.constant 144 : index
        %get3A_572 = tpu.vector_load %arg7[%get3A_569, %get3A_570, %get3A_571] {strides = array<i32>} : memref<4x8x768xf32, #tpu.memory_space<vmem>>, vector<1x1x16xf32>,
        %get3A_573 = vector.shape_cast %get3A_572 : vector<1x1x16xf32> to vector<16xf32>
        %swap3A_574 = arith.constant 1 : i32
        %swap3A_575 = arith.index_cast %swap3A_574 : i32 to index
        %swap3A_576 = arith.index_cast %scan3A_452 : i32 to index
        %swap3A_577 = arith.constant 144 : index
        %swap3A_578 = tpu.vector_load %arg8[%swap3A_575, %swap3A_576, %swap3A_577] {strides = array<i32>} : memref<4x8x768xf32, #tpu.memory_space<vmem>>, vector<1x1x16xf32>,
        %swap3A_579 = vector.shape_cast %swap3A_578 : vector<1x1x16xf32> to vector<16xf32>
        %swap3A_580 = vector.shape_cast %get3A_573 : vector<16xf32> to vector<1x1x16xf32>
        tpu.vector_store %arg8[%swap3A_575, %swap3A_576, %swap3A_577], %swap3A_580 {add = true, strides = array<i32>} : memref<4x8x768xf32, #tpu.memory_space<vmem>>, vector<1x1x16xf32>,
        %get3A_581 = arith.constant 1 : i32
        %get3A_582 = arith.index_cast %get3A_581 : i32 to index
        %get3A_583 = arith.index_cast %scan3A_452 : i32 to index
        %get3A_584 = arith.constant 160 : index
        %get3A_585 = tpu.vector_load %arg7[%get3A_582, %get3A_583, %get3A_584] {strides = array<i32>} : memref<4x8x768xf32, #tpu.memory_space<vmem>>, vector<1x1x16xf32>,
        %get3A_586 = vector.shape_cast %get3A_585 : vector<1x1x16xf32> to vector<16xf32>
        %swap3A_587 = arith.constant 1 : i32
        %swap3A_588 = arith.index_cast %swap3A_587 : i32 to index
        %swap3A_589 = arith.index_cast %scan3A_452 : i32 to index
        %swap3A_590 = arith.constant 160 : index
        %swap3A_591 = tpu.vector_load %arg8[%swap3A_588, %swap3A_589, %swap3A_590] {strides = array<i32>} : memref<4x8x768xf32, #tpu.memory_space<vmem>>, vector<1x1x16xf32>,
        %swap3A_592 = vector.shape_cast %swap3A_591 : vector<1x1x16xf32> to vector<16xf32>
        %swap3A_593 = vector.shape_cast %get3A_586 : vector<16xf32> to vector<1x1x16xf32>
        tpu.vector_store %arg8[%swap3A_588, %swap3A_589, %swap3A_590], %swap3A_593 {add = true, strides = array<i32>} : memref<4x8x768xf32, #tpu.memory_space<vmem>>, vector<1x1x16xf32>,
        %get3A_594 = arith.constant 1 : i32
        %get3A_595 = arith.index_cast %get3A_594 : i32 to index
        %get3A_596 = arith.index_cast %scan3A_452 : i32 to index
        %get3A_597 = arith.constant 176 : index
        %get3A_598 = tpu.vector_load %arg7[%get3A_595, %get3A_596, %get3A_597] {strides = array<i32>} : memref<4x8x768xf32, #tpu.memory_space<vmem>>, vector<1x1x16xf32>,
        %get3A_599 = vector.shape_cast %get3A_598 : vector<1x1x16xf32> to vector<16xf32>
        %swap3A_600 = arith.constant 1 : i32
        %swap3A_601 = arith.index_cast %swap3A_600 : i32 to index
        %swap3A_602 = arith.index_cast %scan3A_452 : i32 to index
        %swap3A_603 = arith.constant 176 : index
        %swap3A_604 = tpu.vector_load %arg8[%swap3A_601, %swap3A_602, %swap3A_603] {strides = array<i32>} : memref<4x8x768xf32, #tpu.memory_space<vmem>>, vector<1x1x16xf32>,
        %swap3A_605 = vector.shape_cast %swap3A_604 : vector<1x1x16xf32> to vector<16xf32>
        %swap3A_606 = vector.shape_cast %get3A_599 : vector<16xf32> to vector<1x1x16xf32>
        tpu.vector_store %arg8[%swap3A_601, %swap3A_602, %swap3A_603], %swap3A_606 {add = true, strides = array<i32>} : memref<4x8x768xf32, #tpu.memory_space<vmem>>, vector<1x1x16xf32>,
        %get3A_607 = arith.constant 1 : i32
        %get3A_608 = arith.index_cast %get3A_607 : i32 to index
        %get3A_609 = arith.index_cast %scan3A_452 : i32 to index
        %get3A_610 = arith.constant 192 : index
        %get3A_611 = tpu.vector_load %arg7[%get3A_608, %get3A_609, %get3A_610] {strides = array<i32>} : memref<4x8x768xf32, #tpu.memory_space<vmem>>, vector<1x1x16xf32>,
        %get3A_612 = vector.shape_cast %get3A_611 : vector<1x1x16xf32> to vector<16xf32>
        %swap3A_613 = arith.constant 1 : i32
        %swap3A_614 = arith.index_cast %swap3A_613 : i32 to index
        %swap3A_615 = arith.index_cast %scan3A_452 : i32 to index
        %swap3A_616 = arith.constant 192 : index
        %swap3A_617 = tpu.vector_load %arg8[%swap3A_614, %swap3A_615, %swap3A_616] {strides = array<i32>} : memref<4x8x768xf32, #tpu.memory_space<vmem>>, vector<1x1x16xf32>,
        %swap3A_618 = vector.shape_cast %swap3A_617 : vector<1x1x16xf32> to vector<16xf32>
        %swap3A_619 = vector.shape_cast %get3A_612 : vector<16xf32> to vector<1x1x16xf32>
        tpu.vector_store %arg8[%swap3A_614, %swap3A_615, %swap3A_616], %swap3A_619 {add = true, strides = array<i32>} : memref<4x8x768xf32, #tpu.memory_space<vmem>>, vector<1x1x16xf32>,
        %get3A_620 = arith.constant 1 : i32
        %get3A_621 = arith.index_cast %get3A_620 : i32 to index
        %get3A_622 = arith.index_cast %scan3A_452 : i32 to index
        %get3A_623 = arith.constant 208 : index
        %get3A_624 = tpu.vector_load %arg7[%get3A_621, %get3A_622, %get3A_623] {strides = array<i32>} : memref<4x8x768xf32, #tpu.memory_space<vmem>>, vector<1x1x16xf32>,
        %get3A_625 = vector.shape_cast %get3A_624 : vector<1x1x16xf32> to vector<16xf32>
        %swap3A_626 = arith.constant 1 : i32
        %swap3A_627 = arith.index_cast %swap3A_626 : i32 to index
        %swap3A_628 = arith.index_cast %scan3A_452 : i32 to index
        %swap3A_629 = arith.constant 208 : index
        %swap3A_630 = tpu.vector_load %arg8[%swap3A_627, %swap3A_628, %swap3A_629] {strides = array<i32>} : memref<4x8x768xf32, #tpu.memory_space<vmem>>, vector<1x1x16xf32>,
        %swap3A_631 = vector.shape_cast %swap3A_630 : vector<1x1x16xf32> to vector<16xf32>
        %swap3A_632 = vector.shape_cast %get3A_625 : vector<16xf32> to vector<1x1x16xf32>
        tpu.vector_store %arg8[%swap3A_627, %swap3A_628, %swap3A_629], %swap3A_632 {add = true, strides = array<i32>} : memref<4x8x768xf32, #tpu.memory_space<vmem>>, vector<1x1x16xf32>,
        %get3A_633 = arith.constant 1 : i32
        %get3A_634 = arith.index_cast %get3A_633 : i32 to index
        %get3A_635 = arith.index_cast %scan3A_452 : i32 to index
        %get3A_636 = arith.constant 224 : index
        %get3A_637 = tpu.vector_load %arg7[%get3A_634, %get3A_635, %get3A_636] {strides = array<i32>} : memref<4x8x768xf32, #tpu.memory_space<vmem>>, vector<1x1x16xf32>,
        %get3A_638 = vector.shape_cast %get3A_637 : vector<1x1x16xf32> to vector<16xf32>
        %swap3A_639 = arith.constant 1 : i32
        %swap3A_640 = arith.index_cast %swap3A_639 : i32 to index
        %swap3A_641 = arith.index_cast %scan3A_452 : i32 to index
        %swap3A_642 = arith.constant 224 : index
        %swap3A_643 = tpu.vector_load %arg8[%swap3A_640, %swap3A_641, %swap3A_642] {strides = array<i32>} : memref<4x8x768xf32, #tpu.memory_space<vmem>>, vector<1x1x16xf32>,
        %swap3A_644 = vector.shape_cast %swap3A_643 : vector<1x1x16xf32> to vector<16xf32>
        %swap3A_645 = vector.shape_cast %get3A_638 : vector<16xf32> to vector<1x1x16xf32>
        tpu.vector_store %arg8[%swap3A_640, %swap3A_641, %swap3A_642], %swap3A_645 {add = true, strides = array<i32>} : memref<4x8x768xf32, #tpu.memory_space<vmem>>, vector<1x1x16xf32>,
        %get3A_646 = arith.constant 1 : i32
        %get3A_647 = arith.index_cast %get3A_646 : i32 to index
        %get3A_648 = arith.index_cast %scan3A_452 : i32 to index
        %get3A_649 = arith.constant 240 : index
        %get3A_650 = tpu.vector_load %arg7[%get3A_647, %get3A_648, %get3A_649] {strides = array<i32>} : memref<4x8x768xf32, #tpu.memory_space<vmem>>, vector<1x1x16xf32>,
        %get3A_651 = vector.shape_cast %get3A_650 : vector<1x1x16xf32> to vector<16xf32>
        %swap3A_652 = arith.constant 1 : i32
        %swap3A_653 = arith.index_cast %swap3A_652 : i32 to index
        %swap3A_654 = arith.index_cast %scan3A_452 : i32 to index
        %swap3A_655 = arith.constant 240 : index
        %swap3A_656 = tpu.vector_load %arg8[%swap3A_653, %swap3A_654, %swap3A_655] {strides = array<i32>} : memref<4x8x768xf32, #tpu.memory_space<vmem>>, vector<1x1x16xf32>,
        %swap3A_657 = vector.shape_cast %swap3A_656 : vector<1x1x16xf32> to vector<16xf32>
        %swap3A_658 = vector.shape_cast %get3A_651 : vector<16xf32> to vector<1x1x16xf32>
        tpu.vector_store %arg8[%swap3A_653, %swap3A_654, %swap3A_655], %swap3A_658 {add = true, strides = array<i32>} : memref<4x8x768xf32, #tpu.memory_space<vmem>>, vector<1x1x16xf32>,
        %get3A_659 = arith.constant 1 : i32
        %get3A_660 = arith.index_cast %get3A_659 : i32 to index
        %get3A_661 = arith.index_cast %scan3A_452 : i32 to index
        %get3A_662 = arith.constant 256 : index
        %get3A_663 = tpu.vector_load %arg7[%get3A_660, %get3A_661, %get3A_662] {strides = array<i32>} : memref<4x8x768xf32, #tpu.memory_space<vmem>>, vector<1x1x16xf32>,
        %get3A_664 = vector.shape_cast %get3A_663 : vector<1x1x16xf32> to vector<16xf32>
        %swap3A_665 = arith.constant 1 : i32
        %swap3A_666 = arith.index_cast %swap3A_665 : i32 to index
        %swap3A_667 = arith.index_cast %scan3A_452 : i32 to index
        %swap3A_668 = arith.constant 256 : index
        %swap3A_669 = tpu.vector_load %arg8[%swap3A_666, %swap3A_667, %swap3A_668] {strides = array<i32>} : memref<4x8x768xf32, #tpu.memory_space<vmem>>, vector<1x1x16xf32>,
        %swap3A_670 = vector.shape_cast %swap3A_669 : vector<1x1x16xf32> to vector<16xf32>
        %swap3A_671 = vector.shape_cast %get3A_664 : vector<16xf32> to vector<1x1x16xf32>
        tpu.vector_store %arg8[%swap3A_666, %swap3A_667, %swap3A_668], %swap3A_671 {add = true, strides = array<i32>} : memref<4x8x768xf32, #tpu.memory_space<vmem>>, vector<1x1x16xf32>,
        %get3A_672 = arith.constant 1 : i32
        %get3A_673 = arith.index_cast %get3A_672 : i32 to index
        %get3A_674 = arith.index_cast %scan3A_452 : i32 to index
        %get3A_675 = arith.constant 272 : index
        %get3A_676 = tpu.vector_load %arg7[%get3A_673, %get3A_674, %get3A_675] {strides = array<i32>} : memref<4x8x768xf32, #tpu.memory_space<vmem>>, vector<1x1x16xf32>,
        %get3A_677 = vector.shape_cast %get3A_676 : vector<1x1x16xf32> to vector<16xf32>
        %swap3A_678 = arith.constant 1 : i32
        %swap3A_679 = arith.index_cast %swap3A_678 : i32 to index
        %swap3A_680 = arith.index_cast %scan3A_452 : i32 to index
        %swap3A_681 = arith.constant 272 : index
        %swap3A_682 = tpu.vector_load %arg8[%swap3A_679, %swap3A_680, %swap3A_681] {strides = array<i32>} : memref<4x8x768xf32, #tpu.memory_space<vmem>>, vector<1x1x16xf32>,
        %swap3A_683 = vector.shape_cast %swap3A_682 : vector<1x1x16xf32> to vector<16xf32>
        %swap3A_684 = vector.shape_cast %get3A_677 : vector<16xf32> to vector<1x1x16xf32>
        tpu.vector_store %arg8[%swap3A_679, %swap3A_680, %swap3A_681], %swap3A_684 {add = true, strides = array<i32>} : memref<4x8x768xf32, #tpu.memory_space<vmem>>, vector<1x1x16xf32>,
        %get3A_685 = arith.constant 1 : i32
        %get3A_686 = arith.index_cast %get3A_685 : i32 to index
        %get3A_687 = arith.index_cast %scan3A_452 : i32 to index
        %get3A_688 = arith.constant 288 : index
        %get3A_689 = tpu.vector_load %arg7[%get3A_686, %get3A_687, %get3A_688] {strides = array<i32>} : memref<4x8x768xf32, #tpu.memory_space<vmem>>, vector<1x1x16xf32>,
        %get3A_690 = vector.shape_cast %get3A_689 : vector<1x1x16xf32> to vector<16xf32>
        %swap3A_691 = arith.constant 1 : i32
        %swap3A_692 = arith.index_cast %swap3A_691 : i32 to index
        %swap3A_693 = arith.index_cast %scan3A_452 : i32 to index
        %swap3A_694 = arith.constant 288 : index
        %swap3A_695 = tpu.vector_load %arg8[%swap3A_692, %swap3A_693, %swap3A_694] {strides = array<i32>} : memref<4x8x768xf32, #tpu.memory_space<vmem>>, vector<1x1x16xf32>,
        %swap3A_696 = vector.shape_cast %swap3A_695 : vector<1x1x16xf32> to vector<16xf32>
        %swap3A_697 = vector.shape_cast %get3A_690 : vector<16xf32> to vector<1x1x16xf32>
        tpu.vector_store %arg8[%swap3A_692, %swap3A_693, %swap3A_694], %swap3A_697 {add = true, strides = array<i32>} : memref<4x8x768xf32, #tpu.memory_space<vmem>>, vector<1x1x16xf32>,
        %get3A_698 = arith.constant 1 : i32
        %get3A_699 = arith.index_cast %get3A_698 : i32 to index
        %get3A_700 = arith.index_cast %scan3A_452 : i32 to index
        %get3A_701 = arith.constant 304 : index
        %get3A_702 = tpu.vector_load %arg7[%get3A_699, %get3A_700, %get3A_701] {strides = array<i32>} : memref<4x8x768xf32, #tpu.memory_space<vmem>>, vector<1x1x16xf32>,
        %get3A_703 = vector.shape_cast %get3A_702 : vector<1x1x16xf32> to vector<16xf32>
        %swap3A_704 = arith.constant 1 : i32
        %swap3A_705 = arith.index_cast %swap3A_704 : i32 to index
        %swap3A_706 = arith.index_cast %scan3A_452 : i32 to index
        %swap3A_707 = arith.constant 304 : index
        %swap3A_708 = tpu.vector_load %arg8[%swap3A_705, %swap3A_706, %swap3A_707] {strides = array<i32>} : memref<4x8x768xf32, #tpu.memory_space<vmem>>, vector<1x1x16xf32>,
        %swap3A_709 = vector.shape_cast %swap3A_708 : vector<1x1x16xf32> to vector<16xf32>
        %swap3A_710 = vector.shape_cast %get3A_703 : vector<16xf32> to vector<1x1x16xf32>
        tpu.vector_store %arg8[%swap3A_705, %swap3A_706, %swap3A_707], %swap3A_710 {add = true, strides = array<i32>} : memref<4x8x768xf32, #tpu.memory_space<vmem>>, vector<1x1x16xf32>,
        %get3A_711 = arith.constant 1 : i32
        %get3A_712 = arith.index_cast %get3A_711 : i32 to index
        %get3A_713 = arith.index_cast %scan3A_452 : i32 to index
        %get3A_714 = arith.constant 320 : index
        %get3A_715 = tpu.vector_load %arg7[%get3A_712, %get3A_713, %get3A_714] {strides = array<i32>} : memref<4x8x768xf32, #tpu.memory_space<vmem>>, vector<1x1x16xf32>,
        %get3A_716 = vector.shape_cast %get3A_715 : vector<1x1x16xf32> to vector<16xf32>
        %swap3A_717 = arith.constant 1 : i32
        %swap3A_718 = arith.index_cast %swap3A_717 : i32 to index
        %swap3A_719 = arith.index_cast %scan3A_452 : i32 to index
        %swap3A_720 = arith.constant 320 : index
        %swap3A_721 = tpu.vector_load %arg8[%swap3A_718, %swap3A_719, %swap3A_720] {strides = array<i32>} : memref<4x8x768xf32, #tpu.memory_space<vmem>>, vector<1x1x16xf32>,
        %swap3A_722 = vector.shape_cast %swap3A_721 : vector<1x1x16xf32> to vector<16xf32>
        %swap3A_723 = vector.shape_cast %get3A_716 : vector<16xf32> to vector<1x1x16xf32>
        tpu.vector_store %arg8[%swap3A_718, %swap3A_719, %swap3A_720], %swap3A_723 {add = true, strides = array<i32>} : memref<4x8x768xf32, #tpu.memory_space<vmem>>, vector<1x1x16xf32>,
        %get3A_724 = arith.constant 1 : i32
        %get3A_725 = arith.index_cast %get3A_724 : i32 to index
        %get3A_726 = arith.index_cast %scan3A_452 : i32 to index
        %get3A_727 = arith.constant 336 : index
        %get3A_728 = tpu.vector_load %arg7[%get3A_725, %get3A_726, %get3A_727] {strides = array<i32>} : memref<4x8x768xf32, #tpu.memory_space<vmem>>, vector<1x1x16xf32>,
        %get3A_729 = vector.shape_cast %get3A_728 : vector<1x1x16xf32> to vector<16xf32>
        %swap3A_730 = arith.constant 1 : i32
        %swap3A_731 = arith.index_cast %swap3A_730 : i32 to index
        %swap3A_732 = arith.index_cast %scan3A_452 : i32 to index
        %swap3A_733 = arith.constant 336 : index
        %swap3A_734 = tpu.vector_load %arg8[%swap3A_731, %swap3A_732, %swap3A_733] {strides = array<i32>} : memref<4x8x768xf32, #tpu.memory_space<vmem>>, vector<1x1x16xf32>,
        %swap3A_735 = vector.shape_cast %swap3A_734 : vector<1x1x16xf32> to vector<16xf32>
        %swap3A_736 = vector.shape_cast %get3A_729 : vector<16xf32> to vector<1x1x16xf32>
        tpu.vector_store %arg8[%swap3A_731, %swap3A_732, %swap3A_733], %swap3A_736 {add = true, strides = array<i32>} : memref<4x8x768xf32, #tpu.memory_space<vmem>>, vector<1x1x16xf32>,
        %get3A_737 = arith.constant 1 : i32
        %get3A_738 = arith.index_cast %get3A_737 : i32 to index
        %get3A_739 = arith.index_cast %scan3A_452 : i32 to index
        %get3A_740 = arith.constant 352 : index
        %get3A_741 = tpu.vector_load %arg7[%get3A_738, %get3A_739, %get3A_740] {strides = array<i32>} : memref<4x8x768xf32, #tpu.memory_space<vmem>>, vector<1x1x16xf32>,
        %get3A_742 = vector.shape_cast %get3A_741 : vector<1x1x16xf32> to vector<16xf32>
        %swap3A_743 = arith.constant 1 : i32
        %swap3A_744 = arith.index_cast %swap3A_743 : i32 to index
        %swap3A_745 = arith.index_cast %scan3A_452 : i32 to index
        %swap3A_746 = arith.constant 352 : index
        %swap3A_747 = tpu.vector_load %arg8[%swap3A_744, %swap3A_745, %swap3A_746] {strides = array<i32>} : memref<4x8x768xf32, #tpu.memory_space<vmem>>, vector<1x1x16xf32>,
        %swap3A_748 = vector.shape_cast %swap3A_747 : vector<1x1x16xf32> to vector<16xf32>
        %swap3A_749 = vector.shape_cast %get3A_742 : vector<16xf32> to vector<1x1x16xf32>
        tpu.vector_store %arg8[%swap3A_744, %swap3A_745, %swap3A_746], %swap3A_749 {add = true, strides = array<i32>} : memref<4x8x768xf32, #tpu.memory_space<vmem>>, vector<1x1x16xf32>,
        %get3A_750 = arith.constant 1 : i32
        %get3A_751 = arith.index_cast %get3A_750 : i32 to index
        %get3A_752 = arith.index_cast %scan3A_452 : i32 to index
        %get3A_753 = arith.constant 368 : index
        %get3A_754 = tpu.vector_load %arg7[%get3A_751, %get3A_752, %get3A_753] {strides = array<i32>} : memref<4x8x768xf32, #tpu.memory_space<vmem>>, vector<1x1x16xf32>,
        %get3A_755 = vector.shape_cast %get3A_754 : vector<1x1x16xf32> to vector<16xf32>
        %swap3A_756 = arith.constant 1 : i32
        %swap3A_757 = arith.index_cast %swap3A_756 : i32 to index
        %swap3A_758 = arith.index_cast %scan3A_452 : i32 to index
        %swap3A_759 = arith.constant 368 : index
        %swap3A_760 = tpu.vector_load %arg8[%swap3A_757, %swap3A_758, %swap3A_759] {strides = array<i32>} : memref<4x8x768xf32, #tpu.memory_space<vmem>>, vector<1x1x16xf32>,
        %swap3A_761 = vector.shape_cast %swap3A_760 : vector<1x1x16xf32> to vector<16xf32>
        %swap3A_762 = vector.shape_cast %get3A_755 : vector<16xf32> to vector<1x1x16xf32>
        tpu.vector_store %arg8[%swap3A_757, %swap3A_758, %swap3A_759], %swap3A_762 {add = true, strides = array<i32>} : memref<4x8x768xf32, #tpu.memory_space<vmem>>, vector<1x1x16xf32>,
        %get3A_763 = arith.constant 1 : i32
        %get3A_764 = arith.index_cast %get3A_763 : i32 to index
        %get3A_765 = arith.index_cast %scan3A_452 : i32 to index
        %get3A_766 = arith.constant 384 : index
        %get3A_767 = tpu.vector_load %arg7[%get3A_764, %get3A_765, %get3A_766] {strides = array<i32>} : memref<4x8x768xf32, #tpu.memory_space<vmem>>, vector<1x1x16xf32>,
        %get3A_768 = vector.shape_cast %get3A_767 : vector<1x1x16xf32> to vector<16xf32>
        %swap3A_769 = arith.constant 1 : i32
        %swap3A_770 = arith.index_cast %swap3A_769 : i32 to index
        %swap3A_771 = arith.index_cast %scan3A_452 : i32 to index
        %swap3A_772 = arith.constant 384 : index
        %swap3A_773 = tpu.vector_load %arg8[%swap3A_770, %swap3A_771, %swap3A_772] {strides = array<i32>} : memref<4x8x768xf32, #tpu.memory_space<vmem>>, vector<1x1x16xf32>,
        %swap3A_774 = vector.shape_cast %swap3A_773 : vector<1x1x16xf32> to vector<16xf32>
        %swap3A_775 = vector.shape_cast %get3A_768 : vector<16xf32> to vector<1x1x16xf32>
        tpu.vector_store %arg8[%swap3A_770, %swap3A_771, %swap3A_772], %swap3A_775 {add = true, strides = array<i32>} : memref<4x8x768xf32, #tpu.memory_space<vmem>>, vector<1x1x16xf32>,
        %get3A_776 = arith.constant 1 : i32
        %get3A_777 = arith.index_cast %get3A_776 : i32 to index
        %get3A_778 = arith.index_cast %scan3A_452 : i32 to index
        %get3A_779 = arith.constant 400 : index
        %get3A_780 = tpu.vector_load %arg7[%get3A_777, %get3A_778, %get3A_779] {strides = array<i32>} : memref<4x8x768xf32, #tpu.memory_space<vmem>>, vector<1x1x16xf32>,
        %get3A_781 = vector.shape_cast %get3A_780 : vector<1x1x16xf32> to vector<16xf32>
        %swap3A_782 = arith.constant 1 : i32
        %swap3A_783 = arith.index_cast %swap3A_782 : i32 to index
        %swap3A_784 = arith.index_cast %scan3A_452 : i32 to index
        %swap3A_785 = arith.constant 400 : index
        %swap3A_786 = tpu.vector_load %arg8[%swap3A_783, %swap3A_784, %swap3A_785] {strides = array<i32>} : memref<4x8x768xf32, #tpu.memory_space<vmem>>, vector<1x1x16xf32>,
        %swap3A_787 = vector.shape_cast %swap3A_786 : vector<1x1x16xf32> to vector<16xf32>
        %swap3A_788 = vector.shape_cast %get3A_781 : vector<16xf32> to vector<1x1x16xf32>
        tpu.vector_store %arg8[%swap3A_783, %swap3A_784, %swap3A_785], %swap3A_788 {add = true, strides = array<i32>} : memref<4x8x768xf32, #tpu.memory_space<vmem>>, vector<1x1x16xf32>,
        %get3A_789 = arith.constant 1 : i32
        %get3A_790 = arith.index_cast %get3A_789 : i32 to index
        %get3A_791 = arith.index_cast %scan3A_452 : i32 to index
        %get3A_792 = arith.constant 416 : index
        %get3A_793 = tpu.vector_load %arg7[%get3A_790, %get3A_791, %get3A_792] {strides = array<i32>} : memref<4x8x768xf32, #tpu.memory_space<vmem>>, vector<1x1x16xf32>,
        %get3A_794 = vector.shape_cast %get3A_793 : vector<1x1x16xf32> to vector<16xf32>
        %swap3A_795 = arith.constant 1 : i32
        %swap3A_796 = arith.index_cast %swap3A_795 : i32 to index
        %swap3A_797 = arith.index_cast %scan3A_452 : i32 to index
        %swap3A_798 = arith.constant 416 : index
        %swap3A_799 = tpu.vector_load %arg8[%swap3A_796, %swap3A_797, %swap3A_798] {strides = array<i32>} : memref<4x8x768xf32, #tpu.memory_space<vmem>>, vector<1x1x16xf32>,
        %swap3A_800 = vector.shape_cast %swap3A_799 : vector<1x1x16xf32> to vector<16xf32>
        %swap3A_801 = vector.shape_cast %get3A_794 : vector<16xf32> to vector<1x1x16xf32>
        tpu.vector_store %arg8[%swap3A_796, %swap3A_797, %swap3A_798], %swap3A_801 {add = true, strides = array<i32>} : memref<4x8x768xf32, #tpu.memory_space<vmem>>, vector<1x1x16xf32>,
        %get3A_802 = arith.constant 1 : i32
        %get3A_803 = arith.index_cast %get3A_802 : i32 to index
        %get3A_804 = arith.index_cast %scan3A_452 : i32 to index
        %get3A_805 = arith.constant 432 : index
        %get3A_806 = tpu.vector_load %arg7[%get3A_803, %get3A_804, %get3A_805] {strides = array<i32>} : memref<4x8x768xf32, #tpu.memory_space<vmem>>, vector<1x1x16xf32>,
        %get3A_807 = vector.shape_cast %get3A_806 : vector<1x1x16xf32> to vector<16xf32>
        %swap3A_808 = arith.constant 1 : i32
        %swap3A_809 = arith.index_cast %swap3A_808 : i32 to index
        %swap3A_810 = arith.index_cast %scan3A_452 : i32 to index
        %swap3A_811 = arith.constant 432 : index
        %swap3A_812 = tpu.vector_load %arg8[%swap3A_809, %swap3A_810, %swap3A_811] {strides = array<i32>} : memref<4x8x768xf32, #tpu.memory_space<vmem>>, vector<1x1x16xf32>,
        %swap3A_813 = vector.shape_cast %swap3A_812 : vector<1x1x16xf32> to vector<16xf32>
        %swap3A_814 = vector.shape_cast %get3A_807 : vector<16xf32> to vector<1x1x16xf32>
        tpu.vector_store %arg8[%swap3A_809, %swap3A_810, %swap3A_811], %swap3A_814 {add = true, strides = array<i32>} : memref<4x8x768xf32, #tpu.memory_space<vmem>>, vector<1x1x16xf32>,
        %get3A_815 = arith.constant 1 : i32
        %get3A_816 = arith.index_cast %get3A_815 : i32 to index
        %get3A_817 = arith.index_cast %scan3A_452 : i32 to index
        %get3A_818 = arith.constant 448 : index
        %get3A_819 = tpu.vector_load %arg7[%get3A_816, %get3A_817, %get3A_818] {strides = array<i32>} : memref<4x8x768xf32, #tpu.memory_space<vmem>>, vector<1x1x16xf32>,
        %get3A_820 = vector.shape_cast %get3A_819 : vector<1x1x16xf32> to vector<16xf32>
        %swap3A_821 = arith.constant 1 : i32
        %swap3A_822 = arith.index_cast %swap3A_821 : i32 to index
        %swap3A_823 = arith.index_cast %scan3A_452 : i32 to index
        %swap3A_824 = arith.constant 448 : index
        %swap3A_825 = tpu.vector_load %arg8[%swap3A_822, %swap3A_823, %swap3A_824] {strides = array<i32>} : memref<4x8x768xf32, #tpu.memory_space<vmem>>, vector<1x1x16xf32>,
        %swap3A_826 = vector.shape_cast %swap3A_825 : vector<1x1x16xf32> to vector<16xf32>
        %swap3A_827 = vector.shape_cast %get3A_820 : vector<16xf32> to vector<1x1x16xf32>
        tpu.vector_store %arg8[%swap3A_822, %swap3A_823, %swap3A_824], %swap3A_827 {add = true, strides = array<i32>} : memref<4x8x768xf32, #tpu.memory_space<vmem>>, vector<1x1x16xf32>,
        %get3A_828 = arith.constant 1 : i32
        %get3A_829 = arith.index_cast %get3A_828 : i32 to index
        %get3A_830 = arith.index_cast %scan3A_452 : i32 to index
        %get3A_831 = arith.constant 464 : index
        %get3A_832 = tpu.vector_load %arg7[%get3A_829, %get3A_830, %get3A_831] {strides = array<i32>} : memref<4x8x768xf32, #tpu.memory_space<vmem>>, vector<1x1x16xf32>,
        %get3A_833 = vector.shape_cast %get3A_832 : vector<1x1x16xf32> to vector<16xf32>
        %swap3A_834 = arith.constant 1 : i32
        %swap3A_835 = arith.index_cast %swap3A_834 : i32 to index
        %swap3A_836 = arith.index_cast %scan3A_452 : i32 to index
        %swap3A_837 = arith.constant 464 : index
        %swap3A_838 = tpu.vector_load %arg8[%swap3A_835, %swap3A_836, %swap3A_837] {strides = array<i32>} : memref<4x8x768xf32, #tpu.memory_space<vmem>>, vector<1x1x16xf32>,
        %swap3A_839 = vector.shape_cast %swap3A_838 : vector<1x1x16xf32> to vector<16xf32>
        %swap3A_840 = vector.shape_cast %get3A_833 : vector<16xf32> to vector<1x1x16xf32>
        tpu.vector_store %arg8[%swap3A_835, %swap3A_836, %swap3A_837], %swap3A_840 {add = true, strides = array<i32>} : memref<4x8x768xf32, #tpu.memory_space<vmem>>, vector<1x1x16xf32>,
        %get3A_841 = arith.constant 1 : i32
        %get3A_842 = arith.index_cast %get3A_841 : i32 to index
        %get3A_843 = arith.index_cast %scan3A_452 : i32 to index
        %get3A_844 = arith.constant 480 : index
        %get3A_845 = tpu.vector_load %arg7[%get3A_842, %get3A_843, %get3A_844] {strides = array<i32>} : memref<4x8x768xf32, #tpu.memory_space<vmem>>, vector<1x1x16xf32>,
        %get3A_846 = vector.shape_cast %get3A_845 : vector<1x1x16xf32> to vector<16xf32>
        %swap3A_847 = arith.constant 1 : i32
        %swap3A_848 = arith.index_cast %swap3A_847 : i32 to index
        %swap3A_849 = arith.index_cast %scan3A_452 : i32 to index
        %swap3A_850 = arith.constant 480 : index
        %swap3A_851 = tpu.vector_load %arg8[%swap3A_848, %swap3A_849, %swap3A_850] {strides = array<i32>} : memref<4x8x768xf32, #tpu.memory_space<vmem>>, vector<1x1x16xf32>,
        %swap3A_852 = vector.shape_cast %swap3A_851 : vector<1x1x16xf32> to vector<16xf32>
        %swap3A_853 = vector.shape_cast %get3A_846 : vector<16xf32> to vector<1x1x16xf32>
        tpu.vector_store %arg8[%swap3A_848, %swap3A_849, %swap3A_850], %swap3A_853 {add = true, strides = array<i32>} : memref<4x8x768xf32, #tpu.memory_space<vmem>>, vector<1x1x16xf32>,
        %get3A_854 = arith.constant 1 : i32
        %get3A_855 = arith.index_cast %get3A_854 : i32 to index
        %get3A_856 = arith.index_cast %scan3A_452 : i32 to index
        %get3A_857 = arith.constant 496 : index
        %get3A_858 = tpu.vector_load %arg7[%get3A_855, %get3A_856, %get3A_857] {strides = array<i32>} : memref<4x8x768xf32, #tpu.memory_space<vmem>>, vector<1x1x16xf32>,
        %get3A_859 = vector.shape_cast %get3A_858 : vector<1x1x16xf32> to vector<16xf32>
        %swap3A_860 = arith.constant 1 : i32
        %swap3A_861 = arith.index_cast %swap3A_860 : i32 to index
        %swap3A_862 = arith.index_cast %scan3A_452 : i32 to index
        %swap3A_863 = arith.constant 496 : index
        %swap3A_864 = tpu.vector_load %arg8[%swap3A_861, %swap3A_862, %swap3A_863] {strides = array<i32>} : memref<4x8x768xf32, #tpu.memory_space<vmem>>, vector<1x1x16xf32>,
        %swap3A_865 = vector.shape_cast %swap3A_864 : vector<1x1x16xf32> to vector<16xf32>
        %swap3A_866 = vector.shape_cast %get3A_859 : vector<16xf32> to vector<1x1x16xf32>
        tpu.vector_store %arg8[%swap3A_861, %swap3A_862, %swap3A_863], %swap3A_866 {add = true, strides = array<i32>} : memref<4x8x768xf32, #tpu.memory_space<vmem>>, vector<1x1x16xf32>,
        %get3A_867 = arith.constant 1 : i32
        %get3A_868 = arith.index_cast %get3A_867 : i32 to index
        %get3A_869 = arith.index_cast %scan3A_452 : i32 to index
        %get3A_870 = arith.constant 512 : index
        %get3A_871 = tpu.vector_load %arg7[%get3A_868, %get3A_869, %get3A_870] {strides = array<i32>} : memref<4x8x768xf32, #tpu.memory_space<vmem>>, vector<1x1x16xf32>,
        %get3A_872 = vector.shape_cast %get3A_871 : vector<1x1x16xf32> to vector<16xf32>
        %swap3A_873 = arith.constant 1 : i32
        %swap3A_874 = arith.index_cast %swap3A_873 : i32 to index
        %swap3A_875 = arith.index_cast %scan3A_452 : i32 to index
        %swap3A_876 = arith.constant 512 : index
        %swap3A_877 = tpu.vector_load %arg8[%swap3A_874, %swap3A_875, %swap3A_876] {strides = array<i32>} : memref<4x8x768xf32, #tpu.memory_space<vmem>>, vector<1x1x16xf32>,
        %swap3A_878 = vector.shape_cast %swap3A_877 : vector<1x1x16xf32> to vector<16xf32>
        %swap3A_879 = vector.shape_cast %get3A_872 : vector<16xf32> to vector<1x1x16xf32>
        tpu.vector_store %arg8[%swap3A_874, %swap3A_875, %swap3A_876], %swap3A_879 {add = true, strides = array<i32>} : memref<4x8x768xf32, #tpu.memory_space<vmem>>, vector<1x1x16xf32>,
        %get3A_880 = arith.constant 1 : i32
        %get3A_881 = arith.index_cast %get3A_880 : i32 to index
        %get3A_882 = arith.index_cast %scan3A_452 : i32 to index
        %get3A_883 = arith.constant 528 : index
        %get3A_884 = tpu.vector_load %arg7[%get3A_881, %get3A_882, %get3A_883] {strides = array<i32>} : memref<4x8x768xf32, #tpu.memory_space<vmem>>, vector<1x1x16xf32>,
        %get3A_885 = vector.shape_cast %get3A_884 : vector<1x1x16xf32> to vector<16xf32>
        %swap3A_886 = arith.constant 1 : i32
        %swap3A_887 = arith.index_cast %swap3A_886 : i32 to index
        %swap3A_888 = arith.index_cast %scan3A_452 : i32 to index
        %swap3A_889 = arith.constant 528 : index
        %swap3A_890 = tpu.vector_load %arg8[%swap3A_887, %swap3A_888, %swap3A_889] {strides = array<i32>} : memref<4x8x768xf32, #tpu.memory_space<vmem>>, vector<1x1x16xf32>,
        %swap3A_891 = vector.shape_cast %swap3A_890 : vector<1x1x16xf32> to vector<16xf32>
        %swap3A_892 = vector.shape_cast %get3A_885 : vector<16xf32> to vector<1x1x16xf32>
        tpu.vector_store %arg8[%swap3A_887, %swap3A_888, %swap3A_889], %swap3A_892 {add = true, strides = array<i32>} : memref<4x8x768xf32, #tpu.memory_space<vmem>>, vector<1x1x16xf32>,
        %get3A_893 = arith.constant 1 : i32
        %get3A_894 = arith.index_cast %get3A_893 : i32 to index
        %get3A_895 = arith.index_cast %scan3A_452 : i32 to index
        %get3A_896 = arith.constant 544 : index
        %get3A_897 = tpu.vector_load %arg7[%get3A_894, %get3A_895, %get3A_896] {strides = array<i32>} : memref<4x8x768xf32, #tpu.memory_space<vmem>>, vector<1x1x16xf32>,
        %get3A_898 = vector.shape_cast %get3A_897 : vector<1x1x16xf32> to vector<16xf32>
        %swap3A_899 = arith.constant 1 : i32
        %swap3A_900 = arith.index_cast %swap3A_899 : i32 to index
        %swap3A_901 = arith.index_cast %scan3A_452 : i32 to index
        %swap3A_902 = arith.constant 544 : index
        %swap3A_903 = tpu.vector_load %arg8[%swap3A_900, %swap3A_901, %swap3A_902] {strides = array<i32>} : memref<4x8x768xf32, #tpu.memory_space<vmem>>, vector<1x1x16xf32>,
        %swap3A_904 = vector.shape_cast %swap3A_903 : vector<1x1x16xf32> to vector<16xf32>
        %swap3A_905 = vector.shape_cast %get3A_898 : vector<16xf32> to vector<1x1x16xf32>
        tpu.vector_store %arg8[%swap3A_900, %swap3A_901, %swap3A_902], %swap3A_905 {add = true, strides = array<i32>} : memref<4x8x768xf32, #tpu.memory_space<vmem>>, vector<1x1x16xf32>,
        %get3A_906 = arith.constant 1 : i32
        %get3A_907 = arith.index_cast %get3A_906 : i32 to index
        %get3A_908 = arith.index_cast %scan3A_452 : i32 to index
        %get3A_909 = arith.constant 560 : index
        %get3A_910 = tpu.vector_load %arg7[%get3A_907, %get3A_908, %get3A_909] {strides = array<i32>} : memref<4x8x768xf32, #tpu.memory_space<vmem>>, vector<1x1x16xf32>,
        %get3A_911 = vector.shape_cast %get3A_910 : vector<1x1x16xf32> to vector<16xf32>
        %swap3A_912 = arith.constant 1 : i32
        %swap3A_913 = arith.index_cast %swap3A_912 : i32 to index
        %swap3A_914 = arith.index_cast %scan3A_452 : i32 to index
        %swap3A_915 = arith.constant 560 : index
        %swap3A_916 = tpu.vector_load %arg8[%swap3A_913, %swap3A_914, %swap3A_915] {strides = array<i32>} : memref<4x8x768xf32, #tpu.memory_space<vmem>>, vector<1x1x16xf32>,
        %swap3A_917 = vector.shape_cast %swap3A_916 : vector<1x1x16xf32> to vector<16xf32>
        %swap3A_918 = vector.shape_cast %get3A_911 : vector<16xf32> to vector<1x1x16xf32>
        tpu.vector_store %arg8[%swap3A_913, %swap3A_914, %swap3A_915], %swap3A_918 {add = true, strides = array<i32>} : memref<4x8x768xf32, #tpu.memory_space<vmem>>, vector<1x1x16xf32>,
        %get3A_919 = arith.constant 1 : i32
        %get3A_920 = arith.index_cast %get3A_919 : i32 to index
        %get3A_921 = arith.index_cast %scan3A_452 : i32 to index
        %get3A_922 = arith.constant 576 : index
        %get3A_923 = tpu.vector_load %arg7[%get3A_920, %get3A_921, %get3A_922] {strides = array<i32>} : memref<4x8x768xf32, #tpu.memory_space<vmem>>, vector<1x1x16xf32>,
        %get3A_924 = vector.shape_cast %get3A_923 : vector<1x1x16xf32> to vector<16xf32>
        %swap3A_925 = arith.constant 1 : i32
        %swap3A_926 = arith.index_cast %swap3A_925 : i32 to index
        %swap3A_927 = arith.index_cast %scan3A_452 : i32 to index
        %swap3A_928 = arith.constant 576 : index
        %swap3A_929 = tpu.vector_load %arg8[%swap3A_926, %swap3A_927, %swap3A_928] {strides = array<i32>} : memref<4x8x768xf32, #tpu.memory_space<vmem>>, vector<1x1x16xf32>,
        %swap3A_930 = vector.shape_cast %swap3A_929 : vector<1x1x16xf32> to vector<16xf32>
        %swap3A_931 = vector.shape_cast %get3A_924 : vector<16xf32> to vector<1x1x16xf32>
        tpu.vector_store %arg8[%swap3A_926, %swap3A_927, %swap3A_928], %swap3A_931 {add = true, strides = array<i32>} : memref<4x8x768xf32, #tpu.memory_space<vmem>>, vector<1x1x16xf32>,
        %get3A_932 = arith.constant 1 : i32
        %get3A_933 = arith.index_cast %get3A_932 : i32 to index
        %get3A_934 = arith.index_cast %scan3A_452 : i32 to index
        %get3A_935 = arith.constant 592 : index
        %get3A_936 = tpu.vector_load %arg7[%get3A_933, %get3A_934, %get3A_935] {strides = array<i32>} : memref<4x8x768xf32, #tpu.memory_space<vmem>>, vector<1x1x16xf32>,
        %get3A_937 = vector.shape_cast %get3A_936 : vector<1x1x16xf32> to vector<16xf32>
        %swap3A_938 = arith.constant 1 : i32
        %swap3A_939 = arith.index_cast %swap3A_938 : i32 to index
        %swap3A_940 = arith.index_cast %scan3A_452 : i32 to index
        %swap3A_941 = arith.constant 592 : index
        %swap3A_942 = tpu.vector_load %arg8[%swap3A_939, %swap3A_940, %swap3A_941] {strides = array<i32>} : memref<4x8x768xf32, #tpu.memory_space<vmem>>, vector<1x1x16xf32>,
        %swap3A_943 = vector.shape_cast %swap3A_942 : vector<1x1x16xf32> to vector<16xf32>
        %swap3A_944 = vector.shape_cast %get3A_937 : vector<16xf32> to vector<1x1x16xf32>
        tpu.vector_store %arg8[%swap3A_939, %swap3A_940, %swap3A_941], %swap3A_944 {add = true, strides = array<i32>} : memref<4x8x768xf32, #tpu.memory_space<vmem>>, vector<1x1x16xf32>,
        %get3A_945 = arith.constant 1 : i32
        %get3A_946 = arith.index_cast %get3A_945 : i32 to index
        %get3A_947 = arith.index_cast %scan3A_452 : i32 to index
        %get3A_948 = arith.constant 608 : index
        %get3A_949 = tpu.vector_load %arg7[%get3A_946, %get3A_947, %get3A_948] {strides = array<i32>} : memref<4x8x768xf32, #tpu.memory_space<vmem>>, vector<1x1x16xf32>,
        %get3A_950 = vector.shape_cast %get3A_949 : vector<1x1x16xf32> to vector<16xf32>
        %swap3A_951 = arith.constant 1 : i32
        %swap3A_952 = arith.index_cast %swap3A_951 : i32 to index
        %swap3A_953 = arith.index_cast %scan3A_452 : i32 to index
        %swap3A_954 = arith.constant 608 : index
        %swap3A_955 = tpu.vector_load %arg8[%swap3A_952, %swap3A_953, %swap3A_954] {strides = array<i32>} : memref<4x8x768xf32, #tpu.memory_space<vmem>>, vector<1x1x16xf32>,
        %swap3A_956 = vector.shape_cast %swap3A_955 : vector<1x1x16xf32> to vector<16xf32>
        %swap3A_957 = vector.shape_cast %get3A_950 : vector<16xf32> to vector<1x1x16xf32>
        tpu.vector_store %arg8[%swap3A_952, %swap3A_953, %swap3A_954], %swap3A_957 {add = true, strides = array<i32>} : memref<4x8x768xf32, #tpu.memory_space<vmem>>, vector<1x1x16xf32>,
        %get3A_958 = arith.constant 1 : i32
        %get3A_959 = arith.index_cast %get3A_958 : i32 to index
        %get3A_960 = arith.index_cast %scan3A_452 : i32 to index
        %get3A_961 = arith.constant 624 : index
        %get3A_962 = tpu.vector_load %arg7[%get3A_959, %get3A_960, %get3A_961] {strides = array<i32>} : memref<4x8x768xf32, #tpu.memory_space<vmem>>, vector<1x1x16xf32>,
        %get3A_963 = vector.shape_cast %get3A_962 : vector<1x1x16xf32> to vector<16xf32>
        %swap3A_964 = arith.constant 1 : i32
        %swap3A_965 = arith.index_cast %swap3A_964 : i32 to index
        %swap3A_966 = arith.index_cast %scan3A_452 : i32 to index
        %swap3A_967 = arith.constant 624 : index
        %swap3A_968 = tpu.vector_load %arg8[%swap3A_965, %swap3A_966, %swap3A_967] {strides = array<i32>} : memref<4x8x768xf32, #tpu.memory_space<vmem>>, vector<1x1x16xf32>,
        %swap3A_969 = vector.shape_cast %swap3A_968 : vector<1x1x16xf32> to vector<16xf32>
        %swap3A_970 = vector.shape_cast %get3A_963 : vector<16xf32> to vector<1x1x16xf32>
        tpu.vector_store %arg8[%swap3A_965, %swap3A_966, %swap3A_967], %swap3A_970 {add = true, strides = array<i32>} : memref<4x8x768xf32, #tpu.memory_space<vmem>>, vector<1x1x16xf32>,
        %get3A_971 = arith.constant 1 : i32
        %get3A_972 = arith.index_cast %get3A_971 : i32 to index
        %get3A_973 = arith.index_cast %scan3A_452 : i32 to index
        %get3A_974 = arith.constant 640 : index
        %get3A_975 = tpu.vector_load %arg7[%get3A_972, %get3A_973, %get3A_974] {strides = array<i32>} : memref<4x8x768xf32, #tpu.memory_space<vmem>>, vector<1x1x16xf32>,
        %get3A_976 = vector.shape_cast %get3A_975 : vector<1x1x16xf32> to vector<16xf32>
        %swap3A_977 = arith.constant 1 : i32
        %swap3A_978 = arith.index_cast %swap3A_977 : i32 to index
        %swap3A_979 = arith.index_cast %scan3A_452 : i32 to index
        %swap3A_980 = arith.constant 640 : index
        %swap3A_981 = tpu.vector_load %arg8[%swap3A_978, %swap3A_979, %swap3A_980] {strides = array<i32>} : memref<4x8x768xf32, #tpu.memory_space<vmem>>, vector<1x1x16xf32>,
        %swap3A_982 = vector.shape_cast %swap3A_981 : vector<1x1x16xf32> to vector<16xf32>
        %swap3A_983 = vector.shape_cast %get3A_976 : vector<16xf32> to vector<1x1x16xf32>
        tpu.vector_store %arg8[%swap3A_978, %swap3A_979, %swap3A_980], %swap3A_983 {add = true, strides = array<i32>} : memref<4x8x768xf32, #tpu.memory_space<vmem>>, vector<1x1x16xf32>,
        %get3A_984 = arith.constant 1 : i32
        %get3A_985 = arith.index_cast %get3A_984 : i32 to index
        %get3A_986 = arith.index_cast %scan3A_452 : i32 to index
        %get3A_987 = arith.constant 656 : index
        %get3A_988 = tpu.vector_load %arg7[%get3A_985, %get3A_986, %get3A_987] {strides = array<i32>} : memref<4x8x768xf32, #tpu.memory_space<vmem>>, vector<1x1x16xf32>,
        %get3A_989 = vector.shape_cast %get3A_988 : vector<1x1x16xf32> to vector<16xf32>
        %swap3A_990 = arith.constant 1 : i32
        %swap3A_991 = arith.index_cast %swap3A_990 : i32 to index
        %swap3A_992 = arith.index_cast %scan3A_452 : i32 to index
        %swap3A_993 = arith.constant 656 : index
        %swap3A_994 = tpu.vector_load %arg8[%swap3A_991, %swap3A_992, %swap3A_993] {strides = array<i32>} : memref<4x8x768xf32, #tpu.memory_space<vmem>>, vector<1x1x16xf32>,
        %swap3A_995 = vector.shape_cast %swap3A_994 : vector<1x1x16xf32> to vector<16xf32>
        %swap3A_996 = vector.shape_cast %get3A_989 : vector<16xf32> to vector<1x1x16xf32>
        tpu.vector_store %arg8[%swap3A_991, %swap3A_992, %swap3A_993], %swap3A_996 {add = true, strides = array<i32>} : memref<4x8x768xf32, #tpu.memory_space<vmem>>, vector<1x1x16xf32>,
        %get3A_997 = arith.constant 1 : i32
        %get3A_998 = arith.index_cast %get3A_997 : i32 to index
        %get3A_999 = arith.index_cast %scan3A_452 : i32 to index
        %get3A_1000 = arith.constant 672 : index
        %get3A_1001 = tpu.vector_load %arg7[%get3A_998, %get3A_999, %get3A_1000] {strides = array<i32>} : memref<4x8x768xf32, #tpu.memory_space<vmem>>, vector<1x1x16xf32>,
        %get3A_1002 = vector.shape_cast %get3A_1001 : vector<1x1x16xf32> to vector<16xf32>
        %swap3A_1003 = arith.constant 1 : i32
        %swap3A_1004 = arith.index_cast %swap3A_1003 : i32 to index
        %swap3A_1005 = arith.index_cast %scan3A_452 : i32 to index
        %swap3A_1006 = arith.constant 672 : index
        %swap3A_1007 = tpu.vector_load %arg8[%swap3A_1004, %swap3A_1005, %swap3A_1006] {strides = array<i32>} : memref<4x8x768xf32, #tpu.memory_space<vmem>>, vector<1x1x16xf32>,
        %swap3A_1008 = vector.shape_cast %swap3A_1007 : vector<1x1x16xf32> to vector<16xf32>
        %swap3A_1009 = vector.shape_cast %get3A_1002 : vector<16xf32> to vector<1x1x16xf32>
        tpu.vector_store %arg8[%swap3A_1004, %swap3A_1005, %swap3A_1006], %swap3A_1009 {add = true, strides = array<i32>} : memref<4x8x768xf32, #tpu.memory_space<vmem>>, vector<1x1x16xf32>,
        %get3A_1010 = arith.constant 1 : i32
        %get3A_1011 = arith.index_cast %get3A_1010 : i32 to index
        %get3A_1012 = arith.index_cast %scan3A_452 : i32 to index
        %get3A_1013 = arith.constant 688 : index
        %get3A_1014 = tpu.vector_load %arg7[%get3A_1011, %get3A_1012, %get3A_1013] {strides = array<i32>} : memref<4x8x768xf32, #tpu.memory_space<vmem>>, vector<1x1x16xf32>,
        %get3A_1015 = vector.shape_cast %get3A_1014 : vector<1x1x16xf32> to vector<16xf32>
        %swap3A_1016 = arith.constant 1 : i32
        %swap3A_1017 = arith.index_cast %swap3A_1016 : i32 to index
        %swap3A_1018 = arith.index_cast %scan3A_452 : i32 to index
        %swap3A_1019 = arith.constant 688 : index
        %swap3A_1020 = tpu.vector_load %arg8[%swap3A_1017, %swap3A_1018, %swap3A_1019] {strides = array<i32>} : memref<4x8x768xf32, #tpu.memory_space<vmem>>, vector<1x1x16xf32>,
        %swap3A_1021 = vector.shape_cast %swap3A_1020 : vector<1x1x16xf32> to vector<16xf32>
        %swap3A_1022 = vector.shape_cast %get3A_1015 : vector<16xf32> to vector<1x1x16xf32>
        tpu.vector_store %arg8[%swap3A_1017, %swap3A_1018, %swap3A_1019], %swap3A_1022 {add = true, strides = array<i32>} : memref<4x8x768xf32, #tpu.memory_space<vmem>>, vector<1x1x16xf32>,
        %get3A_1023 = arith.constant 1 : i32
        %get3A_1024 = arith.index_cast %get3A_1023 : i32 to index
        %get3A_1025 = arith.index_cast %scan3A_452 : i32 to index
        %get3A_1026 = arith.constant 704 : index
        %get3A_1027 = tpu.vector_load %arg7[%get3A_1024, %get3A_1025, %get3A_1026] {strides = array<i32>} : memref<4x8x768xf32, #tpu.memory_space<vmem>>, vector<1x1x16xf32>,
        %get3A_1028 = vector.shape_cast %get3A_1027 : vector<1x1x16xf32> to vector<16xf32>
        %swap3A_1029 = arith.constant 1 : i32
        %swap3A_1030 = arith.index_cast %swap3A_1029 : i32 to index
        %swap3A_1031 = arith.index_cast %scan3A_452 : i32 to index
        %swap3A_1032 = arith.constant 704 : index
        %swap3A_1033 = tpu.vector_load %arg8[%swap3A_1030, %swap3A_1031, %swap3A_1032] {strides = array<i32>} : memref<4x8x768xf32, #tpu.memory_space<vmem>>, vector<1x1x16xf32>,
        %swap3A_1034 = vector.shape_cast %swap3A_1033 : vector<1x1x16xf32> to vector<16xf32>
        %swap3A_1035 = vector.shape_cast %get3A_1028 : vector<16xf32> to vector<1x1x16xf32>
        tpu.vector_store %arg8[%swap3A_1030, %swap3A_1031, %swap3A_1032], %swap3A_1035 {add = true, strides = array<i32>} : memref<4x8x768xf32, #tpu.memory_space<vmem>>, vector<1x1x16xf32>,
        %get3A_1036 = arith.constant 1 : i32
        %get3A_1037 = arith.index_cast %get3A_1036 : i32 to index
        %get3A_1038 = arith.index_cast %scan3A_452 : i32 to index
        %get3A_1039 = arith.constant 720 : index
        %get3A_1040 = tpu.vector_load %arg7[%get3A_1037, %get3A_1038, %get3A_1039] {strides = array<i32>} : memref<4x8x768xf32, #tpu.memory_space<vmem>>, vector<1x1x16xf32>,
        %get3A_1041 = vector.shape_cast %get3A_1040 : vector<1x1x16xf32> to vector<16xf32>
        %swap3A_1042 = arith.constant 1 : i32
        %swap3A_1043 = arith.index_cast %swap3A_1042 : i32 to index
        %swap3A_1044 = arith.index_cast %scan3A_452 : i32 to index
        %swap3A_1045 = arith.constant 720 : index
        %swap3A_1046 = tpu.vector_load %arg8[%swap3A_1043, %swap3A_1044, %swap3A_1045] {strides = array<i32>} : memref<4x8x768xf32, #tpu.memory_space<vmem>>, vector<1x1x16xf32>,
        %swap3A_1047 = vector.shape_cast %swap3A_1046 : vector<1x1x16xf32> to vector<16xf32>
        %swap3A_1048 = vector.shape_cast %get3A_1041 : vector<16xf32> to vector<1x1x16xf32>
        tpu.vector_store %arg8[%swap3A_1043, %swap3A_1044, %swap3A_1045], %swap3A_1048 {add = true, strides = array<i32>} : memref<4x8x768xf32, #tpu.memory_space<vmem>>, vector<1x1x16xf32>,
        %get3A_1049 = arith.constant 1 : i32
        %get3A_1050 = arith.index_cast %get3A_1049 : i32 to index
        %get3A_1051 = arith.index_cast %scan3A_452 : i32 to index
        %get3A_1052 = arith.constant 736 : index
        %get3A_1053 = tpu.vector_load %arg7[%get3A_1050, %get3A_1051, %get3A_1052] {strides = array<i32>} : memref<4x8x768xf32, #tpu.memory_space<vmem>>, vector<1x1x16xf32>,
        %get3A_1054 = vector.shape_cast %get3A_1053 : vector<1x1x16xf32> to vector<16xf32>
        %swap3A_1055 = arith.constant 1 : i32
        %swap3A_1056 = arith.index_cast %swap3A_1055 : i32 to index
        %swap3A_1057 = arith.index_cast %scan3A_452 : i32 to index
        %swap3A_1058 = arith.constant 736 : index
        %swap3A_1059 = tpu.vector_load %arg8[%swap3A_1056, %swap3A_1057, %swap3A_1058] {strides = array<i32>} : memref<4x8x768xf32, #tpu.memory_space<vmem>>, vector<1x1x16xf32>,
        %swap3A_1060 = vector.shape_cast %swap3A_1059 : vector<1x1x16xf32> to vector<16xf32>
        %swap3A_1061 = vector.shape_cast %get3A_1054 : vector<16xf32> to vector<1x1x16xf32>
        tpu.vector_store %arg8[%swap3A_1056, %swap3A_1057, %swap3A_1058], %swap3A_1061 {add = true, strides = array<i32>} : memref<4x8x768xf32, #tpu.memory_space<vmem>>, vector<1x1x16xf32>,
        %get3A_1062 = arith.constant 1 : i32
        %get3A_1063 = arith.index_cast %get3A_1062 : i32 to index
        %get3A_1064 = arith.index_cast %scan3A_452 : i32 to index
        %get3A_1065 = arith.constant 752 : index
        %get3A_1066 = tpu.vector_load %arg7[%get3A_1063, %get3A_1064, %get3A_1065] {strides = array<i32>} : memref<4x8x768xf32, #tpu.memory_space<vmem>>, vector<1x1x16xf32>,
        %get3A_1067 = vector.shape_cast %get3A_1066 : vector<1x1x16xf32> to vector<16xf32>
        %swap3A_1068 = arith.constant 1 : i32
        %swap3A_1069 = arith.index_cast %swap3A_1068 : i32 to index
        %swap3A_1070 = arith.index_cast %scan3A_452 : i32 to index
        %swap3A_1071 = arith.constant 752 : index
        %swap3A_1072 = tpu.vector_load %arg8[%swap3A_1069, %swap3A_1070, %swap3A_1071] {strides = array<i32>} : memref<4x8x768xf32, #tpu.memory_space<vmem>>, vector<1x1x16xf32>,
        %swap3A_1073 = vector.shape_cast %swap3A_1072 : vector<1x1x16xf32> to vector<16xf32>
        %swap3A_1074 = vector.shape_cast %get3A_1067 : vector<16xf32> to vector<1x1x16xf32>
        tpu.vector_store %arg8[%swap3A_1069, %swap3A_1070, %swap3A_1071], %swap3A_1074 {add = true, strides = array<i32>} : memref<4x8x768xf32, #tpu.memory_space<vmem>>, vector<1x1x16xf32>,
      }
      %scan3A_281 = arith.constant 8 : i32
      %mul3A_282 = arith.constant 8 : i32
      %mul3A_283 = arith.muli %add3A_242, %mul3A_282 : i32
      %add3A_284 = arith.addi %mul3A_2, %mul3A_283 : i32
      %dma_start3A_285 = arith.constant 1 : i32
      %dma_start3A_286 = arith.constant 1 : i32
      %dma_start3A_287 = arith.constant 0 : i32
      %dma_start3A_288 = arith.constant 0 : i32
      %dma_start3A_289 = tpu.memref_slice %arg8[%dma_start3A_285, %dma_start3A_287, %dma_start3A_288] : memref<4x8x768xf32, #tpu.memory_space<vmem>> -> memref<1x8x768xf32, #tpu.memory_space<vmem>>
      %dma_start3A_290 = tpu.memref_squeeze %dma_start3A_289 : memref<1x8x768xf32, #tpu.memory_space<vmem>> -> memref<8x768xf32, #tpu.memory_space<vmem>>
      %dma_start3A_291 = arith.constant 0 : i32
      %dma_start3A_292 = tpu.memref_slice %arg5[%add3A_284, %dma_start3A_291] : memref<8192x768xf32, #tpu.memory_space<hbm>> -> memref<8x768xf32, #tpu.memory_space<hbm>>
      %dma_start3A_293 = tpu.memref_slice %arg11[%dma_start3A_286] : memref<4x!tpu.dma_semaphore, #tpu.memory_space<semaphore_mem>> -> memref<1x!tpu.dma_semaphore, #tpu.memory_space<semaphore_mem>>
      %dma_start3A_294 = tpu.memref_squeeze %dma_start3A_293 : memref<1x!tpu.dma_semaphore, #tpu.memory_space<semaphore_mem>> -> memref<!tpu.dma_semaphore, #tpu.memory_space<semaphore_mem>>
      %dma_start3A_295 = arith.constant 0 : i32
      %dma_start3A_296 = tpu.memref_slice %arg5[%add3A_284, %dma_start3A_295] : memref<8192x768xf32, #tpu.memory_space<hbm>> -> memref<8x768xf32, #tpu.memory_space<hbm>>
      %dma_start3A_297 = arith.constant 0 : i32
      %dma_start3A_298 = arith.constant 0 : i32
      %dma_start3A_299 = tpu.memref_slice %arg8[%dma_start3A_285, %dma_start3A_297, %dma_start3A_298] : memref<4x8x768xf32, #tpu.memory_space<vmem>> -> memref<1x8x768xf32, #tpu.memory_space<vmem>>
      %dma_start3A_300 = tpu.memref_squeeze %dma_start3A_299 : memref<1x8x768xf32, #tpu.memory_space<vmem>> -> memref<8x768xf32, #tpu.memory_space<vmem>>
      tpu.enqueue_dma source(%dma_start3A_300 : memref<8x768xf32, #tpu.memory_space<vmem>>) target(%dma_start3A_296 : memref<8x768xf32, #tpu.memory_space<hbm>>) target_semaphore(%dma_start3A_294 : memref<!tpu.dma_semaphore, #tpu.memory_space<semaphore_mem>>)
      %add3A_301 = arith.constant 4 : i32
      %add3A_302 = arith.addi %add3A_242, %add3A_301 : i32
      %sub3A_303 = arith.constant 1 : i32
      %sub3A_304 = arith.subi %add3A_302, %sub3A_303 : i32
      %lt3A_305 = arith.constant 32 : i32
      %lt3A_306 = arith.cmpi slt, %sub3A_304, %lt3A_305 : i32
      %convert_element_type3A_307 = arith.extui %lt3A_306 : i1 to i32
      %cond3A_308 = arith.constant 0 : i32
      %cond3A_309 = arith.cmpi ne, %convert_element_type3A_307, %cond3A_308 : i32
      scf.if %cond3A_309 {
        %ge3A = arith.constant 4 : i32
        %ge3A_452 = arith.cmpi sge, %sub3A_304, %ge3A : i32
        %convert_element_type3A_453 = arith.extui %ge3A_452 : i1 to i32
        %cond3A_454 = arith.constant 0 : i32
        %cond3A_455 = arith.cmpi ne, %convert_element_type3A_453, %cond3A_454 : i32
        scf.if %cond3A_455 {
          %sub3A_489 = arith.constant 4 : i32
          %sub3A_490 = arith.subi %sub3A_304, %sub3A_489 : i32
          %mul3A_491 = arith.constant 8 : i32
          %mul3A_492 = arith.muli %sub3A_490, %mul3A_491 : i32
          %add3A_493 = arith.addi %mul3A_2, %mul3A_492 : i32
          %dma_wait3A_494 = arith.constant 0 : i32
          %dma_wait3A_495 = arith.constant 0 : i32
          %dma_wait3A_496 = arith.constant 0 : i32
          %dma_wait3A_497 = arith.constant 0 : i32
          %dma_wait3A_498 = tpu.memref_slice %arg8[%dma_wait3A_494, %dma_wait3A_496, %dma_wait3A_497] : memref<4x8x768xf32, #tpu.memory_space<vmem>> -> memref<1x8x768xf32, #tpu.memory_space<vmem>>
          %dma_wait3A_499 = tpu.memref_squeeze %dma_wait3A_498 : memref<1x8x768xf32, #tpu.memory_space<vmem>> -> memref<8x768xf32, #tpu.memory_space<vmem>>
          %dma_wait3A_500 = arith.constant 0 : i32
          %dma_wait3A_501 = tpu.memref_slice %arg5[%add3A_493, %dma_wait3A_500] : memref<8192x768xf32, #tpu.memory_space<hbm>> -> memref<8x768xf32, #tpu.memory_space<hbm>>
          %dma_wait3A_502 = tpu.memref_slice %arg11[%dma_wait3A_495] : memref<4x!tpu.dma_semaphore, #tpu.memory_space<semaphore_mem>> -> memref<1x!tpu.dma_semaphore, #tpu.memory_space<semaphore_mem>>
          %dma_wait3A_503 = tpu.memref_squeeze %dma_wait3A_502 : memref<1x!tpu.dma_semaphore, #tpu.memory_space<semaphore_mem>> -> memref<!tpu.dma_semaphore, #tpu.memory_space<semaphore_mem>>
          %dma_wait3A_504 = arith.constant 0 : i32
          %dma_wait3A_505 = tpu.memref_slice %arg5[%add3A_493, %dma_wait3A_504] : memref<8192x768xf32, #tpu.memory_space<hbm>> -> memref<8x768xf32, #tpu.memory_space<hbm>>
          %dma_wait3A_506 = arith.constant 0 : i32
          %dma_wait3A_507 = arith.constant 0 : i32
          %dma_wait3A_508 = tpu.memref_slice %arg8[%dma_wait3A_494, %dma_wait3A_506, %dma_wait3A_507] : memref<4x8x768xf32, #tpu.memory_space<vmem>> -> memref<1x8x768xf32, #tpu.memory_space<vmem>>
          %dma_wait3A_509 = tpu.memref_squeeze %dma_wait3A_508 : memref<1x8x768xf32, #tpu.memory_space<vmem>> -> memref<8x768xf32, #tpu.memory_space<vmem>>
          tpu.wait_dma2 semaphore(%dma_wait3A_503 : memref<!tpu.dma_semaphore, #tpu.memory_space<semaphore_mem>>) src(%dma_wait3A_509 : memref<8x768xf32, #tpu.memory_space<vmem>>) dst(%dma_wait3A_505 : memref<8x768xf32, #tpu.memory_space<hbm>>)
        } else {
        }
        %mul3A_456 = arith.constant 8 : i32
        %mul3A_457 = arith.muli %sub3A_304, %mul3A_456 : i32
        %mul3A_458 = arith.constant 8 : i32
        %mul3A_459 = arith.muli %sub3A_304, %mul3A_458 : i32
        %add3A_460 = arith.addi %mul3A_2, %mul3A_459 : i32
        %dma_start3A_461 = arith.constant 0 : i32
        %dma_start3A_462 = arith.constant 0 : i32
        %dma_start3A_463 = arith.constant 0 : i32
        %dma_start3A_464 = arith.constant 0 : i32
        %dma_start3A_465 = tpu.memref_slice %arg7[%dma_start3A_461, %dma_start3A_463, %dma_start3A_464] : memref<4x8x768xf32, #tpu.memory_space<vmem>> -> memref<1x8x768xf32, #tpu.memory_space<vmem>>
        %dma_start3A_466 = tpu.memref_squeeze %dma_start3A_465 : memref<1x8x768xf32, #tpu.memory_space<vmem>> -> memref<8x768xf32, #tpu.memory_space<vmem>>
        %dma_start3A_467 = tpu.memref_slice %arg6[%mul3A_457] : memref<256xi32, #tpu.memory_space<vmem>> -> memref<8xi32, #tpu.memory_space<vmem>>
        %dma_start3A_468 = arith.constant 0 : i32
        %dma_start3A_469 = arith.constant 0 : i32
        %dma_start3A_470 = tpu.memref_slice %arg3[%dma_start3A_468, %dma_start3A_469] : memref<100000x768xf32, #tpu.memory_space<hbm>> -> memref<100000x768xf32, #tpu.memory_space<hbm>>
        %dma_start3A_471 = tpu.memref_slice %arg9[%dma_start3A_462] : memref<4x!tpu.dma_semaphore, #tpu.memory_space<semaphore_mem>> -> memref<1x!tpu.dma_semaphore, #tpu.memory_space<semaphore_mem>>
        %dma_start3A_472 = tpu.memref_squeeze %dma_start3A_471 : memref<1x!tpu.dma_semaphore, #tpu.memory_space<semaphore_mem>> -> memref<!tpu.dma_semaphore, #tpu.memory_space<semaphore_mem>>
        tpu.enqueue_indirect_dma source(%dma_start3A_470 : memref<100000x768xf32, #tpu.memory_space<hbm>>) target(%dma_start3A_466 : memref<8x768xf32, #tpu.memory_space<vmem>>) offsets(%dma_start3A_467 : memref<8xi32, #tpu.memory_space<vmem>>) semaphore(%dma_start3A_472 : memref<!tpu.dma_semaphore, #tpu.memory_space<semaphore_mem>>)
        %dma_start3A_473 = arith.constant 0 : i32
        %dma_start3A_474 = arith.constant 0 : i32
        %dma_start3A_475 = arith.constant 0 : i32
        %dma_start3A_476 = arith.constant 0 : i32
        %dma_start3A_477 = tpu.memref_slice %arg8[%dma_start3A_473, %dma_start3A_475, %dma_start3A_476] : memref<4x8x768xf32, #tpu.memory_space<vmem>> -> memref<1x8x768xf32, #tpu.memory_space<vmem>>
        %dma_start3A_478 = tpu.memref_squeeze %dma_start3A_477 : memref<1x8x768xf32, #tpu.memory_space<vmem>> -> memref<8x768xf32, #tpu.memory_space<vmem>>
        %dma_start3A_479 = arith.constant 0 : i32
        %dma_start3A_480 = tpu.memref_slice %arg4[%add3A_460, %dma_start3A_479] : memref<100000x768xf32, #tpu.memory_space<hbm>> -> memref<8x768xf32, #tpu.memory_space<hbm>>
        %dma_start3A_481 = tpu.memref_slice %arg10[%dma_start3A_474] : memref<4x!tpu.dma_semaphore, #tpu.memory_space<semaphore_mem>> -> memref<1x!tpu.dma_semaphore, #tpu.memory_space<semaphore_mem>>
        %dma_start3A_482 = tpu.memref_squeeze %dma_start3A_481 : memref<1x!tpu.dma_semaphore, #tpu.memory_space<semaphore_mem>> -> memref<!tpu.dma_semaphore, #tpu.memory_space<semaphore_mem>>
        %dma_start3A_483 = arith.constant 0 : i32
        %dma_start3A_484 = arith.constant 0 : i32
        %dma_start3A_485 = tpu.memref_slice %arg8[%dma_start3A_473, %dma_start3A_483, %dma_start3A_484] : memref<4x8x768xf32, #tpu.memory_space<vmem>> -> memref<1x8x768xf32, #tpu.memory_space<vmem>>
        %dma_start3A_486 = tpu.memref_squeeze %dma_start3A_485 : memref<1x8x768xf32, #tpu.memory_space<vmem>> -> memref<8x768xf32, #tpu.memory_space<vmem>>
        %dma_start3A_487 = arith.constant 0 : i32
        %dma_start3A_488 = tpu.memref_slice %arg4[%add3A_460, %dma_start3A_487] : memref<100000x768xf32, #tpu.memory_space<hbm>> -> memref<8x768xf32, #tpu.memory_space<hbm>>
        tpu.enqueue_dma source(%dma_start3A_488 : memref<8x768xf32, #tpu.memory_space<hbm>>) target(%dma_start3A_486 : memref<8x768xf32, #tpu.memory_space<vmem>>) target_semaphore(%dma_start3A_482 : memref<!tpu.dma_semaphore, #tpu.memory_space<semaphore_mem>>)
      } else {
      }
      %mul3A_310 = arith.constant 4 : i32
      %mul3A_311 = arith.muli %scan3A_171, %mul3A_310 : i32
      %add3A_312 = arith.constant 2 : i32
      %add3A_313 = arith.addi %mul3A_311, %add3A_312 : i32
      %mul3A_314 = arith.constant 8 : i32
      %mul3A_315 = arith.muli %add3A_313, %mul3A_314 : i32
      %mul3A_316 = arith.constant 8 : i32
      %mul3A_317 = arith.muli %add3A_313, %mul3A_316 : i32
      %add3A_318 = arith.addi %mul3A_2, %mul3A_317 : i32
      %dma_wait3A_319 = arith.constant 2 : i32
      %dma_wait3A_320 = arith.constant 2 : i32
      %dma_wait3A_321 = arith.constant 0 : i32
      %dma_wait3A_322 = arith.constant 0 : i32
      %dma_wait3A_323 = tpu.memref_slice %arg7[%dma_wait3A_319, %dma_wait3A_321, %dma_wait3A_322] : memref<4x8x768xf32, #tpu.memory_space<vmem>> -> memref<1x8x768xf32, #tpu.memory_space<vmem>>
      %dma_wait3A_324 = tpu.memref_squeeze %dma_wait3A_323 : memref<1x8x768xf32, #tpu.memory_space<vmem>> -> memref<8x768xf32, #tpu.memory_space<vmem>>
      %dma_wait3A_325 = tpu.memref_slice %arg6[%mul3A_315] : memref<256xi32, #tpu.memory_space<vmem>> -> memref<8xi32, #tpu.memory_space<vmem>>
      %dma_wait3A_326 = arith.constant 0 : i32
      %dma_wait3A_327 = arith.constant 0 : i32
      %dma_wait3A_328 = tpu.memref_slice %arg3[%dma_wait3A_326, %dma_wait3A_327] : memref<100000x768xf32, #tpu.memory_space<hbm>> -> memref<100000x768xf32, #tpu.memory_space<hbm>>
      %dma_wait3A_329 = tpu.memref_slice %arg9[%dma_wait3A_320] : memref<4x!tpu.dma_semaphore, #tpu.memory_space<semaphore_mem>> -> memref<1x!tpu.dma_semaphore, #tpu.memory_space<semaphore_mem>>
      %dma_wait3A_330 = tpu.memref_squeeze %dma_wait3A_329 : memref<1x!tpu.dma_semaphore, #tpu.memory_space<semaphore_mem>> -> memref<!tpu.dma_semaphore, #tpu.memory_space<semaphore_mem>>
      tpu.wait_indirect_dma semaphore(%dma_wait3A_330 : memref<!tpu.dma_semaphore, #tpu.memory_space<semaphore_mem>>) src(%dma_wait3A_328 : memref<100000x768xf32, #tpu.memory_space<hbm>>) dst(%dma_wait3A_324 : memref<8x768xf32, #tpu.memory_space<vmem>>)
      %dma_wait3A_331 = arith.constant 2 : i32
      %dma_wait3A_332 = arith.constant 2 : i32
      %dma_wait3A_333 = arith.constant 0 : i32
      %dma_wait3A_334 = arith.constant 0 : i32
      %dma_wait3A_335 = tpu.memref_slice %arg8[%dma_wait3A_331, %dma_wait3A_333, %dma_wait3A_334] : memref<4x8x768xf32, #tpu.memory_space<vmem>> -> memref<1x8x768xf32, #tpu.memory_space<vmem>>
      %dma_wait3A_336 = tpu.memref_squeeze %dma_wait3A_335 : memref<1x8x768xf32, #tpu.memory_space<vmem>> -> memref<8x768xf32, #tpu.memory_space<vmem>>
      %dma_wait3A_337 = arith.constant 0 : i32
      %dma_wait3A_338 = tpu.memref_slice %arg4[%add3A_318, %dma_wait3A_337] : memref<100000x768xf32, #tpu.memory_space<hbm>> -> memref<8x768xf32, #tpu.memory_space<hbm>>
      %dma_wait3A_339 = tpu.memref_slice %arg10[%dma_wait3A_332] : memref<4x!tpu.dma_semaphore, #tpu.memory_space<semaphore_mem>> -> memref<1x!tpu.dma_semaphore, #tpu.memory_space<semaphore_mem>>
      %dma_wait3A_340 = tpu.memref_squeeze %dma_wait3A_339 : memref<1x!tpu.dma_semaphore, #tpu.memory_space<semaphore_mem>> -> memref<!tpu.dma_semaphore, #tpu.memory_space<semaphore_mem>>
      %dma_wait3A_341 = arith.constant 0 : i32
      %dma_wait3A_342 = arith.constant 0 : i32
      %dma_wait3A_343 = tpu.memref_slice %arg8[%dma_wait3A_331, %dma_wait3A_341, %dma_wait3A_342] : memref<4x8x768xf32, #tpu.memory_space<vmem>> -> memref<1x8x768xf32, #tpu.memory_space<vmem>>
      %dma_wait3A_344 = tpu.memref_squeeze %dma_wait3A_343 : memref<1x8x768xf32, #tpu.memory_space<vmem>> -> memref<8x768xf32, #tpu.memory_space<vmem>>
      %dma_wait3A_345 = arith.constant 0 : i32
      %dma_wait3A_346 = tpu.memref_slice %arg4[%add3A_318, %dma_wait3A_345] : memref<100000x768xf32, #tpu.memory_space<hbm>> -> memref<8x768xf32, #tpu.memory_space<hbm>>
      tpu.wait_dma2 semaphore(%dma_wait3A_340 : memref<!tpu.dma_semaphore, #tpu.memory_space<semaphore_mem>>) src(%dma_wait3A_346 : memref<8x768xf32, #tpu.memory_space<hbm>>) dst(%dma_wait3A_344 : memref<8x768xf32, #tpu.memory_space<vmem>>)
      %scan3A_347 = arith.constant 0 : i32
      %scan3A_348 = arith.constant 0 : i32
      %scan3A_349 = arith.constant 8 : i32
      %scan3A_350 = arith.addi %scan3A_348, %scan3A_349 : i32
      %scan3A_351 = arith.constant 1 : i32
      scf.for %scan3A_452 = %scan3A_348 to %scan3A_350 step %scan3A_351  : i32 {
        %get3A = arith.constant 2 : i32
        %get3A_453 = arith.index_cast %get3A : i32 to index
        %get3A_454 = arith.index_cast %scan3A_452 : i32 to index
        %get3A_455 = arith.constant 0 : index
        %get3A_456 = tpu.vector_load %arg7[%get3A_453, %get3A_454, %get3A_455] {strides = array<i32>} : memref<4x8x768xf32, #tpu.memory_space<vmem>>, vector<1x1x16xf32>,
        %get3A_457 = vector.shape_cast %get3A_456 : vector<1x1x16xf32> to vector<16xf32>
        %swap3A = arith.constant 2 : i32
        %swap3A_458 = arith.index_cast %swap3A : i32 to index
        %swap3A_459 = arith.index_cast %scan3A_452 : i32 to index
        %swap3A_460 = arith.constant 0 : index
        %swap3A_461 = tpu.vector_load %arg8[%swap3A_458, %swap3A_459, %swap3A_460] {strides = array<i32>} : memref<4x8x768xf32, #tpu.memory_space<vmem>>, vector<1x1x16xf32>,
        %swap3A_462 = vector.shape_cast %swap3A_461 : vector<1x1x16xf32> to vector<16xf32>
        %swap3A_463 = vector.shape_cast %get3A_457 : vector<16xf32> to vector<1x1x16xf32>
        tpu.vector_store %arg8[%swap3A_458, %swap3A_459, %swap3A_460], %swap3A_463 {add = true, strides = array<i32>} : memref<4x8x768xf32, #tpu.memory_space<vmem>>, vector<1x1x16xf32>,
        %get3A_464 = arith.constant 2 : i32
        %get3A_465 = arith.index_cast %get3A_464 : i32 to index
        %get3A_466 = arith.index_cast %scan3A_452 : i32 to index
        %get3A_467 = arith.constant 16 : index
        %get3A_468 = tpu.vector_load %arg7[%get3A_465, %get3A_466, %get3A_467] {strides = array<i32>} : memref<4x8x768xf32, #tpu.memory_space<vmem>>, vector<1x1x16xf32>,
        %get3A_469 = vector.shape_cast %get3A_468 : vector<1x1x16xf32> to vector<16xf32>
        %swap3A_470 = arith.constant 2 : i32
        %swap3A_471 = arith.index_cast %swap3A_470 : i32 to index
        %swap3A_472 = arith.index_cast %scan3A_452 : i32 to index
        %swap3A_473 = arith.constant 16 : index
        %swap3A_474 = tpu.vector_load %arg8[%swap3A_471, %swap3A_472, %swap3A_473] {strides = array<i32>} : memref<4x8x768xf32, #tpu.memory_space<vmem>>, vector<1x1x16xf32>,
        %swap3A_475 = vector.shape_cast %swap3A_474 : vector<1x1x16xf32> to vector<16xf32>
        %swap3A_476 = vector.shape_cast %get3A_469 : vector<16xf32> to vector<1x1x16xf32>
        tpu.vector_store %arg8[%swap3A_471, %swap3A_472, %swap3A_473], %swap3A_476 {add = true, strides = array<i32>} : memref<4x8x768xf32, #tpu.memory_space<vmem>>, vector<1x1x16xf32>,
        %get3A_477 = arith.constant 2 : i32
        %get3A_478 = arith.index_cast %get3A_477 : i32 to index
        %get3A_479 = arith.index_cast %scan3A_452 : i32 to index
        %get3A_480 = arith.constant 32 : index
        %get3A_481 = tpu.vector_load %arg7[%get3A_478, %get3A_479, %get3A_480] {strides = array<i32>} : memref<4x8x768xf32, #tpu.memory_space<vmem>>, vector<1x1x16xf32>,
        %get3A_482 = vector.shape_cast %get3A_481 : vector<1x1x16xf32> to vector<16xf32>
        %swap3A_483 = arith.constant 2 : i32
        %swap3A_484 = arith.index_cast %swap3A_483 : i32 to index
        %swap3A_485 = arith.index_cast %scan3A_452 : i32 to index
        %swap3A_486 = arith.constant 32 : index
        %swap3A_487 = tpu.vector_load %arg8[%swap3A_484, %swap3A_485, %swap3A_486] {strides = array<i32>} : memref<4x8x768xf32, #tpu.memory_space<vmem>>, vector<1x1x16xf32>,
        %swap3A_488 = vector.shape_cast %swap3A_487 : vector<1x1x16xf32> to vector<16xf32>
        %swap3A_489 = vector.shape_cast %get3A_482 : vector<16xf32> to vector<1x1x16xf32>
        tpu.vector_store %arg8[%swap3A_484, %swap3A_485, %swap3A_486], %swap3A_489 {add = true, strides = array<i32>} : memref<4x8x768xf32, #tpu.memory_space<vmem>>, vector<1x1x16xf32>,
        %get3A_490 = arith.constant 2 : i32
        %get3A_491 = arith.index_cast %get3A_490 : i32 to index
        %get3A_492 = arith.index_cast %scan3A_452 : i32 to index
        %get3A_493 = arith.constant 48 : index
        %get3A_494 = tpu.vector_load %arg7[%get3A_491, %get3A_492, %get3A_493] {strides = array<i32>} : memref<4x8x768xf32, #tpu.memory_space<vmem>>, vector<1x1x16xf32>,
        %get3A_495 = vector.shape_cast %get3A_494 : vector<1x1x16xf32> to vector<16xf32>
        %swap3A_496 = arith.constant 2 : i32
        %swap3A_497 = arith.index_cast %swap3A_496 : i32 to index
        %swap3A_498 = arith.index_cast %scan3A_452 : i32 to index
        %swap3A_499 = arith.constant 48 : index
        %swap3A_500 = tpu.vector_load %arg8[%swap3A_497, %swap3A_498, %swap3A_499] {strides = array<i32>} : memref<4x8x768xf32, #tpu.memory_space<vmem>>, vector<1x1x16xf32>,
        %swap3A_501 = vector.shape_cast %swap3A_500 : vector<1x1x16xf32> to vector<16xf32>
        %swap3A_502 = vector.shape_cast %get3A_495 : vector<16xf32> to vector<1x1x16xf32>
        tpu.vector_store %arg8[%swap3A_497, %swap3A_498, %swap3A_499], %swap3A_502 {add = true, strides = array<i32>} : memref<4x8x768xf32, #tpu.memory_space<vmem>>, vector<1x1x16xf32>,
        %get3A_503 = arith.constant 2 : i32
        %get3A_504 = arith.index_cast %get3A_503 : i32 to index
        %get3A_505 = arith.index_cast %scan3A_452 : i32 to index
        %get3A_506 = arith.constant 64 : index
        %get3A_507 = tpu.vector_load %arg7[%get3A_504, %get3A_505, %get3A_506] {strides = array<i32>} : memref<4x8x768xf32, #tpu.memory_space<vmem>>, vector<1x1x16xf32>,
        %get3A_508 = vector.shape_cast %get3A_507 : vector<1x1x16xf32> to vector<16xf32>
        %swap3A_509 = arith.constant 2 : i32
        %swap3A_510 = arith.index_cast %swap3A_509 : i32 to index
        %swap3A_511 = arith.index_cast %scan3A_452 : i32 to index
        %swap3A_512 = arith.constant 64 : index
        %swap3A_513 = tpu.vector_load %arg8[%swap3A_510, %swap3A_511, %swap3A_512] {strides = array<i32>} : memref<4x8x768xf32, #tpu.memory_space<vmem>>, vector<1x1x16xf32>,
        %swap3A_514 = vector.shape_cast %swap3A_513 : vector<1x1x16xf32> to vector<16xf32>
        %swap3A_515 = vector.shape_cast %get3A_508 : vector<16xf32> to vector<1x1x16xf32>
        tpu.vector_store %arg8[%swap3A_510, %swap3A_511, %swap3A_512], %swap3A_515 {add = true, strides = array<i32>} : memref<4x8x768xf32, #tpu.memory_space<vmem>>, vector<1x1x16xf32>,
        %get3A_516 = arith.constant 2 : i32
        %get3A_517 = arith.index_cast %get3A_516 : i32 to index
        %get3A_518 = arith.index_cast %scan3A_452 : i32 to index
        %get3A_519 = arith.constant 80 : index
        %get3A_520 = tpu.vector_load %arg7[%get3A_517, %get3A_518, %get3A_519] {strides = array<i32>} : memref<4x8x768xf32, #tpu.memory_space<vmem>>, vector<1x1x16xf32>,
        %get3A_521 = vector.shape_cast %get3A_520 : vector<1x1x16xf32> to vector<16xf32>
        %swap3A_522 = arith.constant 2 : i32
        %swap3A_523 = arith.index_cast %swap3A_522 : i32 to index
        %swap3A_524 = arith.index_cast %scan3A_452 : i32 to index
        %swap3A_525 = arith.constant 80 : index
        %swap3A_526 = tpu.vector_load %arg8[%swap3A_523, %swap3A_524, %swap3A_525] {strides = array<i32>} : memref<4x8x768xf32, #tpu.memory_space<vmem>>, vector<1x1x16xf32>,
        %swap3A_527 = vector.shape_cast %swap3A_526 : vector<1x1x16xf32> to vector<16xf32>
        %swap3A_528 = vector.shape_cast %get3A_521 : vector<16xf32> to vector<1x1x16xf32>
        tpu.vector_store %arg8[%swap3A_523, %swap3A_524, %swap3A_525], %swap3A_528 {add = true, strides = array<i32>} : memref<4x8x768xf32, #tpu.memory_space<vmem>>, vector<1x1x16xf32>,
        %get3A_529 = arith.constant 2 : i32
        %get3A_530 = arith.index_cast %get3A_529 : i32 to index
        %get3A_531 = arith.index_cast %scan3A_452 : i32 to index
        %get3A_532 = arith.constant 96 : index
        %get3A_533 = tpu.vector_load %arg7[%get3A_530, %get3A_531, %get3A_532] {strides = array<i32>} : memref<4x8x768xf32, #tpu.memory_space<vmem>>, vector<1x1x16xf32>,
        %get3A_534 = vector.shape_cast %get3A_533 : vector<1x1x16xf32> to vector<16xf32>
        %swap3A_535 = arith.constant 2 : i32
        %swap3A_536 = arith.index_cast %swap3A_535 : i32 to index
        %swap3A_537 = arith.index_cast %scan3A_452 : i32 to index
        %swap3A_538 = arith.constant 96 : index
        %swap3A_539 = tpu.vector_load %arg8[%swap3A_536, %swap3A_537, %swap3A_538] {strides = array<i32>} : memref<4x8x768xf32, #tpu.memory_space<vmem>>, vector<1x1x16xf32>,
        %swap3A_540 = vector.shape_cast %swap3A_539 : vector<1x1x16xf32> to vector<16xf32>
        %swap3A_541 = vector.shape_cast %get3A_534 : vector<16xf32> to vector<1x1x16xf32>
        tpu.vector_store %arg8[%swap3A_536, %swap3A_537, %swap3A_538], %swap3A_541 {add = true, strides = array<i32>} : memref<4x8x768xf32, #tpu.memory_space<vmem>>, vector<1x1x16xf32>,
        %get3A_542 = arith.constant 2 : i32
        %get3A_543 = arith.index_cast %get3A_542 : i32 to index
        %get3A_544 = arith.index_cast %scan3A_452 : i32 to index
        %get3A_545 = arith.constant 112 : index
        %get3A_546 = tpu.vector_load %arg7[%get3A_543, %get3A_544, %get3A_545] {strides = array<i32>} : memref<4x8x768xf32, #tpu.memory_space<vmem>>, vector<1x1x16xf32>,
        %get3A_547 = vector.shape_cast %get3A_546 : vector<1x1x16xf32> to vector<16xf32>
        %swap3A_548 = arith.constant 2 : i32
        %swap3A_549 = arith.index_cast %swap3A_548 : i32 to index
        %swap3A_550 = arith.index_cast %scan3A_452 : i32 to index
        %swap3A_551 = arith.constant 112 : index
        %swap3A_552 = tpu.vector_load %arg8[%swap3A_549, %swap3A_550, %swap3A_551] {strides = array<i32>} : memref<4x8x768xf32, #tpu.memory_space<vmem>>, vector<1x1x16xf32>,
        %swap3A_553 = vector.shape_cast %swap3A_552 : vector<1x1x16xf32> to vector<16xf32>
        %swap3A_554 = vector.shape_cast %get3A_547 : vector<16xf32> to vector<1x1x16xf32>
        tpu.vector_store %arg8[%swap3A_549, %swap3A_550, %swap3A_551], %swap3A_554 {add = true, strides = array<i32>} : memref<4x8x768xf32, #tpu.memory_space<vmem>>, vector<1x1x16xf32>,
        %get3A_555 = arith.constant 2 : i32
        %get3A_556 = arith.index_cast %get3A_555 : i32 to index
        %get3A_557 = arith.index_cast %scan3A_452 : i32 to index
        %get3A_558 = arith.constant 128 : index
        %get3A_559 = tpu.vector_load %arg7[%get3A_556, %get3A_557, %get3A_558] {strides = array<i32>} : memref<4x8x768xf32, #tpu.memory_space<vmem>>, vector<1x1x16xf32>,
        %get3A_560 = vector.shape_cast %get3A_559 : vector<1x1x16xf32> to vector<16xf32>
        %swap3A_561 = arith.constant 2 : i32
        %swap3A_562 = arith.index_cast %swap3A_561 : i32 to index
        %swap3A_563 = arith.index_cast %scan3A_452 : i32 to index
        %swap3A_564 = arith.constant 128 : index
        %swap3A_565 = tpu.vector_load %arg8[%swap3A_562, %swap3A_563, %swap3A_564] {strides = array<i32>} : memref<4x8x768xf32, #tpu.memory_space<vmem>>, vector<1x1x16xf32>,
        %swap3A_566 = vector.shape_cast %swap3A_565 : vector<1x1x16xf32> to vector<16xf32>
        %swap3A_567 = vector.shape_cast %get3A_560 : vector<16xf32> to vector<1x1x16xf32>
        tpu.vector_store %arg8[%swap3A_562, %swap3A_563, %swap3A_564], %swap3A_567 {add = true, strides = array<i32>} : memref<4x8x768xf32, #tpu.memory_space<vmem>>, vector<1x1x16xf32>,
        %get3A_568 = arith.constant 2 : i32
        %get3A_569 = arith.index_cast %get3A_568 : i32 to index
        %get3A_570 = arith.index_cast %scan3A_452 : i32 to index
        %get3A_571 = arith.constant 144 : index
        %get3A_572 = tpu.vector_load %arg7[%get3A_569, %get3A_570, %get3A_571] {strides = array<i32>} : memref<4x8x768xf32, #tpu.memory_space<vmem>>, vector<1x1x16xf32>,
        %get3A_573 = vector.shape_cast %get3A_572 : vector<1x1x16xf32> to vector<16xf32>
        %swap3A_574 = arith.constant 2 : i32
        %swap3A_575 = arith.index_cast %swap3A_574 : i32 to index
        %swap3A_576 = arith.index_cast %scan3A_452 : i32 to index
        %swap3A_577 = arith.constant 144 : index
        %swap3A_578 = tpu.vector_load %arg8[%swap3A_575, %swap3A_576, %swap3A_577] {strides = array<i32>} : memref<4x8x768xf32, #tpu.memory_space<vmem>>, vector<1x1x16xf32>,
        %swap3A_579 = vector.shape_cast %swap3A_578 : vector<1x1x16xf32> to vector<16xf32>
        %swap3A_580 = vector.shape_cast %get3A_573 : vector<16xf32> to vector<1x1x16xf32>
        tpu.vector_store %arg8[%swap3A_575, %swap3A_576, %swap3A_577], %swap3A_580 {add = true, strides = array<i32>} : memref<4x8x768xf32, #tpu.memory_space<vmem>>, vector<1x1x16xf32>,
        %get3A_581 = arith.constant 2 : i32
        %get3A_582 = arith.index_cast %get3A_581 : i32 to index
        %get3A_583 = arith.index_cast %scan3A_452 : i32 to index
        %get3A_584 = arith.constant 160 : index
        %get3A_585 = tpu.vector_load %arg7[%get3A_582, %get3A_583, %get3A_584] {strides = array<i32>} : memref<4x8x768xf32, #tpu.memory_space<vmem>>, vector<1x1x16xf32>,
        %get3A_586 = vector.shape_cast %get3A_585 : vector<1x1x16xf32> to vector<16xf32>
        %swap3A_587 = arith.constant 2 : i32
        %swap3A_588 = arith.index_cast %swap3A_587 : i32 to index
        %swap3A_589 = arith.index_cast %scan3A_452 : i32 to index
        %swap3A_590 = arith.constant 160 : index
        %swap3A_591 = tpu.vector_load %arg8[%swap3A_588, %swap3A_589, %swap3A_590] {strides = array<i32>} : memref<4x8x768xf32, #tpu.memory_space<vmem>>, vector<1x1x16xf32>,
        %swap3A_592 = vector.shape_cast %swap3A_591 : vector<1x1x16xf32> to vector<16xf32>
        %swap3A_593 = vector.shape_cast %get3A_586 : vector<16xf32> to vector<1x1x16xf32>
        tpu.vector_store %arg8[%swap3A_588, %swap3A_589, %swap3A_590], %swap3A_593 {add = true, strides = array<i32>} : memref<4x8x768xf32, #tpu.memory_space<vmem>>, vector<1x1x16xf32>,
        %get3A_594 = arith.constant 2 : i32
        %get3A_595 = arith.index_cast %get3A_594 : i32 to index
        %get3A_596 = arith.index_cast %scan3A_452 : i32 to index
        %get3A_597 = arith.constant 176 : index
        %get3A_598 = tpu.vector_load %arg7[%get3A_595, %get3A_596, %get3A_597] {strides = array<i32>} : memref<4x8x768xf32, #tpu.memory_space<vmem>>, vector<1x1x16xf32>,
        %get3A_599 = vector.shape_cast %get3A_598 : vector<1x1x16xf32> to vector<16xf32>
        %swap3A_600 = arith.constant 2 : i32
        %swap3A_601 = arith.index_cast %swap3A_600 : i32 to index
        %swap3A_602 = arith.index_cast %scan3A_452 : i32 to index
        %swap3A_603 = arith.constant 176 : index
        %swap3A_604 = tpu.vector_load %arg8[%swap3A_601, %swap3A_602, %swap3A_603] {strides = array<i32>} : memref<4x8x768xf32, #tpu.memory_space<vmem>>, vector<1x1x16xf32>,
        %swap3A_605 = vector.shape_cast %swap3A_604 : vector<1x1x16xf32> to vector<16xf32>
        %swap3A_606 = vector.shape_cast %get3A_599 : vector<16xf32> to vector<1x1x16xf32>
        tpu.vector_store %arg8[%swap3A_601, %swap3A_602, %swap3A_603], %swap3A_606 {add = true, strides = array<i32>} : memref<4x8x768xf32, #tpu.memory_space<vmem>>, vector<1x1x16xf32>,
        %get3A_607 = arith.constant 2 : i32
        %get3A_608 = arith.index_cast %get3A_607 : i32 to index
        %get3A_609 = arith.index_cast %scan3A_452 : i32 to index
        %get3A_610 = arith.constant 192 : index
        %get3A_611 = tpu.vector_load %arg7[%get3A_608, %get3A_609, %get3A_610] {strides = array<i32>} : memref<4x8x768xf32, #tpu.memory_space<vmem>>, vector<1x1x16xf32>,
        %get3A_612 = vector.shape_cast %get3A_611 : vector<1x1x16xf32> to vector<16xf32>
        %swap3A_613 = arith.constant 2 : i32
        %swap3A_614 = arith.index_cast %swap3A_613 : i32 to index
        %swap3A_615 = arith.index_cast %scan3A_452 : i32 to index
        %swap3A_616 = arith.constant 192 : index
        %swap3A_617 = tpu.vector_load %arg8[%swap3A_614, %swap3A_615, %swap3A_616] {strides = array<i32>} : memref<4x8x768xf32, #tpu.memory_space<vmem>>, vector<1x1x16xf32>,
        %swap3A_618 = vector.shape_cast %swap3A_617 : vector<1x1x16xf32> to vector<16xf32>
        %swap3A_619 = vector.shape_cast %get3A_612 : vector<16xf32> to vector<1x1x16xf32>
        tpu.vector_store %arg8[%swap3A_614, %swap3A_615, %swap3A_616], %swap3A_619 {add = true, strides = array<i32>} : memref<4x8x768xf32, #tpu.memory_space<vmem>>, vector<1x1x16xf32>,
        %get3A_620 = arith.constant 2 : i32
        %get3A_621 = arith.index_cast %get3A_620 : i32 to index
        %get3A_622 = arith.index_cast %scan3A_452 : i32 to index
        %get3A_623 = arith.constant 208 : index
        %get3A_624 = tpu.vector_load %arg7[%get3A_621, %get3A_622, %get3A_623] {strides = array<i32>} : memref<4x8x768xf32, #tpu.memory_space<vmem>>, vector<1x1x16xf32>,
        %get3A_625 = vector.shape_cast %get3A_624 : vector<1x1x16xf32> to vector<16xf32>
        %swap3A_626 = arith.constant 2 : i32
        %swap3A_627 = arith.index_cast %swap3A_626 : i32 to index
        %swap3A_628 = arith.index_cast %scan3A_452 : i32 to index
        %swap3A_629 = arith.constant 208 : index
        %swap3A_630 = tpu.vector_load %arg8[%swap3A_627, %swap3A_628, %swap3A_629] {strides = array<i32>} : memref<4x8x768xf32, #tpu.memory_space<vmem>>, vector<1x1x16xf32>,
        %swap3A_631 = vector.shape_cast %swap3A_630 : vector<1x1x16xf32> to vector<16xf32>
        %swap3A_632 = vector.shape_cast %get3A_625 : vector<16xf32> to vector<1x1x16xf32>
        tpu.vector_store %arg8[%swap3A_627, %swap3A_628, %swap3A_629], %swap3A_632 {add = true, strides = array<i32>} : memref<4x8x768xf32, #tpu.memory_space<vmem>>, vector<1x1x16xf32>,
        %get3A_633 = arith.constant 2 : i32
        %get3A_634 = arith.index_cast %get3A_633 : i32 to index
        %get3A_635 = arith.index_cast %scan3A_452 : i32 to index
        %get3A_636 = arith.constant 224 : index
        %get3A_637 = tpu.vector_load %arg7[%get3A_634, %get3A_635, %get3A_636] {strides = array<i32>} : memref<4x8x768xf32, #tpu.memory_space<vmem>>, vector<1x1x16xf32>,
        %get3A_638 = vector.shape_cast %get3A_637 : vector<1x1x16xf32> to vector<16xf32>
        %swap3A_639 = arith.constant 2 : i32
        %swap3A_640 = arith.index_cast %swap3A_639 : i32 to index
        %swap3A_641 = arith.index_cast %scan3A_452 : i32 to index
        %swap3A_642 = arith.constant 224 : index
        %swap3A_643 = tpu.vector_load %arg8[%swap3A_640, %swap3A_641, %swap3A_642] {strides = array<i32>} : memref<4x8x768xf32, #tpu.memory_space<vmem>>, vector<1x1x16xf32>,
        %swap3A_644 = vector.shape_cast %swap3A_643 : vector<1x1x16xf32> to vector<16xf32>
        %swap3A_645 = vector.shape_cast %get3A_638 : vector<16xf32> to vector<1x1x16xf32>
        tpu.vector_store %arg8[%swap3A_640, %swap3A_641, %swap3A_642], %swap3A_645 {add = true, strides = array<i32>} : memref<4x8x768xf32, #tpu.memory_space<vmem>>, vector<1x1x16xf32>,
        %get3A_646 = arith.constant 2 : i32
        %get3A_647 = arith.index_cast %get3A_646 : i32 to index
        %get3A_648 = arith.index_cast %scan3A_452 : i32 to index
        %get3A_649 = arith.constant 240 : index
        %get3A_650 = tpu.vector_load %arg7[%get3A_647, %get3A_648, %get3A_649] {strides = array<i32>} : memref<4x8x768xf32, #tpu.memory_space<vmem>>, vector<1x1x16xf32>,
        %get3A_651 = vector.shape_cast %get3A_650 : vector<1x1x16xf32> to vector<16xf32>
        %swap3A_652 = arith.constant 2 : i32
        %swap3A_653 = arith.index_cast %swap3A_652 : i32 to index
        %swap3A_654 = arith.index_cast %scan3A_452 : i32 to index
        %swap3A_655 = arith.constant 240 : index
        %swap3A_656 = tpu.vector_load %arg8[%swap3A_653, %swap3A_654, %swap3A_655] {strides = array<i32>} : memref<4x8x768xf32, #tpu.memory_space<vmem>>, vector<1x1x16xf32>,
        %swap3A_657 = vector.shape_cast %swap3A_656 : vector<1x1x16xf32> to vector<16xf32>
        %swap3A_658 = vector.shape_cast %get3A_651 : vector<16xf32> to vector<1x1x16xf32>
        tpu.vector_store %arg8[%swap3A_653, %swap3A_654, %swap3A_655], %swap3A_658 {add = true, strides = array<i32>} : memref<4x8x768xf32, #tpu.memory_space<vmem>>, vector<1x1x16xf32>,
        %get3A_659 = arith.constant 2 : i32
        %get3A_660 = arith.index_cast %get3A_659 : i32 to index
        %get3A_661 = arith.index_cast %scan3A_452 : i32 to index
        %get3A_662 = arith.constant 256 : index
        %get3A_663 = tpu.vector_load %arg7[%get3A_660, %get3A_661, %get3A_662] {strides = array<i32>} : memref<4x8x768xf32, #tpu.memory_space<vmem>>, vector<1x1x16xf32>,
        %get3A_664 = vector.shape_cast %get3A_663 : vector<1x1x16xf32> to vector<16xf32>
        %swap3A_665 = arith.constant 2 : i32
        %swap3A_666 = arith.index_cast %swap3A_665 : i32 to index
        %swap3A_667 = arith.index_cast %scan3A_452 : i32 to index
        %swap3A_668 = arith.constant 256 : index
        %swap3A_669 = tpu.vector_load %arg8[%swap3A_666, %swap3A_667, %swap3A_668] {strides = array<i32>} : memref<4x8x768xf32, #tpu.memory_space<vmem>>, vector<1x1x16xf32>,
        %swap3A_670 = vector.shape_cast %swap3A_669 : vector<1x1x16xf32> to vector<16xf32>
        %swap3A_671 = vector.shape_cast %get3A_664 : vector<16xf32> to vector<1x1x16xf32>
        tpu.vector_store %arg8[%swap3A_666, %swap3A_667, %swap3A_668], %swap3A_671 {add = true, strides = array<i32>} : memref<4x8x768xf32, #tpu.memory_space<vmem>>, vector<1x1x16xf32>,
        %get3A_672 = arith.constant 2 : i32
        %get3A_673 = arith.index_cast %get3A_672 : i32 to index
        %get3A_674 = arith.index_cast %scan3A_452 : i32 to index
        %get3A_675 = arith.constant 272 : index
        %get3A_676 = tpu.vector_load %arg7[%get3A_673, %get3A_674, %get3A_675] {strides = array<i32>} : memref<4x8x768xf32, #tpu.memory_space<vmem>>, vector<1x1x16xf32>,
        %get3A_677 = vector.shape_cast %get3A_676 : vector<1x1x16xf32> to vector<16xf32>
        %swap3A_678 = arith.constant 2 : i32
        %swap3A_679 = arith.index_cast %swap3A_678 : i32 to index
        %swap3A_680 = arith.index_cast %scan3A_452 : i32 to index
        %swap3A_681 = arith.constant 272 : index
        %swap3A_682 = tpu.vector_load %arg8[%swap3A_679, %swap3A_680, %swap3A_681] {strides = array<i32>} : memref<4x8x768xf32, #tpu.memory_space<vmem>>, vector<1x1x16xf32>,
        %swap3A_683 = vector.shape_cast %swap3A_682 : vector<1x1x16xf32> to vector<16xf32>
        %swap3A_684 = vector.shape_cast %get3A_677 : vector<16xf32> to vector<1x1x16xf32>
        tpu.vector_store %arg8[%swap3A_679, %swap3A_680, %swap3A_681], %swap3A_684 {add = true, strides = array<i32>} : memref<4x8x768xf32, #tpu.memory_space<vmem>>, vector<1x1x16xf32>,
        %get3A_685 = arith.constant 2 : i32
        %get3A_686 = arith.index_cast %get3A_685 : i32 to index
        %get3A_687 = arith.index_cast %scan3A_452 : i32 to index
        %get3A_688 = arith.constant 288 : index
        %get3A_689 = tpu.vector_load %arg7[%get3A_686, %get3A_687, %get3A_688] {strides = array<i32>} : memref<4x8x768xf32, #tpu.memory_space<vmem>>, vector<1x1x16xf32>,
        %get3A_690 = vector.shape_cast %get3A_689 : vector<1x1x16xf32> to vector<16xf32>
        %swap3A_691 = arith.constant 2 : i32
        %swap3A_692 = arith.index_cast %swap3A_691 : i32 to index
        %swap3A_693 = arith.index_cast %scan3A_452 : i32 to index
        %swap3A_694 = arith.constant 288 : index
        %swap3A_695 = tpu.vector_load %arg8[%swap3A_692, %swap3A_693, %swap3A_694] {strides = array<i32>} : memref<4x8x768xf32, #tpu.memory_space<vmem>>, vector<1x1x16xf32>,
        %swap3A_696 = vector.shape_cast %swap3A_695 : vector<1x1x16xf32> to vector<16xf32>
        %swap3A_697 = vector.shape_cast %get3A_690 : vector<16xf32> to vector<1x1x16xf32>
        tpu.vector_store %arg8[%swap3A_692, %swap3A_693, %swap3A_694], %swap3A_697 {add = true, strides = array<i32>} : memref<4x8x768xf32, #tpu.memory_space<vmem>>, vector<1x1x16xf32>,
        %get3A_698 = arith.constant 2 : i32
        %get3A_699 = arith.index_cast %get3A_698 : i32 to index
        %get3A_700 = arith.index_cast %scan3A_452 : i32 to index
        %get3A_701 = arith.constant 304 : index
        %get3A_702 = tpu.vector_load %arg7[%get3A_699, %get3A_700, %get3A_701] {strides = array<i32>} : memref<4x8x768xf32, #tpu.memory_space<vmem>>, vector<1x1x16xf32>,
        %get3A_703 = vector.shape_cast %get3A_702 : vector<1x1x16xf32> to vector<16xf32>
        %swap3A_704 = arith.constant 2 : i32
        %swap3A_705 = arith.index_cast %swap3A_704 : i32 to index
        %swap3A_706 = arith.index_cast %scan3A_452 : i32 to index
        %swap3A_707 = arith.constant 304 : index
        %swap3A_708 = tpu.vector_load %arg8[%swap3A_705, %swap3A_706, %swap3A_707] {strides = array<i32>} : memref<4x8x768xf32, #tpu.memory_space<vmem>>, vector<1x1x16xf32>,
        %swap3A_709 = vector.shape_cast %swap3A_708 : vector<1x1x16xf32> to vector<16xf32>
        %swap3A_710 = vector.shape_cast %get3A_703 : vector<16xf32> to vector<1x1x16xf32>
        tpu.vector_store %arg8[%swap3A_705, %swap3A_706, %swap3A_707], %swap3A_710 {add = true, strides = array<i32>} : memref<4x8x768xf32, #tpu.memory_space<vmem>>, vector<1x1x16xf32>,
        %get3A_711 = arith.constant 2 : i32
        %get3A_712 = arith.index_cast %get3A_711 : i32 to index
        %get3A_713 = arith.index_cast %scan3A_452 : i32 to index
        %get3A_714 = arith.constant 320 : index
        %get3A_715 = tpu.vector_load %arg7[%get3A_712, %get3A_713, %get3A_714] {strides = array<i32>} : memref<4x8x768xf32, #tpu.memory_space<vmem>>, vector<1x1x16xf32>,
        %get3A_716 = vector.shape_cast %get3A_715 : vector<1x1x16xf32> to vector<16xf32>
        %swap3A_717 = arith.constant 2 : i32
        %swap3A_718 = arith.index_cast %swap3A_717 : i32 to index
        %swap3A_719 = arith.index_cast %scan3A_452 : i32 to index
        %swap3A_720 = arith.constant 320 : index
        %swap3A_721 = tpu.vector_load %arg8[%swap3A_718, %swap3A_719, %swap3A_720] {strides = array<i32>} : memref<4x8x768xf32, #tpu.memory_space<vmem>>, vector<1x1x16xf32>,
        %swap3A_722 = vector.shape_cast %swap3A_721 : vector<1x1x16xf32> to vector<16xf32>
        %swap3A_723 = vector.shape_cast %get3A_716 : vector<16xf32> to vector<1x1x16xf32>
        tpu.vector_store %arg8[%swap3A_718, %swap3A_719, %swap3A_720], %swap3A_723 {add = true, strides = array<i32>} : memref<4x8x768xf32, #tpu.memory_space<vmem>>, vector<1x1x16xf32>,
        %get3A_724 = arith.constant 2 : i32
        %get3A_725 = arith.index_cast %get3A_724 : i32 to index
        %get3A_726 = arith.index_cast %scan3A_452 : i32 to index
        %get3A_727 = arith.constant 336 : index
        %get3A_728 = tpu.vector_load %arg7[%get3A_725, %get3A_726, %get3A_727] {strides = array<i32>} : memref<4x8x768xf32, #tpu.memory_space<vmem>>, vector<1x1x16xf32>,
        %get3A_729 = vector.shape_cast %get3A_728 : vector<1x1x16xf32> to vector<16xf32>
        %swap3A_730 = arith.constant 2 : i32
        %swap3A_731 = arith.index_cast %swap3A_730 : i32 to index
        %swap3A_732 = arith.index_cast %scan3A_452 : i32 to index
        %swap3A_733 = arith.constant 336 : index
        %swap3A_734 = tpu.vector_load %arg8[%swap3A_731, %swap3A_732, %swap3A_733] {strides = array<i32>} : memref<4x8x768xf32, #tpu.memory_space<vmem>>, vector<1x1x16xf32>,
        %swap3A_735 = vector.shape_cast %swap3A_734 : vector<1x1x16xf32> to vector<16xf32>
        %swap3A_736 = vector.shape_cast %get3A_729 : vector<16xf32> to vector<1x1x16xf32>
        tpu.vector_store %arg8[%swap3A_731, %swap3A_732, %swap3A_733], %swap3A_736 {add = true, strides = array<i32>} : memref<4x8x768xf32, #tpu.memory_space<vmem>>, vector<1x1x16xf32>,
        %get3A_737 = arith.constant 2 : i32
        %get3A_738 = arith.index_cast %get3A_737 : i32 to index
        %get3A_739 = arith.index_cast %scan3A_452 : i32 to index
        %get3A_740 = arith.constant 352 : index
        %get3A_741 = tpu.vector_load %arg7[%get3A_738, %get3A_739, %get3A_740] {strides = array<i32>} : memref<4x8x768xf32, #tpu.memory_space<vmem>>, vector<1x1x16xf32>,
        %get3A_742 = vector.shape_cast %get3A_741 : vector<1x1x16xf32> to vector<16xf32>
        %swap3A_743 = arith.constant 2 : i32
        %swap3A_744 = arith.index_cast %swap3A_743 : i32 to index
        %swap3A_745 = arith.index_cast %scan3A_452 : i32 to index
        %swap3A_746 = arith.constant 352 : index
        %swap3A_747 = tpu.vector_load %arg8[%swap3A_744, %swap3A_745, %swap3A_746] {strides = array<i32>} : memref<4x8x768xf32, #tpu.memory_space<vmem>>, vector<1x1x16xf32>,
        %swap3A_748 = vector.shape_cast %swap3A_747 : vector<1x1x16xf32> to vector<16xf32>
        %swap3A_749 = vector.shape_cast %get3A_742 : vector<16xf32> to vector<1x1x16xf32>
        tpu.vector_store %arg8[%swap3A_744, %swap3A_745, %swap3A_746], %swap3A_749 {add = true, strides = array<i32>} : memref<4x8x768xf32, #tpu.memory_space<vmem>>, vector<1x1x16xf32>,
        %get3A_750 = arith.constant 2 : i32
        %get3A_751 = arith.index_cast %get3A_750 : i32 to index
        %get3A_752 = arith.index_cast %scan3A_452 : i32 to index
        %get3A_753 = arith.constant 368 : index
        %get3A_754 = tpu.vector_load %arg7[%get3A_751, %get3A_752, %get3A_753] {strides = array<i32>} : memref<4x8x768xf32, #tpu.memory_space<vmem>>, vector<1x1x16xf32>,
        %get3A_755 = vector.shape_cast %get3A_754 : vector<1x1x16xf32> to vector<16xf32>
        %swap3A_756 = arith.constant 2 : i32
        %swap3A_757 = arith.index_cast %swap3A_756 : i32 to index
        %swap3A_758 = arith.index_cast %scan3A_452 : i32 to index
        %swap3A_759 = arith.constant 368 : index
        %swap3A_760 = tpu.vector_load %arg8[%swap3A_757, %swap3A_758, %swap3A_759] {strides = array<i32>} : memref<4x8x768xf32, #tpu.memory_space<vmem>>, vector<1x1x16xf32>,
        %swap3A_761 = vector.shape_cast %swap3A_760 : vector<1x1x16xf32> to vector<16xf32>
        %swap3A_762 = vector.shape_cast %get3A_755 : vector<16xf32> to vector<1x1x16xf32>
        tpu.vector_store %arg8[%swap3A_757, %swap3A_758, %swap3A_759], %swap3A_762 {add = true, strides = array<i32>} : memref<4x8x768xf32, #tpu.memory_space<vmem>>, vector<1x1x16xf32>,
        %get3A_763 = arith.constant 2 : i32
        %get3A_764 = arith.index_cast %get3A_763 : i32 to index
        %get3A_765 = arith.index_cast %scan3A_452 : i32 to index
        %get3A_766 = arith.constant 384 : index
        %get3A_767 = tpu.vector_load %arg7[%get3A_764, %get3A_765, %get3A_766] {strides = array<i32>} : memref<4x8x768xf32, #tpu.memory_space<vmem>>, vector<1x1x16xf32>,
        %get3A_768 = vector.shape_cast %get3A_767 : vector<1x1x16xf32> to vector<16xf32>
        %swap3A_769 = arith.constant 2 : i32
        %swap3A_770 = arith.index_cast %swap3A_769 : i32 to index
        %swap3A_771 = arith.index_cast %scan3A_452 : i32 to index
        %swap3A_772 = arith.constant 384 : index
        %swap3A_773 = tpu.vector_load %arg8[%swap3A_770, %swap3A_771, %swap3A_772] {strides = array<i32>} : memref<4x8x768xf32, #tpu.memory_space<vmem>>, vector<1x1x16xf32>,
        %swap3A_774 = vector.shape_cast %swap3A_773 : vector<1x1x16xf32> to vector<16xf32>
        %swap3A_775 = vector.shape_cast %get3A_768 : vector<16xf32> to vector<1x1x16xf32>
        tpu.vector_store %arg8[%swap3A_770, %swap3A_771, %swap3A_772], %swap3A_775 {add = true, strides = array<i32>} : memref<4x8x768xf32, #tpu.memory_space<vmem>>, vector<1x1x16xf32>,
        %get3A_776 = arith.constant 2 : i32
        %get3A_777 = arith.index_cast %get3A_776 : i32 to index
        %get3A_778 = arith.index_cast %scan3A_452 : i32 to index
        %get3A_779 = arith.constant 400 : index
        %get3A_780 = tpu.vector_load %arg7[%get3A_777, %get3A_778, %get3A_779] {strides = array<i32>} : memref<4x8x768xf32, #tpu.memory_space<vmem>>, vector<1x1x16xf32>,
        %get3A_781 = vector.shape_cast %get3A_780 : vector<1x1x16xf32> to vector<16xf32>
        %swap3A_782 = arith.constant 2 : i32
        %swap3A_783 = arith.index_cast %swap3A_782 : i32 to index
        %swap3A_784 = arith.index_cast %scan3A_452 : i32 to index
        %swap3A_785 = arith.constant 400 : index
        %swap3A_786 = tpu.vector_load %arg8[%swap3A_783, %swap3A_784, %swap3A_785] {strides = array<i32>} : memref<4x8x768xf32, #tpu.memory_space<vmem>>, vector<1x1x16xf32>,
        %swap3A_787 = vector.shape_cast %swap3A_786 : vector<1x1x16xf32> to vector<16xf32>
        %swap3A_788 = vector.shape_cast %get3A_781 : vector<16xf32> to vector<1x1x16xf32>
        tpu.vector_store %arg8[%swap3A_783, %swap3A_784, %swap3A_785], %swap3A_788 {add = true, strides = array<i32>} : memref<4x8x768xf32, #tpu.memory_space<vmem>>, vector<1x1x16xf32>,
        %get3A_789 = arith.constant 2 : i32
        %get3A_790 = arith.index_cast %get3A_789 : i32 to index
        %get3A_791 = arith.index_cast %scan3A_452 : i32 to index
        %get3A_792 = arith.constant 416 : index
        %get3A_793 = tpu.vector_load %arg7[%get3A_790, %get3A_791, %get3A_792] {strides = array<i32>} : memref<4x8x768xf32, #tpu.memory_space<vmem>>, vector<1x1x16xf32>,
        %get3A_794 = vector.shape_cast %get3A_793 : vector<1x1x16xf32> to vector<16xf32>
        %swap3A_795 = arith.constant 2 : i32
        %swap3A_796 = arith.index_cast %swap3A_795 : i32 to index
        %swap3A_797 = arith.index_cast %scan3A_452 : i32 to index
        %swap3A_798 = arith.constant 416 : index
        %swap3A_799 = tpu.vector_load %arg8[%swap3A_796, %swap3A_797, %swap3A_798] {strides = array<i32>} : memref<4x8x768xf32, #tpu.memory_space<vmem>>, vector<1x1x16xf32>,
        %swap3A_800 = vector.shape_cast %swap3A_799 : vector<1x1x16xf32> to vector<16xf32>
        %swap3A_801 = vector.shape_cast %get3A_794 : vector<16xf32> to vector<1x1x16xf32>
        tpu.vector_store %arg8[%swap3A_796, %swap3A_797, %swap3A_798], %swap3A_801 {add = true, strides = array<i32>} : memref<4x8x768xf32, #tpu.memory_space<vmem>>, vector<1x1x16xf32>,
        %get3A_802 = arith.constant 2 : i32
        %get3A_803 = arith.index_cast %get3A_802 : i32 to index
        %get3A_804 = arith.index_cast %scan3A_452 : i32 to index
        %get3A_805 = arith.constant 432 : index
        %get3A_806 = tpu.vector_load %arg7[%get3A_803, %get3A_804, %get3A_805] {strides = array<i32>} : memref<4x8x768xf32, #tpu.memory_space<vmem>>, vector<1x1x16xf32>,
        %get3A_807 = vector.shape_cast %get3A_806 : vector<1x1x16xf32> to vector<16xf32>
        %swap3A_808 = arith.constant 2 : i32
        %swap3A_809 = arith.index_cast %swap3A_808 : i32 to index
        %swap3A_810 = arith.index_cast %scan3A_452 : i32 to index
        %swap3A_811 = arith.constant 432 : index
        %swap3A_812 = tpu.vector_load %arg8[%swap3A_809, %swap3A_810, %swap3A_811] {strides = array<i32>} : memref<4x8x768xf32, #tpu.memory_space<vmem>>, vector<1x1x16xf32>,
        %swap3A_813 = vector.shape_cast %swap3A_812 : vector<1x1x16xf32> to vector<16xf32>
        %swap3A_814 = vector.shape_cast %get3A_807 : vector<16xf32> to vector<1x1x16xf32>
        tpu.vector_store %arg8[%swap3A_809, %swap3A_810, %swap3A_811], %swap3A_814 {add = true, strides = array<i32>} : memref<4x8x768xf32, #tpu.memory_space<vmem>>, vector<1x1x16xf32>,
        %get3A_815 = arith.constant 2 : i32
        %get3A_816 = arith.index_cast %get3A_815 : i32 to index
        %get3A_817 = arith.index_cast %scan3A_452 : i32 to index
        %get3A_818 = arith.constant 448 : index
        %get3A_819 = tpu.vector_load %arg7[%get3A_816, %get3A_817, %get3A_818] {strides = array<i32>} : memref<4x8x768xf32, #tpu.memory_space<vmem>>, vector<1x1x16xf32>,
        %get3A_820 = vector.shape_cast %get3A_819 : vector<1x1x16xf32> to vector<16xf32>
        %swap3A_821 = arith.constant 2 : i32
        %swap3A_822 = arith.index_cast %swap3A_821 : i32 to index
        %swap3A_823 = arith.index_cast %scan3A_452 : i32 to index
        %swap3A_824 = arith.constant 448 : index
        %swap3A_825 = tpu.vector_load %arg8[%swap3A_822, %swap3A_823, %swap3A_824] {strides = array<i32>} : memref<4x8x768xf32, #tpu.memory_space<vmem>>, vector<1x1x16xf32>,
        %swap3A_826 = vector.shape_cast %swap3A_825 : vector<1x1x16xf32> to vector<16xf32>
        %swap3A_827 = vector.shape_cast %get3A_820 : vector<16xf32> to vector<1x1x16xf32>
        tpu.vector_store %arg8[%swap3A_822, %swap3A_823, %swap3A_824], %swap3A_827 {add = true, strides = array<i32>} : memref<4x8x768xf32, #tpu.memory_space<vmem>>, vector<1x1x16xf32>,
        %get3A_828 = arith.constant 2 : i32
        %get3A_829 = arith.index_cast %get3A_828 : i32 to index
        %get3A_830 = arith.index_cast %scan3A_452 : i32 to index
        %get3A_831 = arith.constant 464 : index
        %get3A_832 = tpu.vector_load %arg7[%get3A_829, %get3A_830, %get3A_831] {strides = array<i32>} : memref<4x8x768xf32, #tpu.memory_space<vmem>>, vector<1x1x16xf32>,
        %get3A_833 = vector.shape_cast %get3A_832 : vector<1x1x16xf32> to vector<16xf32>
        %swap3A_834 = arith.constant 2 : i32
        %swap3A_835 = arith.index_cast %swap3A_834 : i32 to index
        %swap3A_836 = arith.index_cast %scan3A_452 : i32 to index
        %swap3A_837 = arith.constant 464 : index
        %swap3A_838 = tpu.vector_load %arg8[%swap3A_835, %swap3A_836, %swap3A_837] {strides = array<i32>} : memref<4x8x768xf32, #tpu.memory_space<vmem>>, vector<1x1x16xf32>,
        %swap3A_839 = vector.shape_cast %swap3A_838 : vector<1x1x16xf32> to vector<16xf32>
        %swap3A_840 = vector.shape_cast %get3A_833 : vector<16xf32> to vector<1x1x16xf32>
        tpu.vector_store %arg8[%swap3A_835, %swap3A_836, %swap3A_837], %swap3A_840 {add = true, strides = array<i32>} : memref<4x8x768xf32, #tpu.memory_space<vmem>>, vector<1x1x16xf32>,
        %get3A_841 = arith.constant 2 : i32
        %get3A_842 = arith.index_cast %get3A_841 : i32 to index
        %get3A_843 = arith.index_cast %scan3A_452 : i32 to index
        %get3A_844 = arith.constant 480 : index
        %get3A_845 = tpu.vector_load %arg7[%get3A_842, %get3A_843, %get3A_844] {strides = array<i32>} : memref<4x8x768xf32, #tpu.memory_space<vmem>>, vector<1x1x16xf32>,
        %get3A_846 = vector.shape_cast %get3A_845 : vector<1x1x16xf32> to vector<16xf32>
        %swap3A_847 = arith.constant 2 : i32
        %swap3A_848 = arith.index_cast %swap3A_847 : i32 to index
        %swap3A_849 = arith.index_cast %scan3A_452 : i32 to index
        %swap3A_850 = arith.constant 480 : index
        %swap3A_851 = tpu.vector_load %arg8[%swap3A_848, %swap3A_849, %swap3A_850] {strides = array<i32>} : memref<4x8x768xf32, #tpu.memory_space<vmem>>, vector<1x1x16xf32>,
        %swap3A_852 = vector.shape_cast %swap3A_851 : vector<1x1x16xf32> to vector<16xf32>
        %swap3A_853 = vector.shape_cast %get3A_846 : vector<16xf32> to vector<1x1x16xf32>
        tpu.vector_store %arg8[%swap3A_848, %swap3A_849, %swap3A_850], %swap3A_853 {add = true, strides = array<i32>} : memref<4x8x768xf32, #tpu.memory_space<vmem>>, vector<1x1x16xf32>,
        %get3A_854 = arith.constant 2 : i32
        %get3A_855 = arith.index_cast %get3A_854 : i32 to index
        %get3A_856 = arith.index_cast %scan3A_452 : i32 to index
        %get3A_857 = arith.constant 496 : index
        %get3A_858 = tpu.vector_load %arg7[%get3A_855, %get3A_856, %get3A_857] {strides = array<i32>} : memref<4x8x768xf32, #tpu.memory_space<vmem>>, vector<1x1x16xf32>,
        %get3A_859 = vector.shape_cast %get3A_858 : vector<1x1x16xf32> to vector<16xf32>
        %swap3A_860 = arith.constant 2 : i32
        %swap3A_861 = arith.index_cast %swap3A_860 : i32 to index
        %swap3A_862 = arith.index_cast %scan3A_452 : i32 to index
        %swap3A_863 = arith.constant 496 : index
        %swap3A_864 = tpu.vector_load %arg8[%swap3A_861, %swap3A_862, %swap3A_863] {strides = array<i32>} : memref<4x8x768xf32, #tpu.memory_space<vmem>>, vector<1x1x16xf32>,
        %swap3A_865 = vector.shape_cast %swap3A_864 : vector<1x1x16xf32> to vector<16xf32>
        %swap3A_866 = vector.shape_cast %get3A_859 : vector<16xf32> to vector<1x1x16xf32>
        tpu.vector_store %arg8[%swap3A_861, %swap3A_862, %swap3A_863], %swap3A_866 {add = true, strides = array<i32>} : memref<4x8x768xf32, #tpu.memory_space<vmem>>, vector<1x1x16xf32>,
        %get3A_867 = arith.constant 2 : i32
        %get3A_868 = arith.index_cast %get3A_867 : i32 to index
        %get3A_869 = arith.index_cast %scan3A_452 : i32 to index
        %get3A_870 = arith.constant 512 : index
        %get3A_871 = tpu.vector_load %arg7[%get3A_868, %get3A_869, %get3A_870] {strides = array<i32>} : memref<4x8x768xf32, #tpu.memory_space<vmem>>, vector<1x1x16xf32>,
        %get3A_872 = vector.shape_cast %get3A_871 : vector<1x1x16xf32> to vector<16xf32>
        %swap3A_873 = arith.constant 2 : i32
        %swap3A_874 = arith.index_cast %swap3A_873 : i32 to index
        %swap3A_875 = arith.index_cast %scan3A_452 : i32 to index
        %swap3A_876 = arith.constant 512 : index
        %swap3A_877 = tpu.vector_load %arg8[%swap3A_874, %swap3A_875, %swap3A_876] {strides = array<i32>} : memref<4x8x768xf32, #tpu.memory_space<vmem>>, vector<1x1x16xf32>,
        %swap3A_878 = vector.shape_cast %swap3A_877 : vector<1x1x16xf32> to vector<16xf32>
        %swap3A_879 = vector.shape_cast %get3A_872 : vector<16xf32> to vector<1x1x16xf32>
        tpu.vector_store %arg8[%swap3A_874, %swap3A_875, %swap3A_876], %swap3A_879 {add = true, strides = array<i32>} : memref<4x8x768xf32, #tpu.memory_space<vmem>>, vector<1x1x16xf32>,
        %get3A_880 = arith.constant 2 : i32
        %get3A_881 = arith.index_cast %get3A_880 : i32 to index
        %get3A_882 = arith.index_cast %scan3A_452 : i32 to index
        %get3A_883 = arith.constant 528 : index
        %get3A_884 = tpu.vector_load %arg7[%get3A_881, %get3A_882, %get3A_883] {strides = array<i32>} : memref<4x8x768xf32, #tpu.memory_space<vmem>>, vector<1x1x16xf32>,
        %get3A_885 = vector.shape_cast %get3A_884 : vector<1x1x16xf32> to vector<16xf32>
        %swap3A_886 = arith.constant 2 : i32
        %swap3A_887 = arith.index_cast %swap3A_886 : i32 to index
        %swap3A_888 = arith.index_cast %scan3A_452 : i32 to index
        %swap3A_889 = arith.constant 528 : index
        %swap3A_890 = tpu.vector_load %arg8[%swap3A_887, %swap3A_888, %swap3A_889] {strides = array<i32>} : memref<4x8x768xf32, #tpu.memory_space<vmem>>, vector<1x1x16xf32>,
        %swap3A_891 = vector.shape_cast %swap3A_890 : vector<1x1x16xf32> to vector<16xf32>
        %swap3A_892 = vector.shape_cast %get3A_885 : vector<16xf32> to vector<1x1x16xf32>
        tpu.vector_store %arg8[%swap3A_887, %swap3A_888, %swap3A_889], %swap3A_892 {add = true, strides = array<i32>} : memref<4x8x768xf32, #tpu.memory_space<vmem>>, vector<1x1x16xf32>,
        %get3A_893 = arith.constant 2 : i32
        %get3A_894 = arith.index_cast %get3A_893 : i32 to index
        %get3A_895 = arith.index_cast %scan3A_452 : i32 to index
        %get3A_896 = arith.constant 544 : index
        %get3A_897 = tpu.vector_load %arg7[%get3A_894, %get3A_895, %get3A_896] {strides = array<i32>} : memref<4x8x768xf32, #tpu.memory_space<vmem>>, vector<1x1x16xf32>,
        %get3A_898 = vector.shape_cast %get3A_897 : vector<1x1x16xf32> to vector<16xf32>
        %swap3A_899 = arith.constant 2 : i32
        %swap3A_900 = arith.index_cast %swap3A_899 : i32 to index
        %swap3A_901 = arith.index_cast %scan3A_452 : i32 to index
        %swap3A_902 = arith.constant 544 : index
        %swap3A_903 = tpu.vector_load %arg8[%swap3A_900, %swap3A_901, %swap3A_902] {strides = array<i32>} : memref<4x8x768xf32, #tpu.memory_space<vmem>>, vector<1x1x16xf32>,
        %swap3A_904 = vector.shape_cast %swap3A_903 : vector<1x1x16xf32> to vector<16xf32>
        %swap3A_905 = vector.shape_cast %get3A_898 : vector<16xf32> to vector<1x1x16xf32>
        tpu.vector_store %arg8[%swap3A_900, %swap3A_901, %swap3A_902], %swap3A_905 {add = true, strides = array<i32>} : memref<4x8x768xf32, #tpu.memory_space<vmem>>, vector<1x1x16xf32>,
        %get3A_906 = arith.constant 2 : i32
        %get3A_907 = arith.index_cast %get3A_906 : i32 to index
        %get3A_908 = arith.index_cast %scan3A_452 : i32 to index
        %get3A_909 = arith.constant 560 : index
        %get3A_910 = tpu.vector_load %arg7[%get3A_907, %get3A_908, %get3A_909] {strides = array<i32>} : memref<4x8x768xf32, #tpu.memory_space<vmem>>, vector<1x1x16xf32>,
        %get3A_911 = vector.shape_cast %get3A_910 : vector<1x1x16xf32> to vector<16xf32>
        %swap3A_912 = arith.constant 2 : i32
        %swap3A_913 = arith.index_cast %swap3A_912 : i32 to index
        %swap3A_914 = arith.index_cast %scan3A_452 : i32 to index
        %swap3A_915 = arith.constant 560 : index
        %swap3A_916 = tpu.vector_load %arg8[%swap3A_913, %swap3A_914, %swap3A_915] {strides = array<i32>} : memref<4x8x768xf32, #tpu.memory_space<vmem>>, vector<1x1x16xf32>,
        %swap3A_917 = vector.shape_cast %swap3A_916 : vector<1x1x16xf32> to vector<16xf32>
        %swap3A_918 = vector.shape_cast %get3A_911 : vector<16xf32> to vector<1x1x16xf32>
        tpu.vector_store %arg8[%swap3A_913, %swap3A_914, %swap3A_915], %swap3A_918 {add = true, strides = array<i32>} : memref<4x8x768xf32, #tpu.memory_space<vmem>>, vector<1x1x16xf32>,
        %get3A_919 = arith.constant 2 : i32
        %get3A_920 = arith.index_cast %get3A_919 : i32 to index
        %get3A_921 = arith.index_cast %scan3A_452 : i32 to index
        %get3A_922 = arith.constant 576 : index
        %get3A_923 = tpu.vector_load %arg7[%get3A_920, %get3A_921, %get3A_922] {strides = array<i32>} : memref<4x8x768xf32, #tpu.memory_space<vmem>>, vector<1x1x16xf32>,
        %get3A_924 = vector.shape_cast %get3A_923 : vector<1x1x16xf32> to vector<16xf32>
        %swap3A_925 = arith.constant 2 : i32
        %swap3A_926 = arith.index_cast %swap3A_925 : i32 to index
        %swap3A_927 = arith.index_cast %scan3A_452 : i32 to index
        %swap3A_928 = arith.constant 576 : index
        %swap3A_929 = tpu.vector_load %arg8[%swap3A_926, %swap3A_927, %swap3A_928] {strides = array<i32>} : memref<4x8x768xf32, #tpu.memory_space<vmem>>, vector<1x1x16xf32>,
        %swap3A_930 = vector.shape_cast %swap3A_929 : vector<1x1x16xf32> to vector<16xf32>
        %swap3A_931 = vector.shape_cast %get3A_924 : vector<16xf32> to vector<1x1x16xf32>
        tpu.vector_store %arg8[%swap3A_926, %swap3A_927, %swap3A_928], %swap3A_931 {add = true, strides = array<i32>} : memref<4x8x768xf32, #tpu.memory_space<vmem>>, vector<1x1x16xf32>,
        %get3A_932 = arith.constant 2 : i32
        %get3A_933 = arith.index_cast %get3A_932 : i32 to index
        %get3A_934 = arith.index_cast %scan3A_452 : i32 to index
        %get3A_935 = arith.constant 592 : index
        %get3A_936 = tpu.vector_load %arg7[%get3A_933, %get3A_934, %get3A_935] {strides = array<i32>} : memref<4x8x768xf32, #tpu.memory_space<vmem>>, vector<1x1x16xf32>,
        %get3A_937 = vector.shape_cast %get3A_936 : vector<1x1x16xf32> to vector<16xf32>
        %swap3A_938 = arith.constant 2 : i32
        %swap3A_939 = arith.index_cast %swap3A_938 : i32 to index
        %swap3A_940 = arith.index_cast %scan3A_452 : i32 to index
        %swap3A_941 = arith.constant 592 : index
        %swap3A_942 = tpu.vector_load %arg8[%swap3A_939, %swap3A_940, %swap3A_941] {strides = array<i32>} : memref<4x8x768xf32, #tpu.memory_space<vmem>>, vector<1x1x16xf32>,
        %swap3A_943 = vector.shape_cast %swap3A_942 : vector<1x1x16xf32> to vector<16xf32>
        %swap3A_944 = vector.shape_cast %get3A_937 : vector<16xf32> to vector<1x1x16xf32>
        tpu.vector_store %arg8[%swap3A_939, %swap3A_940, %swap3A_941], %swap3A_944 {add = true, strides = array<i32>} : memref<4x8x768xf32, #tpu.memory_space<vmem>>, vector<1x1x16xf32>,
        %get3A_945 = arith.constant 2 : i32
        %get3A_946 = arith.index_cast %get3A_945 : i32 to index
        %get3A_947 = arith.index_cast %scan3A_452 : i32 to index
        %get3A_948 = arith.constant 608 : index
        %get3A_949 = tpu.vector_load %arg7[%get3A_946, %get3A_947, %get3A_948] {strides = array<i32>} : memref<4x8x768xf32, #tpu.memory_space<vmem>>, vector<1x1x16xf32>,
        %get3A_950 = vector.shape_cast %get3A_949 : vector<1x1x16xf32> to vector<16xf32>
        %swap3A_951 = arith.constant 2 : i32
        %swap3A_952 = arith.index_cast %swap3A_951 : i32 to index
        %swap3A_953 = arith.index_cast %scan3A_452 : i32 to index
        %swap3A_954 = arith.constant 608 : index
        %swap3A_955 = tpu.vector_load %arg8[%swap3A_952, %swap3A_953, %swap3A_954] {strides = array<i32>} : memref<4x8x768xf32, #tpu.memory_space<vmem>>, vector<1x1x16xf32>,
        %swap3A_956 = vector.shape_cast %swap3A_955 : vector<1x1x16xf32> to vector<16xf32>
        %swap3A_957 = vector.shape_cast %get3A_950 : vector<16xf32> to vector<1x1x16xf32>
        tpu.vector_store %arg8[%swap3A_952, %swap3A_953, %swap3A_954], %swap3A_957 {add = true, strides = array<i32>} : memref<4x8x768xf32, #tpu.memory_space<vmem>>, vector<1x1x16xf32>,
        %get3A_958 = arith.constant 2 : i32
        %get3A_959 = arith.index_cast %get3A_958 : i32 to index
        %get3A_960 = arith.index_cast %scan3A_452 : i32 to index
        %get3A_961 = arith.constant 624 : index
        %get3A_962 = tpu.vector_load %arg7[%get3A_959, %get3A_960, %get3A_961] {strides = array<i32>} : memref<4x8x768xf32, #tpu.memory_space<vmem>>, vector<1x1x16xf32>,
        %get3A_963 = vector.shape_cast %get3A_962 : vector<1x1x16xf32> to vector<16xf32>
        %swap3A_964 = arith.constant 2 : i32
        %swap3A_965 = arith.index_cast %swap3A_964 : i32 to index
        %swap3A_966 = arith.index_cast %scan3A_452 : i32 to index
        %swap3A_967 = arith.constant 624 : index
        %swap3A_968 = tpu.vector_load %arg8[%swap3A_965, %swap3A_966, %swap3A_967] {strides = array<i32>} : memref<4x8x768xf32, #tpu.memory_space<vmem>>, vector<1x1x16xf32>,
        %swap3A_969 = vector.shape_cast %swap3A_968 : vector<1x1x16xf32> to vector<16xf32>
        %swap3A_970 = vector.shape_cast %get3A_963 : vector<16xf32> to vector<1x1x16xf32>
        tpu.vector_store %arg8[%swap3A_965, %swap3A_966, %swap3A_967], %swap3A_970 {add = true, strides = array<i32>} : memref<4x8x768xf32, #tpu.memory_space<vmem>>, vector<1x1x16xf32>,
        %get3A_971 = arith.constant 2 : i32
        %get3A_972 = arith.index_cast %get3A_971 : i32 to index
        %get3A_973 = arith.index_cast %scan3A_452 : i32 to index
        %get3A_974 = arith.constant 640 : index
        %get3A_975 = tpu.vector_load %arg7[%get3A_972, %get3A_973, %get3A_974] {strides = array<i32>} : memref<4x8x768xf32, #tpu.memory_space<vmem>>, vector<1x1x16xf32>,
        %get3A_976 = vector.shape_cast %get3A_975 : vector<1x1x16xf32> to vector<16xf32>
        %swap3A_977 = arith.constant 2 : i32
        %swap3A_978 = arith.index_cast %swap3A_977 : i32 to index
        %swap3A_979 = arith.index_cast %scan3A_452 : i32 to index
        %swap3A_980 = arith.constant 640 : index
        %swap3A_981 = tpu.vector_load %arg8[%swap3A_978, %swap3A_979, %swap3A_980] {strides = array<i32>} : memref<4x8x768xf32, #tpu.memory_space<vmem>>, vector<1x1x16xf32>,
        %swap3A_982 = vector.shape_cast %swap3A_981 : vector<1x1x16xf32> to vector<16xf32>
        %swap3A_983 = vector.shape_cast %get3A_976 : vector<16xf32> to vector<1x1x16xf32>
        tpu.vector_store %arg8[%swap3A_978, %swap3A_979, %swap3A_980], %swap3A_983 {add = true, strides = array<i32>} : memref<4x8x768xf32, #tpu.memory_space<vmem>>, vector<1x1x16xf32>,
        %get3A_984 = arith.constant 2 : i32
        %get3A_985 = arith.index_cast %get3A_984 : i32 to index
        %get3A_986 = arith.index_cast %scan3A_452 : i32 to index
        %get3A_987 = arith.constant 656 : index
        %get3A_988 = tpu.vector_load %arg7[%get3A_985, %get3A_986, %get3A_987] {strides = array<i32>} : memref<4x8x768xf32, #tpu.memory_space<vmem>>, vector<1x1x16xf32>,
        %get3A_989 = vector.shape_cast %get3A_988 : vector<1x1x16xf32> to vector<16xf32>
        %swap3A_990 = arith.constant 2 : i32
        %swap3A_991 = arith.index_cast %swap3A_990 : i32 to index
        %swap3A_992 = arith.index_cast %scan3A_452 : i32 to index
        %swap3A_993 = arith.constant 656 : index
        %swap3A_994 = tpu.vector_load %arg8[%swap3A_991, %swap3A_992, %swap3A_993] {strides = array<i32>} : memref<4x8x768xf32, #tpu.memory_space<vmem>>, vector<1x1x16xf32>,
        %swap3A_995 = vector.shape_cast %swap3A_994 : vector<1x1x16xf32> to vector<16xf32>
        %swap3A_996 = vector.shape_cast %get3A_989 : vector<16xf32> to vector<1x1x16xf32>
        tpu.vector_store %arg8[%swap3A_991, %swap3A_992, %swap3A_993], %swap3A_996 {add = true, strides = array<i32>} : memref<4x8x768xf32, #tpu.memory_space<vmem>>, vector<1x1x16xf32>,
        %get3A_997 = arith.constant 2 : i32
        %get3A_998 = arith.index_cast %get3A_997 : i32 to index
        %get3A_999 = arith.index_cast %scan3A_452 : i32 to index
        %get3A_1000 = arith.constant 672 : index
        %get3A_1001 = tpu.vector_load %arg7[%get3A_998, %get3A_999, %get3A_1000] {strides = array<i32>} : memref<4x8x768xf32, #tpu.memory_space<vmem>>, vector<1x1x16xf32>,
        %get3A_1002 = vector.shape_cast %get3A_1001 : vector<1x1x16xf32> to vector<16xf32>
        %swap3A_1003 = arith.constant 2 : i32
        %swap3A_1004 = arith.index_cast %swap3A_1003 : i32 to index
        %swap3A_1005 = arith.index_cast %scan3A_452 : i32 to index
        %swap3A_1006 = arith.constant 672 : index
        %swap3A_1007 = tpu.vector_load %arg8[%swap3A_1004, %swap3A_1005, %swap3A_1006] {strides = array<i32>} : memref<4x8x768xf32, #tpu.memory_space<vmem>>, vector<1x1x16xf32>,
        %swap3A_1008 = vector.shape_cast %swap3A_1007 : vector<1x1x16xf32> to vector<16xf32>
        %swap3A_1009 = vector.shape_cast %get3A_1002 : vector<16xf32> to vector<1x1x16xf32>
        tpu.vector_store %arg8[%swap3A_1004, %swap3A_1005, %swap3A_1006], %swap3A_1009 {add = true, strides = array<i32>} : memref<4x8x768xf32, #tpu.memory_space<vmem>>, vector<1x1x16xf32>,
        %get3A_1010 = arith.constant 2 : i32
        %get3A_1011 = arith.index_cast %get3A_1010 : i32 to index
        %get3A_1012 = arith.index_cast %scan3A_452 : i32 to index
        %get3A_1013 = arith.constant 688 : index
        %get3A_1014 = tpu.vector_load %arg7[%get3A_1011, %get3A_1012, %get3A_1013] {strides = array<i32>} : memref<4x8x768xf32, #tpu.memory_space<vmem>>, vector<1x1x16xf32>,
        %get3A_1015 = vector.shape_cast %get3A_1014 : vector<1x1x16xf32> to vector<16xf32>
        %swap3A_1016 = arith.constant 2 : i32
        %swap3A_1017 = arith.index_cast %swap3A_1016 : i32 to index
        %swap3A_1018 = arith.index_cast %scan3A_452 : i32 to index
        %swap3A_1019 = arith.constant 688 : index
        %swap3A_1020 = tpu.vector_load %arg8[%swap3A_1017, %swap3A_1018, %swap3A_1019] {strides = array<i32>} : memref<4x8x768xf32, #tpu.memory_space<vmem>>, vector<1x1x16xf32>,
        %swap3A_1021 = vector.shape_cast %swap3A_1020 : vector<1x1x16xf32> to vector<16xf32>
        %swap3A_1022 = vector.shape_cast %get3A_1015 : vector<16xf32> to vector<1x1x16xf32>
        tpu.vector_store %arg8[%swap3A_1017, %swap3A_1018, %swap3A_1019], %swap3A_1022 {add = true, strides = array<i32>} : memref<4x8x768xf32, #tpu.memory_space<vmem>>, vector<1x1x16xf32>,
        %get3A_1023 = arith.constant 2 : i32
        %get3A_1024 = arith.index_cast %get3A_1023 : i32 to index
        %get3A_1025 = arith.index_cast %scan3A_452 : i32 to index
        %get3A_1026 = arith.constant 704 : index
        %get3A_1027 = tpu.vector_load %arg7[%get3A_1024, %get3A_1025, %get3A_1026] {strides = array<i32>} : memref<4x8x768xf32, #tpu.memory_space<vmem>>, vector<1x1x16xf32>,
        %get3A_1028 = vector.shape_cast %get3A_1027 : vector<1x1x16xf32> to vector<16xf32>
        %swap3A_1029 = arith.constant 2 : i32
        %swap3A_1030 = arith.index_cast %swap3A_1029 : i32 to index
        %swap3A_1031 = arith.index_cast %scan3A_452 : i32 to index
        %swap3A_1032 = arith.constant 704 : index
        %swap3A_1033 = tpu.vector_load %arg8[%swap3A_1030, %swap3A_1031, %swap3A_1032] {strides = array<i32>} : memref<4x8x768xf32, #tpu.memory_space<vmem>>, vector<1x1x16xf32>,
        %swap3A_1034 = vector.shape_cast %swap3A_1033 : vector<1x1x16xf32> to vector<16xf32>
        %swap3A_1035 = vector.shape_cast %get3A_1028 : vector<16xf32> to vector<1x1x16xf32>
        tpu.vector_store %arg8[%swap3A_1030, %swap3A_1031, %swap3A_1032], %swap3A_1035 {add = true, strides = array<i32>} : memref<4x8x768xf32, #tpu.memory_space<vmem>>, vector<1x1x16xf32>,
        %get3A_1036 = arith.constant 2 : i32
        %get3A_1037 = arith.index_cast %get3A_1036 : i32 to index
        %get3A_1038 = arith.index_cast %scan3A_452 : i32 to index
        %get3A_1039 = arith.constant 720 : index
        %get3A_1040 = tpu.vector_load %arg7[%get3A_1037, %get3A_1038, %get3A_1039] {strides = array<i32>} : memref<4x8x768xf32, #tpu.memory_space<vmem>>, vector<1x1x16xf32>,
        %get3A_1041 = vector.shape_cast %get3A_1040 : vector<1x1x16xf32> to vector<16xf32>
        %swap3A_1042 = arith.constant 2 : i32
        %swap3A_1043 = arith.index_cast %swap3A_1042 : i32 to index
        %swap3A_1044 = arith.index_cast %scan3A_452 : i32 to index
        %swap3A_1045 = arith.constant 720 : index
        %swap3A_1046 = tpu.vector_load %arg8[%swap3A_1043, %swap3A_1044, %swap3A_1045] {strides = array<i32>} : memref<4x8x768xf32, #tpu.memory_space<vmem>>, vector<1x1x16xf32>,
        %swap3A_1047 = vector.shape_cast %swap3A_1046 : vector<1x1x16xf32> to vector<16xf32>
        %swap3A_1048 = vector.shape_cast %get3A_1041 : vector<16xf32> to vector<1x1x16xf32>
        tpu.vector_store %arg8[%swap3A_1043, %swap3A_1044, %swap3A_1045], %swap3A_1048 {add = true, strides = array<i32>} : memref<4x8x768xf32, #tpu.memory_space<vmem>>, vector<1x1x16xf32>,
        %get3A_1049 = arith.constant 2 : i32
        %get3A_1050 = arith.index_cast %get3A_1049 : i32 to index
        %get3A_1051 = arith.index_cast %scan3A_452 : i32 to index
        %get3A_1052 = arith.constant 736 : index
        %get3A_1053 = tpu.vector_load %arg7[%get3A_1050, %get3A_1051, %get3A_1052] {strides = array<i32>} : memref<4x8x768xf32, #tpu.memory_space<vmem>>, vector<1x1x16xf32>,
        %get3A_1054 = vector.shape_cast %get3A_1053 : vector<1x1x16xf32> to vector<16xf32>
        %swap3A_1055 = arith.constant 2 : i32
        %swap3A_1056 = arith.index_cast %swap3A_1055 : i32 to index
        %swap3A_1057 = arith.index_cast %scan3A_452 : i32 to index
        %swap3A_1058 = arith.constant 736 : index
        %swap3A_1059 = tpu.vector_load %arg8[%swap3A_1056, %swap3A_1057, %swap3A_1058] {strides = array<i32>} : memref<4x8x768xf32, #tpu.memory_space<vmem>>, vector<1x1x16xf32>,
        %swap3A_1060 = vector.shape_cast %swap3A_1059 : vector<1x1x16xf32> to vector<16xf32>
        %swap3A_1061 = vector.shape_cast %get3A_1054 : vector<16xf32> to vector<1x1x16xf32>
        tpu.vector_store %arg8[%swap3A_1056, %swap3A_1057, %swap3A_1058], %swap3A_1061 {add = true, strides = array<i32>} : memref<4x8x768xf32, #tpu.memory_space<vmem>>, vector<1x1x16xf32>,
        %get3A_1062 = arith.constant 2 : i32
        %get3A_1063 = arith.index_cast %get3A_1062 : i32 to index
        %get3A_1064 = arith.index_cast %scan3A_452 : i32 to index
        %get3A_1065 = arith.constant 752 : index
        %get3A_1066 = tpu.vector_load %arg7[%get3A_1063, %get3A_1064, %get3A_1065] {strides = array<i32>} : memref<4x8x768xf32, #tpu.memory_space<vmem>>, vector<1x1x16xf32>,
        %get3A_1067 = vector.shape_cast %get3A_1066 : vector<1x1x16xf32> to vector<16xf32>
        %swap3A_1068 = arith.constant 2 : i32
        %swap3A_1069 = arith.index_cast %swap3A_1068 : i32 to index
        %swap3A_1070 = arith.index_cast %scan3A_452 : i32 to index
        %swap3A_1071 = arith.constant 752 : index
        %swap3A_1072 = tpu.vector_load %arg8[%swap3A_1069, %swap3A_1070, %swap3A_1071] {strides = array<i32>} : memref<4x8x768xf32, #tpu.memory_space<vmem>>, vector<1x1x16xf32>,
        %swap3A_1073 = vector.shape_cast %swap3A_1072 : vector<1x1x16xf32> to vector<16xf32>
        %swap3A_1074 = vector.shape_cast %get3A_1067 : vector<16xf32> to vector<1x1x16xf32>
        tpu.vector_store %arg8[%swap3A_1069, %swap3A_1070, %swap3A_1071], %swap3A_1074 {add = true, strides = array<i32>} : memref<4x8x768xf32, #tpu.memory_space<vmem>>, vector<1x1x16xf32>,
      }
      %scan3A_352 = arith.constant 8 : i32
      %mul3A_353 = arith.constant 8 : i32
      %mul3A_354 = arith.muli %add3A_313, %mul3A_353 : i32
      %add3A_355 = arith.addi %mul3A_2, %mul3A_354 : i32
      %dma_start3A_356 = arith.constant 2 : i32
      %dma_start3A_357 = arith.constant 2 : i32
      %dma_start3A_358 = arith.constant 0 : i32
      %dma_start3A_359 = arith.constant 0 : i32
      %dma_start3A_360 = tpu.memref_slice %arg8[%dma_start3A_356, %dma_start3A_358, %dma_start3A_359] : memref<4x8x768xf32, #tpu.memory_space<vmem>> -> memref<1x8x768xf32, #tpu.memory_space<vmem>>
      %dma_start3A_361 = tpu.memref_squeeze %dma_start3A_360 : memref<1x8x768xf32, #tpu.memory_space<vmem>> -> memref<8x768xf32, #tpu.memory_space<vmem>>
      %dma_start3A_362 = arith.constant 0 : i32
      %dma_start3A_363 = tpu.memref_slice %arg5[%add3A_355, %dma_start3A_362] : memref<8192x768xf32, #tpu.memory_space<hbm>> -> memref<8x768xf32, #tpu.memory_space<hbm>>
      %dma_start3A_364 = tpu.memref_slice %arg11[%dma_start3A_357] : memref<4x!tpu.dma_semaphore, #tpu.memory_space<semaphore_mem>> -> memref<1x!tpu.dma_semaphore, #tpu.memory_space<semaphore_mem>>
      %dma_start3A_365 = tpu.memref_squeeze %dma_start3A_364 : memref<1x!tpu.dma_semaphore, #tpu.memory_space<semaphore_mem>> -> memref<!tpu.dma_semaphore, #tpu.memory_space<semaphore_mem>>
      %dma_start3A_366 = arith.constant 0 : i32
      %dma_start3A_367 = tpu.memref_slice %arg5[%add3A_355, %dma_start3A_366] : memref<8192x768xf32, #tpu.memory_space<hbm>> -> memref<8x768xf32, #tpu.memory_space<hbm>>
      %dma_start3A_368 = arith.constant 0 : i32
      %dma_start3A_369 = arith.constant 0 : i32
      %dma_start3A_370 = tpu.memref_slice %arg8[%dma_start3A_356, %dma_start3A_368, %dma_start3A_369] : memref<4x8x768xf32, #tpu.memory_space<vmem>> -> memref<1x8x768xf32, #tpu.memory_space<vmem>>
      %dma_start3A_371 = tpu.memref_squeeze %dma_start3A_370 : memref<1x8x768xf32, #tpu.memory_space<vmem>> -> memref<8x768xf32, #tpu.memory_space<vmem>>
      tpu.enqueue_dma source(%dma_start3A_371 : memref<8x768xf32, #tpu.memory_space<vmem>>) target(%dma_start3A_367 : memref<8x768xf32, #tpu.memory_space<hbm>>) target_semaphore(%dma_start3A_365 : memref<!tpu.dma_semaphore, #tpu.memory_space<semaphore_mem>>)
      %add3A_372 = arith.constant 4 : i32
      %add3A_373 = arith.addi %add3A_313, %add3A_372 : i32
      %sub3A_374 = arith.constant 1 : i32
      %sub3A_375 = arith.subi %add3A_373, %sub3A_374 : i32
      %lt3A_376 = arith.constant 32 : i32
      %lt3A_377 = arith.cmpi slt, %sub3A_375, %lt3A_376 : i32
      %convert_element_type3A_378 = arith.extui %lt3A_377 : i1 to i32
      %cond3A_379 = arith.constant 0 : i32
      %cond3A_380 = arith.cmpi ne, %convert_element_type3A_378, %cond3A_379 : i32
      scf.if %cond3A_380 {
        %ge3A = arith.constant 4 : i32
        %ge3A_452 = arith.cmpi sge, %sub3A_375, %ge3A : i32
        %convert_element_type3A_453 = arith.extui %ge3A_452 : i1 to i32
        %cond3A_454 = arith.constant 0 : i32
        %cond3A_455 = arith.cmpi ne, %convert_element_type3A_453, %cond3A_454 : i32
        scf.if %cond3A_455 {
          %sub3A_489 = arith.constant 4 : i32
          %sub3A_490 = arith.subi %sub3A_375, %sub3A_489 : i32
          %mul3A_491 = arith.constant 8 : i32
          %mul3A_492 = arith.muli %sub3A_490, %mul3A_491 : i32
          %add3A_493 = arith.addi %mul3A_2, %mul3A_492 : i32
          %dma_wait3A_494 = arith.constant 1 : i32
          %dma_wait3A_495 = arith.constant 1 : i32
          %dma_wait3A_496 = arith.constant 0 : i32
          %dma_wait3A_497 = arith.constant 0 : i32
          %dma_wait3A_498 = tpu.memref_slice %arg8[%dma_wait3A_494, %dma_wait3A_496, %dma_wait3A_497] : memref<4x8x768xf32, #tpu.memory_space<vmem>> -> memref<1x8x768xf32, #tpu.memory_space<vmem>>
          %dma_wait3A_499 = tpu.memref_squeeze %dma_wait3A_498 : memref<1x8x768xf32, #tpu.memory_space<vmem>> -> memref<8x768xf32, #tpu.memory_space<vmem>>
          %dma_wait3A_500 = arith.constant 0 : i32
          %dma_wait3A_501 = tpu.memref_slice %arg5[%add3A_493, %dma_wait3A_500] : memref<8192x768xf32, #tpu.memory_space<hbm>> -> memref<8x768xf32, #tpu.memory_space<hbm>>
          %dma_wait3A_502 = tpu.memref_slice %arg11[%dma_wait3A_495] : memref<4x!tpu.dma_semaphore, #tpu.memory_space<semaphore_mem>> -> memref<1x!tpu.dma_semaphore, #tpu.memory_space<semaphore_mem>>
          %dma_wait3A_503 = tpu.memref_squeeze %dma_wait3A_502 : memref<1x!tpu.dma_semaphore, #tpu.memory_space<semaphore_mem>> -> memref<!tpu.dma_semaphore, #tpu.memory_space<semaphore_mem>>
          %dma_wait3A_504 = arith.constant 0 : i32
          %dma_wait3A_505 = tpu.memref_slice %arg5[%add3A_493, %dma_wait3A_504] : memref<8192x768xf32, #tpu.memory_space<hbm>> -> memref<8x768xf32, #tpu.memory_space<hbm>>
          %dma_wait3A_506 = arith.constant 0 : i32
          %dma_wait3A_507 = arith.constant 0 : i32
          %dma_wait3A_508 = tpu.memref_slice %arg8[%dma_wait3A_494, %dma_wait3A_506, %dma_wait3A_507] : memref<4x8x768xf32, #tpu.memory_space<vmem>> -> memref<1x8x768xf32, #tpu.memory_space<vmem>>
          %dma_wait3A_509 = tpu.memref_squeeze %dma_wait3A_508 : memref<1x8x768xf32, #tpu.memory_space<vmem>> -> memref<8x768xf32, #tpu.memory_space<vmem>>
          tpu.wait_dma2 semaphore(%dma_wait3A_503 : memref<!tpu.dma_semaphore, #tpu.memory_space<semaphore_mem>>) src(%dma_wait3A_509 : memref<8x768xf32, #tpu.memory_space<vmem>>) dst(%dma_wait3A_505 : memref<8x768xf32, #tpu.memory_space<hbm>>)
        } else {
        }
        %mul3A_456 = arith.constant 8 : i32
        %mul3A_457 = arith.muli %sub3A_375, %mul3A_456 : i32
        %mul3A_458 = arith.constant 8 : i32
        %mul3A_459 = arith.muli %sub3A_375, %mul3A_458 : i32
        %add3A_460 = arith.addi %mul3A_2, %mul3A_459 : i32
        %dma_start3A_461 = arith.constant 1 : i32
        %dma_start3A_462 = arith.constant 1 : i32
        %dma_start3A_463 = arith.constant 0 : i32
        %dma_start3A_464 = arith.constant 0 : i32
        %dma_start3A_465 = tpu.memref_slice %arg7[%dma_start3A_461, %dma_start3A_463, %dma_start3A_464] : memref<4x8x768xf32, #tpu.memory_space<vmem>> -> memref<1x8x768xf32, #tpu.memory_space<vmem>>
        %dma_start3A_466 = tpu.memref_squeeze %dma_start3A_465 : memref<1x8x768xf32, #tpu.memory_space<vmem>> -> memref<8x768xf32, #tpu.memory_space<vmem>>
        %dma_start3A_467 = tpu.memref_slice %arg6[%mul3A_457] : memref<256xi32, #tpu.memory_space<vmem>> -> memref<8xi32, #tpu.memory_space<vmem>>
        %dma_start3A_468 = arith.constant 0 : i32
        %dma_start3A_469 = arith.constant 0 : i32
        %dma_start3A_470 = tpu.memref_slice %arg3[%dma_start3A_468, %dma_start3A_469] : memref<100000x768xf32, #tpu.memory_space<hbm>> -> memref<100000x768xf32, #tpu.memory_space<hbm>>
        %dma_start3A_471 = tpu.memref_slice %arg9[%dma_start3A_462] : memref<4x!tpu.dma_semaphore, #tpu.memory_space<semaphore_mem>> -> memref<1x!tpu.dma_semaphore, #tpu.memory_space<semaphore_mem>>
        %dma_start3A_472 = tpu.memref_squeeze %dma_start3A_471 : memref<1x!tpu.dma_semaphore, #tpu.memory_space<semaphore_mem>> -> memref<!tpu.dma_semaphore, #tpu.memory_space<semaphore_mem>>
        tpu.enqueue_indirect_dma source(%dma_start3A_470 : memref<100000x768xf32, #tpu.memory_space<hbm>>) target(%dma_start3A_466 : memref<8x768xf32, #tpu.memory_space<vmem>>) offsets(%dma_start3A_467 : memref<8xi32, #tpu.memory_space<vmem>>) semaphore(%dma_start3A_472 : memref<!tpu.dma_semaphore, #tpu.memory_space<semaphore_mem>>)
        %dma_start3A_473 = arith.constant 1 : i32
        %dma_start3A_474 = arith.constant 1 : i32
        %dma_start3A_475 = arith.constant 0 : i32
        %dma_start3A_476 = arith.constant 0 : i32
        %dma_start3A_477 = tpu.memref_slice %arg8[%dma_start3A_473, %dma_start3A_475, %dma_start3A_476] : memref<4x8x768xf32, #tpu.memory_space<vmem>> -> memref<1x8x768xf32, #tpu.memory_space<vmem>>
        %dma_start3A_478 = tpu.memref_squeeze %dma_start3A_477 : memref<1x8x768xf32, #tpu.memory_space<vmem>> -> memref<8x768xf32, #tpu.memory_space<vmem>>
        %dma_start3A_479 = arith.constant 0 : i32
        %dma_start3A_480 = tpu.memref_slice %arg4[%add3A_460, %dma_start3A_479] : memref<100000x768xf32, #tpu.memory_space<hbm>> -> memref<8x768xf32, #tpu.memory_space<hbm>>
        %dma_start3A_481 = tpu.memref_slice %arg10[%dma_start3A_474] : memref<4x!tpu.dma_semaphore, #tpu.memory_space<semaphore_mem>> -> memref<1x!tpu.dma_semaphore, #tpu.memory_space<semaphore_mem>>
        %dma_start3A_482 = tpu.memref_squeeze %dma_start3A_481 : memref<1x!tpu.dma_semaphore, #tpu.memory_space<semaphore_mem>> -> memref<!tpu.dma_semaphore, #tpu.memory_space<semaphore_mem>>
        %dma_start3A_483 = arith.constant 0 : i32
        %dma_start3A_484 = arith.constant 0 : i32
        %dma_start3A_485 = tpu.memref_slice %arg8[%dma_start3A_473, %dma_start3A_483, %dma_start3A_484] : memref<4x8x768xf32, #tpu.memory_space<vmem>> -> memref<1x8x768xf32, #tpu.memory_space<vmem>>
        %dma_start3A_486 = tpu.memref_squeeze %dma_start3A_485 : memref<1x8x768xf32, #tpu.memory_space<vmem>> -> memref<8x768xf32, #tpu.memory_space<vmem>>
        %dma_start3A_487 = arith.constant 0 : i32
        %dma_start3A_488 = tpu.memref_slice %arg4[%add3A_460, %dma_start3A_487] : memref<100000x768xf32, #tpu.memory_space<hbm>> -> memref<8x768xf32, #tpu.memory_space<hbm>>
        tpu.enqueue_dma source(%dma_start3A_488 : memref<8x768xf32, #tpu.memory_space<hbm>>) target(%dma_start3A_486 : memref<8x768xf32, #tpu.memory_space<vmem>>) target_semaphore(%dma_start3A_482 : memref<!tpu.dma_semaphore, #tpu.memory_space<semaphore_mem>>)
      } else {
      }
      %mul3A_381 = arith.constant 4 : i32
      %mul3A_382 = arith.muli %scan3A_171, %mul3A_381 : i32
      %add3A_383 = arith.constant 3 : i32
      %add3A_384 = arith.addi %mul3A_382, %add3A_383 : i32
      %mul3A_385 = arith.constant 8 : i32
      %mul3A_386 = arith.muli %add3A_384, %mul3A_385 : i32
      %mul3A_387 = arith.constant 8 : i32
      %mul3A_388 = arith.muli %add3A_384, %mul3A_387 : i32
      %add3A_389 = arith.addi %mul3A_2, %mul3A_388 : i32
      %dma_wait3A_390 = arith.constant 3 : i32
      %dma_wait3A_391 = arith.constant 3 : i32
      %dma_wait3A_392 = arith.constant 0 : i32
      %dma_wait3A_393 = arith.constant 0 : i32
      %dma_wait3A_394 = tpu.memref_slice %arg7[%dma_wait3A_390, %dma_wait3A_392, %dma_wait3A_393] : memref<4x8x768xf32, #tpu.memory_space<vmem>> -> memref<1x8x768xf32, #tpu.memory_space<vmem>>
      %dma_wait3A_395 = tpu.memref_squeeze %dma_wait3A_394 : memref<1x8x768xf32, #tpu.memory_space<vmem>> -> memref<8x768xf32, #tpu.memory_space<vmem>>
      %dma_wait3A_396 = tpu.memref_slice %arg6[%mul3A_386] : memref<256xi32, #tpu.memory_space<vmem>> -> memref<8xi32, #tpu.memory_space<vmem>>
      %dma_wait3A_397 = arith.constant 0 : i32
      %dma_wait3A_398 = arith.constant 0 : i32
      %dma_wait3A_399 = tpu.memref_slice %arg3[%dma_wait3A_397, %dma_wait3A_398] : memref<100000x768xf32, #tpu.memory_space<hbm>> -> memref<100000x768xf32, #tpu.memory_space<hbm>>
      %dma_wait3A_400 = tpu.memref_slice %arg9[%dma_wait3A_391] : memref<4x!tpu.dma_semaphore, #tpu.memory_space<semaphore_mem>> -> memref<1x!tpu.dma_semaphore, #tpu.memory_space<semaphore_mem>>
      %dma_wait3A_401 = tpu.memref_squeeze %dma_wait3A_400 : memref<1x!tpu.dma_semaphore, #tpu.memory_space<semaphore_mem>> -> memref<!tpu.dma_semaphore, #tpu.memory_space<semaphore_mem>>
      tpu.wait_indirect_dma semaphore(%dma_wait3A_401 : memref<!tpu.dma_semaphore, #tpu.memory_space<semaphore_mem>>) src(%dma_wait3A_399 : memref<100000x768xf32, #tpu.memory_space<hbm>>) dst(%dma_wait3A_395 : memref<8x768xf32, #tpu.memory_space<vmem>>)
      %dma_wait3A_402 = arith.constant 3 : i32
      %dma_wait3A_403 = arith.constant 3 : i32
      %dma_wait3A_404 = arith.constant 0 : i32
      %dma_wait3A_405 = arith.constant 0 : i32
      %dma_wait3A_406 = tpu.memref_slice %arg8[%dma_wait3A_402, %dma_wait3A_404, %dma_wait3A_405] : memref<4x8x768xf32, #tpu.memory_space<vmem>> -> memref<1x8x768xf32, #tpu.memory_space<vmem>>
      %dma_wait3A_407 = tpu.memref_squeeze %dma_wait3A_406 : memref<1x8x768xf32, #tpu.memory_space<vmem>> -> memref<8x768xf32, #tpu.memory_space<vmem>>
      %dma_wait3A_408 = arith.constant 0 : i32
      %dma_wait3A_409 = tpu.memref_slice %arg4[%add3A_389, %dma_wait3A_408] : memref<100000x768xf32, #tpu.memory_space<hbm>> -> memref<8x768xf32, #tpu.memory_space<hbm>>
      %dma_wait3A_410 = tpu.memref_slice %arg10[%dma_wait3A_403] : memref<4x!tpu.dma_semaphore, #tpu.memory_space<semaphore_mem>> -> memref<1x!tpu.dma_semaphore, #tpu.memory_space<semaphore_mem>>
      %dma_wait3A_411 = tpu.memref_squeeze %dma_wait3A_410 : memref<1x!tpu.dma_semaphore, #tpu.memory_space<semaphore_mem>> -> memref<!tpu.dma_semaphore, #tpu.memory_space<semaphore_mem>>
      %dma_wait3A_412 = arith.constant 0 : i32
      %dma_wait3A_413 = arith.constant 0 : i32
      %dma_wait3A_414 = tpu.memref_slice %arg8[%dma_wait3A_402, %dma_wait3A_412, %dma_wait3A_413] : memref<4x8x768xf32, #tpu.memory_space<vmem>> -> memref<1x8x768xf32, #tpu.memory_space<vmem>>
      %dma_wait3A_415 = tpu.memref_squeeze %dma_wait3A_414 : memref<1x8x768xf32, #tpu.memory_space<vmem>> -> memref<8x768xf32, #tpu.memory_space<vmem>>
      %dma_wait3A_416 = arith.constant 0 : i32
      %dma_wait3A_417 = tpu.memref_slice %arg4[%add3A_389, %dma_wait3A_416] : memref<100000x768xf32, #tpu.memory_space<hbm>> -> memref<8x768xf32, #tpu.memory_space<hbm>>
      tpu.wait_dma2 semaphore(%dma_wait3A_411 : memref<!tpu.dma_semaphore, #tpu.memory_space<semaphore_mem>>) src(%dma_wait3A_417 : memref<8x768xf32, #tpu.memory_space<hbm>>) dst(%dma_wait3A_415 : memref<8x768xf32, #tpu.memory_space<vmem>>)
      %scan3A_418 = arith.constant 0 : i32
      %scan3A_419 = arith.constant 0 : i32
      %scan3A_420 = arith.constant 8 : i32
      %scan3A_421 = arith.addi %scan3A_419, %scan3A_420 : i32
      %scan3A_422 = arith.constant 1 : i32
      scf.for %scan3A_452 = %scan3A_419 to %scan3A_421 step %scan3A_422  : i32 {
        %get3A = arith.constant 3 : i32
        %get3A_453 = arith.index_cast %get3A : i32 to index
        %get3A_454 = arith.index_cast %scan3A_452 : i32 to index
        %get3A_455 = arith.constant 0 : index
        %get3A_456 = tpu.vector_load %arg7[%get3A_453, %get3A_454, %get3A_455] {strides = array<i32>} : memref<4x8x768xf32, #tpu.memory_space<vmem>>, vector<1x1x16xf32>,
        %get3A_457 = vector.shape_cast %get3A_456 : vector<1x1x16xf32> to vector<16xf32>
        %swap3A = arith.constant 3 : i32
        %swap3A_458 = arith.index_cast %swap3A : i32 to index
        %swap3A_459 = arith.index_cast %scan3A_452 : i32 to index
        %swap3A_460 = arith.constant 0 : index
        %swap3A_461 = tpu.vector_load %arg8[%swap3A_458, %swap3A_459, %swap3A_460] {strides = array<i32>} : memref<4x8x768xf32, #tpu.memory_space<vmem>>, vector<1x1x16xf32>,
        %swap3A_462 = vector.shape_cast %swap3A_461 : vector<1x1x16xf32> to vector<16xf32>
        %swap3A_463 = vector.shape_cast %get3A_457 : vector<16xf32> to vector<1x1x16xf32>
        tpu.vector_store %arg8[%swap3A_458, %swap3A_459, %swap3A_460], %swap3A_463 {add = true, strides = array<i32>} : memref<4x8x768xf32, #tpu.memory_space<vmem>>, vector<1x1x16xf32>,
        %get3A_464 = arith.constant 3 : i32
        %get3A_465 = arith.index_cast %get3A_464 : i32 to index
        %get3A_466 = arith.index_cast %scan3A_452 : i32 to index
        %get3A_467 = arith.constant 16 : index
        %get3A_468 = tpu.vector_load %arg7[%get3A_465, %get3A_466, %get3A_467] {strides = array<i32>} : memref<4x8x768xf32, #tpu.memory_space<vmem>>, vector<1x1x16xf32>,
        %get3A_469 = vector.shape_cast %get3A_468 : vector<1x1x16xf32> to vector<16xf32>
        %swap3A_470 = arith.constant 3 : i32
        %swap3A_471 = arith.index_cast %swap3A_470 : i32 to index
        %swap3A_472 = arith.index_cast %scan3A_452 : i32 to index
        %swap3A_473 = arith.constant 16 : index
        %swap3A_474 = tpu.vector_load %arg8[%swap3A_471, %swap3A_472, %swap3A_473] {strides = array<i32>} : memref<4x8x768xf32, #tpu.memory_space<vmem>>, vector<1x1x16xf32>,
        %swap3A_475 = vector.shape_cast %swap3A_474 : vector<1x1x16xf32> to vector<16xf32>
        %swap3A_476 = vector.shape_cast %get3A_469 : vector<16xf32> to vector<1x1x16xf32>
        tpu.vector_store %arg8[%swap3A_471, %swap3A_472, %swap3A_473], %swap3A_476 {add = true, strides = array<i32>} : memref<4x8x768xf32, #tpu.memory_space<vmem>>, vector<1x1x16xf32>,
        %get3A_477 = arith.constant 3 : i32
        %get3A_478 = arith.index_cast %get3A_477 : i32 to index
        %get3A_479 = arith.index_cast %scan3A_452 : i32 to index
        %get3A_480 = arith.constant 32 : index
        %get3A_481 = tpu.vector_load %arg7[%get3A_478, %get3A_479, %get3A_480] {strides = array<i32>} : memref<4x8x768xf32, #tpu.memory_space<vmem>>, vector<1x1x16xf32>,
        %get3A_482 = vector.shape_cast %get3A_481 : vector<1x1x16xf32> to vector<16xf32>
        %swap3A_483 = arith.constant 3 : i32
        %swap3A_484 = arith.index_cast %swap3A_483 : i32 to index
        %swap3A_485 = arith.index_cast %scan3A_452 : i32 to index
        %swap3A_486 = arith.constant 32 : index
        %swap3A_487 = tpu.vector_load %arg8[%swap3A_484, %swap3A_485, %swap3A_486] {strides = array<i32>} : memref<4x8x768xf32, #tpu.memory_space<vmem>>, vector<1x1x16xf32>,
        %swap3A_488 = vector.shape_cast %swap3A_487 : vector<1x1x16xf32> to vector<16xf32>
        %swap3A_489 = vector.shape_cast %get3A_482 : vector<16xf32> to vector<1x1x16xf32>
        tpu.vector_store %arg8[%swap3A_484, %swap3A_485, %swap3A_486], %swap3A_489 {add = true, strides = array<i32>} : memref<4x8x768xf32, #tpu.memory_space<vmem>>, vector<1x1x16xf32>,
        %get3A_490 = arith.constant 3 : i32
        %get3A_491 = arith.index_cast %get3A_490 : i32 to index
        %get3A_492 = arith.index_cast %scan3A_452 : i32 to index
        %get3A_493 = arith.constant 48 : index
        %get3A_494 = tpu.vector_load %arg7[%get3A_491, %get3A_492, %get3A_493] {strides = array<i32>} : memref<4x8x768xf32, #tpu.memory_space<vmem>>, vector<1x1x16xf32>,
        %get3A_495 = vector.shape_cast %get3A_494 : vector<1x1x16xf32> to vector<16xf32>
        %swap3A_496 = arith.constant 3 : i32
        %swap3A_497 = arith.index_cast %swap3A_496 : i32 to index
        %swap3A_498 = arith.index_cast %scan3A_452 : i32 to index
        %swap3A_499 = arith.constant 48 : index
        %swap3A_500 = tpu.vector_load %arg8[%swap3A_497, %swap3A_498, %swap3A_499] {strides = array<i32>} : memref<4x8x768xf32, #tpu.memory_space<vmem>>, vector<1x1x16xf32>,
        %swap3A_501 = vector.shape_cast %swap3A_500 : vector<1x1x16xf32> to vector<16xf32>
        %swap3A_502 = vector.shape_cast %get3A_495 : vector<16xf32> to vector<1x1x16xf32>
        tpu.vector_store %arg8[%swap3A_497, %swap3A_498, %swap3A_499], %swap3A_502 {add = true, strides = array<i32>} : memref<4x8x768xf32, #tpu.memory_space<vmem>>, vector<1x1x16xf32>,
        %get3A_503 = arith.constant 3 : i32
        %get3A_504 = arith.index_cast %get3A_503 : i32 to index
        %get3A_505 = arith.index_cast %scan3A_452 : i32 to index
        %get3A_506 = arith.constant 64 : index
        %get3A_507 = tpu.vector_load %arg7[%get3A_504, %get3A_505, %get3A_506] {strides = array<i32>} : memref<4x8x768xf32, #tpu.memory_space<vmem>>, vector<1x1x16xf32>,
        %get3A_508 = vector.shape_cast %get3A_507 : vector<1x1x16xf32> to vector<16xf32>
        %swap3A_509 = arith.constant 3 : i32
        %swap3A_510 = arith.index_cast %swap3A_509 : i32 to index
        %swap3A_511 = arith.index_cast %scan3A_452 : i32 to index
        %swap3A_512 = arith.constant 64 : index
        %swap3A_513 = tpu.vector_load %arg8[%swap3A_510, %swap3A_511, %swap3A_512] {strides = array<i32>} : memref<4x8x768xf32, #tpu.memory_space<vmem>>, vector<1x1x16xf32>,
        %swap3A_514 = vector.shape_cast %swap3A_513 : vector<1x1x16xf32> to vector<16xf32>
        %swap3A_515 = vector.shape_cast %get3A_508 : vector<16xf32> to vector<1x1x16xf32>
        tpu.vector_store %arg8[%swap3A_510, %swap3A_511, %swap3A_512], %swap3A_515 {add = true, strides = array<i32>} : memref<4x8x768xf32, #tpu.memory_space<vmem>>, vector<1x1x16xf32>,
        %get3A_516 = arith.constant 3 : i32
        %get3A_517 = arith.index_cast %get3A_516 : i32 to index
        %get3A_518 = arith.index_cast %scan3A_452 : i32 to index
        %get3A_519 = arith.constant 80 : index
        %get3A_520 = tpu.vector_load %arg7[%get3A_517, %get3A_518, %get3A_519] {strides = array<i32>} : memref<4x8x768xf32, #tpu.memory_space<vmem>>, vector<1x1x16xf32>,
        %get3A_521 = vector.shape_cast %get3A_520 : vector<1x1x16xf32> to vector<16xf32>
        %swap3A_522 = arith.constant 3 : i32
        %swap3A_523 = arith.index_cast %swap3A_522 : i32 to index
        %swap3A_524 = arith.index_cast %scan3A_452 : i32 to index
        %swap3A_525 = arith.constant 80 : index
        %swap3A_526 = tpu.vector_load %arg8[%swap3A_523, %swap3A_524, %swap3A_525] {strides = array<i32>} : memref<4x8x768xf32, #tpu.memory_space<vmem>>, vector<1x1x16xf32>,
        %swap3A_527 = vector.shape_cast %swap3A_526 : vector<1x1x16xf32> to vector<16xf32>
        %swap3A_528 = vector.shape_cast %get3A_521 : vector<16xf32> to vector<1x1x16xf32>
        tpu.vector_store %arg8[%swap3A_523, %swap3A_524, %swap3A_525], %swap3A_528 {add = true, strides = array<i32>} : memref<4x8x768xf32, #tpu.memory_space<vmem>>, vector<1x1x16xf32>,
        %get3A_529 = arith.constant 3 : i32
        %get3A_530 = arith.index_cast %get3A_529 : i32 to index
        %get3A_531 = arith.index_cast %scan3A_452 : i32 to index
        %get3A_532 = arith.constant 96 : index
        %get3A_533 = tpu.vector_load %arg7[%get3A_530, %get3A_531, %get3A_532] {strides = array<i32>} : memref<4x8x768xf32, #tpu.memory_space<vmem>>, vector<1x1x16xf32>,
        %get3A_534 = vector.shape_cast %get3A_533 : vector<1x1x16xf32> to vector<16xf32>
        %swap3A_535 = arith.constant 3 : i32
        %swap3A_536 = arith.index_cast %swap3A_535 : i32 to index
        %swap3A_537 = arith.index_cast %scan3A_452 : i32 to index
        %swap3A_538 = arith.constant 96 : index
        %swap3A_539 = tpu.vector_load %arg8[%swap3A_536, %swap3A_537, %swap3A_538] {strides = array<i32>} : memref<4x8x768xf32, #tpu.memory_space<vmem>>, vector<1x1x16xf32>,
        %swap3A_540 = vector.shape_cast %swap3A_539 : vector<1x1x16xf32> to vector<16xf32>
        %swap3A_541 = vector.shape_cast %get3A_534 : vector<16xf32> to vector<1x1x16xf32>
        tpu.vector_store %arg8[%swap3A_536, %swap3A_537, %swap3A_538], %swap3A_541 {add = true, strides = array<i32>} : memref<4x8x768xf32, #tpu.memory_space<vmem>>, vector<1x1x16xf32>,
        %get3A_542 = arith.constant 3 : i32
        %get3A_543 = arith.index_cast %get3A_542 : i32 to index
        %get3A_544 = arith.index_cast %scan3A_452 : i32 to index
        %get3A_545 = arith.constant 112 : index
        %get3A_546 = tpu.vector_load %arg7[%get3A_543, %get3A_544, %get3A_545] {strides = array<i32>} : memref<4x8x768xf32, #tpu.memory_space<vmem>>, vector<1x1x16xf32>,
        %get3A_547 = vector.shape_cast %get3A_546 : vector<1x1x16xf32> to vector<16xf32>
        %swap3A_548 = arith.constant 3 : i32
        %swap3A_549 = arith.index_cast %swap3A_548 : i32 to index
        %swap3A_550 = arith.index_cast %scan3A_452 : i32 to index
        %swap3A_551 = arith.constant 112 : index
        %swap3A_552 = tpu.vector_load %arg8[%swap3A_549, %swap3A_550, %swap3A_551] {strides = array<i32>} : memref<4x8x768xf32, #tpu.memory_space<vmem>>, vector<1x1x16xf32>,
        %swap3A_553 = vector.shape_cast %swap3A_552 : vector<1x1x16xf32> to vector<16xf32>
        %swap3A_554 = vector.shape_cast %get3A_547 : vector<16xf32> to vector<1x1x16xf32>
        tpu.vector_store %arg8[%swap3A_549, %swap3A_550, %swap3A_551], %swap3A_554 {add = true, strides = array<i32>} : memref<4x8x768xf32, #tpu.memory_space<vmem>>, vector<1x1x16xf32>,
        %get3A_555 = arith.constant 3 : i32
        %get3A_556 = arith.index_cast %get3A_555 : i32 to index
        %get3A_557 = arith.index_cast %scan3A_452 : i32 to index
        %get3A_558 = arith.constant 128 : index
        %get3A_559 = tpu.vector_load %arg7[%get3A_556, %get3A_557, %get3A_558] {strides = array<i32>} : memref<4x8x768xf32, #tpu.memory_space<vmem>>, vector<1x1x16xf32>,
        %get3A_560 = vector.shape_cast %get3A_559 : vector<1x1x16xf32> to vector<16xf32>
        %swap3A_561 = arith.constant 3 : i32
        %swap3A_562 = arith.index_cast %swap3A_561 : i32 to index
        %swap3A_563 = arith.index_cast %scan3A_452 : i32 to index
        %swap3A_564 = arith.constant 128 : index
        %swap3A_565 = tpu.vector_load %arg8[%swap3A_562, %swap3A_563, %swap3A_564] {strides = array<i32>} : memref<4x8x768xf32, #tpu.memory_space<vmem>>, vector<1x1x16xf32>,
        %swap3A_566 = vector.shape_cast %swap3A_565 : vector<1x1x16xf32> to vector<16xf32>
        %swap3A_567 = vector.shape_cast %get3A_560 : vector<16xf32> to vector<1x1x16xf32>
        tpu.vector_store %arg8[%swap3A_562, %swap3A_563, %swap3A_564], %swap3A_567 {add = true, strides = array<i32>} : memref<4x8x768xf32, #tpu.memory_space<vmem>>, vector<1x1x16xf32>,
        %get3A_568 = arith.constant 3 : i32
        %get3A_569 = arith.index_cast %get3A_568 : i32 to index
        %get3A_570 = arith.index_cast %scan3A_452 : i32 to index
        %get3A_571 = arith.constant 144 : index
        %get3A_572 = tpu.vector_load %arg7[%get3A_569, %get3A_570, %get3A_571] {strides = array<i32>} : memref<4x8x768xf32, #tpu.memory_space<vmem>>, vector<1x1x16xf32>,
        %get3A_573 = vector.shape_cast %get3A_572 : vector<1x1x16xf32> to vector<16xf32>
        %swap3A_574 = arith.constant 3 : i32
        %swap3A_575 = arith.index_cast %swap3A_574 : i32 to index
        %swap3A_576 = arith.index_cast %scan3A_452 : i32 to index
        %swap3A_577 = arith.constant 144 : index
        %swap3A_578 = tpu.vector_load %arg8[%swap3A_575, %swap3A_576, %swap3A_577] {strides = array<i32>} : memref<4x8x768xf32, #tpu.memory_space<vmem>>, vector<1x1x16xf32>,
        %swap3A_579 = vector.shape_cast %swap3A_578 : vector<1x1x16xf32> to vector<16xf32>
        %swap3A_580 = vector.shape_cast %get3A_573 : vector<16xf32> to vector<1x1x16xf32>
        tpu.vector_store %arg8[%swap3A_575, %swap3A_576, %swap3A_577], %swap3A_580 {add = true, strides = array<i32>} : memref<4x8x768xf32, #tpu.memory_space<vmem>>, vector<1x1x16xf32>,
        %get3A_581 = arith.constant 3 : i32
        %get3A_582 = arith.index_cast %get3A_581 : i32 to index
        %get3A_583 = arith.index_cast %scan3A_452 : i32 to index
        %get3A_584 = arith.constant 160 : index
        %get3A_585 = tpu.vector_load %arg7[%get3A_582, %get3A_583, %get3A_584] {strides = array<i32>} : memref<4x8x768xf32, #tpu.memory_space<vmem>>, vector<1x1x16xf32>,
        %get3A_586 = vector.shape_cast %get3A_585 : vector<1x1x16xf32> to vector<16xf32>
        %swap3A_587 = arith.constant 3 : i32
        %swap3A_588 = arith.index_cast %swap3A_587 : i32 to index
        %swap3A_589 = arith.index_cast %scan3A_452 : i32 to index
        %swap3A_590 = arith.constant 160 : index
        %swap3A_591 = tpu.vector_load %arg8[%swap3A_588, %swap3A_589, %swap3A_590] {strides = array<i32>} : memref<4x8x768xf32, #tpu.memory_space<vmem>>, vector<1x1x16xf32>,
        %swap3A_592 = vector.shape_cast %swap3A_591 : vector<1x1x16xf32> to vector<16xf32>
        %swap3A_593 = vector.shape_cast %get3A_586 : vector<16xf32> to vector<1x1x16xf32>
        tpu.vector_store %arg8[%swap3A_588, %swap3A_589, %swap3A_590], %swap3A_593 {add = true, strides = array<i32>} : memref<4x8x768xf32, #tpu.memory_space<vmem>>, vector<1x1x16xf32>,
        %get3A_594 = arith.constant 3 : i32
        %get3A_595 = arith.index_cast %get3A_594 : i32 to index
        %get3A_596 = arith.index_cast %scan3A_452 : i32 to index
        %get3A_597 = arith.constant 176 : index
        %get3A_598 = tpu.vector_load %arg7[%get3A_595, %get3A_596, %get3A_597] {strides = array<i32>} : memref<4x8x768xf32, #tpu.memory_space<vmem>>, vector<1x1x16xf32>,
        %get3A_599 = vector.shape_cast %get3A_598 : vector<1x1x16xf32> to vector<16xf32>
        %swap3A_600 = arith.constant 3 : i32
        %swap3A_601 = arith.index_cast %swap3A_600 : i32 to index
        %swap3A_602 = arith.index_cast %scan3A_452 : i32 to index
        %swap3A_603 = arith.constant 176 : index
        %swap3A_604 = tpu.vector_load %arg8[%swap3A_601, %swap3A_602, %swap3A_603] {strides = array<i32>} : memref<4x8x768xf32, #tpu.memory_space<vmem>>, vector<1x1x16xf32>,
        %swap3A_605 = vector.shape_cast %swap3A_604 : vector<1x1x16xf32> to vector<16xf32>
        %swap3A_606 = vector.shape_cast %get3A_599 : vector<16xf32> to vector<1x1x16xf32>
        tpu.vector_store %arg8[%swap3A_601, %swap3A_602, %swap3A_603], %swap3A_606 {add = true, strides = array<i32>} : memref<4x8x768xf32, #tpu.memory_space<vmem>>, vector<1x1x16xf32>,
        %get3A_607 = arith.constant 3 : i32
        %get3A_608 = arith.index_cast %get3A_607 : i32 to index
        %get3A_609 = arith.index_cast %scan3A_452 : i32 to index
        %get3A_610 = arith.constant 192 : index
        %get3A_611 = tpu.vector_load %arg7[%get3A_608, %get3A_609, %get3A_610] {strides = array<i32>} : memref<4x8x768xf32, #tpu.memory_space<vmem>>, vector<1x1x16xf32>,
        %get3A_612 = vector.shape_cast %get3A_611 : vector<1x1x16xf32> to vector<16xf32>
        %swap3A_613 = arith.constant 3 : i32
        %swap3A_614 = arith.index_cast %swap3A_613 : i32 to index
        %swap3A_615 = arith.index_cast %scan3A_452 : i32 to index
        %swap3A_616 = arith.constant 192 : index
        %swap3A_617 = tpu.vector_load %arg8[%swap3A_614, %swap3A_615, %swap3A_616] {strides = array<i32>} : memref<4x8x768xf32, #tpu.memory_space<vmem>>, vector<1x1x16xf32>,
        %swap3A_618 = vector.shape_cast %swap3A_617 : vector<1x1x16xf32> to vector<16xf32>
        %swap3A_619 = vector.shape_cast %get3A_612 : vector<16xf32> to vector<1x1x16xf32>
        tpu.vector_store %arg8[%swap3A_614, %swap3A_615, %swap3A_616], %swap3A_619 {add = true, strides = array<i32>} : memref<4x8x768xf32, #tpu.memory_space<vmem>>, vector<1x1x16xf32>,
        %get3A_620 = arith.constant 3 : i32
        %get3A_621 = arith.index_cast %get3A_620 : i32 to index
        %get3A_622 = arith.index_cast %scan3A_452 : i32 to index
        %get3A_623 = arith.constant 208 : index
        %get3A_624 = tpu.vector_load %arg7[%get3A_621, %get3A_622, %get3A_623] {strides = array<i32>} : memref<4x8x768xf32, #tpu.memory_space<vmem>>, vector<1x1x16xf32>,
        %get3A_625 = vector.shape_cast %get3A_624 : vector<1x1x16xf32> to vector<16xf32>
        %swap3A_626 = arith.constant 3 : i32
        %swap3A_627 = arith.index_cast %swap3A_626 : i32 to index
        %swap3A_628 = arith.index_cast %scan3A_452 : i32 to index
        %swap3A_629 = arith.constant 208 : index
        %swap3A_630 = tpu.vector_load %arg8[%swap3A_627, %swap3A_628, %swap3A_629] {strides = array<i32>} : memref<4x8x768xf32, #tpu.memory_space<vmem>>, vector<1x1x16xf32>,
        %swap3A_631 = vector.shape_cast %swap3A_630 : vector<1x1x16xf32> to vector<16xf32>
        %swap3A_632 = vector.shape_cast %get3A_625 : vector<16xf32> to vector<1x1x16xf32>
        tpu.vector_store %arg8[%swap3A_627, %swap3A_628, %swap3A_629], %swap3A_632 {add = true, strides = array<i32>} : memref<4x8x768xf32, #tpu.memory_space<vmem>>, vector<1x1x16xf32>,
        %get3A_633 = arith.constant 3 : i32
        %get3A_634 = arith.index_cast %get3A_633 : i32 to index
        %get3A_635 = arith.index_cast %scan3A_452 : i32 to index
        %get3A_636 = arith.constant 224 : index
        %get3A_637 = tpu.vector_load %arg7[%get3A_634, %get3A_635, %get3A_636] {strides = array<i32>} : memref<4x8x768xf32, #tpu.memory_space<vmem>>, vector<1x1x16xf32>,
        %get3A_638 = vector.shape_cast %get3A_637 : vector<1x1x16xf32> to vector<16xf32>
        %swap3A_639 = arith.constant 3 : i32
        %swap3A_640 = arith.index_cast %swap3A_639 : i32 to index
        %swap3A_641 = arith.index_cast %scan3A_452 : i32 to index
        %swap3A_642 = arith.constant 224 : index
        %swap3A_643 = tpu.vector_load %arg8[%swap3A_640, %swap3A_641, %swap3A_642] {strides = array<i32>} : memref<4x8x768xf32, #tpu.memory_space<vmem>>, vector<1x1x16xf32>,
        %swap3A_644 = vector.shape_cast %swap3A_643 : vector<1x1x16xf32> to vector<16xf32>
        %swap3A_645 = vector.shape_cast %get3A_638 : vector<16xf32> to vector<1x1x16xf32>
        tpu.vector_store %arg8[%swap3A_640, %swap3A_641, %swap3A_642], %swap3A_645 {add = true, strides = array<i32>} : memref<4x8x768xf32, #tpu.memory_space<vmem>>, vector<1x1x16xf32>,
        %get3A_646 = arith.constant 3 : i32
        %get3A_647 = arith.index_cast %get3A_646 : i32 to index
        %get3A_648 = arith.index_cast %scan3A_452 : i32 to index
        %get3A_649 = arith.constant 240 : index
        %get3A_650 = tpu.vector_load %arg7[%get3A_647, %get3A_648, %get3A_649] {strides = array<i32>} : memref<4x8x768xf32, #tpu.memory_space<vmem>>, vector<1x1x16xf32>,
        %get3A_651 = vector.shape_cast %get3A_650 : vector<1x1x16xf32> to vector<16xf32>
        %swap3A_652 = arith.constant 3 : i32
        %swap3A_653 = arith.index_cast %swap3A_652 : i32 to index
        %swap3A_654 = arith.index_cast %scan3A_452 : i32 to index
        %swap3A_655 = arith.constant 240 : index
        %swap3A_656 = tpu.vector_load %arg8[%swap3A_653, %swap3A_654, %swap3A_655] {strides = array<i32>} : memref<4x8x768xf32, #tpu.memory_space<vmem>>, vector<1x1x16xf32>,
        %swap3A_657 = vector.shape_cast %swap3A_656 : vector<1x1x16xf32> to vector<16xf32>
        %swap3A_658 = vector.shape_cast %get3A_651 : vector<16xf32> to vector<1x1x16xf32>
        tpu.vector_store %arg8[%swap3A_653, %swap3A_654, %swap3A_655], %swap3A_658 {add = true, strides = array<i32>} : memref<4x8x768xf32, #tpu.memory_space<vmem>>, vector<1x1x16xf32>,
        %get3A_659 = arith.constant 3 : i32
        %get3A_660 = arith.index_cast %get3A_659 : i32 to index
        %get3A_661 = arith.index_cast %scan3A_452 : i32 to index
        %get3A_662 = arith.constant 256 : index
        %get3A_663 = tpu.vector_load %arg7[%get3A_660, %get3A_661, %get3A_662] {strides = array<i32>} : memref<4x8x768xf32, #tpu.memory_space<vmem>>, vector<1x1x16xf32>,
        %get3A_664 = vector.shape_cast %get3A_663 : vector<1x1x16xf32> to vector<16xf32>
        %swap3A_665 = arith.constant 3 : i32
        %swap3A_666 = arith.index_cast %swap3A_665 : i32 to index
        %swap3A_667 = arith.index_cast %scan3A_452 : i32 to index
        %swap3A_668 = arith.constant 256 : index
        %swap3A_669 = tpu.vector_load %arg8[%swap3A_666, %swap3A_667, %swap3A_668] {strides = array<i32>} : memref<4x8x768xf32, #tpu.memory_space<vmem>>, vector<1x1x16xf32>,
        %swap3A_670 = vector.shape_cast %swap3A_669 : vector<1x1x16xf32> to vector<16xf32>
        %swap3A_671 = vector.shape_cast %get3A_664 : vector<16xf32> to vector<1x1x16xf32>
        tpu.vector_store %arg8[%swap3A_666, %swap3A_667, %swap3A_668], %swap3A_671 {add = true, strides = array<i32>} : memref<4x8x768xf32, #tpu.memory_space<vmem>>, vector<1x1x16xf32>,
        %get3A_672 = arith.constant 3 : i32
        %get3A_673 = arith.index_cast %get3A_672 : i32 to index
        %get3A_674 = arith.index_cast %scan3A_452 : i32 to index
        %get3A_675 = arith.constant 272 : index
        %get3A_676 = tpu.vector_load %arg7[%get3A_673, %get3A_674, %get3A_675] {strides = array<i32>} : memref<4x8x768xf32, #tpu.memory_space<vmem>>, vector<1x1x16xf32>,
        %get3A_677 = vector.shape_cast %get3A_676 : vector<1x1x16xf32> to vector<16xf32>
        %swap3A_678 = arith.constant 3 : i32
        %swap3A_679 = arith.index_cast %swap3A_678 : i32 to index
        %swap3A_680 = arith.index_cast %scan3A_452 : i32 to index
        %swap3A_681 = arith.constant 272 : index
        %swap3A_682 = tpu.vector_load %arg8[%swap3A_679, %swap3A_680, %swap3A_681] {strides = array<i32>} : memref<4x8x768xf32, #tpu.memory_space<vmem>>, vector<1x1x16xf32>,
        %swap3A_683 = vector.shape_cast %swap3A_682 : vector<1x1x16xf32> to vector<16xf32>
        %swap3A_684 = vector.shape_cast %get3A_677 : vector<16xf32> to vector<1x1x16xf32>
        tpu.vector_store %arg8[%swap3A_679, %swap3A_680, %swap3A_681], %swap3A_684 {add = true, strides = array<i32>} : memref<4x8x768xf32, #tpu.memory_space<vmem>>, vector<1x1x16xf32>,
        %get3A_685 = arith.constant 3 : i32
        %get3A_686 = arith.index_cast %get3A_685 : i32 to index
        %get3A_687 = arith.index_cast %scan3A_452 : i32 to index
        %get3A_688 = arith.constant 288 : index
        %get3A_689 = tpu.vector_load %arg7[%get3A_686, %get3A_687, %get3A_688] {strides = array<i32>} : memref<4x8x768xf32, #tpu.memory_space<vmem>>, vector<1x1x16xf32>,
        %get3A_690 = vector.shape_cast %get3A_689 : vector<1x1x16xf32> to vector<16xf32>
        %swap3A_691 = arith.constant 3 : i32
        %swap3A_692 = arith.index_cast %swap3A_691 : i32 to index
        %swap3A_693 = arith.index_cast %scan3A_452 : i32 to index
        %swap3A_694 = arith.constant 288 : index
        %swap3A_695 = tpu.vector_load %arg8[%swap3A_692, %swap3A_693, %swap3A_694] {strides = array<i32>} : memref<4x8x768xf32, #tpu.memory_space<vmem>>, vector<1x1x16xf32>,
        %swap3A_696 = vector.shape_cast %swap3A_695 : vector<1x1x16xf32> to vector<16xf32>
        %swap3A_697 = vector.shape_cast %get3A_690 : vector<16xf32> to vector<1x1x16xf32>
        tpu.vector_store %arg8[%swap3A_692, %swap3A_693, %swap3A_694], %swap3A_697 {add = true, strides = array<i32>} : memref<4x8x768xf32, #tpu.memory_space<vmem>>, vector<1x1x16xf32>,
        %get3A_698 = arith.constant 3 : i32
        %get3A_699 = arith.index_cast %get3A_698 : i32 to index
        %get3A_700 = arith.index_cast %scan3A_452 : i32 to index
        %get3A_701 = arith.constant 304 : index
        %get3A_702 = tpu.vector_load %arg7[%get3A_699, %get3A_700, %get3A_701] {strides = array<i32>} : memref<4x8x768xf32, #tpu.memory_space<vmem>>, vector<1x1x16xf32>,
        %get3A_703 = vector.shape_cast %get3A_702 : vector<1x1x16xf32> to vector<16xf32>
        %swap3A_704 = arith.constant 3 : i32
        %swap3A_705 = arith.index_cast %swap3A_704 : i32 to index
        %swap3A_706 = arith.index_cast %scan3A_452 : i32 to index
        %swap3A_707 = arith.constant 304 : index
        %swap3A_708 = tpu.vector_load %arg8[%swap3A_705, %swap3A_706, %swap3A_707] {strides = array<i32>} : memref<4x8x768xf32, #tpu.memory_space<vmem>>, vector<1x1x16xf32>,
        %swap3A_709 = vector.shape_cast %swap3A_708 : vector<1x1x16xf32> to vector<16xf32>
        %swap3A_710 = vector.shape_cast %get3A_703 : vector<16xf32> to vector<1x1x16xf32>
        tpu.vector_store %arg8[%swap3A_705, %swap3A_706, %swap3A_707], %swap3A_710 {add = true, strides = array<i32>} : memref<4x8x768xf32, #tpu.memory_space<vmem>>, vector<1x1x16xf32>,
        %get3A_711 = arith.constant 3 : i32
        %get3A_712 = arith.index_cast %get3A_711 : i32 to index
        %get3A_713 = arith.index_cast %scan3A_452 : i32 to index
        %get3A_714 = arith.constant 320 : index
        %get3A_715 = tpu.vector_load %arg7[%get3A_712, %get3A_713, %get3A_714] {strides = array<i32>} : memref<4x8x768xf32, #tpu.memory_space<vmem>>, vector<1x1x16xf32>,
        %get3A_716 = vector.shape_cast %get3A_715 : vector<1x1x16xf32> to vector<16xf32>
        %swap3A_717 = arith.constant 3 : i32
        %swap3A_718 = arith.index_cast %swap3A_717 : i32 to index
        %swap3A_719 = arith.index_cast %scan3A_452 : i32 to index
        %swap3A_720 = arith.constant 320 : index
        %swap3A_721 = tpu.vector_load %arg8[%swap3A_718, %swap3A_719, %swap3A_720] {strides = array<i32>} : memref<4x8x768xf32, #tpu.memory_space<vmem>>, vector<1x1x16xf32>,
        %swap3A_722 = vector.shape_cast %swap3A_721 : vector<1x1x16xf32> to vector<16xf32>
        %swap3A_723 = vector.shape_cast %get3A_716 : vector<16xf32> to vector<1x1x16xf32>
        tpu.vector_store %arg8[%swap3A_718, %swap3A_719, %swap3A_720], %swap3A_723 {add = true, strides = array<i32>} : memref<4x8x768xf32, #tpu.memory_space<vmem>>, vector<1x1x16xf32>,
        %get3A_724 = arith.constant 3 : i32
        %get3A_725 = arith.index_cast %get3A_724 : i32 to index
        %get3A_726 = arith.index_cast %scan3A_452 : i32 to index
        %get3A_727 = arith.constant 336 : index
        %get3A_728 = tpu.vector_load %arg7[%get3A_725, %get3A_726, %get3A_727] {strides = array<i32>} : memref<4x8x768xf32, #tpu.memory_space<vmem>>, vector<1x1x16xf32>,
        %get3A_729 = vector.shape_cast %get3A_728 : vector<1x1x16xf32> to vector<16xf32>
        %swap3A_730 = arith.constant 3 : i32
        %swap3A_731 = arith.index_cast %swap3A_730 : i32 to index
        %swap3A_732 = arith.index_cast %scan3A_452 : i32 to index
        %swap3A_733 = arith.constant 336 : index
        %swap3A_734 = tpu.vector_load %arg8[%swap3A_731, %swap3A_732, %swap3A_733] {strides = array<i32>} : memref<4x8x768xf32, #tpu.memory_space<vmem>>, vector<1x1x16xf32>,
        %swap3A_735 = vector.shape_cast %swap3A_734 : vector<1x1x16xf32> to vector<16xf32>
        %swap3A_736 = vector.shape_cast %get3A_729 : vector<16xf32> to vector<1x1x16xf32>
        tpu.vector_store %arg8[%swap3A_731, %swap3A_732, %swap3A_733], %swap3A_736 {add = true, strides = array<i32>} : memref<4x8x768xf32, #tpu.memory_space<vmem>>, vector<1x1x16xf32>,
        %get3A_737 = arith.constant 3 : i32
        %get3A_738 = arith.index_cast %get3A_737 : i32 to index
        %get3A_739 = arith.index_cast %scan3A_452 : i32 to index
        %get3A_740 = arith.constant 352 : index
        %get3A_741 = tpu.vector_load %arg7[%get3A_738, %get3A_739, %get3A_740] {strides = array<i32>} : memref<4x8x768xf32, #tpu.memory_space<vmem>>, vector<1x1x16xf32>,
        %get3A_742 = vector.shape_cast %get3A_741 : vector<1x1x16xf32> to vector<16xf32>
        %swap3A_743 = arith.constant 3 : i32
        %swap3A_744 = arith.index_cast %swap3A_743 : i32 to index
        %swap3A_745 = arith.index_cast %scan3A_452 : i32 to index
        %swap3A_746 = arith.constant 352 : index
        %swap3A_747 = tpu.vector_load %arg8[%swap3A_744, %swap3A_745, %swap3A_746] {strides = array<i32>} : memref<4x8x768xf32, #tpu.memory_space<vmem>>, vector<1x1x16xf32>,
        %swap3A_748 = vector.shape_cast %swap3A_747 : vector<1x1x16xf32> to vector<16xf32>
        %swap3A_749 = vector.shape_cast %get3A_742 : vector<16xf32> to vector<1x1x16xf32>
        tpu.vector_store %arg8[%swap3A_744, %swap3A_745, %swap3A_746], %swap3A_749 {add = true, strides = array<i32>} : memref<4x8x768xf32, #tpu.memory_space<vmem>>, vector<1x1x16xf32>,
        %get3A_750 = arith.constant 3 : i32
        %get3A_751 = arith.index_cast %get3A_750 : i32 to index
        %get3A_752 = arith.index_cast %scan3A_452 : i32 to index
        %get3A_753 = arith.constant 368 : index
        %get3A_754 = tpu.vector_load %arg7[%get3A_751, %get3A_752, %get3A_753] {strides = array<i32>} : memref<4x8x768xf32, #tpu.memory_space<vmem>>, vector<1x1x16xf32>,
        %get3A_755 = vector.shape_cast %get3A_754 : vector<1x1x16xf32> to vector<16xf32>
        %swap3A_756 = arith.constant 3 : i32
        %swap3A_757 = arith.index_cast %swap3A_756 : i32 to index
        %swap3A_758 = arith.index_cast %scan3A_452 : i32 to index
        %swap3A_759 = arith.constant 368 : index
        %swap3A_760 = tpu.vector_load %arg8[%swap3A_757, %swap3A_758, %swap3A_759] {strides = array<i32>} : memref<4x8x768xf32, #tpu.memory_space<vmem>>, vector<1x1x16xf32>,
        %swap3A_761 = vector.shape_cast %swap3A_760 : vector<1x1x16xf32> to vector<16xf32>
        %swap3A_762 = vector.shape_cast %get3A_755 : vector<16xf32> to vector<1x1x16xf32>
        tpu.vector_store %arg8[%swap3A_757, %swap3A_758, %swap3A_759], %swap3A_762 {add = true, strides = array<i32>} : memref<4x8x768xf32, #tpu.memory_space<vmem>>, vector<1x1x16xf32>,
        %get3A_763 = arith.constant 3 : i32
        %get3A_764 = arith.index_cast %get3A_763 : i32 to index
        %get3A_765 = arith.index_cast %scan3A_452 : i32 to index
        %get3A_766 = arith.constant 384 : index
        %get3A_767 = tpu.vector_load %arg7[%get3A_764, %get3A_765, %get3A_766] {strides = array<i32>} : memref<4x8x768xf32, #tpu.memory_space<vmem>>, vector<1x1x16xf32>,
        %get3A_768 = vector.shape_cast %get3A_767 : vector<1x1x16xf32> to vector<16xf32>
        %swap3A_769 = arith.constant 3 : i32
        %swap3A_770 = arith.index_cast %swap3A_769 : i32 to index
        %swap3A_771 = arith.index_cast %scan3A_452 : i32 to index
        %swap3A_772 = arith.constant 384 : index
        %swap3A_773 = tpu.vector_load %arg8[%swap3A_770, %swap3A_771, %swap3A_772] {strides = array<i32>} : memref<4x8x768xf32, #tpu.memory_space<vmem>>, vector<1x1x16xf32>,
        %swap3A_774 = vector.shape_cast %swap3A_773 : vector<1x1x16xf32> to vector<16xf32>
        %swap3A_775 = vector.shape_cast %get3A_768 : vector<16xf32> to vector<1x1x16xf32>
        tpu.vector_store %arg8[%swap3A_770, %swap3A_771, %swap3A_772], %swap3A_775 {add = true, strides = array<i32>} : memref<4x8x768xf32, #tpu.memory_space<vmem>>, vector<1x1x16xf32>,
        %get3A_776 = arith.constant 3 : i32
        %get3A_777 = arith.index_cast %get3A_776 : i32 to index
        %get3A_778 = arith.index_cast %scan3A_452 : i32 to index
        %get3A_779 = arith.constant 400 : index
        %get3A_780 = tpu.vector_load %arg7[%get3A_777, %get3A_778, %get3A_779] {strides = array<i32>} : memref<4x8x768xf32, #tpu.memory_space<vmem>>, vector<1x1x16xf32>,
        %get3A_781 = vector.shape_cast %get3A_780 : vector<1x1x16xf32> to vector<16xf32>
        %swap3A_782 = arith.constant 3 : i32
        %swap3A_783 = arith.index_cast %swap3A_782 : i32 to index
        %swap3A_784 = arith.index_cast %scan3A_452 : i32 to index
        %swap3A_785 = arith.constant 400 : index
        %swap3A_786 = tpu.vector_load %arg8[%swap3A_783, %swap3A_784, %swap3A_785] {strides = array<i32>} : memref<4x8x768xf32, #tpu.memory_space<vmem>>, vector<1x1x16xf32>,
        %swap3A_787 = vector.shape_cast %swap3A_786 : vector<1x1x16xf32> to vector<16xf32>
        %swap3A_788 = vector.shape_cast %get3A_781 : vector<16xf32> to vector<1x1x16xf32>
        tpu.vector_store %arg8[%swap3A_783, %swap3A_784, %swap3A_785], %swap3A_788 {add = true, strides = array<i32>} : memref<4x8x768xf32, #tpu.memory_space<vmem>>, vector<1x1x16xf32>,
        %get3A_789 = arith.constant 3 : i32
        %get3A_790 = arith.index_cast %get3A_789 : i32 to index
        %get3A_791 = arith.index_cast %scan3A_452 : i32 to index
        %get3A_792 = arith.constant 416 : index
        %get3A_793 = tpu.vector_load %arg7[%get3A_790, %get3A_791, %get3A_792] {strides = array<i32>} : memref<4x8x768xf32, #tpu.memory_space<vmem>>, vector<1x1x16xf32>,
        %get3A_794 = vector.shape_cast %get3A_793 : vector<1x1x16xf32> to vector<16xf32>
        %swap3A_795 = arith.constant 3 : i32
        %swap3A_796 = arith.index_cast %swap3A_795 : i32 to index
        %swap3A_797 = arith.index_cast %scan3A_452 : i32 to index
        %swap3A_798 = arith.constant 416 : index
        %swap3A_799 = tpu.vector_load %arg8[%swap3A_796, %swap3A_797, %swap3A_798] {strides = array<i32>} : memref<4x8x768xf32, #tpu.memory_space<vmem>>, vector<1x1x16xf32>,
        %swap3A_800 = vector.shape_cast %swap3A_799 : vector<1x1x16xf32> to vector<16xf32>
        %swap3A_801 = vector.shape_cast %get3A_794 : vector<16xf32> to vector<1x1x16xf32>
        tpu.vector_store %arg8[%swap3A_796, %swap3A_797, %swap3A_798], %swap3A_801 {add = true, strides = array<i32>} : memref<4x8x768xf32, #tpu.memory_space<vmem>>, vector<1x1x16xf32>,
        %get3A_802 = arith.constant 3 : i32
        %get3A_803 = arith.index_cast %get3A_802 : i32 to index
        %get3A_804 = arith.index_cast %scan3A_452 : i32 to index
        %get3A_805 = arith.constant 432 : index
        %get3A_806 = tpu.vector_load %arg7[%get3A_803, %get3A_804, %get3A_805] {strides = array<i32>} : memref<4x8x768xf32, #tpu.memory_space<vmem>>, vector<1x1x16xf32>,
        %get3A_807 = vector.shape_cast %get3A_806 : vector<1x1x16xf32> to vector<16xf32>
        %swap3A_808 = arith.constant 3 : i32
        %swap3A_809 = arith.index_cast %swap3A_808 : i32 to index
        %swap3A_810 = arith.index_cast %scan3A_452 : i32 to index
        %swap3A_811 = arith.constant 432 : index
        %swap3A_812 = tpu.vector_load %arg8[%swap3A_809, %swap3A_810, %swap3A_811] {strides = array<i32>} : memref<4x8x768xf32, #tpu.memory_space<vmem>>, vector<1x1x16xf32>,
        %swap3A_813 = vector.shape_cast %swap3A_812 : vector<1x1x16xf32> to vector<16xf32>
        %swap3A_814 = vector.shape_cast %get3A_807 : vector<16xf32> to vector<1x1x16xf32>
        tpu.vector_store %arg8[%swap3A_809, %swap3A_810, %swap3A_811], %swap3A_814 {add = true, strides = array<i32>} : memref<4x8x768xf32, #tpu.memory_space<vmem>>, vector<1x1x16xf32>,
        %get3A_815 = arith.constant 3 : i32
        %get3A_816 = arith.index_cast %get3A_815 : i32 to index
        %get3A_817 = arith.index_cast %scan3A_452 : i32 to index
        %get3A_818 = arith.constant 448 : index
        %get3A_819 = tpu.vector_load %arg7[%get3A_816, %get3A_817, %get3A_818] {strides = array<i32>} : memref<4x8x768xf32, #tpu.memory_space<vmem>>, vector<1x1x16xf32>,
        %get3A_820 = vector.shape_cast %get3A_819 : vector<1x1x16xf32> to vector<16xf32>
        %swap3A_821 = arith.constant 3 : i32
        %swap3A_822 = arith.index_cast %swap3A_821 : i32 to index
        %swap3A_823 = arith.index_cast %scan3A_452 : i32 to index
        %swap3A_824 = arith.constant 448 : index
        %swap3A_825 = tpu.vector_load %arg8[%swap3A_822, %swap3A_823, %swap3A_824] {strides = array<i32>} : memref<4x8x768xf32, #tpu.memory_space<vmem>>, vector<1x1x16xf32>,
        %swap3A_826 = vector.shape_cast %swap3A_825 : vector<1x1x16xf32> to vector<16xf32>
        %swap3A_827 = vector.shape_cast %get3A_820 : vector<16xf32> to vector<1x1x16xf32>
        tpu.vector_store %arg8[%swap3A_822, %swap3A_823, %swap3A_824], %swap3A_827 {add = true, strides = array<i32>} : memref<4x8x768xf32, #tpu.memory_space<vmem>>, vector<1x1x16xf32>,
        %get3A_828 = arith.constant 3 : i32
        %get3A_829 = arith.index_cast %get3A_828 : i32 to index
        %get3A_830 = arith.index_cast %scan3A_452 : i32 to index
        %get3A_831 = arith.constant 464 : index
        %get3A_832 = tpu.vector_load %arg7[%get3A_829, %get3A_830, %get3A_831] {strides = array<i32>} : memref<4x8x768xf32, #tpu.memory_space<vmem>>, vector<1x1x16xf32>,
        %get3A_833 = vector.shape_cast %get3A_832 : vector<1x1x16xf32> to vector<16xf32>
        %swap3A_834 = arith.constant 3 : i32
        %swap3A_835 = arith.index_cast %swap3A_834 : i32 to index
        %swap3A_836 = arith.index_cast %scan3A_452 : i32 to index
        %swap3A_837 = arith.constant 464 : index
        %swap3A_838 = tpu.vector_load %arg8[%swap3A_835, %swap3A_836, %swap3A_837] {strides = array<i32>} : memref<4x8x768xf32, #tpu.memory_space<vmem>>, vector<1x1x16xf32>,
        %swap3A_839 = vector.shape_cast %swap3A_838 : vector<1x1x16xf32> to vector<16xf32>
        %swap3A_840 = vector.shape_cast %get3A_833 : vector<16xf32> to vector<1x1x16xf32>
        tpu.vector_store %arg8[%swap3A_835, %swap3A_836, %swap3A_837], %swap3A_840 {add = true, strides = array<i32>} : memref<4x8x768xf32, #tpu.memory_space<vmem>>, vector<1x1x16xf32>,
        %get3A_841 = arith.constant 3 : i32
        %get3A_842 = arith.index_cast %get3A_841 : i32 to index
        %get3A_843 = arith.index_cast %scan3A_452 : i32 to index
        %get3A_844 = arith.constant 480 : index
        %get3A_845 = tpu.vector_load %arg7[%get3A_842, %get3A_843, %get3A_844] {strides = array<i32>} : memref<4x8x768xf32, #tpu.memory_space<vmem>>, vector<1x1x16xf32>,
        %get3A_846 = vector.shape_cast %get3A_845 : vector<1x1x16xf32> to vector<16xf32>
        %swap3A_847 = arith.constant 3 : i32
        %swap3A_848 = arith.index_cast %swap3A_847 : i32 to index
        %swap3A_849 = arith.index_cast %scan3A_452 : i32 to index
        %swap3A_850 = arith.constant 480 : index
        %swap3A_851 = tpu.vector_load %arg8[%swap3A_848, %swap3A_849, %swap3A_850] {strides = array<i32>} : memref<4x8x768xf32, #tpu.memory_space<vmem>>, vector<1x1x16xf32>,
        %swap3A_852 = vector.shape_cast %swap3A_851 : vector<1x1x16xf32> to vector<16xf32>
        %swap3A_853 = vector.shape_cast %get3A_846 : vector<16xf32> to vector<1x1x16xf32>
        tpu.vector_store %arg8[%swap3A_848, %swap3A_849, %swap3A_850], %swap3A_853 {add = true, strides = array<i32>} : memref<4x8x768xf32, #tpu.memory_space<vmem>>, vector<1x1x16xf32>,
        %get3A_854 = arith.constant 3 : i32
        %get3A_855 = arith.index_cast %get3A_854 : i32 to index
        %get3A_856 = arith.index_cast %scan3A_452 : i32 to index
        %get3A_857 = arith.constant 496 : index
        %get3A_858 = tpu.vector_load %arg7[%get3A_855, %get3A_856, %get3A_857] {strides = array<i32>} : memref<4x8x768xf32, #tpu.memory_space<vmem>>, vector<1x1x16xf32>,
        %get3A_859 = vector.shape_cast %get3A_858 : vector<1x1x16xf32> to vector<16xf32>
        %swap3A_860 = arith.constant 3 : i32
        %swap3A_861 = arith.index_cast %swap3A_860 : i32 to index
        %swap3A_862 = arith.index_cast %scan3A_452 : i32 to index
        %swap3A_863 = arith.constant 496 : index
        %swap3A_864 = tpu.vector_load %arg8[%swap3A_861, %swap3A_862, %swap3A_863] {strides = array<i32>} : memref<4x8x768xf32, #tpu.memory_space<vmem>>, vector<1x1x16xf32>,
        %swap3A_865 = vector.shape_cast %swap3A_864 : vector<1x1x16xf32> to vector<16xf32>
        %swap3A_866 = vector.shape_cast %get3A_859 : vector<16xf32> to vector<1x1x16xf32>
        tpu.vector_store %arg8[%swap3A_861, %swap3A_862, %swap3A_863], %swap3A_866 {add = true, strides = array<i32>} : memref<4x8x768xf32, #tpu.memory_space<vmem>>, vector<1x1x16xf32>,
        %get3A_867 = arith.constant 3 : i32
        %get3A_868 = arith.index_cast %get3A_867 : i32 to index
        %get3A_869 = arith.index_cast %scan3A_452 : i32 to index
        %get3A_870 = arith.constant 512 : index
        %get3A_871 = tpu.vector_load %arg7[%get3A_868, %get3A_869, %get3A_870] {strides = array<i32>} : memref<4x8x768xf32, #tpu.memory_space<vmem>>, vector<1x1x16xf32>,
        %get3A_872 = vector.shape_cast %get3A_871 : vector<1x1x16xf32> to vector<16xf32>
        %swap3A_873 = arith.constant 3 : i32
        %swap3A_874 = arith.index_cast %swap3A_873 : i32 to index
        %swap3A_875 = arith.index_cast %scan3A_452 : i32 to index
        %swap3A_876 = arith.constant 512 : index
        %swap3A_877 = tpu.vector_load %arg8[%swap3A_874, %swap3A_875, %swap3A_876] {strides = array<i32>} : memref<4x8x768xf32, #tpu.memory_space<vmem>>, vector<1x1x16xf32>,
        %swap3A_878 = vector.shape_cast %swap3A_877 : vector<1x1x16xf32> to vector<16xf32>
        %swap3A_879 = vector.shape_cast %get3A_872 : vector<16xf32> to vector<1x1x16xf32>
        tpu.vector_store %arg8[%swap3A_874, %swap3A_875, %swap3A_876], %swap3A_879 {add = true, strides = array<i32>} : memref<4x8x768xf32, #tpu.memory_space<vmem>>, vector<1x1x16xf32>,
        %get3A_880 = arith.constant 3 : i32
        %get3A_881 = arith.index_cast %get3A_880 : i32 to index
        %get3A_882 = arith.index_cast %scan3A_452 : i32 to index
        %get3A_883 = arith.constant 528 : index
        %get3A_884 = tpu.vector_load %arg7[%get3A_881, %get3A_882, %get3A_883] {strides = array<i32>} : memref<4x8x768xf32, #tpu.memory_space<vmem>>, vector<1x1x16xf32>,
        %get3A_885 = vector.shape_cast %get3A_884 : vector<1x1x16xf32> to vector<16xf32>
        %swap3A_886 = arith.constant 3 : i32
        %swap3A_887 = arith.index_cast %swap3A_886 : i32 to index
        %swap3A_888 = arith.index_cast %scan3A_452 : i32 to index
        %swap3A_889 = arith.constant 528 : index
        %swap3A_890 = tpu.vector_load %arg8[%swap3A_887, %swap3A_888, %swap3A_889] {strides = array<i32>} : memref<4x8x768xf32, #tpu.memory_space<vmem>>, vector<1x1x16xf32>,
        %swap3A_891 = vector.shape_cast %swap3A_890 : vector<1x1x16xf32> to vector<16xf32>
        %swap3A_892 = vector.shape_cast %get3A_885 : vector<16xf32> to vector<1x1x16xf32>
        tpu.vector_store %arg8[%swap3A_887, %swap3A_888, %swap3A_889], %swap3A_892 {add = true, strides = array<i32>} : memref<4x8x768xf32, #tpu.memory_space<vmem>>, vector<1x1x16xf32>,
        %get3A_893 = arith.constant 3 : i32
        %get3A_894 = arith.index_cast %get3A_893 : i32 to index
        %get3A_895 = arith.index_cast %scan3A_452 : i32 to index
        %get3A_896 = arith.constant 544 : index
        %get3A_897 = tpu.vector_load %arg7[%get3A_894, %get3A_895, %get3A_896] {strides = array<i32>} : memref<4x8x768xf32, #tpu.memory_space<vmem>>, vector<1x1x16xf32>,
        %get3A_898 = vector.shape_cast %get3A_897 : vector<1x1x16xf32> to vector<16xf32>
        %swap3A_899 = arith.constant 3 : i32
        %swap3A_900 = arith.index_cast %swap3A_899 : i32 to index
        %swap3A_901 = arith.index_cast %scan3A_452 : i32 to index
        %swap3A_902 = arith.constant 544 : index
        %swap3A_903 = tpu.vector_load %arg8[%swap3A_900, %swap3A_901, %swap3A_902] {strides = array<i32>} : memref<4x8x768xf32, #tpu.memory_space<vmem>>, vector<1x1x16xf32>,
        %swap3A_904 = vector.shape_cast %swap3A_903 : vector<1x1x16xf32> to vector<16xf32>
        %swap3A_905 = vector.shape_cast %get3A_898 : vector<16xf32> to vector<1x1x16xf32>
        tpu.vector_store %arg8[%swap3A_900, %swap3A_901, %swap3A_902], %swap3A_905 {add = true, strides = array<i32>} : memref<4x8x768xf32, #tpu.memory_space<vmem>>, vector<1x1x16xf32>,
        %get3A_906 = arith.constant 3 : i32
        %get3A_907 = arith.index_cast %get3A_906 : i32 to index
        %get3A_908 = arith.index_cast %scan3A_452 : i32 to index
        %get3A_909 = arith.constant 560 : index
        %get3A_910 = tpu.vector_load %arg7[%get3A_907, %get3A_908, %get3A_909] {strides = array<i32>} : memref<4x8x768xf32, #tpu.memory_space<vmem>>, vector<1x1x16xf32>,
        %get3A_911 = vector.shape_cast %get3A_910 : vector<1x1x16xf32> to vector<16xf32>
        %swap3A_912 = arith.constant 3 : i32
        %swap3A_913 = arith.index_cast %swap3A_912 : i32 to index
        %swap3A_914 = arith.index_cast %scan3A_452 : i32 to index
        %swap3A_915 = arith.constant 560 : index
        %swap3A_916 = tpu.vector_load %arg8[%swap3A_913, %swap3A_914, %swap3A_915] {strides = array<i32>} : memref<4x8x768xf32, #tpu.memory_space<vmem>>, vector<1x1x16xf32>,
        %swap3A_917 = vector.shape_cast %swap3A_916 : vector<1x1x16xf32> to vector<16xf32>
        %swap3A_918 = vector.shape_cast %get3A_911 : vector<16xf32> to vector<1x1x16xf32>
        tpu.vector_store %arg8[%swap3A_913, %swap3A_914, %swap3A_915], %swap3A_918 {add = true, strides = array<i32>} : memref<4x8x768xf32, #tpu.memory_space<vmem>>, vector<1x1x16xf32>,
        %get3A_919 = arith.constant 3 : i32
        %get3A_920 = arith.index_cast %get3A_919 : i32 to index
        %get3A_921 = arith.index_cast %scan3A_452 : i32 to index
        %get3A_922 = arith.constant 576 : index
        %get3A_923 = tpu.vector_load %arg7[%get3A_920, %get3A_921, %get3A_922] {strides = array<i32>} : memref<4x8x768xf32, #tpu.memory_space<vmem>>, vector<1x1x16xf32>,
        %get3A_924 = vector.shape_cast %get3A_923 : vector<1x1x16xf32> to vector<16xf32>
        %swap3A_925 = arith.constant 3 : i32
        %swap3A_926 = arith.index_cast %swap3A_925 : i32 to index
        %swap3A_927 = arith.index_cast %scan3A_452 : i32 to index
        %swap3A_928 = arith.constant 576 : index
        %swap3A_929 = tpu.vector_load %arg8[%swap3A_926, %swap3A_927, %swap3A_928] {strides = array<i32>} : memref<4x8x768xf32, #tpu.memory_space<vmem>>, vector<1x1x16xf32>,
        %swap3A_930 = vector.shape_cast %swap3A_929 : vector<1x1x16xf32> to vector<16xf32>
        %swap3A_931 = vector.shape_cast %get3A_924 : vector<16xf32> to vector<1x1x16xf32>
        tpu.vector_store %arg8[%swap3A_926, %swap3A_927, %swap3A_928], %swap3A_931 {add = true, strides = array<i32>} : memref<4x8x768xf32, #tpu.memory_space<vmem>>, vector<1x1x16xf32>,
        %get3A_932 = arith.constant 3 : i32
        %get3A_933 = arith.index_cast %get3A_932 : i32 to index
        %get3A_934 = arith.index_cast %scan3A_452 : i32 to index
        %get3A_935 = arith.constant 592 : index
        %get3A_936 = tpu.vector_load %arg7[%get3A_933, %get3A_934, %get3A_935] {strides = array<i32>} : memref<4x8x768xf32, #tpu.memory_space<vmem>>, vector<1x1x16xf32>,
        %get3A_937 = vector.shape_cast %get3A_936 : vector<1x1x16xf32> to vector<16xf32>
        %swap3A_938 = arith.constant 3 : i32
        %swap3A_939 = arith.index_cast %swap3A_938 : i32 to index
        %swap3A_940 = arith.index_cast %scan3A_452 : i32 to index
        %swap3A_941 = arith.constant 592 : index
        %swap3A_942 = tpu.vector_load %arg8[%swap3A_939, %swap3A_940, %swap3A_941] {strides = array<i32>} : memref<4x8x768xf32, #tpu.memory_space<vmem>>, vector<1x1x16xf32>,
        %swap3A_943 = vector.shape_cast %swap3A_942 : vector<1x1x16xf32> to vector<16xf32>
        %swap3A_944 = vector.shape_cast %get3A_937 : vector<16xf32> to vector<1x1x16xf32>
        tpu.vector_store %arg8[%swap3A_939, %swap3A_940, %swap3A_941], %swap3A_944 {add = true, strides = array<i32>} : memref<4x8x768xf32, #tpu.memory_space<vmem>>, vector<1x1x16xf32>,
        %get3A_945 = arith.constant 3 : i32
        %get3A_946 = arith.index_cast %get3A_945 : i32 to index
        %get3A_947 = arith.index_cast %scan3A_452 : i32 to index
        %get3A_948 = arith.constant 608 : index
        %get3A_949 = tpu.vector_load %arg7[%get3A_946, %get3A_947, %get3A_948] {strides = array<i32>} : memref<4x8x768xf32, #tpu.memory_space<vmem>>, vector<1x1x16xf32>,
        %get3A_950 = vector.shape_cast %get3A_949 : vector<1x1x16xf32> to vector<16xf32>
        %swap3A_951 = arith.constant 3 : i32
        %swap3A_952 = arith.index_cast %swap3A_951 : i32 to index
        %swap3A_953 = arith.index_cast %scan3A_452 : i32 to index
        %swap3A_954 = arith.constant 608 : index
        %swap3A_955 = tpu.vector_load %arg8[%swap3A_952, %swap3A_953, %swap3A_954] {strides = array<i32>} : memref<4x8x768xf32, #tpu.memory_space<vmem>>, vector<1x1x16xf32>,
        %swap3A_956 = vector.shape_cast %swap3A_955 : vector<1x1x16xf32> to vector<16xf32>
        %swap3A_957 = vector.shape_cast %get3A_950 : vector<16xf32> to vector<1x1x16xf32>
        tpu.vector_store %arg8[%swap3A_952, %swap3A_953, %swap3A_954], %swap3A_957 {add = true, strides = array<i32>} : memref<4x8x768xf32, #tpu.memory_space<vmem>>, vector<1x1x16xf32>,
        %get3A_958 = arith.constant 3 : i32
        %get3A_959 = arith.index_cast %get3A_958 : i32 to index
        %get3A_960 = arith.index_cast %scan3A_452 : i32 to index
        %get3A_961 = arith.constant 624 : index
        %get3A_962 = tpu.vector_load %arg7[%get3A_959, %get3A_960, %get3A_961] {strides = array<i32>} : memref<4x8x768xf32, #tpu.memory_space<vmem>>, vector<1x1x16xf32>,
        %get3A_963 = vector.shape_cast %get3A_962 : vector<1x1x16xf32> to vector<16xf32>
        %swap3A_964 = arith.constant 3 : i32
        %swap3A_965 = arith.index_cast %swap3A_964 : i32 to index
        %swap3A_966 = arith.index_cast %scan3A_452 : i32 to index
        %swap3A_967 = arith.constant 624 : index
        %swap3A_968 = tpu.vector_load %arg8[%swap3A_965, %swap3A_966, %swap3A_967] {strides = array<i32>} : memref<4x8x768xf32, #tpu.memory_space<vmem>>, vector<1x1x16xf32>,
        %swap3A_969 = vector.shape_cast %swap3A_968 : vector<1x1x16xf32> to vector<16xf32>
        %swap3A_970 = vector.shape_cast %get3A_963 : vector<16xf32> to vector<1x1x16xf32>
        tpu.vector_store %arg8[%swap3A_965, %swap3A_966, %swap3A_967], %swap3A_970 {add = true, strides = array<i32>} : memref<4x8x768xf32, #tpu.memory_space<vmem>>, vector<1x1x16xf32>,
        %get3A_971 = arith.constant 3 : i32
        %get3A_972 = arith.index_cast %get3A_971 : i32 to index
        %get3A_973 = arith.index_cast %scan3A_452 : i32 to index
        %get3A_974 = arith.constant 640 : index
        %get3A_975 = tpu.vector_load %arg7[%get3A_972, %get3A_973, %get3A_974] {strides = array<i32>} : memref<4x8x768xf32, #tpu.memory_space<vmem>>, vector<1x1x16xf32>,
        %get3A_976 = vector.shape_cast %get3A_975 : vector<1x1x16xf32> to vector<16xf32>
        %swap3A_977 = arith.constant 3 : i32
        %swap3A_978 = arith.index_cast %swap3A_977 : i32 to index
        %swap3A_979 = arith.index_cast %scan3A_452 : i32 to index
        %swap3A_980 = arith.constant 640 : index
        %swap3A_981 = tpu.vector_load %arg8[%swap3A_978, %swap3A_979, %swap3A_980] {strides = array<i32>} : memref<4x8x768xf32, #tpu.memory_space<vmem>>, vector<1x1x16xf32>,
        %swap3A_982 = vector.shape_cast %swap3A_981 : vector<1x1x16xf32> to vector<16xf32>
        %swap3A_983 = vector.shape_cast %get3A_976 : vector<16xf32> to vector<1x1x16xf32>
        tpu.vector_store %arg8[%swap3A_978, %swap3A_979, %swap3A_980], %swap3A_983 {add = true, strides = array<i32>} : memref<4x8x768xf32, #tpu.memory_space<vmem>>, vector<1x1x16xf32>,
        %get3A_984 = arith.constant 3 : i32
        %get3A_985 = arith.index_cast %get3A_984 : i32 to index
        %get3A_986 = arith.index_cast %scan3A_452 : i32 to index
        %get3A_987 = arith.constant 656 : index
        %get3A_988 = tpu.vector_load %arg7[%get3A_985, %get3A_986, %get3A_987] {strides = array<i32>} : memref<4x8x768xf32, #tpu.memory_space<vmem>>, vector<1x1x16xf32>,
        %get3A_989 = vector.shape_cast %get3A_988 : vector<1x1x16xf32> to vector<16xf32>
        %swap3A_990 = arith.constant 3 : i32
        %swap3A_991 = arith.index_cast %swap3A_990 : i32 to index
        %swap3A_992 = arith.index_cast %scan3A_452 : i32 to index
        %swap3A_993 = arith.constant 656 : index
        %swap3A_994 = tpu.vector_load %arg8[%swap3A_991, %swap3A_992, %swap3A_993] {strides = array<i32>} : memref<4x8x768xf32, #tpu.memory_space<vmem>>, vector<1x1x16xf32>,
        %swap3A_995 = vector.shape_cast %swap3A_994 : vector<1x1x16xf32> to vector<16xf32>
        %swap3A_996 = vector.shape_cast %get3A_989 : vector<16xf32> to vector<1x1x16xf32>
        tpu.vector_store %arg8[%swap3A_991, %swap3A_992, %swap3A_993], %swap3A_996 {add = true, strides = array<i32>} : memref<4x8x768xf32, #tpu.memory_space<vmem>>, vector<1x1x16xf32>,
        %get3A_997 = arith.constant 3 : i32
        %get3A_998 = arith.index_cast %get3A_997 : i32 to index
        %get3A_999 = arith.index_cast %scan3A_452 : i32 to index
        %get3A_1000 = arith.constant 672 : index
        %get3A_1001 = tpu.vector_load %arg7[%get3A_998, %get3A_999, %get3A_1000] {strides = array<i32>} : memref<4x8x768xf32, #tpu.memory_space<vmem>>, vector<1x1x16xf32>,
        %get3A_1002 = vector.shape_cast %get3A_1001 : vector<1x1x16xf32> to vector<16xf32>
        %swap3A_1003 = arith.constant 3 : i32
        %swap3A_1004 = arith.index_cast %swap3A_1003 : i32 to index
        %swap3A_1005 = arith.index_cast %scan3A_452 : i32 to index
        %swap3A_1006 = arith.constant 672 : index
        %swap3A_1007 = tpu.vector_load %arg8[%swap3A_1004, %swap3A_1005, %swap3A_1006] {strides = array<i32>} : memref<4x8x768xf32, #tpu.memory_space<vmem>>, vector<1x1x16xf32>,
        %swap3A_1008 = vector.shape_cast %swap3A_1007 : vector<1x1x16xf32> to vector<16xf32>
        %swap3A_1009 = vector.shape_cast %get3A_1002 : vector<16xf32> to vector<1x1x16xf32>
        tpu.vector_store %arg8[%swap3A_1004, %swap3A_1005, %swap3A_1006], %swap3A_1009 {add = true, strides = array<i32>} : memref<4x8x768xf32, #tpu.memory_space<vmem>>, vector<1x1x16xf32>,
        %get3A_1010 = arith.constant 3 : i32
        %get3A_1011 = arith.index_cast %get3A_1010 : i32 to index
        %get3A_1012 = arith.index_cast %scan3A_452 : i32 to index
        %get3A_1013 = arith.constant 688 : index
        %get3A_1014 = tpu.vector_load %arg7[%get3A_1011, %get3A_1012, %get3A_1013] {strides = array<i32>} : memref<4x8x768xf32, #tpu.memory_space<vmem>>, vector<1x1x16xf32>,
        %get3A_1015 = vector.shape_cast %get3A_1014 : vector<1x1x16xf32> to vector<16xf32>
        %swap3A_1016 = arith.constant 3 : i32
        %swap3A_1017 = arith.index_cast %swap3A_1016 : i32 to index
        %swap3A_1018 = arith.index_cast %scan3A_452 : i32 to index
        %swap3A_1019 = arith.constant 688 : index
        %swap3A_1020 = tpu.vector_load %arg8[%swap3A_1017, %swap3A_1018, %swap3A_1019] {strides = array<i32>} : memref<4x8x768xf32, #tpu.memory_space<vmem>>, vector<1x1x16xf32>,
        %swap3A_1021 = vector.shape_cast %swap3A_1020 : vector<1x1x16xf32> to vector<16xf32>
        %swap3A_1022 = vector.shape_cast %get3A_1015 : vector<16xf32> to vector<1x1x16xf32>
        tpu.vector_store %arg8[%swap3A_1017, %swap3A_1018, %swap3A_1019], %swap3A_1022 {add = true, strides = array<i32>} : memref<4x8x768xf32, #tpu.memory_space<vmem>>, vector<1x1x16xf32>,
        %get3A_1023 = arith.constant 3 : i32
        %get3A_1024 = arith.index_cast %get3A_1023 : i32 to index
        %get3A_1025 = arith.index_cast %scan3A_452 : i32 to index
        %get3A_1026 = arith.constant 704 : index
        %get3A_1027 = tpu.vector_load %arg7[%get3A_1024, %get3A_1025, %get3A_1026] {strides = array<i32>} : memref<4x8x768xf32, #tpu.memory_space<vmem>>, vector<1x1x16xf32>,
        %get3A_1028 = vector.shape_cast %get3A_1027 : vector<1x1x16xf32> to vector<16xf32>
        %swap3A_1029 = arith.constant 3 : i32
        %swap3A_1030 = arith.index_cast %swap3A_1029 : i32 to index
        %swap3A_1031 = arith.index_cast %scan3A_452 : i32 to index
        %swap3A_1032 = arith.constant 704 : index
        %swap3A_1033 = tpu.vector_load %arg8[%swap3A_1030, %swap3A_1031, %swap3A_1032] {strides = array<i32>} : memref<4x8x768xf32, #tpu.memory_space<vmem>>, vector<1x1x16xf32>,
        %swap3A_1034 = vector.shape_cast %swap3A_1033 : vector<1x1x16xf32> to vector<16xf32>
        %swap3A_1035 = vector.shape_cast %get3A_1028 : vector<16xf32> to vector<1x1x16xf32>
        tpu.vector_store %arg8[%swap3A_1030, %swap3A_1031, %swap3A_1032], %swap3A_1035 {add = true, strides = array<i32>} : memref<4x8x768xf32, #tpu.memory_space<vmem>>, vector<1x1x16xf32>,
        %get3A_1036 = arith.constant 3 : i32
        %get3A_1037 = arith.index_cast %get3A_1036 : i32 to index
        %get3A_1038 = arith.index_cast %scan3A_452 : i32 to index
        %get3A_1039 = arith.constant 720 : index
        %get3A_1040 = tpu.vector_load %arg7[%get3A_1037, %get3A_1038, %get3A_1039] {strides = array<i32>} : memref<4x8x768xf32, #tpu.memory_space<vmem>>, vector<1x1x16xf32>,
        %get3A_1041 = vector.shape_cast %get3A_1040 : vector<1x1x16xf32> to vector<16xf32>
        %swap3A_1042 = arith.constant 3 : i32
        %swap3A_1043 = arith.index_cast %swap3A_1042 : i32 to index
        %swap3A_1044 = arith.index_cast %scan3A_452 : i32 to index
        %swap3A_1045 = arith.constant 720 : index
        %swap3A_1046 = tpu.vector_load %arg8[%swap3A_1043, %swap3A_1044, %swap3A_1045] {strides = array<i32>} : memref<4x8x768xf32, #tpu.memory_space<vmem>>, vector<1x1x16xf32>,
        %swap3A_1047 = vector.shape_cast %swap3A_1046 : vector<1x1x16xf32> to vector<16xf32>
        %swap3A_1048 = vector.shape_cast %get3A_1041 : vector<16xf32> to vector<1x1x16xf32>
        tpu.vector_store %arg8[%swap3A_1043, %swap3A_1044, %swap3A_1045], %swap3A_1048 {add = true, strides = array<i32>} : memref<4x8x768xf32, #tpu.memory_space<vmem>>, vector<1x1x16xf32>,
        %get3A_1049 = arith.constant 3 : i32
        %get3A_1050 = arith.index_cast %get3A_1049 : i32 to index
        %get3A_1051 = arith.index_cast %scan3A_452 : i32 to index
        %get3A_1052 = arith.constant 736 : index
        %get3A_1053 = tpu.vector_load %arg7[%get3A_1050, %get3A_1051, %get3A_1052] {strides = array<i32>} : memref<4x8x768xf32, #tpu.memory_space<vmem>>, vector<1x1x16xf32>,
        %get3A_1054 = vector.shape_cast %get3A_1053 : vector<1x1x16xf32> to vector<16xf32>
        %swap3A_1055 = arith.constant 3 : i32
        %swap3A_1056 = arith.index_cast %swap3A_1055 : i32 to index
        %swap3A_1057 = arith.index_cast %scan3A_452 : i32 to index
        %swap3A_1058 = arith.constant 736 : index
        %swap3A_1059 = tpu.vector_load %arg8[%swap3A_1056, %swap3A_1057, %swap3A_1058] {strides = array<i32>} : memref<4x8x768xf32, #tpu.memory_space<vmem>>, vector<1x1x16xf32>,
        %swap3A_1060 = vector.shape_cast %swap3A_1059 : vector<1x1x16xf32> to vector<16xf32>
        %swap3A_1061 = vector.shape_cast %get3A_1054 : vector<16xf32> to vector<1x1x16xf32>
        tpu.vector_store %arg8[%swap3A_1056, %swap3A_1057, %swap3A_1058], %swap3A_1061 {add = true, strides = array<i32>} : memref<4x8x768xf32, #tpu.memory_space<vmem>>, vector<1x1x16xf32>,
        %get3A_1062 = arith.constant 3 : i32
        %get3A_1063 = arith.index_cast %get3A_1062 : i32 to index
        %get3A_1064 = arith.index_cast %scan3A_452 : i32 to index
        %get3A_1065 = arith.constant 752 : index
        %get3A_1066 = tpu.vector_load %arg7[%get3A_1063, %get3A_1064, %get3A_1065] {strides = array<i32>} : memref<4x8x768xf32, #tpu.memory_space<vmem>>, vector<1x1x16xf32>,
        %get3A_1067 = vector.shape_cast %get3A_1066 : vector<1x1x16xf32> to vector<16xf32>
        %swap3A_1068 = arith.constant 3 : i32
        %swap3A_1069 = arith.index_cast %swap3A_1068 : i32 to index
        %swap3A_1070 = arith.index_cast %scan3A_452 : i32 to index
        %swap3A_1071 = arith.constant 752 : index
        %swap3A_1072 = tpu.vector_load %arg8[%swap3A_1069, %swap3A_1070, %swap3A_1071] {strides = array<i32>} : memref<4x8x768xf32, #tpu.memory_space<vmem>>, vector<1x1x16xf32>,
        %swap3A_1073 = vector.shape_cast %swap3A_1072 : vector<1x1x16xf32> to vector<16xf32>
        %swap3A_1074 = vector.shape_cast %get3A_1067 : vector<16xf32> to vector<1x1x16xf32>
        tpu.vector_store %arg8[%swap3A_1069, %swap3A_1070, %swap3A_1071], %swap3A_1074 {add = true, strides = array<i32>} : memref<4x8x768xf32, #tpu.memory_space<vmem>>, vector<1x1x16xf32>,
      }
      %scan3A_423 = arith.constant 8 : i32
      %mul3A_424 = arith.constant 8 : i32
      %mul3A_425 = arith.muli %add3A_384, %mul3A_424 : i32
      %add3A_426 = arith.addi %mul3A_2, %mul3A_425 : i32
      %dma_start3A_427 = arith.constant 3 : i32
      %dma_start3A_428 = arith.constant 3 : i32
      %dma_start3A_429 = arith.constant 0 : i32
      %dma_start3A_430 = arith.constant 0 : i32
      %dma_start3A_431 = tpu.memref_slice %arg8[%dma_start3A_427, %dma_start3A_429, %dma_start3A_430] : memref<4x8x768xf32, #tpu.memory_space<vmem>> -> memref<1x8x768xf32, #tpu.memory_space<vmem>>
      %dma_start3A_432 = tpu.memref_squeeze %dma_start3A_431 : memref<1x8x768xf32, #tpu.memory_space<vmem>> -> memref<8x768xf32, #tpu.memory_space<vmem>>
      %dma_start3A_433 = arith.constant 0 : i32
      %dma_start3A_434 = tpu.memref_slice %arg5[%add3A_426, %dma_start3A_433] : memref<8192x768xf32, #tpu.memory_space<hbm>> -> memref<8x768xf32, #tpu.memory_space<hbm>>
      %dma_start3A_435 = tpu.memref_slice %arg11[%dma_start3A_428] : memref<4x!tpu.dma_semaphore, #tpu.memory_space<semaphore_mem>> -> memref<1x!tpu.dma_semaphore, #tpu.memory_space<semaphore_mem>>
      %dma_start3A_436 = tpu.memref_squeeze %dma_start3A_435 : memref<1x!tpu.dma_semaphore, #tpu.memory_space<semaphore_mem>> -> memref<!tpu.dma_semaphore, #tpu.memory_space<semaphore_mem>>
      %dma_start3A_437 = arith.constant 0 : i32
      %dma_start3A_438 = tpu.memref_slice %arg5[%add3A_426, %dma_start3A_437] : memref<8192x768xf32, #tpu.memory_space<hbm>> -> memref<8x768xf32, #tpu.memory_space<hbm>>
      %dma_start3A_439 = arith.constant 0 : i32
      %dma_start3A_440 = arith.constant 0 : i32
      %dma_start3A_441 = tpu.memref_slice %arg8[%dma_start3A_427, %dma_start3A_439, %dma_start3A_440] : memref<4x8x768xf32, #tpu.memory_space<vmem>> -> memref<1x8x768xf32, #tpu.memory_space<vmem>>
      %dma_start3A_442 = tpu.memref_squeeze %dma_start3A_441 : memref<1x8x768xf32, #tpu.memory_space<vmem>> -> memref<8x768xf32, #tpu.memory_space<vmem>>
      tpu.enqueue_dma source(%dma_start3A_442 : memref<8x768xf32, #tpu.memory_space<vmem>>) target(%dma_start3A_438 : memref<8x768xf32, #tpu.memory_space<hbm>>) target_semaphore(%dma_start3A_436 : memref<!tpu.dma_semaphore, #tpu.memory_space<semaphore_mem>>)
      %add3A_443 = arith.constant 4 : i32
      %add3A_444 = arith.addi %add3A_384, %add3A_443 : i32
      %sub3A_445 = arith.constant 1 : i32
      %sub3A_446 = arith.subi %add3A_444, %sub3A_445 : i32
      %lt3A_447 = arith.constant 32 : i32
      %lt3A_448 = arith.cmpi slt, %sub3A_446, %lt3A_447 : i32
      %convert_element_type3A_449 = arith.extui %lt3A_448 : i1 to i32
      %cond3A_450 = arith.constant 0 : i32
      %cond3A_451 = arith.cmpi ne, %convert_element_type3A_449, %cond3A_450 : i32
      scf.if %cond3A_451 {
        %ge3A = arith.constant 4 : i32
        %ge3A_452 = arith.cmpi sge, %sub3A_446, %ge3A : i32
        %convert_element_type3A_453 = arith.extui %ge3A_452 : i1 to i32
        %cond3A_454 = arith.constant 0 : i32
        %cond3A_455 = arith.cmpi ne, %convert_element_type3A_453, %cond3A_454 : i32
        scf.if %cond3A_455 {
          %sub3A_489 = arith.constant 4 : i32
          %sub3A_490 = arith.subi %sub3A_446, %sub3A_489 : i32
          %mul3A_491 = arith.constant 8 : i32
          %mul3A_492 = arith.muli %sub3A_490, %mul3A_491 : i32
          %add3A_493 = arith.addi %mul3A_2, %mul3A_492 : i32
          %dma_wait3A_494 = arith.constant 2 : i32
          %dma_wait3A_495 = arith.constant 2 : i32
          %dma_wait3A_496 = arith.constant 0 : i32
          %dma_wait3A_497 = arith.constant 0 : i32
          %dma_wait3A_498 = tpu.memref_slice %arg8[%dma_wait3A_494, %dma_wait3A_496, %dma_wait3A_497] : memref<4x8x768xf32, #tpu.memory_space<vmem>> -> memref<1x8x768xf32, #tpu.memory_space<vmem>>
          %dma_wait3A_499 = tpu.memref_squeeze %dma_wait3A_498 : memref<1x8x768xf32, #tpu.memory_space<vmem>> -> memref<8x768xf32, #tpu.memory_space<vmem>>
          %dma_wait3A_500 = arith.constant 0 : i32
          %dma_wait3A_501 = tpu.memref_slice %arg5[%add3A_493, %dma_wait3A_500] : memref<8192x768xf32, #tpu.memory_space<hbm>> -> memref<8x768xf32, #tpu.memory_space<hbm>>
          %dma_wait3A_502 = tpu.memref_slice %arg11[%dma_wait3A_495] : memref<4x!tpu.dma_semaphore, #tpu.memory_space<semaphore_mem>> -> memref<1x!tpu.dma_semaphore, #tpu.memory_space<semaphore_mem>>
          %dma_wait3A_503 = tpu.memref_squeeze %dma_wait3A_502 : memref<1x!tpu.dma_semaphore, #tpu.memory_space<semaphore_mem>> -> memref<!tpu.dma_semaphore, #tpu.memory_space<semaphore_mem>>
          %dma_wait3A_504 = arith.constant 0 : i32
          %dma_wait3A_505 = tpu.memref_slice %arg5[%add3A_493, %dma_wait3A_504] : memref<8192x768xf32, #tpu.memory_space<hbm>> -> memref<8x768xf32, #tpu.memory_space<hbm>>
          %dma_wait3A_506 = arith.constant 0 : i32
          %dma_wait3A_507 = arith.constant 0 : i32
          %dma_wait3A_508 = tpu.memref_slice %arg8[%dma_wait3A_494, %dma_wait3A_506, %dma_wait3A_507] : memref<4x8x768xf32, #tpu.memory_space<vmem>> -> memref<1x8x768xf32, #tpu.memory_space<vmem>>
          %dma_wait3A_509 = tpu.memref_squeeze %dma_wait3A_508 : memref<1x8x768xf32, #tpu.memory_space<vmem>> -> memref<8x768xf32, #tpu.memory_space<vmem>>
          tpu.wait_dma2 semaphore(%dma_wait3A_503 : memref<!tpu.dma_semaphore, #tpu.memory_space<semaphore_mem>>) src(%dma_wait3A_509 : memref<8x768xf32, #tpu.memory_space<vmem>>) dst(%dma_wait3A_505 : memref<8x768xf32, #tpu.memory_space<hbm>>)
        } else {
        }
        %mul3A_456 = arith.constant 8 : i32
        %mul3A_457 = arith.muli %sub3A_446, %mul3A_456 : i32
        %mul3A_458 = arith.constant 8 : i32
        %mul3A_459 = arith.muli %sub3A_446, %mul3A_458 : i32
        %add3A_460 = arith.addi %mul3A_2, %mul3A_459 : i32
        %dma_start3A_461 = arith.constant 2 : i32
        %dma_start3A_462 = arith.constant 2 : i32
        %dma_start3A_463 = arith.constant 0 : i32
        %dma_start3A_464 = arith.constant 0 : i32
        %dma_start3A_465 = tpu.memref_slice %arg7[%dma_start3A_461, %dma_start3A_463, %dma_start3A_464] : memref<4x8x768xf32, #tpu.memory_space<vmem>> -> memref<1x8x768xf32, #tpu.memory_space<vmem>>
        %dma_start3A_466 = tpu.memref_squeeze %dma_start3A_465 : memref<1x8x768xf32, #tpu.memory_space<vmem>> -> memref<8x768xf32, #tpu.memory_space<vmem>>
        %dma_start3A_467 = tpu.memref_slice %arg6[%mul3A_457] : memref<256xi32, #tpu.memory_space<vmem>> -> memref<8xi32, #tpu.memory_space<vmem>>
        %dma_start3A_468 = arith.constant 0 : i32
        %dma_start3A_469 = arith.constant 0 : i32
        %dma_start3A_470 = tpu.memref_slice %arg3[%dma_start3A_468, %dma_start3A_469] : memref<100000x768xf32, #tpu.memory_space<hbm>> -> memref<100000x768xf32, #tpu.memory_space<hbm>>
        %dma_start3A_471 = tpu.memref_slice %arg9[%dma_start3A_462] : memref<4x!tpu.dma_semaphore, #tpu.memory_space<semaphore_mem>> -> memref<1x!tpu.dma_semaphore, #tpu.memory_space<semaphore_mem>>
        %dma_start3A_472 = tpu.memref_squeeze %dma_start3A_471 : memref<1x!tpu.dma_semaphore, #tpu.memory_space<semaphore_mem>> -> memref<!tpu.dma_semaphore, #tpu.memory_space<semaphore_mem>>
        tpu.enqueue_indirect_dma source(%dma_start3A_470 : memref<100000x768xf32, #tpu.memory_space<hbm>>) target(%dma_start3A_466 : memref<8x768xf32, #tpu.memory_space<vmem>>) offsets(%dma_start3A_467 : memref<8xi32, #tpu.memory_space<vmem>>) semaphore(%dma_start3A_472 : memref<!tpu.dma_semaphore, #tpu.memory_space<semaphore_mem>>)
        %dma_start3A_473 = arith.constant 2 : i32
        %dma_start3A_474 = arith.constant 2 : i32
        %dma_start3A_475 = arith.constant 0 : i32
        %dma_start3A_476 = arith.constant 0 : i32
        %dma_start3A_477 = tpu.memref_slice %arg8[%dma_start3A_473, %dma_start3A_475, %dma_start3A_476] : memref<4x8x768xf32, #tpu.memory_space<vmem>> -> memref<1x8x768xf32, #tpu.memory_space<vmem>>
        %dma_start3A_478 = tpu.memref_squeeze %dma_start3A_477 : memref<1x8x768xf32, #tpu.memory_space<vmem>> -> memref<8x768xf32, #tpu.memory_space<vmem>>
        %dma_start3A_479 = arith.constant 0 : i32
        %dma_start3A_480 = tpu.memref_slice %arg4[%add3A_460, %dma_start3A_479] : memref<100000x768xf32, #tpu.memory_space<hbm>> -> memref<8x768xf32, #tpu.memory_space<hbm>>
        %dma_start3A_481 = tpu.memref_slice %arg10[%dma_start3A_474] : memref<4x!tpu.dma_semaphore, #tpu.memory_space<semaphore_mem>> -> memref<1x!tpu.dma_semaphore, #tpu.memory_space<semaphore_mem>>
        %dma_start3A_482 = tpu.memref_squeeze %dma_start3A_481 : memref<1x!tpu.dma_semaphore, #tpu.memory_space<semaphore_mem>> -> memref<!tpu.dma_semaphore, #tpu.memory_space<semaphore_mem>>
        %dma_start3A_483 = arith.constant 0 : i32
        %dma_start3A_484 = arith.constant 0 : i32
        %dma_start3A_485 = tpu.memref_slice %arg8[%dma_start3A_473, %dma_start3A_483, %dma_start3A_484] : memref<4x8x768xf32, #tpu.memory_space<vmem>> -> memref<1x8x768xf32, #tpu.memory_space<vmem>>
        %dma_start3A_486 = tpu.memref_squeeze %dma_start3A_485 : memref<1x8x768xf32, #tpu.memory_space<vmem>> -> memref<8x768xf32, #tpu.memory_space<vmem>>
        %dma_start3A_487 = arith.constant 0 : i32
        %dma_start3A_488 = tpu.memref_slice %arg4[%add3A_460, %dma_start3A_487] : memref<100000x768xf32, #tpu.memory_space<hbm>> -> memref<8x768xf32, #tpu.memory_space<hbm>>
        tpu.enqueue_dma source(%dma_start3A_488 : memref<8x768xf32, #tpu.memory_space<hbm>>) target(%dma_start3A_486 : memref<8x768xf32, #tpu.memory_space<vmem>>) target_semaphore(%dma_start3A_482 : memref<!tpu.dma_semaphore, #tpu.memory_space<semaphore_mem>>)
      } else {
      }
    }
    %scan3A_99 = arith.constant 8 : i32
    %add3A_100 = arith.constant 224 : i32
    %add3A_101 = arith.addi %mul3A_2, %add3A_100 : i32
    %dma_wait3A = arith.constant 0 : i32
    %dma_wait3A_102 = arith.constant 0 : i32
    %dma_wait3A_103 = arith.constant 0 : i32
    %dma_wait3A_104 = arith.constant 0 : i32
    %dma_wait3A_105 = tpu.memref_slice %arg8[%dma_wait3A, %dma_wait3A_103, %dma_wait3A_104] : memref<4x8x768xf32, #tpu.memory_space<vmem>> -> memref<1x8x768xf32, #tpu.memory_space<vmem>>
    %dma_wait3A_106 = tpu.memref_squeeze %dma_wait3A_105 : memref<1x8x768xf32, #tpu.memory_space<vmem>> -> memref<8x768xf32, #tpu.memory_space<vmem>>
    %dma_wait3A_107 = arith.constant 0 : i32
    %dma_wait3A_108 = tpu.memref_slice %arg5[%add3A_101, %dma_wait3A_107] : memref<8192x768xf32, #tpu.memory_space<hbm>> -> memref<8x768xf32, #tpu.memory_space<hbm>>
    %dma_wait3A_109 = tpu.memref_slice %arg11[%dma_wait3A_102] : memref<4x!tpu.dma_semaphore, #tpu.memory_space<semaphore_mem>> -> memref<1x!tpu.dma_semaphore, #tpu.memory_space<semaphore_mem>>
    %dma_wait3A_110 = tpu.memref_squeeze %dma_wait3A_109 : memref<1x!tpu.dma_semaphore, #tpu.memory_space<semaphore_mem>> -> memref<!tpu.dma_semaphore, #tpu.memory_space<semaphore_mem>>
    %dma_wait3A_111 = arith.constant 0 : i32
    %dma_wait3A_112 = tpu.memref_slice %arg5[%add3A_101, %dma_wait3A_111] : memref<8192x768xf32, #tpu.memory_space<hbm>> -> memref<8x768xf32, #tpu.memory_space<hbm>>
    %dma_wait3A_113 = arith.constant 0 : i32
    %dma_wait3A_114 = arith.constant 0 : i32
    %dma_wait3A_115 = tpu.memref_slice %arg8[%dma_wait3A, %dma_wait3A_113, %dma_wait3A_114] : memref<4x8x768xf32, #tpu.memory_space<vmem>> -> memref<1x8x768xf32, #tpu.memory_space<vmem>>
    %dma_wait3A_116 = tpu.memref_squeeze %dma_wait3A_115 : memref<1x8x768xf32, #tpu.memory_space<vmem>> -> memref<8x768xf32, #tpu.memory_space<vmem>>
    tpu.wait_dma2 semaphore(%dma_wait3A_110 : memref<!tpu.dma_semaphore, #tpu.memory_space<semaphore_mem>>) src(%dma_wait3A_116 : memref<8x768xf32, #tpu.memory_space<vmem>>) dst(%dma_wait3A_112 : memref<8x768xf32, #tpu.memory_space<hbm>>)
    %add3A_117 = arith.constant 232 : i32
    %add3A_118 = arith.addi %mul3A_2, %add3A_117 : i32
    %dma_wait3A_119 = arith.constant 1 : i32
    %dma_wait3A_120 = arith.constant 1 : i32
    %dma_wait3A_121 = arith.constant 0 : i32
    %dma_wait3A_122 = arith.constant 0 : i32
    %dma_wait3A_123 = tpu.memref_slice %arg8[%dma_wait3A_119, %dma_wait3A_121, %dma_wait3A_122] : memref<4x8x768xf32, #tpu.memory_space<vmem>> -> memref<1x8x768xf32, #tpu.memory_space<vmem>>
    %dma_wait3A_124 = tpu.memref_squeeze %dma_wait3A_123 : memref<1x8x768xf32, #tpu.memory_space<vmem>> -> memref<8x768xf32, #tpu.memory_space<vmem>>
    %dma_wait3A_125 = arith.constant 0 : i32
    %dma_wait3A_126 = tpu.memref_slice %arg5[%add3A_118, %dma_wait3A_125] : memref<8192x768xf32, #tpu.memory_space<hbm>> -> memref<8x768xf32, #tpu.memory_space<hbm>>
    %dma_wait3A_127 = tpu.memref_slice %arg11[%dma_wait3A_120] : memref<4x!tpu.dma_semaphore, #tpu.memory_space<semaphore_mem>> -> memref<1x!tpu.dma_semaphore, #tpu.memory_space<semaphore_mem>>
    %dma_wait3A_128 = tpu.memref_squeeze %dma_wait3A_127 : memref<1x!tpu.dma_semaphore, #tpu.memory_space<semaphore_mem>> -> memref<!tpu.dma_semaphore, #tpu.memory_space<semaphore_mem>>
    %dma_wait3A_129 = arith.constant 0 : i32
    %dma_wait3A_130 = tpu.memref_slice %arg5[%add3A_118, %dma_wait3A_129] : memref<8192x768xf32, #tpu.memory_space<hbm>> -> memref<8x768xf32, #tpu.memory_space<hbm>>
    %dma_wait3A_131 = arith.constant 0 : i32
    %dma_wait3A_132 = arith.constant 0 : i32
    %dma_wait3A_133 = tpu.memref_slice %arg8[%dma_wait3A_119, %dma_wait3A_131, %dma_wait3A_132] : memref<4x8x768xf32, #tpu.memory_space<vmem>> -> memref<1x8x768xf32, #tpu.memory_space<vmem>>
    %dma_wait3A_134 = tpu.memref_squeeze %dma_wait3A_133 : memref<1x8x768xf32, #tpu.memory_space<vmem>> -> memref<8x768xf32, #tpu.memory_space<vmem>>
    tpu.wait_dma2 semaphore(%dma_wait3A_128 : memref<!tpu.dma_semaphore, #tpu.memory_space<semaphore_mem>>) src(%dma_wait3A_134 : memref<8x768xf32, #tpu.memory_space<vmem>>) dst(%dma_wait3A_130 : memref<8x768xf32, #tpu.memory_space<hbm>>)
    %add3A_135 = arith.constant 240 : i32
    %add3A_136 = arith.addi %mul3A_2, %add3A_135 : i32
    %dma_wait3A_137 = arith.constant 2 : i32
    %dma_wait3A_138 = arith.constant 2 : i32
    %dma_wait3A_139 = arith.constant 0 : i32
    %dma_wait3A_140 = arith.constant 0 : i32
    %dma_wait3A_141 = tpu.memref_slice %arg8[%dma_wait3A_137, %dma_wait3A_139, %dma_wait3A_140] : memref<4x8x768xf32, #tpu.memory_space<vmem>> -> memref<1x8x768xf32, #tpu.memory_space<vmem>>
    %dma_wait3A_142 = tpu.memref_squeeze %dma_wait3A_141 : memref<1x8x768xf32, #tpu.memory_space<vmem>> -> memref<8x768xf32, #tpu.memory_space<vmem>>
    %dma_wait3A_143 = arith.constant 0 : i32
    %dma_wait3A_144 = tpu.memref_slice %arg5[%add3A_136, %dma_wait3A_143] : memref<8192x768xf32, #tpu.memory_space<hbm>> -> memref<8x768xf32, #tpu.memory_space<hbm>>
    %dma_wait3A_145 = tpu.memref_slice %arg11[%dma_wait3A_138] : memref<4x!tpu.dma_semaphore, #tpu.memory_space<semaphore_mem>> -> memref<1x!tpu.dma_semaphore, #tpu.memory_space<semaphore_mem>>
    %dma_wait3A_146 = tpu.memref_squeeze %dma_wait3A_145 : memref<1x!tpu.dma_semaphore, #tpu.memory_space<semaphore_mem>> -> memref<!tpu.dma_semaphore, #tpu.memory_space<semaphore_mem>>
    %dma_wait3A_147 = arith.constant 0 : i32
    %dma_wait3A_148 = tpu.memref_slice %arg5[%add3A_136, %dma_wait3A_147] : memref<8192x768xf32, #tpu.memory_space<hbm>> -> memref<8x768xf32, #tpu.memory_space<hbm>>
    %dma_wait3A_149 = arith.constant 0 : i32
    %dma_wait3A_150 = arith.constant 0 : i32
    %dma_wait3A_151 = tpu.memref_slice %arg8[%dma_wait3A_137, %dma_wait3A_149, %dma_wait3A_150] : memref<4x8x768xf32, #tpu.memory_space<vmem>> -> memref<1x8x768xf32, #tpu.memory_space<vmem>>
    %dma_wait3A_152 = tpu.memref_squeeze %dma_wait3A_151 : memref<1x8x768xf32, #tpu.memory_space<vmem>> -> memref<8x768xf32, #tpu.memory_space<vmem>>
    tpu.wait_dma2 semaphore(%dma_wait3A_146 : memref<!tpu.dma_semaphore, #tpu.memory_space<semaphore_mem>>) src(%dma_wait3A_152 : memref<8x768xf32, #tpu.memory_space<vmem>>) dst(%dma_wait3A_148 : memref<8x768xf32, #tpu.memory_space<hbm>>)
    %add3A_153 = arith.constant 248 : i32
    %add3A_154 = arith.addi %mul3A_2, %add3A_153 : i32
    %dma_wait3A_155 = arith.constant 3 : i32
    %dma_wait3A_156 = arith.constant 3 : i32
    %dma_wait3A_157 = arith.constant 0 : i32
    %dma_wait3A_158 = arith.constant 0 : i32
    %dma_wait3A_159 = tpu.memref_slice %arg8[%dma_wait3A_155, %dma_wait3A_157, %dma_wait3A_158] : memref<4x8x768xf32, #tpu.memory_space<vmem>> -> memref<1x8x768xf32, #tpu.memory_space<vmem>>
    %dma_wait3A_160 = tpu.memref_squeeze %dma_wait3A_159 : memref<1x8x768xf32, #tpu.memory_space<vmem>> -> memref<8x768xf32, #tpu.memory_space<vmem>>
    %dma_wait3A_161 = arith.constant 0 : i32
    %dma_wait3A_162 = tpu.memref_slice %arg5[%add3A_154, %dma_wait3A_161] : memref<8192x768xf32, #tpu.memory_space<hbm>> -> memref<8x768xf32, #tpu.memory_space<hbm>>
    %dma_wait3A_163 = tpu.memref_slice %arg11[%dma_wait3A_156] : memref<4x!tpu.dma_semaphore, #tpu.memory_space<semaphore_mem>> -> memref<1x!tpu.dma_semaphore, #tpu.memory_space<semaphore_mem>>
    %dma_wait3A_164 = tpu.memref_squeeze %dma_wait3A_163 : memref<1x!tpu.dma_semaphore, #tpu.memory_space<semaphore_mem>> -> memref<!tpu.dma_semaphore, #tpu.memory_space<semaphore_mem>>
    %dma_wait3A_165 = arith.constant 0 : i32
    %dma_wait3A_166 = tpu.memref_slice %arg5[%add3A_154, %dma_wait3A_165] : memref<8192x768xf32, #tpu.memory_space<hbm>> -> memref<8x768xf32, #tpu.memory_space<hbm>>
    %dma_wait3A_167 = arith.constant 0 : i32
    %dma_wait3A_168 = arith.constant 0 : i32
    %dma_wait3A_169 = tpu.memref_slice %arg8[%dma_wait3A_155, %dma_wait3A_167, %dma_wait3A_168] : memref<4x8x768xf32, #tpu.memory_space<vmem>> -> memref<1x8x768xf32, #tpu.memory_space<vmem>>
    %dma_wait3A_170 = tpu.memref_squeeze %dma_wait3A_169 : memref<1x8x768xf32, #tpu.memory_space<vmem>> -> memref<8x768xf32, #tpu.memory_space<vmem>>
    tpu.wait_dma2 semaphore(%dma_wait3A_164 : memref<!tpu.dma_semaphore, #tpu.memory_space<semaphore_mem>>) src(%dma_wait3A_170 : memref<8x768xf32, #tpu.memory_space<vmem>>) dst(%dma_wait3A_166 : memref<8x768xf32, #tpu.memory_space<hbm>>)
    return
  }
}

</mosaic_0001>

<sc_bundles>
// kernel: _embed.3.cloned.1.call-start
scs
__scs_entry_jumppad:
0x0: {  	(pc) =	sbr.rel $0x88, $3  }
0x1: {  	(tag) =	ssettag $0x0;
	lr =	simm.s32 $0x1  }
0x2: {  	[smem:$0x3F9E] =	sst lr;
	_ =	strace $0xD0000000  }
0x3: {  	_ = 	snop  }
0x4: {  	_ = 	snop  }
0x5: {  	_ = 	snop  }
0x6: {  	_ = 	snop  }
0x7: {  	_ = 	snop  }
__scs_overlays_trampoline_lowered:
0x8: {  	[smem:$0x3FAD] =	sst s0  }
0x9: {  	[smem:$0x3FAE] =	sst s1  }
0xa: {  	[smem:$0x3FAF] =	sst s2  }
0xb: {  	[smem:$0x3FB0] =	sst s3  }
0xc: {  	[smem:$0x3FB1] =	sst s4  }
0xd: {  	[smem:$0x3FB2] =	sst s5  }
0xe: {  	[smem:$0x3FB3] =	sst s6  }
0xf: {  	[smem:$0x3FB4] =	sst s7  }
0x10: {  	[smem:$0x3FB5] =	sst s8  }
0x11: {  	[smem:$0x3FB6] =	sst s9;
	s0 =	simm.s32 @!p0 $0x0  }
0x12: {  	s1 =	sld [smem:$0x3F9C];
	s0 =	simm.s32 @p0 $0x1  }
0x13: {  	[smem:$0x3FB7] =	sst s0;
	s0 =	simm.s32 @!p1 $0x0  }
0x14: {  	s2 =	sld [smem:$0x3F9B];
	s0 =	simm.s32 @p1 $0x1  }
0x15: {  	[smem:$0x3FB8] =	sst s0;
	s0 =	simm.s32 @!p2 $0x0  }
0x16: {  	s3 =	sld [smem:$0x3FDB];
	s0 =	simm.s32 @p2 $0x1  }
0x17: {  	s4 =	simm.s32 $0x1BF5;
	[smem:$0x3FBA] =	sst s0  }
0x18: {  	s0 =	sld [smem:$0x3F9D];
	_ =	swait.ge [sflag:s4], $0x0  }
0x19: {  	s7 =	sld [smem:$0x3F9E]  }
0x1a: {  	s8 =	sadd.s32 $0xFFFFE003, lr  }
0x1b: {  	s9 =	sadd.s32 $0xFFFFFEF7, lr;
	s5 =	simm.s32 $0xFFFFFFFF;
	p2 =	slt.u32 s8, $0xFFFFF086  }
0x1c: {  	p1 =	slt.u32 s9, $0xF7A;
	s5 =	simm.s32 @!p2 $0x0  }
0x1d: {  	s5 =	simm.s32 @p1 $0x1;
	p0 =	seq.s32 s7, s2  }
0x1e: {  	s7 =	smul.u32 @!p0 $0xF7A, s2;
	p2 =	seq.s32 @!p0 s5, $0x0  }
0x1f: {  	s9 =	smul.u32 $0xF7A, s1;
	s8 =	simm.s32 @!p0 $0x1BF5;
	p2 =	por !p2, p0  }
0x20: {  	[sflag:s8] =	ssyncset.s32 @!p0 $0xFFFFF086;
	s6 =	sadd.s32 @!p0 s3, s7;
	s7 =	simm.s32 @!p0 $0x108  }
0x21: {  	s3 =	sadd.s32 s3, s9;
	s6 =	sadd.s32 @!p0 $0x88, s6;
	s7 =	simm.s32 @p2 $0x1082  }
0x22: {  	[simem:s7], [sflag:s8] =	dma.local @!p0 [hbm:s6], $0xF7A  }
0x23: {  	s9 =	sor.u32 $0xD0000000, s2;
	s6 =	simm.s32 $0x108;
	_ =	swait.ge @!p0 [sflag:s8], $0x0  }
0x24: {  	s3 =	sadd.s32 $0x88, s3;
	s6 =	simm.s32 @!p1 $0x1082;
	[sflag:s4] =	ssyncset.s32 $0xFFFFF086  }
0x25: {  	[simem:s6], [sflag:s4] =	dma.local [hbm:s3], $0xF7A  }
0x26: {  	[smem:$0x3F9E] =	sst s1;
	(tag) =	ssettag s2;
	_ =	strace s9  }
0x27: {  	s1 =	sld [smem:$0x3FAE]  }
0x28: {  	s2 =	sld [smem:$0x3FAF]  }
0x29: {  	s4 =	sld [smem:$0x3FB1]  }
0x2a: {  	p0 =	seq.s32 s5, $0x0;
	s5 =	sld [smem:$0x3FB2]  }
0x2b: {  	s6 =	sld [smem:$0x3FB3]  }
0x2c: {  	s7 =	sld [smem:$0x3FB4]  }
0x2d: {  	s3 =	simm.s32 $0x108;
	s8 =	sld [smem:$0x3FB5]  }
0x2e: {  	s3 =	simm.s32 @!p0 $0x1082;
	s9 =	sld [smem:$0x3FB6]  }
0x2f: {  	lr =	sadd.s32 s0, s3;
	s0 =	sld [smem:$0x3FAD]  }
0x30: {  	s3 =	sld [smem:$0x3FB0]  }
0x31: {  	[smem:$0x3FB9] =	sst s10  }
0x32: {  	s10 =	sld [smem:$0x3FB7];
	_ =	sdelay $0x3  }
0x33: {  	p0 =	seq.s32 s10, $0x1;
	s10 =	sld [smem:$0x3FB9];
	_ =	sdelay $0x3  }
0x34: {  	[smem:$0x3FB9] =	sst s10  }
0x35: {  	s10 =	sld [smem:$0x3FB8];
	_ =	sdelay $0x3  }
0x36: {  	p1 =	seq.s32 s10, $0x1;
	s10 =	sld [smem:$0x3FB9];
	_ =	sdelay $0x3  }
0x37: {  	[smem:$0x3FB9] =	sst s10  }
0x38: {  	s10 =	sld [smem:$0x3FBA]  }
0x39: {  	_ = 	snop;
	(pc) =	sbr.ind lr, $3  }
0x3a: {  	_ = 	snop  }
0x3b: {  	_ = 	snop  }
0x3c: {  	p2 =	seq.s32 s10, $0x1;
	s10 =	sld [smem:$0x3FB9]  }
0x3d: {  	_ =	shalt  }
0x3e: {  	_ =	shalt  }
0x3f: {  	_ =	shalt  }
0x40: {  	_ =	shalt  }
0x41: {  	_ =	shalt  }
0x42: {  	_ =	shalt  }
0x43: {  	_ =	shalt  }
0x44: {  	_ =	shalt  }
0x45: {  	_ =	shalt  }
0x46: {  	_ =	shalt  }
0x47: {  	_ =	shalt  }
0x48: {  	_ =	shalt  }
0x49: {  	_ =	shalt  }
0x4a: {  	_ =	shalt  }
0x4b: {  	_ =	shalt  }
0x4c: {  	_ =	shalt  }
0x4d: {  	_ =	shalt  }
0x4e: {  	_ =	shalt  }
0x4f: {  	_ =	shalt  }
0x50: {  	_ =	shalt  }
0x51: {  	_ =	shalt  }
0x52: {  	_ =	shalt  }
0x53: {  	_ =	shalt  }
0x54: {  	_ =	shalt  }
0x55: {  	_ =	shalt  }
0x56: {  	_ =	shalt  }
0x57: {  	_ =	shalt  }
0x58: {  	_ =	shalt  }
0x59: {  	_ =	shalt  }
0x5a: {  	_ =	shalt  }
0x5b: {  	_ =	shalt  }
0x5c: {  	_ =	shalt  }
0x5d: {  	_ =	shalt  }
0x5e: {  	_ =	shalt  }
0x5f: {  	_ =	shalt  }
0x60: {  	_ =	shalt  }
0x61: {  	_ =	shalt  }
0x62: {  	_ =	shalt  }
0x63: {  	_ =	shalt  }
0x64: {  	_ =	shalt  }
0x65: {  	_ =	shalt  }
0x66: {  	_ =	shalt  }
0x67: {  	_ =	shalt  }
0x68: {  	_ =	shalt  }
0x69: {  	_ =	shalt  }
0x6a: {  	_ =	shalt  }
0x6b: {  	_ =	shalt  }
0x6c: {  	_ =	shalt  }
0x6d: {  	_ =	shalt  }
0x6e: {  	_ =	shalt  }
0x6f: {  	_ =	shalt  }
0x70: {  	_ =	shalt  }
0x71: {  	_ =	shalt  }
0x72: {  	_ =	shalt  }
0x73: {  	_ =	shalt  }
0x74: {  	_ =	shalt  }
0x75: {  	_ =	shalt  }
0x76: {  	_ =	shalt  }
0x77: {  	_ =	shalt  }
0x78: {  	_ =	shalt  }
0x79: {  	_ =	shalt  }
0x7a: {  	_ =	shalt  }
0x7b: {  	_ =	shalt  }
0x7c: {  	_ =	shalt  }
0x7d: {  	_ =	shalt  }
0x7e: {  	_ =	shalt  }
0x7f: {  	_ =	shalt  }
0x80: {  	_ =	shalt  }
0x81: {  	_ =	shalt  }
0x82: {  	_ =	shalt  }
0x83: {  	_ =	shalt  }
0x84: {  	_ =	shalt  }
0x85: {  	_ =	shalt  }
0x86: {  	_ =	shalt  }
0x87: {  	_ =	shalt  }
.Lfunc_end0:
.L_simem_size_0:
called_computation_lowered:
.L_overlay_start_0:
0x88: {  	s2 =	sld [smem:$0x3FD9]  }
0x89: {  	s3 =	sld [smem:$0x3FFE];
	_ =	sdelay $0x1  }
0x8a: {  	s1 =	srdreg.scid  }
0x8b: {  	s0 =	sand.u32 $0x1, s1  }
0x8c: {  	s18 =	sshll.u32 s0, $0xA;
	s2 =	sadd.s32 s3, s2  }
0x8d: {  	s2 =	sadd.s32 s2, s18  }
0x8e: {  	[smem:$0x3FC5] =	sst s2  }
0x8f: {  	_ = 	snop  }
0x90: {  	s2 =	sld [smem:$0x3FC9]  }
0x91: {  	s19 =	sld [smem:$0x3FC8]  }
0x92: {  	s4 =	sld [smem:$0x3FC7]  }
0x93: {  	s5 =	sld [smem:$0x3FD0];
	(tm) =	ssettm $0x1  }
0x94: {  	s6 =	sld [smem:$0x3FFB];
	_ =	sdelay $0x3  }
0x95: {  	_ =	strace s6  }
0x96: {  	s6 =	sld [smem:$0x3FFC];
	_ =	sdelay $0x3  }
0x97: {  	_ =	strace s6  }
0x98: {  	s6 =	sld [smem:$0x3FFD];
	_ =	sdelay $0x3  }
0x99: {  	_ =	strace s6  }
0x9a: {  	_ =	strace $0x8FFFFFFF  }
0x9b: {  	s20 =	sld [smem:$0x3FDB];
	_ =	sdelay $0x1  }
0x9c: {  	s7 =	simm.s32 $_scs_section_size  }
0x9d: {  	s8 =	simm.s32 $_size__tile_overlayer_lowered;
	s9 =	simm.s32 $_tile_overlayer_lowered  }
0x9e: {  	s23 =	simm.s32 $0x1BFF;
	s22 =	sshll.u32 s9, $0x1;
	s6 =	sadd.s32 s7, s20  }
0x9f: {  	s10 =	simm.s32 $0x0;
	s21 =	sshll.u32 s8, $0x1;
	s8 =	sadd.s32 s22, s6  }
0xa0: {  	[timem:s10], [sflag:s23] =	dma.local [hbm:s8], s21  }
0xa1: {  	_ =	swait.ge [sflag:s23], s21  }
0xa2: {  	s7 =	ssub.s32 $0x0, s21;
	[sflag:s23] =	ssyncset.done $0x0  }
0xa3: {  	[sflag:s23] =	ssyncadd.s32 s7;
	_ =	sdelay $0x1  }
0xa4: {  	s24 =	simm.s32 $0x1B8B  }
0xa5: {  	_ =	swait.ge [sflag:s24], $0x1  }
0xa6: {  	[sflag:s24] =	ssyncset.done $0x0  }
0xa7: {  	s25 =	simm.s32 $0x1B8E;
	[sflag:s24] =	ssyncadd.s32 $0xFFFFFFFF  }
0xa8: {  	s26 =	simm.s32 $execute0_lowered;
	[smem:$0x3FD2] =	sst s25  }
0xa9: {  	s7 =	sshll.u32 s26, $0x1;
	_ =	strace $0x80000046;
	[dreg:$0x1] =	wrdreg $0xFFFFFFFF  }
0xaa: {  	s28 =	simm.s32 $_size_execute0_lowered;
	s6 =	sadd.s32 s6, s7;
	[dreg:$0x0] =	wrdreg $0x0  }
0xab: {  	s7 =	sshll.u32 s28, $0x1;
	[dreg:$0x2] =	wrdreg s6  }
0xac: {  	[dreg:$0x3] =	wrdreg s7  }
0xad: {  	[dreg:$0x4] =	wrdreg $0xC0  }
0xae: {  	_ =	task [dreg:s10], $0x5FFFF  }
0xaf: {  	[dreg:$0x1] =	wrdreg $0xFFFFFFFF  }
0xb0: {  	[dreg:$0x0] =	wrdreg $0x60  }
0xb1: {  	[dreg:$0x2] =	wrdreg s2  }
0xb2: {  	[dreg:$0x3] =	wrdreg s19  }
0xb3: {  	[dreg:$0x4] =	wrdreg s4  }
0xb4: {  	[dreg:$0x5] =	wrdreg s5  }
0xb5: {  	[dreg:$0x6] =	wrdreg $0x9  }
0xb6: {  	_ =	task.clear_ibuf [dreg:s10], $0x7FFFF;
	_ =	strace $0x90000046  }
0xb7: {  	s29 =	simm.s32 $0x9;
	_ =	strace $0x80000048  }
0xb8: {  	_ =	swait.ge [sflag:s29], $0x1  }
0xb9: {  	[sflag:s29] =	ssyncadd.s32 $0xFFFFFFFF  }
0xba: {  	_ =	strace $0x90000048  }
0xbb: {  	_ =	sfence  }
0xbc: {  	s30 =	sld [smem:$0x0];
	_ =	sdelay $0x2  }
0xbd: {  	s31 =	sshll.u32 s1, $0xD;
	s1 =	sshrl.u32 s1, $0x2  }
0xbe: {  	s3 =	sand.u32 $0x4000, s31;
	s1 =	sadd.s32 s1, s30  }
0xbf: {  	s0 =	sor.u32 s3, s0;
	s1 =	sshll.u32 s1, $0x11  }
0xc0: {  	s0 =	sor.u32 s1, s0  }
0xc1: {  	s0 =	sadd.s32 $0x8F2B, s0  }
0xc2: {  	[sflag:s0] =	ssyncadd.remote.s32 $0x1  }
0xc3: {  	_ =	sfence.sel $0xFFFF  }
0xc4: {  	[dreg:$0x0] =	wrdreg $0xFFFFFFFF;
	(pc) =	sbr.abs _section_cstart, $3  }
0xc5: {  	[dreg:$0x1] =	wrdreg $0xFFFFFFFF  }
0xc6: {  	_ =	task.clear_ibuf [dreg:s10], $0x2FFFF;
	_ =	strace $0x9FFFFFFF  }
0xc7: {  	(tm) =	ssettm $0x7FFFFFFF  }
tec
execute0_lowered:
.L_overlay_start_1:
0x0: {  	(tag) =	ssettag $0x1  }
0x1: {  	s0 =	rddreg [dreg:$0x0]  }
0x2: {  	s2 =	srdreg.scid;
	s1 =	rddreg [dreg:$0x1]  }
0x3: {  	s4 =	stileid.u32;
	s3 =	rddreg [dreg:$0x2];
	s20 =	simm.s32 $0x6100  }
0x4: {  	s24 =	simm.s32 $0x7900;
	s29 =	simm.s32 $0x9100;
	s30 =	simm.s32 $0x1  }
0x5: {  	s31 =	simm.s32 $0x5;
	s17 =	simm.s32 $0x5900;
	s18 =	simm.s32 $0xA900  }
0x6: {  	s19 =	simm.s32 $0x2;
	s21 =	simm.s32 $0x6;
	s22 =	simm.s32 $0x3  }
0x7: {  	s23 =	simm.s32 $0x7;
	s12 =	simm.s32 $0x8;
	s14 =	simm.s32 $0x0  }
0x8: {  	s2 =	sand.u32 $0x1, s2;
	s5 =	sshll.u32 s4, $0x9;
	s4 =	rddreg [dreg:$0x3]  }
0x9: {  	s10 =	sadd.s32 $0x100, s1;
	s6 =	sshll.u32 s2, $0x8;
	s2 =	ssub.s32 $0x2, s2  }
0xa: {  	s5 =	sor.u32 s6, s5;
	s6 =	simm.s32 $0x0;
	s9 =	sshrl.u32 s2, $0x1  }
0xb: {  	s7 =	sshrl.u32 s5, $0x3;
	[smem:$0x7FF] =	sst s6;
	s2 =	ssub.s32 s2, s9  }
0xc: {  	s8 =	smul.u32 $0x300, s7;
	_ =	strace $0x80000047;
	s0 =	sadd.s32 s0, s7  }
.Ltmp0:
0xd: {  	s28 =	smax.u32 s2, $0x1;
	[dreg:$0x5] =	wrdreg s0;
	(pc) =	sbr.rel .LBB2_1-.Ltmp0, $4  }
0xe: {  	s11 =	sadd.s32 $0x200, s1;
	[dreg:$0x9] =	wrdreg s28;
	s26 =	sadd.s32 s3, s8  }
0xf: {  	v0 =	vlaneseq.u32;
	s15 =	sadd.s32 $0x600, s4;
	s8 =	sadd.s32 $0x300, s26;
	[dreg:$0x6] =	wrdreg s26  }
0x10: {  	v1 =	vshrl.u32 v0, $0x3;
	s9 =	simm.s32 $0xB;
	s0 =	sadd.s32 $0x600, s26;
	[dreg:$0x7] =	wrdreg s8  }
0x11: {  	vm0 =	vmmov $0xffff;
	v0 =	vand.u32 $0x7, v0;
	v1 =	vmul.u32 $0x8, v1;
	[dreg:$0x8] =	wrdreg s0;
	s0 =	simm.s32 $0x5100;
	s8 =	simm.s32 $0x4  }
.LBB2_12:
0x12: {  	s2 =	simm.s32 $0x9  }
0x13: {  	_ =	swait.ge [sflag:s2], $0x1800  }
0x14: {  	[sflag:s2] =	ssyncset.done $0x0  }
0x15: {  	s26 =	simm.s32 $0xA;
	[sflag:s2] =	ssyncadd.s32 $0xFFFFE800  }
0x16: {  	_ =	swait.ge [sflag:s26], $0x1800  }
0x17: {  	[sflag:s26] =	ssyncset.done $0x0  }
0x18: {  	[sflag:s26] =	ssyncadd.s32 $0xFFFFE800  }
0x19: {  	_ =	swait.ge [sflag:s9], $0x1800  }
0x1a: {  	[sflag:s9] =	ssyncset.done $0x0  }
0x1b: {  	s13 =	simm.s32 $0xC;
	[sflag:s9] =	ssyncadd.s32 $0xFFFFE800  }
0x1c: {  	_ =	swait.ge [sflag:s13], $0x1800  }
0x1d: {  	s14 =	rddreg [dreg:$0xa]  }
0x1e: {  	s28 =	rddreg [dreg:$0x9];
	s14 =	sadd.s32 $0x1, s14  }
0x1f: {  	p0 =	sne.s32 s14, s28  }
.Ltmp1:
0x20: {  	_ = 	snop;
	(pc) =	sbr.rel @!p0 .LBB2_13-.Ltmp1, $3  }
0x21: {  	_ =	sdelay $0x1  }
0x22: {  	[sflag:s13] =	ssyncset.done $0x0  }
0x23: {  	[sflag:s13] =	ssyncadd.s32 $0xFFFFE800  }
.LBB2_1:
0x24: {  	[dreg:$0xa] =	wrdreg s14  }
0x25: {  	s2 =	rddreg [dreg:$0x5];
	s28 =	simm.s32 $0xD  }
0x26: {  	[tilespmem:s6], [sflag:$0xD] =	stream.linear.gather [hbm4b:s2+s6], $0x100, $0x38;
	[tilespmem:$0xC100] =	vst v63  }
0x27: {  	_ =	swait.ge [sflag:s28], $0x100  }
0x28: {  	[sflag:s28] =	ssyncset.done $0x0  }
0x29: {  	[sflag:s28] =	ssyncadd.s32 $0xFFFFFF00  }
0x2a: {  	v2 =	vld.msk [tilespmem:$0x0], $0xff;
	_ =	sdelay $0x4  }
0x2b: {  	v3 =	vshrl.u32 v2, $0x3  }
0x2c: {  	v3 =	vmul.u32 $0x30, v3  }
0x2d: {  	v2 =	vand.u32 $0x7, v2  }
0x2e: {  	v2 =	vor.u32 v2, v3  }
0x2f: {  	v2 =	vperm.xlane v2, v0;
	_ =	sdelay $0x1  }
0x30: {  	v2 =	vadd.s32 v1, v2;
	_ =	sdelay $0x3  }
0x31: {  	s13 =	simm.s32 $0x100  }
0x32: {  	[tilespmem:s13], [sflag:$0x1] =	stream.indirect_vreg.gather [hbm4b:s1+s6], $0x80, v2, vm0, $0xb8;
	[tilespmem:$0xC100] =	vst v63  }
0x33: {  	s14 =	simm.s32 $0x900  }
0x34: {  	[tilespmem:s14], [sflag:$0x1] =	stream.indirect_vreg.gather [hbm4b:s10+s6], $0x80, v2, vm0, $0xb8;
	[tilespmem:$0xC100] =	vst v63  }
0x35: {  	s16 =	simm.s32 $0x1100  }
0x36: {  	[tilespmem:s16], [sflag:$0x1] =	stream.indirect_vreg.gather [hbm4b:s11+s6], $0x80, v2, vm0, $0xb8;
	[tilespmem:$0xC100] =	vst v63  }
0x37: {  	s25 =	rddreg [dreg:$0x6]  }
0x38: {  	[tilespmem:s20], [sflag:$0x5] =	stream.linear.gather [hbm4b:s25+s6], $0x1800, $0x38;
	[tilespmem:$0xC100] =	vst v63  }
0x39: {  	v2 =	vld.msk [tilespmem:$0x8], $0xff;
	_ =	sdelay $0x4  }
0x3a: {  	v3 =	vshrl.u32 v2, $0x3  }
0x3b: {  	v3 =	vmul.u32 $0x30, v3  }
0x3c: {  	v2 =	vand.u32 $0x7, v2  }
0x3d: {  	v2 =	vor.u32 v2, v3  }
0x3e: {  	v2 =	vperm.xlane v2, v0;
	_ =	sdelay $0x1  }
0x3f: {  	v2 =	vadd.s32 v1, v2;
	_ =	sdelay $0x3  }
0x40: {  	s26 =	simm.s32 $0x1900  }
0x41: {  	[tilespmem:s26], [sflag:$0x2] =	stream.indirect_vreg.gather [hbm4b:s1+s6], $0x80, v2, vm0, $0xb8;
	[tilespmem:$0xC100] =	vst v63  }
0x42: {  	s28 =	simm.s32 $0x2100  }
0x43: {  	[tilespmem:s28], [sflag:$0x2] =	stream.indirect_vreg.gather [hbm4b:s10+s6], $0x80, v2, vm0, $0xb8;
	[tilespmem:$0xC100] =	vst v63  }
0x44: {  	s13 =	simm.s32 $0x2900  }
0x45: {  	[tilespmem:s13], [sflag:$0x2] =	stream.indirect_vreg.gather [hbm4b:s11+s6], $0x80, v2, vm0, $0xb8;
	[tilespmem:$0xC100] =	vst v63  }
0x46: {  	s14 =	rddreg [dreg:$0x7]  }
0x47: {  	[tilespmem:s24], [sflag:$0x6] =	stream.linear.gather [hbm4b:s14+s6], $0x1800, $0x38;
	[tilespmem:$0xC100] =	vst v63  }
0x48: {  	v2 =	vld.msk [tilespmem:$0x10], $0xff;
	_ =	sdelay $0x4  }
0x49: {  	v3 =	vshrl.u32 v2, $0x3  }
0x4a: {  	v3 =	vmul.u32 $0x30, v3  }
0x4b: {  	v2 =	vand.u32 $0x7, v2  }
0x4c: {  	v2 =	vor.u32 v2, v3  }
0x4d: {  	v2 =	vperm.xlane v2, v0;
	_ =	sdelay $0x1  }
0x4e: {  	v2 =	vadd.s32 v1, v2;
	_ =	sdelay $0x3  }
0x4f: {  	s16 =	simm.s32 $0x3100  }
0x50: {  	[tilespmem:s16], [sflag:$0x3] =	stream.indirect_vreg.gather [hbm4b:s1+s6], $0x80, v2, vm0, $0xb8;
	[tilespmem:$0xC100] =	vst v63  }
0x51: {  	s25 =	simm.s32 $0x3900  }
0x52: {  	[tilespmem:s25], [sflag:$0x3] =	stream.indirect_vreg.gather [hbm4b:s10+s6], $0x80, v2, vm0, $0xb8;
	[tilespmem:$0xC100] =	vst v63  }
0x53: {  	s26 =	simm.s32 $0x4100  }
0x54: {  	[tilespmem:s26], [sflag:$0x3] =	stream.indirect_vreg.gather [hbm4b:s11+s6], $0x80, v2, vm0, $0xb8;
	[tilespmem:$0xC100] =	vst v63  }
0x55: {  	s28 =	rddreg [dreg:$0x8];
	s14 =	simm.s32 $0x0  }
0x56: {  	[tilespmem:s29], [sflag:$0x7] =	stream.linear.gather [hbm4b:s28+s6], $0x1800, $0x38;
	[tilespmem:$0xC100] =	vst v63  }
.LBB2_2:
0x57: {  	_ =	swait.ge [sflag:s30], $0x1800  }
0x58: {  	[sflag:s30] =	ssyncset.done $0x0  }
0x59: {  	[sflag:s30] =	ssyncadd.s32 $0xFFFFE800  }
0x5a: {  	_ =	swait.ge [sflag:s31], $0x1800  }
0x5b: {  	[sflag:s31] =	ssyncset.done $0x0  }
0x5c: {  	s13 =	simm.s32 $0x0;
	s16 =	simm.s32 $0x200;
	[sflag:s31] =	ssyncadd.s32 $0xFFFFE800  }
.LBB2_3:
0x5d: {  	p0 =	sne.s32 s16, $0xE00;
	v2 =	vld [tilespmem:s13+$0x1570]  }
0x5e: {  	v3 =	vld [tilespmem:s13+$0x100]  }
0x5f: {  	v4 =	vld [tilespmem:s13+$0x110]  }
0x60: {  	v5 =	vld [tilespmem:s13+$0x120]  }
0x61: {  	v6 =	vld [tilespmem:s13+$0x130]  }
0x62: {  	[tilespmem:s13+$0x7570] =	vst.add.f32.msk $0xffff, v2  }
0x63: {  	v2 =	vld [tilespmem:s13+$0x140]  }
0x64: {  	v7 =	vld [tilespmem:s13+$0x150]  }
0x65: {  	v8 =	vld [tilespmem:s13+$0x160]  }
0x66: {  	v9 =	vld [tilespmem:s13+$0x170]  }
0x67: {  	v10 =	vld [tilespmem:s13+$0x500]  }
0x68: {  	v11 =	vld [tilespmem:s13+$0x510]  }
0x69: {  	v12 =	vld [tilespmem:s13+$0x520]  }
0x6a: {  	v13 =	vld [tilespmem:s13+$0x530]  }
0x6b: {  	v14 =	vld [tilespmem:s13+$0x540]  }
0x6c: {  	v15 =	vld [tilespmem:s13+$0x550]  }
0x6d: {  	v16 =	vld [tilespmem:s13+$0x560]  }
0x6e: {  	v17 =	vld [tilespmem:s13+$0x570]  }
0x6f: {  	v18 =	vld [tilespmem:s13+$0x900]  }
0x70: {  	v19 =	vld [tilespmem:s13+$0x910]  }
0x71: {  	v20 =	vld [tilespmem:s13+$0x920]  }
0x72: {  	v21 =	vld [tilespmem:s13+$0x930]  }
0x73: {  	v22 =	vld [tilespmem:s13+$0x940]  }
0x74: {  	v23 =	vld [tilespmem:s13+$0x950]  }
0x75: {  	v24 =	vld [tilespmem:s13+$0x960]  }
0x76: {  	v25 =	vld [tilespmem:s13+$0x970]  }
0x77: {  	v26 =	vld [tilespmem:s13+$0xD00]  }
0x78: {  	v27 =	vld [tilespmem:s13+$0xD10]  }
0x79: {  	v28 =	vld [tilespmem:s13+$0xD20]  }
0x7a: {  	v29 =	vld [tilespmem:s13+$0xD30]  }
0x7b: {  	v30 =	vld [tilespmem:s13+$0xD40]  }
0x7c: {  	v31 =	vld [tilespmem:s13+$0xD50]  }
0x7d: {  	v32 =	vld [tilespmem:s13+$0xD60]  }
0x7e: {  	v33 =	vld [tilespmem:s13+$0xD70]  }
0x7f: {  	v34 =	vld [tilespmem:s13+$0x1100]  }
0x80: {  	v35 =	vld [tilespmem:s13+$0x1110]  }
0x81: {  	v36 =	vld [tilespmem:s13+$0x1120]  }
0x82: {  	v37 =	vld [tilespmem:s13+$0x1130]  }
0x83: {  	v38 =	vld [tilespmem:s13+$0x1140]  }
0x84: {  	v39 =	vld [tilespmem:s13+$0x1150]  }
0x85: {  	v40 =	vld [tilespmem:s13+$0x1160]  }
0x86: {  	v41 =	vld [tilespmem:s13+$0x1170]  }
0x87: {  	v42 =	vld [tilespmem:s13+$0x1500]  }
0x88: {  	v43 =	vld [tilespmem:s13+$0x1510]  }
0x89: {  	v44 =	vld [tilespmem:s13+$0x1520]  }
0x8a: {  	v45 =	vld [tilespmem:s13+$0x1530]  }
0x8b: {  	v46 =	vld [tilespmem:s13+$0x1540]  }
0x8c: {  	v47 =	vld [tilespmem:s13+$0x1550]  }
0x8d: {  	v48 =	vld [tilespmem:s13+$0x1560]  }
0x8e: {  	[tilespmem:s13+$0x6100] =	vst.add.f32.msk $0xffff, v3  }
0x8f: {  	[tilespmem:s13+$0x6110] =	vst.add.f32.msk $0xffff, v4  }
0x90: {  	[tilespmem:s13+$0x6120] =	vst.add.f32.msk $0xffff, v5  }
0x91: {  	[tilespmem:s13+$0x6130] =	vst.add.f32.msk $0xffff, v6  }
0x92: {  	[tilespmem:s13+$0x6140] =	vst.add.f32.msk $0xffff, v2  }
0x93: {  	[tilespmem:s13+$0x6150] =	vst.add.f32.msk $0xffff, v7  }
0x94: {  	[tilespmem:s13+$0x6160] =	vst.add.f32.msk $0xffff, v8  }
0x95: {  	[tilespmem:s13+$0x6170] =	vst.add.f32.msk $0xffff, v9  }
0x96: {  	[tilespmem:s13+$0x6500] =	vst.add.f32.msk $0xffff, v10  }
0x97: {  	[tilespmem:s13+$0x6510] =	vst.add.f32.msk $0xffff, v11  }
0x98: {  	[tilespmem:s13+$0x6520] =	vst.add.f32.msk $0xffff, v12  }
0x99: {  	[tilespmem:s13+$0x6530] =	vst.add.f32.msk $0xffff, v13  }
0x9a: {  	[tilespmem:s13+$0x6540] =	vst.add.f32.msk $0xffff, v14  }
0x9b: {  	[tilespmem:s13+$0x6550] =	vst.add.f32.msk $0xffff, v15  }
0x9c: {  	[tilespmem:s13+$0x6560] =	vst.add.f32.msk $0xffff, v16  }
0x9d: {  	[tilespmem:s13+$0x6570] =	vst.add.f32.msk $0xffff, v17  }
0x9e: {  	[tilespmem:s13+$0x6900] =	vst.add.f32.msk $0xffff, v18  }
0x9f: {  	[tilespmem:s13+$0x6910] =	vst.add.f32.msk $0xffff, v19  }
0xa0: {  	[tilespmem:s13+$0x6920] =	vst.add.f32.msk $0xffff, v20  }
0xa1: {  	[tilespmem:s13+$0x6930] =	vst.add.f32.msk $0xffff, v21  }
0xa2: {  	[tilespmem:s13+$0x6940] =	vst.add.f32.msk $0xffff, v22  }
0xa3: {  	[tilespmem:s13+$0x6950] =	vst.add.f32.msk $0xffff, v23  }
0xa4: {  	[tilespmem:s13+$0x6960] =	vst.add.f32.msk $0xffff, v24  }
0xa5: {  	[tilespmem:s13+$0x6970] =	vst.add.f32.msk $0xffff, v25  }
0xa6: {  	[tilespmem:s13+$0x6D00] =	vst.add.f32.msk $0xffff, v26  }
0xa7: {  	[tilespmem:s13+$0x6D10] =	vst.add.f32.msk $0xffff, v27  }
0xa8: {  	[tilespmem:s13+$0x6D20] =	vst.add.f32.msk $0xffff, v28  }
0xa9: {  	[tilespmem:s13+$0x6D30] =	vst.add.f32.msk $0xffff, v29  }
0xaa: {  	[tilespmem:s13+$0x6D40] =	vst.add.f32.msk $0xffff, v30  }
0xab: {  	[tilespmem:s13+$0x6D50] =	vst.add.f32.msk $0xffff, v31  }
0xac: {  	[tilespmem:s13+$0x6D60] =	vst.add.f32.msk $0xffff, v32  }
0xad: {  	[tilespmem:s13+$0x6D70] =	vst.add.f32.msk $0xffff, v33  }
0xae: {  	[tilespmem:s13+$0x7100] =	vst.add.f32.msk $0xffff, v34  }
0xaf: {  	[tilespmem:s13+$0x7110] =	vst.add.f32.msk $0xffff, v35  }
0xb0: {  	[tilespmem:s13+$0x7120] =	vst.add.f32.msk $0xffff, v36  }
0xb1: {  	[tilespmem:s13+$0x7130] =	vst.add.f32.msk $0xffff, v37  }
0xb2: {  	[tilespmem:s13+$0x7140] =	vst.add.f32.msk $0xffff, v38  }
0xb3: {  	[tilespmem:s13+$0x7150] =	vst.add.f32.msk $0xffff, v39  }
0xb4: {  	[tilespmem:s13+$0x7160] =	vst.add.f32.msk $0xffff, v40  }
0xb5: {  	[tilespmem:s13+$0x7170] =	vst.add.f32.msk $0xffff, v41  }
0xb6: {  	[tilespmem:s13+$0x7500] =	vst.add.f32.msk $0xffff, v42  }
0xb7: {  	[tilespmem:s13+$0x7510] =	vst.add.f32.msk $0xffff, v43  }
.Ltmp2:
0xb8: {  	[tilespmem:s13+$0x7520] =	vst.add.f32.msk $0xffff, v44;
	(pc) =	sbr.rel @p0 .LBB2_3-.Ltmp2, $4  }
0xb9: {  	[tilespmem:s13+$0x7530] =	vst.add.f32.msk $0xffff, v45  }
0xba: {  	[tilespmem:s13+$0x7540] =	vst.add.f32.msk $0xffff, v46  }
0xbb: {  	[tilespmem:s13+$0x7550] =	vst.add.f32.msk $0xffff, v47  }
0xbc: {  	[tilespmem:s13+$0x7560] =	vst.add.f32.msk $0xffff, v48;
	s13 =	sshra.s32 s16, $0x2;
	s16 =	sadd.s32 $0x200, s16  }
0xbd: {  	v2 =	vld [tilespmem:s13+$0x1570]  }
0xbe: {  	v3 =	vld [tilespmem:s13+$0x100]  }
0xbf: {  	v4 =	vld [tilespmem:s13+$0x110]  }
0xc0: {  	v5 =	vld [tilespmem:s13+$0x120]  }
0xc1: {  	v6 =	vld [tilespmem:s13+$0x130]  }
0xc2: {  	v7 =	vld [tilespmem:s13+$0x150]  }
0xc3: {  	v8 =	vld [tilespmem:s13+$0x160]  }
0xc4: {  	v9 =	vld [tilespmem:s13+$0x170]  }
0xc5: {  	v10 =	vld [tilespmem:s13+$0x500]  }
0xc6: {  	v11 =	vld [tilespmem:s13+$0x510]  }
0xc7: {  	v12 =	vld [tilespmem:s13+$0x520]  }
0xc8: {  	v13 =	vld [tilespmem:s13+$0x530]  }
0xc9: {  	v14 =	vld [tilespmem:s13+$0x540]  }
0xca: {  	v15 =	vld [tilespmem:s13+$0x550]  }
0xcb: {  	v16 =	vld [tilespmem:s13+$0x560]  }
0xcc: {  	v17 =	vld [tilespmem:s13+$0x570]  }
0xcd: {  	v18 =	vld [tilespmem:s13+$0x900]  }
0xce: {  	v19 =	vld [tilespmem:s13+$0x910]  }
0xcf: {  	v20 =	vld [tilespmem:s13+$0x920]  }
0xd0: {  	v21 =	vld [tilespmem:s13+$0x930]  }
0xd1: {  	v22 =	vld [tilespmem:s13+$0x940]  }
0xd2: {  	v23 =	vld [tilespmem:s13+$0x950]  }
0xd3: {  	v24 =	vld [tilespmem:s13+$0x960]  }
0xd4: {  	v25 =	vld [tilespmem:s13+$0x970]  }
0xd5: {  	v26 =	vld [tilespmem:s13+$0xD00]  }
0xd6: {  	v27 =	vld [tilespmem:s13+$0xD10]  }
0xd7: {  	v28 =	vld [tilespmem:s13+$0xD20]  }
0xd8: {  	v29 =	vld [tilespmem:s13+$0xD30]  }
0xd9: {  	v30 =	vld [tilespmem:s13+$0xD40]  }
0xda: {  	v31 =	vld [tilespmem:s13+$0xD50]  }
0xdb: {  	v32 =	vld [tilespmem:s13+$0xD60]  }
0xdc: {  	v33 =	vld [tilespmem:s13+$0xD70]  }
0xdd: {  	v34 =	vld [tilespmem:s13+$0x1100]  }
0xde: {  	v35 =	vld [tilespmem:s13+$0x1110]  }
0xdf: {  	v36 =	vld [tilespmem:s13+$0x1120]  }
0xe0: {  	v37 =	vld [tilespmem:s13+$0x1130]  }
0xe1: {  	v38 =	vld [tilespmem:s13+$0x1140]  }
0xe2: {  	v39 =	vld [tilespmem:s13+$0x1150]  }
0xe3: {  	v40 =	vld [tilespmem:s13+$0x1160]  }
0xe4: {  	v41 =	vld [tilespmem:s13+$0x1170]  }
0xe5: {  	v42 =	vld [tilespmem:s13+$0x1500]  }
0xe6: {  	v43 =	vld [tilespmem:s13+$0x1510]  }
0xe7: {  	v44 =	vld [tilespmem:s13+$0x1520]  }
0xe8: {  	v45 =	vld [tilespmem:s13+$0x1530]  }
0xe9: {  	v46 =	vld [tilespmem:s13+$0x1540]  }
0xea: {  	v47 =	vld [tilespmem:s13+$0x1550]  }
0xeb: {  	v48 =	vld [tilespmem:s13+$0x1560]  }
0xec: {  	[tilespmem:s13+$0x7570] =	vst.add.f32.msk $0xffff, v2  }
0xed: {  	v2 =	vld [tilespmem:s13+$0x140]  }
0xee: {  	[tilespmem:s13+$0x6100] =	vst.add.f32.msk $0xffff, v3  }
0xef: {  	[tilespmem:s13+$0x6110] =	vst.add.f32.msk $0xffff, v4  }
0xf0: {  	[tilespmem:s13+$0x6120] =	vst.add.f32.msk $0xffff, v5  }
0xf1: {  	[tilespmem:s13+$0x6130] =	vst.add.f32.msk $0xffff, v6  }
0xf2: {  	[tilespmem:s13+$0x6150] =	vst.add.f32.msk $0xffff, v7  }
0xf3: {  	[tilespmem:s13+$0x6160] =	vst.add.f32.msk $0xffff, v8  }
0xf4: {  	[tilespmem:s13+$0x6170] =	vst.add.f32.msk $0xffff, v9  }
0xf5: {  	[tilespmem:s13+$0x6500] =	vst.add.f32.msk $0xffff, v10  }
0xf6: {  	[tilespmem:s13+$0x6510] =	vst.add.f32.msk $0xffff, v11  }
0xf7: {  	[tilespmem:s13+$0x6520] =	vst.add.f32.msk $0xffff, v12  }
0xf8: {  	[tilespmem:s13+$0x6530] =	vst.add.f32.msk $0xffff, v13  }
0xf9: {  	[tilespmem:s13+$0x6540] =	vst.add.f32.msk $0xffff, v14  }
0xfa: {  	[tilespmem:s13+$0x6550] =	vst.add.f32.msk $0xffff, v15  }
0xfb: {  	[tilespmem:s13+$0x6560] =	vst.add.f32.msk $0xffff, v16  }
0xfc: {  	[tilespmem:s13+$0x6570] =	vst.add.f32.msk $0xffff, v17  }
0xfd: {  	[tilespmem:s13+$0x6900] =	vst.add.f32.msk $0xffff, v18  }
0xfe: {  	[tilespmem:s13+$0x6910] =	vst.add.f32.msk $0xffff, v19  }
0xff: {  	[tilespmem:s13+$0x6920] =	vst.add.f32.msk $0xffff, v20  }
0x100: {  	[tilespmem:s13+$0x6930] =	vst.add.f32.msk $0xffff, v21  }
0x101: {  	[tilespmem:s13+$0x6940] =	vst.add.f32.msk $0xffff, v22  }
0x102: {  	[tilespmem:s13+$0x6950] =	vst.add.f32.msk $0xffff, v23  }
0x103: {  	[tilespmem:s13+$0x6960] =	vst.add.f32.msk $0xffff, v24  }
0x104: {  	[tilespmem:s13+$0x6970] =	vst.add.f32.msk $0xffff, v25  }
0x105: {  	[tilespmem:s13+$0x6D00] =	vst.add.f32.msk $0xffff, v26  }
0x106: {  	[tilespmem:s13+$0x6D10] =	vst.add.f32.msk $0xffff, v27  }
0x107: {  	[tilespmem:s13+$0x6D20] =	vst.add.f32.msk $0xffff, v28  }
0x108: {  	[tilespmem:s13+$0x6D30] =	vst.add.f32.msk $0xffff, v29  }
0x109: {  	[tilespmem:s13+$0x6D40] =	vst.add.f32.msk $0xffff, v30  }
0x10a: {  	[tilespmem:s13+$0x6D50] =	vst.add.f32.msk $0xffff, v31  }
0x10b: {  	[tilespmem:s13+$0x6D60] =	vst.add.f32.msk $0xffff, v32  }
0x10c: {  	[tilespmem:s13+$0x6D70] =	vst.add.f32.msk $0xffff, v33  }
0x10d: {  	[tilespmem:s13+$0x7100] =	vst.add.f32.msk $0xffff, v34  }
0x10e: {  	[tilespmem:s13+$0x7110] =	vst.add.f32.msk $0xffff, v35  }
0x10f: {  	[tilespmem:s13+$0x7120] =	vst.add.f32.msk $0xffff, v36  }
0x110: {  	[tilespmem:s13+$0x7130] =	vst.add.f32.msk $0xffff, v37  }
0x111: {  	[tilespmem:s13+$0x7140] =	vst.add.f32.msk $0xffff, v38  }
0x112: {  	[tilespmem:s13+$0x7150] =	vst.add.f32.msk $0xffff, v39  }
0x113: {  	[tilespmem:s13+$0x7160] =	vst.add.f32.msk $0xffff, v40  }
0x114: {  	[tilespmem:s13+$0x7170] =	vst.add.f32.msk $0xffff, v41  }
0x115: {  	[tilespmem:s13+$0x7500] =	vst.add.f32.msk $0xffff, v42  }
0x116: {  	[tilespmem:s13+$0x7510] =	vst.add.f32.msk $0xffff, v43  }
0x117: {  	s16 =	sshll.u32 s14, $0x5;
	[tilespmem:s13+$0x7520] =	vst.add.f32.msk $0xffff, v44  }
0x118: {  	s25 =	sor.u32 s5, s16;
	[tilespmem:s13+$0x7530] =	vst.add.f32.msk $0xffff, v45  }
0x119: {  	s25 =	sshrl.u32 s25, $0x3;
	[tilespmem:s13+$0x7540] =	vst.add.f32.msk $0xffff, v46  }
0x11a: {  	s25 =	smul.u32 $0x300, s25;
	[tilespmem:s13+$0x7550] =	vst.add.f32.msk $0xffff, v47  }
0x11b: {  	p0 =	seq.s32 s14, $0x0;
	[tilespmem:s13+$0x7560] =	vst.add.f32.msk $0xffff, v48  }
0x11c: {  	s26 =	sadd.s32 s4, s25;
	[tilespmem:s13+$0x6140] =	vst.add.f32.msk $0xffff, v2;
	s13 =	simm.s32 @!p0 $0xC  }
0x11d: {  	[hbm4b:s26+s6] =	stream.linear.scatter [tilespmem:s20], [sflag:$0x9], $0x1800, $0x38;
	[tilespmem:$0xC100] =	vst v63  }
0x11e: {  	s26 =	sshllo.u32 s14, $0x2;
	_ =	swait.ge @!p0 [sflag:s13], $0x1800  }
0x11f: {  	s28 =	sshll.u32 s26, $0x3;
	[sflag:s13] =	ssyncset.done @!p0 $0x0  }
0x120: {  	s2 =	sand.u32 $0x3FFFFFF8, s28;
	[sflag:s13] =	ssyncadd.s32 @!p0 $0xFFFFE800  }
0x121: {  	v2 =	vld.msk [tilespmem:s2+$0x0], $0xff;
	_ =	sdelay $0x4  }
0x122: {  	v3 =	vshrl.u32 v2, $0x3  }
0x123: {  	v3 =	vmul.u32 $0x30, v3  }
0x124: {  	v2 =	vand.u32 $0x7, v2  }
0x125: {  	v2 =	vor.u32 v2, v3  }
0x126: {  	v2 =	vperm.xlane v2, v0;
	_ =	sdelay $0x1  }
0x127: {  	v2 =	vadd.s32 v1, v2;
	_ =	sdelay $0x3  }
0x128: {  	s28 =	simm.s32 $0x0;
	s2 =	simm.s32 $0x4900  }
0x129: {  	[tilespmem:s2], [sflag:$0x4] =	stream.indirect_vreg.gather [hbm4b:s1+s28], $0x80, v2, vm0, $0xb8;
	[tilespmem:$0xC100] =	vst v63  }
0x12a: {  	s26 =	sor.u32 s7, s26  }
0x12b: {  	[tilespmem:s0], [sflag:$0x4] =	stream.indirect_vreg.gather [hbm4b:s10+s28], $0x80, v2, vm0, $0xb8;
	[tilespmem:$0xC100] =	vst v63  }
0x12c: {  	s13 =	smul.u32 $0x300, s26  }
0x12d: {  	[tilespmem:s17], [sflag:$0x4] =	stream.indirect_vreg.gather [hbm4b:s11+s28], $0x80, v2, vm0, $0xb8;
	[tilespmem:$0xC100] =	vst v63  }
0x12e: {  	s2 =	sadd.s32 s3, s13  }
0x12f: {  	[tilespmem:s18], [sflag:$0x8] =	stream.linear.gather [hbm4b:s2+s28], $0x1800, $0x38;
	[tilespmem:$0xC100] =	vst v63  }
0x130: {  	_ =	swait.ge [sflag:s19], $0x1800  }
0x131: {  	[sflag:s19] =	ssyncset.done $0x0  }
0x132: {  	[sflag:s19] =	ssyncadd.s32 $0xFFFFE800  }
0x133: {  	_ =	swait.ge [sflag:s21], $0x1800  }
0x134: {  	[sflag:s21] =	ssyncset.done $0x0  }
0x135: {  	s26 =	simm.s32 $0x0;
	s28 =	simm.s32 $0x200;
	[sflag:s21] =	ssyncadd.s32 $0xFFFFE800  }
.LBB2_5:
0x136: {  	p0 =	sne.s32 s28, $0xE00;
	v2 =	vld [tilespmem:s26+$0x2D70]  }
0x137: {  	v3 =	vld [tilespmem:s26+$0x1900]  }
0x138: {  	v4 =	vld [tilespmem:s26+$0x1910]  }
0x139: {  	v5 =	vld [tilespmem:s26+$0x1920]  }
0x13a: {  	v6 =	vld [tilespmem:s26+$0x1930]  }
0x13b: {  	[tilespmem:s26+$0x8D70] =	vst.add.f32.msk $0xffff, v2  }
0x13c: {  	v2 =	vld [tilespmem:s26+$0x1940]  }
0x13d: {  	v7 =	vld [tilespmem:s26+$0x1950]  }
0x13e: {  	v8 =	vld [tilespmem:s26+$0x1960]  }
0x13f: {  	v9 =	vld [tilespmem:s26+$0x1970]  }
0x140: {  	v10 =	vld [tilespmem:s26+$0x1D00]  }
0x141: {  	v11 =	vld [tilespmem:s26+$0x1D10]  }
0x142: {  	v12 =	vld [tilespmem:s26+$0x1D20]  }
0x143: {  	v13 =	vld [tilespmem:s26+$0x1D30]  }
0x144: {  	v14 =	vld [tilespmem:s26+$0x1D40]  }
0x145: {  	v15 =	vld [tilespmem:s26+$0x1D50]  }
0x146: {  	v16 =	vld [tilespmem:s26+$0x1D60]  }
0x147: {  	v17 =	vld [tilespmem:s26+$0x1D70]  }
0x148: {  	v18 =	vld [tilespmem:s26+$0x2100]  }
0x149: {  	v19 =	vld [tilespmem:s26+$0x2110]  }
0x14a: {  	v20 =	vld [tilespmem:s26+$0x2120]  }
0x14b: {  	v21 =	vld [tilespmem:s26+$0x2130]  }
0x14c: {  	v22 =	vld [tilespmem:s26+$0x2140]  }
0x14d: {  	v23 =	vld [tilespmem:s26+$0x2150]  }
0x14e: {  	v24 =	vld [tilespmem:s26+$0x2160]  }
0x14f: {  	v25 =	vld [tilespmem:s26+$0x2170]  }
0x150: {  	v26 =	vld [tilespmem:s26+$0x2500]  }
0x151: {  	v27 =	vld [tilespmem:s26+$0x2510]  }
0x152: {  	v28 =	vld [tilespmem:s26+$0x2520]  }
0x153: {  	v29 =	vld [tilespmem:s26+$0x2530]  }
0x154: {  	v30 =	vld [tilespmem:s26+$0x2540]  }
0x155: {  	v31 =	vld [tilespmem:s26+$0x2550]  }
0x156: {  	v32 =	vld [tilespmem:s26+$0x2560]  }
0x157: {  	v33 =	vld [tilespmem:s26+$0x2570]  }
0x158: {  	v34 =	vld [tilespmem:s26+$0x2900]  }
0x159: {  	v35 =	vld [tilespmem:s26+$0x2910]  }
0x15a: {  	v36 =	vld [tilespmem:s26+$0x2920]  }
0x15b: {  	v37 =	vld [tilespmem:s26+$0x2930]  }
0x15c: {  	v38 =	vld [tilespmem:s26+$0x2940]  }
0x15d: {  	v39 =	vld [tilespmem:s26+$0x2950]  }
0x15e: {  	v40 =	vld [tilespmem:s26+$0x2960]  }
0x15f: {  	v41 =	vld [tilespmem:s26+$0x2970]  }
0x160: {  	v42 =	vld [tilespmem:s26+$0x2D00]  }
0x161: {  	v43 =	vld [tilespmem:s26+$0x2D10]  }
0x162: {  	v44 =	vld [tilespmem:s26+$0x2D20]  }
0x163: {  	v45 =	vld [tilespmem:s26+$0x2D30]  }
0x164: {  	v46 =	vld [tilespmem:s26+$0x2D40]  }
0x165: {  	v47 =	vld [tilespmem:s26+$0x2D50]  }
0x166: {  	v48 =	vld [tilespmem:s26+$0x2D60]  }
0x167: {  	[tilespmem:s26+$0x7900] =	vst.add.f32.msk $0xffff, v3  }
0x168: {  	[tilespmem:s26+$0x7910] =	vst.add.f32.msk $0xffff, v4  }
0x169: {  	[tilespmem:s26+$0x7920] =	vst.add.f32.msk $0xffff, v5  }
0x16a: {  	[tilespmem:s26+$0x7930] =	vst.add.f32.msk $0xffff, v6  }
0x16b: {  	[tilespmem:s26+$0x7940] =	vst.add.f32.msk $0xffff, v2  }
0x16c: {  	[tilespmem:s26+$0x7950] =	vst.add.f32.msk $0xffff, v7  }
0x16d: {  	[tilespmem:s26+$0x7960] =	vst.add.f32.msk $0xffff, v8  }
0x16e: {  	[tilespmem:s26+$0x7970] =	vst.add.f32.msk $0xffff, v9  }
0x16f: {  	[tilespmem:s26+$0x7D00] =	vst.add.f32.msk $0xffff, v10  }
0x170: {  	[tilespmem:s26+$0x7D10] =	vst.add.f32.msk $0xffff, v11  }
0x171: {  	[tilespmem:s26+$0x7D20] =	vst.add.f32.msk $0xffff, v12  }
0x172: {  	[tilespmem:s26+$0x7D30] =	vst.add.f32.msk $0xffff, v13  }
0x173: {  	[tilespmem:s26+$0x7D40] =	vst.add.f32.msk $0xffff, v14  }
0x174: {  	[tilespmem:s26+$0x7D50] =	vst.add.f32.msk $0xffff, v15  }
0x175: {  	[tilespmem:s26+$0x7D60] =	vst.add.f32.msk $0xffff, v16  }
0x176: {  	[tilespmem:s26+$0x7D70] =	vst.add.f32.msk $0xffff, v17  }
0x177: {  	[tilespmem:s26+$0x8100] =	vst.add.f32.msk $0xffff, v18  }
0x178: {  	[tilespmem:s26+$0x8110] =	vst.add.f32.msk $0xffff, v19  }
0x179: {  	[tilespmem:s26+$0x8120] =	vst.add.f32.msk $0xffff, v20  }
0x17a: {  	[tilespmem:s26+$0x8130] =	vst.add.f32.msk $0xffff, v21  }
0x17b: {  	[tilespmem:s26+$0x8140] =	vst.add.f32.msk $0xffff, v22  }
0x17c: {  	[tilespmem:s26+$0x8150] =	vst.add.f32.msk $0xffff, v23  }
0x17d: {  	[tilespmem:s26+$0x8160] =	vst.add.f32.msk $0xffff, v24  }
0x17e: {  	[tilespmem:s26+$0x8170] =	vst.add.f32.msk $0xffff, v25  }
0x17f: {  	[tilespmem:s26+$0x8500] =	vst.add.f32.msk $0xffff, v26  }
0x180: {  	[tilespmem:s26+$0x8510] =	vst.add.f32.msk $0xffff, v27  }
0x181: {  	[tilespmem:s26+$0x8520] =	vst.add.f32.msk $0xffff, v28  }
0x182: {  	[tilespmem:s26+$0x8530] =	vst.add.f32.msk $0xffff, v29  }
0x183: {  	[tilespmem:s26+$0x8540] =	vst.add.f32.msk $0xffff, v30  }
0x184: {  	[tilespmem:s26+$0x8550] =	vst.add.f32.msk $0xffff, v31  }
0x185: {  	[tilespmem:s26+$0x8560] =	vst.add.f32.msk $0xffff, v32  }
0x186: {  	[tilespmem:s26+$0x8570] =	vst.add.f32.msk $0xffff, v33  }
0x187: {  	[tilespmem:s26+$0x8900] =	vst.add.f32.msk $0xffff, v34  }
0x188: {  	[tilespmem:s26+$0x8910] =	vst.add.f32.msk $0xffff, v35  }
0x189: {  	[tilespmem:s26+$0x8920] =	vst.add.f32.msk $0xffff, v36  }
0x18a: {  	[tilespmem:s26+$0x8930] =	vst.add.f32.msk $0xffff, v37  }
0x18b: {  	[tilespmem:s26+$0x8940] =	vst.add.f32.msk $0xffff, v38  }
0x18c: {  	[tilespmem:s26+$0x8950] =	vst.add.f32.msk $0xffff, v39  }
0x18d: {  	[tilespmem:s26+$0x8960] =	vst.add.f32.msk $0xffff, v40  }
0x18e: {  	[tilespmem:s26+$0x8970] =	vst.add.f32.msk $0xffff, v41  }
0x18f: {  	[tilespmem:s26+$0x8D00] =	vst.add.f32.msk $0xffff, v42  }
0x190: {  	[tilespmem:s26+$0x8D10] =	vst.add.f32.msk $0xffff, v43  }
.Ltmp3:
0x191: {  	[tilespmem:s26+$0x8D20] =	vst.add.f32.msk $0xffff, v44;
	(pc) =	sbr.rel @p0 .LBB2_5-.Ltmp3, $4  }
0x192: {  	[tilespmem:s26+$0x8D30] =	vst.add.f32.msk $0xffff, v45  }
0x193: {  	[tilespmem:s26+$0x8D40] =	vst.add.f32.msk $0xffff, v46  }
0x194: {  	[tilespmem:s26+$0x8D50] =	vst.add.f32.msk $0xffff, v47  }
0x195: {  	[tilespmem:s26+$0x8D60] =	vst.add.f32.msk $0xffff, v48;
	s26 =	sshra.s32 s28, $0x2;
	s28 =	sadd.s32 $0x200, s28  }
0x196: {  	v2 =	vld [tilespmem:s26+$0x2D70]  }
0x197: {  	v3 =	vld [tilespmem:s26+$0x1900]  }
0x198: {  	v4 =	vld [tilespmem:s26+$0x1910]  }
0x199: {  	v5 =	vld [tilespmem:s26+$0x1920]  }
0x19a: {  	v6 =	vld [tilespmem:s26+$0x1930]  }
0x19b: {  	v7 =	vld [tilespmem:s26+$0x1950]  }
0x19c: {  	v8 =	vld [tilespmem:s26+$0x1960]  }
0x19d: {  	v9 =	vld [tilespmem:s26+$0x1970]  }
0x19e: {  	v10 =	vld [tilespmem:s26+$0x1D00]  }
0x19f: {  	v11 =	vld [tilespmem:s26+$0x1D10]  }
0x1a0: {  	v12 =	vld [tilespmem:s26+$0x1D20]  }
0x1a1: {  	v13 =	vld [tilespmem:s26+$0x1D30]  }
0x1a2: {  	v14 =	vld [tilespmem:s26+$0x1D40]  }
0x1a3: {  	v15 =	vld [tilespmem:s26+$0x1D50]  }
0x1a4: {  	v16 =	vld [tilespmem:s26+$0x1D60]  }
0x1a5: {  	v17 =	vld [tilespmem:s26+$0x1D70]  }
0x1a6: {  	v18 =	vld [tilespmem:s26+$0x2100]  }
0x1a7: {  	v19 =	vld [tilespmem:s26+$0x2110]  }
0x1a8: {  	v20 =	vld [tilespmem:s26+$0x2120]  }
0x1a9: {  	v21 =	vld [tilespmem:s26+$0x2130]  }
0x1aa: {  	v22 =	vld [tilespmem:s26+$0x2140]  }
0x1ab: {  	v23 =	vld [tilespmem:s26+$0x2150]  }
0x1ac: {  	v24 =	vld [tilespmem:s26+$0x2160]  }
0x1ad: {  	v25 =	vld [tilespmem:s26+$0x2170]  }
0x1ae: {  	v26 =	vld [tilespmem:s26+$0x2500]  }
0x1af: {  	v27 =	vld [tilespmem:s26+$0x2510]  }
0x1b0: {  	v28 =	vld [tilespmem:s26+$0x2520]  }
0x1b1: {  	v29 =	vld [tilespmem:s26+$0x2530]  }
0x1b2: {  	v30 =	vld [tilespmem:s26+$0x2540]  }
0x1b3: {  	v31 =	vld [tilespmem:s26+$0x2550]  }
0x1b4: {  	v32 =	vld [tilespmem:s26+$0x2560]  }
0x1b5: {  	v33 =	vld [tilespmem:s26+$0x2570]  }
0x1b6: {  	v34 =	vld [tilespmem:s26+$0x2900]  }
0x1b7: {  	v35 =	vld [tilespmem:s26+$0x2910]  }
0x1b8: {  	v36 =	vld [tilespmem:s26+$0x2920]  }
0x1b9: {  	v37 =	vld [tilespmem:s26+$0x2930]  }
0x1ba: {  	v38 =	vld [tilespmem:s26+$0x2940]  }
0x1bb: {  	v39 =	vld [tilespmem:s26+$0x2950]  }
0x1bc: {  	v40 =	vld [tilespmem:s26+$0x2960]  }
0x1bd: {  	v41 =	vld [tilespmem:s26+$0x2970]  }
0x1be: {  	v42 =	vld [tilespmem:s26+$0x2D00]  }
0x1bf: {  	v43 =	vld [tilespmem:s26+$0x2D10]  }
0x1c0: {  	v44 =	vld [tilespmem:s26+$0x2D20]  }
0x1c1: {  	v45 =	vld [tilespmem:s26+$0x2D30]  }
0x1c2: {  	v46 =	vld [tilespmem:s26+$0x2D40]  }
0x1c3: {  	v47 =	vld [tilespmem:s26+$0x2D50]  }
0x1c4: {  	v48 =	vld [tilespmem:s26+$0x2D60]  }
0x1c5: {  	[tilespmem:s26+$0x8D70] =	vst.add.f32.msk $0xffff, v2  }
0x1c6: {  	v2 =	vld [tilespmem:s26+$0x1940]  }
0x1c7: {  	[tilespmem:s26+$0x7900] =	vst.add.f32.msk $0xffff, v3  }
0x1c8: {  	[tilespmem:s26+$0x7910] =	vst.add.f32.msk $0xffff, v4  }
0x1c9: {  	[tilespmem:s26+$0x7920] =	vst.add.f32.msk $0xffff, v5  }
0x1ca: {  	[tilespmem:s26+$0x7930] =	vst.add.f32.msk $0xffff, v6  }
0x1cb: {  	[tilespmem:s26+$0x7950] =	vst.add.f32.msk $0xffff, v7  }
0x1cc: {  	[tilespmem:s26+$0x7960] =	vst.add.f32.msk $0xffff, v8  }
0x1cd: {  	[tilespmem:s26+$0x7970] =	vst.add.f32.msk $0xffff, v9  }
0x1ce: {  	[tilespmem:s26+$0x7D00] =	vst.add.f32.msk $0xffff, v10  }
0x1cf: {  	[tilespmem:s26+$0x7D10] =	vst.add.f32.msk $0xffff, v11  }
0x1d0: {  	[tilespmem:s26+$0x7D20] =	vst.add.f32.msk $0xffff, v12  }
0x1d1: {  	[tilespmem:s26+$0x7D30] =	vst.add.f32.msk $0xffff, v13  }
0x1d2: {  	[tilespmem:s26+$0x7D40] =	vst.add.f32.msk $0xffff, v14  }
0x1d3: {  	[tilespmem:s26+$0x7D50] =	vst.add.f32.msk $0xffff, v15  }
0x1d4: {  	[tilespmem:s26+$0x7D60] =	vst.add.f32.msk $0xffff, v16  }
0x1d5: {  	[tilespmem:s26+$0x7D70] =	vst.add.f32.msk $0xffff, v17  }
0x1d6: {  	[tilespmem:s26+$0x8100] =	vst.add.f32.msk $0xffff, v18  }
0x1d7: {  	[tilespmem:s26+$0x8110] =	vst.add.f32.msk $0xffff, v19  }
0x1d8: {  	[tilespmem:s26+$0x8120] =	vst.add.f32.msk $0xffff, v20  }
0x1d9: {  	[tilespmem:s26+$0x8130] =	vst.add.f32.msk $0xffff, v21  }
0x1da: {  	[tilespmem:s26+$0x8140] =	vst.add.f32.msk $0xffff, v22  }
0x1db: {  	[tilespmem:s26+$0x8150] =	vst.add.f32.msk $0xffff, v23  }
0x1dc: {  	[tilespmem:s26+$0x8160] =	vst.add.f32.msk $0xffff, v24  }
0x1dd: {  	[tilespmem:s26+$0x8170] =	vst.add.f32.msk $0xffff, v25  }
0x1de: {  	[tilespmem:s26+$0x8500] =	vst.add.f32.msk $0xffff, v26  }
0x1df: {  	[tilespmem:s26+$0x8510] =	vst.add.f32.msk $0xffff, v27  }
0x1e0: {  	[tilespmem:s26+$0x8520] =	vst.add.f32.msk $0xffff, v28  }
0x1e1: {  	[tilespmem:s26+$0x8530] =	vst.add.f32.msk $0xffff, v29  }
0x1e2: {  	[tilespmem:s26+$0x8540] =	vst.add.f32.msk $0xffff, v30  }
0x1e3: {  	[tilespmem:s26+$0x8550] =	vst.add.f32.msk $0xffff, v31  }
0x1e4: {  	[tilespmem:s26+$0x8560] =	vst.add.f32.msk $0xffff, v32  }
0x1e5: {  	[tilespmem:s26+$0x8570] =	vst.add.f32.msk $0xffff, v33  }
0x1e6: {  	[tilespmem:s26+$0x8900] =	vst.add.f32.msk $0xffff, v34  }
0x1e7: {  	[tilespmem:s26+$0x8910] =	vst.add.f32.msk $0xffff, v35  }
0x1e8: {  	[tilespmem:s26+$0x8920] =	vst.add.f32.msk $0xffff, v36  }
0x1e9: {  	[tilespmem:s26+$0x8930] =	vst.add.f32.msk $0xffff, v37  }
0x1ea: {  	[tilespmem:s26+$0x8940] =	vst.add.f32.msk $0xffff, v38  }
0x1eb: {  	[tilespmem:s26+$0x8950] =	vst.add.f32.msk $0xffff, v39  }
0x1ec: {  	[tilespmem:s26+$0x8960] =	vst.add.f32.msk $0xffff, v40  }
0x1ed: {  	[tilespmem:s26+$0x8970] =	vst.add.f32.msk $0xffff, v41  }
0x1ee: {  	[tilespmem:s26+$0x8D00] =	vst.add.f32.msk $0xffff, v42  }
0x1ef: {  	[tilespmem:s26+$0x8D10] =	vst.add.f32.msk $0xffff, v43  }
0x1f0: {  	[tilespmem:s26+$0x8D20] =	vst.add.f32.msk $0xffff, v44  }
0x1f1: {  	[tilespmem:s26+$0x8D30] =	vst.add.f32.msk $0xffff, v45  }
0x1f2: {  	[tilespmem:s26+$0x8D40] =	vst.add.f32.msk $0xffff, v46  }
0x1f3: {  	[tilespmem:s26+$0x8D50] =	vst.add.f32.msk $0xffff, v47  }
0x1f4: {  	s28 =	sadd.s32 s25, s4;
	p0 =	seq.s32 s14, $0x7;
	[tilespmem:s26+$0x8D60] =	vst.add.f32.msk $0xffff, v48  }
0x1f5: {  	s2 =	sadd.s32 $0x300, s28;
	[tilespmem:s26+$0x7940] =	vst.add.f32.msk $0xffff, v2;
	s26 =	simm.s32 @!p0 $0x9  }
0x1f6: {  	[hbm4b:s2+s6] =	stream.linear.scatter [tilespmem:s24], [sflag:$0xA], $0x1800, $0x38;
	[tilespmem:$0xC100] =	vst v63  }
0x1f7: {  	_ =	swait.ge @!p0 [sflag:s26], $0x1800  }
0x1f8: {  	[sflag:s26] =	ssyncset.done @!p0 $0x0  }
0x1f9: {  	[sflag:s26] =	ssyncadd.s32 @!p0 $0xFFFFE800  }
0x1fa: {  	v2 =	vld.msk @!p0 [tilespmem:s16+$0x20], $0xff;
	_ =	sdelay $0x4  }
0x1fb: {  	v3 =	vshrl.u32 @!p0 v2, $0x3  }
0x1fc: {  	v3 =	vmul.u32 @!p0 $0x30, v3  }
0x1fd: {  	v4 =	vlaneseq.u32 @!p0;
	v2 =	vand.u32 @!p0 $0x7, v2  }
0x1fe: {  	v2 =	vor.u32 @!p0 v2, v3;
	v3 =	vand.u32 @!p0 $0x7, v4;
	v4 =	vshrl.u32 @!p0 v4, $0x3  }
0x1ff: {  	v2 =	vperm.xlane @!p0 v2, v3;
	v3 =	vmul.u32 @!p0 $0x8, v4;
	_ =	sdelay $0x1  }
0x200: {  	v2 =	vadd.s32 @!p0 v3, v2;
	_ =	sdelay $0x3  }
0x201: {  	vm1 =	vmmov @!p0 $0xffff;
	s28 =	simm.s32 @!p0 $0x100;
	s26 =	simm.s32 @!p0 $0x0  }
0x202: {  	[tilespmem:s28], [sflag:$0x1] =	stream.indirect_vreg.gather @!p0 [hbm4b:s1+s26], $0x80, v2, vm1, $0xb8;
	[tilespmem:$0xC100] =	vst v63  }
0x203: {  	s2 =	simm.s32 @!p0 $0x900;
	s28 =	sadd.s32 @!p0 $0x20, s16  }
0x204: {  	[tilespmem:s2], [sflag:$0x1] =	stream.indirect_vreg.gather @!p0 [hbm4b:s10+s26], $0x80, v2, vm1, $0xb8;
	[tilespmem:$0xC100] =	vst v63  }
0x205: {  	s2 =	sadd.s32 @!p0 s5, s28  }
0x206: {  	s2 =	sshrl.u32 @!p0 s2, $0x3  }
0x207: {  	s28 =	simm.s32 @!p0 $0x1100;
	s2 =	smul.u32 @!p0 $0x300, s2  }
0x208: {  	[tilespmem:s28], [sflag:$0x1] =	stream.indirect_vreg.gather @!p0 [hbm4b:s11+s26], $0x80, v2, vm1, $0xb8;
	[tilespmem:$0xC100] =	vst v63  }
0x209: {  	s28 =	simm.s32 @!p0 $0x6100;
	s2 =	sadd.s32 @!p0 s3, s2  }
0x20a: {  	[tilespmem:s28], [sflag:$0x5] =	stream.linear.gather @!p0 [hbm4b:s2+s26], $0x1800, $0x38;
	[tilespmem:$0xC100] =	vst v63  }
0x20b: {  	_ =	swait.ge [sflag:s22], $0x1800  }
0x20c: {  	[sflag:s22] =	ssyncset.done $0x0  }
0x20d: {  	[sflag:s22] =	ssyncadd.s32 $0xFFFFE800  }
0x20e: {  	_ =	swait.ge [sflag:s23], $0x1800  }
0x20f: {  	[sflag:s23] =	ssyncset.done $0x0  }
0x210: {  	s26 =	simm.s32 $0x0;
	s28 =	simm.s32 $0x200;
	[sflag:s23] =	ssyncadd.s32 $0xFFFFE800  }
.LBB2_7:
0x211: {  	p1 =	sne.s32 s28, $0xE00;
	v2 =	vld [tilespmem:s26+$0x4570]  }
0x212: {  	v3 =	vld [tilespmem:s26+$0x3100]  }
0x213: {  	v4 =	vld [tilespmem:s26+$0x3110]  }
0x214: {  	v5 =	vld [tilespmem:s26+$0x3120]  }
0x215: {  	v6 =	vld [tilespmem:s26+$0x3130]  }
0x216: {  	[tilespmem:s26+$0xA570] =	vst.add.f32.msk $0xffff, v2  }
0x217: {  	v2 =	vld [tilespmem:s26+$0x3140]  }
0x218: {  	v7 =	vld [tilespmem:s26+$0x3150]  }
0x219: {  	v8 =	vld [tilespmem:s26+$0x3160]  }
0x21a: {  	v9 =	vld [tilespmem:s26+$0x3170]  }
0x21b: {  	v10 =	vld [tilespmem:s26+$0x3500]  }
0x21c: {  	v11 =	vld [tilespmem:s26+$0x3510]  }
0x21d: {  	v12 =	vld [tilespmem:s26+$0x3520]  }
0x21e: {  	v13 =	vld [tilespmem:s26+$0x3530]  }
0x21f: {  	v14 =	vld [tilespmem:s26+$0x3540]  }
0x220: {  	v15 =	vld [tilespmem:s26+$0x3550]  }
0x221: {  	v16 =	vld [tilespmem:s26+$0x3560]  }
0x222: {  	v17 =	vld [tilespmem:s26+$0x3570]  }
0x223: {  	v18 =	vld [tilespmem:s26+$0x3900]  }
0x224: {  	v19 =	vld [tilespmem:s26+$0x3910]  }
0x225: {  	v20 =	vld [tilespmem:s26+$0x3920]  }
0x226: {  	v21 =	vld [tilespmem:s26+$0x3930]  }
0x227: {  	v22 =	vld [tilespmem:s26+$0x3940]  }
0x228: {  	v23 =	vld [tilespmem:s26+$0x3950]  }
0x229: {  	v24 =	vld [tilespmem:s26+$0x3960]  }
0x22a: {  	v25 =	vld [tilespmem:s26+$0x3970]  }
0x22b: {  	v26 =	vld [tilespmem:s26+$0x3D00]  }
0x22c: {  	v27 =	vld [tilespmem:s26+$0x3D10]  }
0x22d: {  	v28 =	vld [tilespmem:s26+$0x3D20]  }
0x22e: {  	v29 =	vld [tilespmem:s26+$0x3D30]  }
0x22f: {  	v30 =	vld [tilespmem:s26+$0x3D40]  }
0x230: {  	v31 =	vld [tilespmem:s26+$0x3D50]  }
0x231: {  	v32 =	vld [tilespmem:s26+$0x3D60]  }
0x232: {  	v33 =	vld [tilespmem:s26+$0x3D70]  }
0x233: {  	v34 =	vld [tilespmem:s26+$0x4100]  }
0x234: {  	v35 =	vld [tilespmem:s26+$0x4110]  }
0x235: {  	v36 =	vld [tilespmem:s26+$0x4120]  }
0x236: {  	v37 =	vld [tilespmem:s26+$0x4130]  }
0x237: {  	v38 =	vld [tilespmem:s26+$0x4140]  }
0x238: {  	v39 =	vld [tilespmem:s26+$0x4150]  }
0x239: {  	v40 =	vld [tilespmem:s26+$0x4160]  }
0x23a: {  	v41 =	vld [tilespmem:s26+$0x4170]  }
0x23b: {  	v42 =	vld [tilespmem:s26+$0x4500]  }
0x23c: {  	v43 =	vld [tilespmem:s26+$0x4510]  }
0x23d: {  	v44 =	vld [tilespmem:s26+$0x4520]  }
0x23e: {  	v45 =	vld [tilespmem:s26+$0x4530]  }
0x23f: {  	v46 =	vld [tilespmem:s26+$0x4540]  }
0x240: {  	v47 =	vld [tilespmem:s26+$0x4550]  }
0x241: {  	v48 =	vld [tilespmem:s26+$0x4560]  }
0x242: {  	[tilespmem:s26+$0x9100] =	vst.add.f32.msk $0xffff, v3  }
0x243: {  	[tilespmem:s26+$0x9110] =	vst.add.f32.msk $0xffff, v4  }
0x244: {  	[tilespmem:s26+$0x9120] =	vst.add.f32.msk $0xffff, v5  }
0x245: {  	[tilespmem:s26+$0x9130] =	vst.add.f32.msk $0xffff, v6  }
0x246: {  	[tilespmem:s26+$0x9140] =	vst.add.f32.msk $0xffff, v2  }
0x247: {  	[tilespmem:s26+$0x9150] =	vst.add.f32.msk $0xffff, v7  }
0x248: {  	[tilespmem:s26+$0x9160] =	vst.add.f32.msk $0xffff, v8  }
0x249: {  	[tilespmem:s26+$0x9170] =	vst.add.f32.msk $0xffff, v9  }
0x24a: {  	[tilespmem:s26+$0x9500] =	vst.add.f32.msk $0xffff, v10  }
0x24b: {  	[tilespmem:s26+$0x9510] =	vst.add.f32.msk $0xffff, v11  }
0x24c: {  	[tilespmem:s26+$0x9520] =	vst.add.f32.msk $0xffff, v12  }
0x24d: {  	[tilespmem:s26+$0x9530] =	vst.add.f32.msk $0xffff, v13  }
0x24e: {  	[tilespmem:s26+$0x9540] =	vst.add.f32.msk $0xffff, v14  }
0x24f: {  	[tilespmem:s26+$0x9550] =	vst.add.f32.msk $0xffff, v15  }
0x250: {  	[tilespmem:s26+$0x9560] =	vst.add.f32.msk $0xffff, v16  }
0x251: {  	[tilespmem:s26+$0x9570] =	vst.add.f32.msk $0xffff, v17  }
0x252: {  	[tilespmem:s26+$0x9900] =	vst.add.f32.msk $0xffff, v18  }
0x253: {  	[tilespmem:s26+$0x9910] =	vst.add.f32.msk $0xffff, v19  }
0x254: {  	[tilespmem:s26+$0x9920] =	vst.add.f32.msk $0xffff, v20  }
0x255: {  	[tilespmem:s26+$0x9930] =	vst.add.f32.msk $0xffff, v21  }
0x256: {  	[tilespmem:s26+$0x9940] =	vst.add.f32.msk $0xffff, v22  }
0x257: {  	[tilespmem:s26+$0x9950] =	vst.add.f32.msk $0xffff, v23  }
0x258: {  	[tilespmem:s26+$0x9960] =	vst.add.f32.msk $0xffff, v24  }
0x259: {  	[tilespmem:s26+$0x9970] =	vst.add.f32.msk $0xffff, v25  }
0x25a: {  	[tilespmem:s26+$0x9D00] =	vst.add.f32.msk $0xffff, v26  }
0x25b: {  	[tilespmem:s26+$0x9D10] =	vst.add.f32.msk $0xffff, v27  }
0x25c: {  	[tilespmem:s26+$0x9D20] =	vst.add.f32.msk $0xffff, v28  }
0x25d: {  	[tilespmem:s26+$0x9D30] =	vst.add.f32.msk $0xffff, v29  }
0x25e: {  	[tilespmem:s26+$0x9D40] =	vst.add.f32.msk $0xffff, v30  }
0x25f: {  	[tilespmem:s26+$0x9D50] =	vst.add.f32.msk $0xffff, v31  }
0x260: {  	[tilespmem:s26+$0x9D60] =	vst.add.f32.msk $0xffff, v32  }
0x261: {  	[tilespmem:s26+$0x9D70] =	vst.add.f32.msk $0xffff, v33  }
0x262: {  	[tilespmem:s26+$0xA100] =	vst.add.f32.msk $0xffff, v34  }
0x263: {  	[tilespmem:s26+$0xA110] =	vst.add.f32.msk $0xffff, v35  }
0x264: {  	[tilespmem:s26+$0xA120] =	vst.add.f32.msk $0xffff, v36  }
0x265: {  	[tilespmem:s26+$0xA130] =	vst.add.f32.msk $0xffff, v37  }
0x266: {  	[tilespmem:s26+$0xA140] =	vst.add.f32.msk $0xffff, v38  }
0x267: {  	[tilespmem:s26+$0xA150] =	vst.add.f32.msk $0xffff, v39  }
0x268: {  	[tilespmem:s26+$0xA160] =	vst.add.f32.msk $0xffff, v40  }
0x269: {  	[tilespmem:s26+$0xA170] =	vst.add.f32.msk $0xffff, v41  }
0x26a: {  	[tilespmem:s26+$0xA500] =	vst.add.f32.msk $0xffff, v42  }
0x26b: {  	[tilespmem:s26+$0xA510] =	vst.add.f32.msk $0xffff, v43  }
.Ltmp4:
0x26c: {  	[tilespmem:s26+$0xA520] =	vst.add.f32.msk $0xffff, v44;
	(pc) =	sbr.rel @p1 .LBB2_7-.Ltmp4, $4  }
0x26d: {  	[tilespmem:s26+$0xA530] =	vst.add.f32.msk $0xffff, v45  }
0x26e: {  	[tilespmem:s26+$0xA540] =	vst.add.f32.msk $0xffff, v46  }
0x26f: {  	[tilespmem:s26+$0xA550] =	vst.add.f32.msk $0xffff, v47  }
0x270: {  	[tilespmem:s26+$0xA560] =	vst.add.f32.msk $0xffff, v48;
	s26 =	sshra.s32 s28, $0x2;
	s28 =	sadd.s32 $0x200, s28  }
0x271: {  	v2 =	vld [tilespmem:s26+$0x4570]  }
0x272: {  	v3 =	vld [tilespmem:s26+$0x3100]  }
0x273: {  	v4 =	vld [tilespmem:s26+$0x3110]  }
0x274: {  	v5 =	vld [tilespmem:s26+$0x3120]  }
0x275: {  	v6 =	vld [tilespmem:s26+$0x3130]  }
0x276: {  	v7 =	vld [tilespmem:s26+$0x3150]  }
0x277: {  	v8 =	vld [tilespmem:s26+$0x3160]  }
0x278: {  	v9 =	vld [tilespmem:s26+$0x3170]  }
0x279: {  	v10 =	vld [tilespmem:s26+$0x3500]  }
0x27a: {  	v11 =	vld [tilespmem:s26+$0x3510]  }
0x27b: {  	v12 =	vld [tilespmem:s26+$0x3520]  }
0x27c: {  	v13 =	vld [tilespmem:s26+$0x3530]  }
0x27d: {  	v14 =	vld [tilespmem:s26+$0x3540]  }
0x27e: {  	v15 =	vld [tilespmem:s26+$0x3550]  }
0x27f: {  	v16 =	vld [tilespmem:s26+$0x3560]  }
0x280: {  	v17 =	vld [tilespmem:s26+$0x3570]  }
0x281: {  	v18 =	vld [tilespmem:s26+$0x3900]  }
0x282: {  	v19 =	vld [tilespmem:s26+$0x3910]  }
0x283: {  	v20 =	vld [tilespmem:s26+$0x3920]  }
0x284: {  	v21 =	vld [tilespmem:s26+$0x3930]  }
0x285: {  	v22 =	vld [tilespmem:s26+$0x3940]  }
0x286: {  	v23 =	vld [tilespmem:s26+$0x3950]  }
0x287: {  	v24 =	vld [tilespmem:s26+$0x3960]  }
0x288: {  	v25 =	vld [tilespmem:s26+$0x3970]  }
0x289: {  	v26 =	vld [tilespmem:s26+$0x3D00]  }
0x28a: {  	v27 =	vld [tilespmem:s26+$0x3D10]  }
0x28b: {  	v28 =	vld [tilespmem:s26+$0x3D20]  }
0x28c: {  	v29 =	vld [tilespmem:s26+$0x3D30]  }
0x28d: {  	v30 =	vld [tilespmem:s26+$0x3D40]  }
0x28e: {  	v31 =	vld [tilespmem:s26+$0x3D50]  }
0x28f: {  	v32 =	vld [tilespmem:s26+$0x3D60]  }
0x290: {  	v33 =	vld [tilespmem:s26+$0x3D70]  }
0x291: {  	v34 =	vld [tilespmem:s26+$0x4100]  }
0x292: {  	v35 =	vld [tilespmem:s26+$0x4110]  }
0x293: {  	v36 =	vld [tilespmem:s26+$0x4120]  }
0x294: {  	v37 =	vld [tilespmem:s26+$0x4130]  }
0x295: {  	v38 =	vld [tilespmem:s26+$0x4140]  }
0x296: {  	v39 =	vld [tilespmem:s26+$0x4150]  }
0x297: {  	v40 =	vld [tilespmem:s26+$0x4160]  }
0x298: {  	v41 =	vld [tilespmem:s26+$0x4170]  }
0x299: {  	v42 =	vld [tilespmem:s26+$0x4500]  }
0x29a: {  	v43 =	vld [tilespmem:s26+$0x4510]  }
0x29b: {  	v44 =	vld [tilespmem:s26+$0x4520]  }
0x29c: {  	v45 =	vld [tilespmem:s26+$0x4530]  }
0x29d: {  	v46 =	vld [tilespmem:s26+$0x4540]  }
0x29e: {  	v47 =	vld [tilespmem:s26+$0x4550]  }
0x29f: {  	v48 =	vld [tilespmem:s26+$0x4560]  }
0x2a0: {  	[tilespmem:s26+$0xA570] =	vst.add.f32.msk $0xffff, v2  }
0x2a1: {  	v2 =	vld [tilespmem:s26+$0x3140]  }
0x2a2: {  	[tilespmem:s26+$0x9100] =	vst.add.f32.msk $0xffff, v3  }
0x2a3: {  	[tilespmem:s26+$0x9110] =	vst.add.f32.msk $0xffff, v4  }
0x2a4: {  	[tilespmem:s26+$0x9120] =	vst.add.f32.msk $0xffff, v5  }
0x2a5: {  	[tilespmem:s26+$0x9130] =	vst.add.f32.msk $0xffff, v6  }
0x2a6: {  	[tilespmem:s26+$0x9150] =	vst.add.f32.msk $0xffff, v7  }
0x2a7: {  	[tilespmem:s26+$0x9160] =	vst.add.f32.msk $0xffff, v8  }
0x2a8: {  	[tilespmem:s26+$0x9170] =	vst.add.f32.msk $0xffff, v9  }
0x2a9: {  	[tilespmem:s26+$0x9500] =	vst.add.f32.msk $0xffff, v10  }
0x2aa: {  	[tilespmem:s26+$0x9510] =	vst.add.f32.msk $0xffff, v11  }
0x2ab: {  	[tilespmem:s26+$0x9520] =	vst.add.f32.msk $0xffff, v12  }
0x2ac: {  	[tilespmem:s26+$0x9530] =	vst.add.f32.msk $0xffff, v13  }
0x2ad: {  	[tilespmem:s26+$0x9540] =	vst.add.f32.msk $0xffff, v14  }
0x2ae: {  	[tilespmem:s26+$0x9550] =	vst.add.f32.msk $0xffff, v15  }
0x2af: {  	[tilespmem:s26+$0x9560] =	vst.add.f32.msk $0xffff, v16  }
0x2b0: {  	[tilespmem:s26+$0x9570] =	vst.add.f32.msk $0xffff, v17  }
0x2b1: {  	[tilespmem:s26+$0x9900] =	vst.add.f32.msk $0xffff, v18  }
0x2b2: {  	[tilespmem:s26+$0x9910] =	vst.add.f32.msk $0xffff, v19  }
0x2b3: {  	[tilespmem:s26+$0x9920] =	vst.add.f32.msk $0xffff, v20  }
0x2b4: {  	[tilespmem:s26+$0x9930] =	vst.add.f32.msk $0xffff, v21  }
0x2b5: {  	[tilespmem:s26+$0x9940] =	vst.add.f32.msk $0xffff, v22  }
0x2b6: {  	[tilespmem:s26+$0x9950] =	vst.add.f32.msk $0xffff, v23  }
0x2b7: {  	[tilespmem:s26+$0x9960] =	vst.add.f32.msk $0xffff, v24  }
0x2b8: {  	[tilespmem:s26+$0x9970] =	vst.add.f32.msk $0xffff, v25  }
0x2b9: {  	[tilespmem:s26+$0x9D00] =	vst.add.f32.msk $0xffff, v26  }
0x2ba: {  	[tilespmem:s26+$0x9D10] =	vst.add.f32.msk $0xffff, v27  }
0x2bb: {  	[tilespmem:s26+$0x9D20] =	vst.add.f32.msk $0xffff, v28  }
0x2bc: {  	[tilespmem:s26+$0x9D30] =	vst.add.f32.msk $0xffff, v29  }
0x2bd: {  	[tilespmem:s26+$0x9D40] =	vst.add.f32.msk $0xffff, v30  }
0x2be: {  	[tilespmem:s26+$0x9D50] =	vst.add.f32.msk $0xffff, v31  }
0x2bf: {  	[tilespmem:s26+$0x9D60] =	vst.add.f32.msk $0xffff, v32  }
0x2c0: {  	[tilespmem:s26+$0x9D70] =	vst.add.f32.msk $0xffff, v33  }
0x2c1: {  	[tilespmem:s26+$0xA100] =	vst.add.f32.msk $0xffff, v34  }
0x2c2: {  	[tilespmem:s26+$0xA110] =	vst.add.f32.msk $0xffff, v35  }
0x2c3: {  	[tilespmem:s26+$0xA120] =	vst.add.f32.msk $0xffff, v36  }
0x2c4: {  	[tilespmem:s26+$0xA130] =	vst.add.f32.msk $0xffff, v37  }
0x2c5: {  	[tilespmem:s26+$0xA140] =	vst.add.f32.msk $0xffff, v38  }
0x2c6: {  	[tilespmem:s26+$0xA150] =	vst.add.f32.msk $0xffff, v39  }
0x2c7: {  	[tilespmem:s26+$0xA160] =	vst.add.f32.msk $0xffff, v40  }
0x2c8: {  	[tilespmem:s26+$0xA170] =	vst.add.f32.msk $0xffff, v41  }
0x2c9: {  	[tilespmem:s26+$0xA500] =	vst.add.f32.msk $0xffff, v42  }
0x2ca: {  	[tilespmem:s26+$0xA510] =	vst.add.f32.msk $0xffff, v43  }
0x2cb: {  	[tilespmem:s26+$0xA520] =	vst.add.f32.msk $0xffff, v44  }
0x2cc: {  	[tilespmem:s26+$0xA530] =	vst.add.f32.msk $0xffff, v45  }
0x2cd: {  	[tilespmem:s26+$0xA540] =	vst.add.f32.msk $0xffff, v46  }
0x2ce: {  	[tilespmem:s26+$0xA550] =	vst.add.f32.msk $0xffff, v47  }
0x2cf: {  	[tilespmem:s26+$0xA560] =	vst.add.f32.msk $0xffff, v48  }
0x2d0: {  	s2 =	sadd.s32 s15, s25;
	[tilespmem:s26+$0x9140] =	vst.add.f32.msk $0xffff, v2  }
0x2d1: {  	[hbm4b:s2+s6] =	stream.linear.scatter [tilespmem:s29], [sflag:$0xB], $0x1800, $0x38;
	[tilespmem:$0xC100] =	vst v63  }
0x2d2: {  	s2 =	simm.s32 @!p0 $0xA  }
0x2d3: {  	_ =	swait.ge @!p0 [sflag:s2], $0x1800  }
0x2d4: {  	[sflag:s2] =	ssyncset.done @!p0 $0x0  }
0x2d5: {  	[sflag:s2] =	ssyncadd.s32 @!p0 $0xFFFFE800  }
0x2d6: {  	v2 =	vld.msk @!p0 [tilespmem:s16+$0x28], $0xff;
	_ =	sdelay $0x4  }
0x2d7: {  	v3 =	vshrl.u32 @!p0 v2, $0x3  }
0x2d8: {  	v3 =	vmul.u32 @!p0 $0x30, v3  }
0x2d9: {  	v4 =	vlaneseq.u32 @!p0;
	v2 =	vand.u32 @!p0 $0x7, v2  }
0x2da: {  	v2 =	vor.u32 @!p0 v2, v3;
	v3 =	vand.u32 @!p0 $0x7, v4;
	v4 =	vshrl.u32 @!p0 v4, $0x3  }
0x2db: {  	v2 =	vperm.xlane @!p0 v2, v3;
	v3 =	vmul.u32 @!p0 $0x8, v4;
	_ =	sdelay $0x1  }
0x2dc: {  	v2 =	vadd.s32 @!p0 v3, v2;
	_ =	sdelay $0x3  }
0x2dd: {  	s25 =	simm.s32 @!p0 $0x1900;
	s2 =	simm.s32 @!p0 $0x0  }
0x2de: {  	[tilespmem:s25], [sflag:$0x2] =	stream.indirect_vreg.gather @!p0 [hbm4b:s1+s2], $0x80, v2, vm1, $0xb8;
	[tilespmem:$0xC100] =	vst v63  }
0x2df: {  	s25 =	sadd.s32 @!p0 $0x28, s16  }
0x2e0: {  	s26 =	simm.s32 @!p0 $0x2100;
	s25 =	sadd.s32 @!p0 s5, s25  }
0x2e1: {  	[tilespmem:s26], [sflag:$0x2] =	stream.indirect_vreg.gather @!p0 [hbm4b:s10+s2], $0x80, v2, vm1, $0xb8;
	[tilespmem:$0xC100] =	vst v63  }
0x2e2: {  	s25 =	sshrl.u32 @!p0 s25, $0x3  }
0x2e3: {  	s26 =	simm.s32 @!p0 $0x2900;
	s25 =	smul.u32 @!p0 $0x300, s25  }
0x2e4: {  	[tilespmem:s26], [sflag:$0x2] =	stream.indirect_vreg.gather @!p0 [hbm4b:s11+s2], $0x80, v2, vm1, $0xb8;
	[tilespmem:$0xC100] =	vst v63  }
0x2e5: {  	s26 =	simm.s32 @!p0 $0x7900;
	s25 =	sadd.s32 @!p0 s3, s25  }
0x2e6: {  	[tilespmem:s26], [sflag:$0x6] =	stream.linear.gather @!p0 [hbm4b:s25+s2], $0x1800, $0x38;
	[tilespmem:$0xC100] =	vst v63  }
0x2e7: {  	_ =	swait.ge [sflag:s8], $0x1800  }
0x2e8: {  	[sflag:s8] =	ssyncset.done $0x0  }
0x2e9: {  	[sflag:s8] =	ssyncadd.s32 $0xFFFFE800  }
0x2ea: {  	_ =	swait.ge [sflag:s12], $0x1800  }
0x2eb: {  	[sflag:s12] =	ssyncset.done $0x0  }
0x2ec: {  	s25 =	simm.s32 $0x0;
	s26 =	simm.s32 $0x200;
	[sflag:s12] =	ssyncadd.s32 $0xFFFFE800  }
.LBB2_9:
0x2ed: {  	p1 =	sne.s32 s26, $0xE00;
	v2 =	vld [tilespmem:s25+$0x5D70]  }
0x2ee: {  	v3 =	vld [tilespmem:s25+$0x4900]  }
0x2ef: {  	v4 =	vld [tilespmem:s25+$0x4910]  }
0x2f0: {  	v5 =	vld [tilespmem:s25+$0x4920]  }
0x2f1: {  	v6 =	vld [tilespmem:s25+$0x4930]  }
0x2f2: {  	[tilespmem:s25+$0xBD70] =	vst.add.f32.msk $0xffff, v2  }
0x2f3: {  	v2 =	vld [tilespmem:s25+$0x4940]  }
0x2f4: {  	v7 =	vld [tilespmem:s25+$0x4950]  }
0x2f5: {  	v8 =	vld [tilespmem:s25+$0x4960]  }
0x2f6: {  	v9 =	vld [tilespmem:s25+$0x4970]  }
0x2f7: {  	v10 =	vld [tilespmem:s25+$0x4D00]  }
0x2f8: {  	v11 =	vld [tilespmem:s25+$0x4D10]  }
0x2f9: {  	v12 =	vld [tilespmem:s25+$0x4D20]  }
0x2fa: {  	v13 =	vld [tilespmem:s25+$0x4D30]  }
0x2fb: {  	v14 =	vld [tilespmem:s25+$0x4D40]  }
0x2fc: {  	v15 =	vld [tilespmem:s25+$0x4D50]  }
0x2fd: {  	v16 =	vld [tilespmem:s25+$0x4D60]  }
0x2fe: {  	v17 =	vld [tilespmem:s25+$0x4D70]  }
0x2ff: {  	v18 =	vld [tilespmem:s25+$0x5100]  }
0x300: {  	v19 =	vld [tilespmem:s25+$0x5110]  }
0x301: {  	v20 =	vld [tilespmem:s25+$0x5120]  }
0x302: {  	v21 =	vld [tilespmem:s25+$0x5130]  }
0x303: {  	v22 =	vld [tilespmem:s25+$0x5140]  }
0x304: {  	v23 =	vld [tilespmem:s25+$0x5150]  }
0x305: {  	v24 =	vld [tilespmem:s25+$0x5160]  }
0x306: {  	v25 =	vld [tilespmem:s25+$0x5170]  }
0x307: {  	v26 =	vld [tilespmem:s25+$0x5500]  }
0x308: {  	v27 =	vld [tilespmem:s25+$0x5510]  }
0x309: {  	v28 =	vld [tilespmem:s25+$0x5520]  }
0x30a: {  	v29 =	vld [tilespmem:s25+$0x5530]  }
0x30b: {  	v30 =	vld [tilespmem:s25+$0x5540]  }
0x30c: {  	v31 =	vld [tilespmem:s25+$0x5550]  }
0x30d: {  	v32 =	vld [tilespmem:s25+$0x5560]  }
0x30e: {  	v33 =	vld [tilespmem:s25+$0x5570]  }
0x30f: {  	v34 =	vld [tilespmem:s25+$0x5900]  }
0x310: {  	v35 =	vld [tilespmem:s25+$0x5910]  }
0x311: {  	v36 =	vld [tilespmem:s25+$0x5920]  }
0x312: {  	v37 =	vld [tilespmem:s25+$0x5930]  }
0x313: {  	v38 =	vld [tilespmem:s25+$0x5940]  }
0x314: {  	v39 =	vld [tilespmem:s25+$0x5950]  }
0x315: {  	v40 =	vld [tilespmem:s25+$0x5960]  }
0x316: {  	v41 =	vld [tilespmem:s25+$0x5970]  }
0x317: {  	v42 =	vld [tilespmem:s25+$0x5D00]  }
0x318: {  	v43 =	vld [tilespmem:s25+$0x5D10]  }
0x319: {  	v44 =	vld [tilespmem:s25+$0x5D20]  }
0x31a: {  	v45 =	vld [tilespmem:s25+$0x5D30]  }
0x31b: {  	v46 =	vld [tilespmem:s25+$0x5D40]  }
0x31c: {  	v47 =	vld [tilespmem:s25+$0x5D50]  }
0x31d: {  	v48 =	vld [tilespmem:s25+$0x5D60]  }
0x31e: {  	[tilespmem:s25+$0xA900] =	vst.add.f32.msk $0xffff, v3  }
0x31f: {  	[tilespmem:s25+$0xA910] =	vst.add.f32.msk $0xffff, v4  }
0x320: {  	[tilespmem:s25+$0xA920] =	vst.add.f32.msk $0xffff, v5  }
0x321: {  	[tilespmem:s25+$0xA930] =	vst.add.f32.msk $0xffff, v6  }
0x322: {  	[tilespmem:s25+$0xA940] =	vst.add.f32.msk $0xffff, v2  }
0x323: {  	[tilespmem:s25+$0xA950] =	vst.add.f32.msk $0xffff, v7  }
0x324: {  	[tilespmem:s25+$0xA960] =	vst.add.f32.msk $0xffff, v8  }
0x325: {  	[tilespmem:s25+$0xA970] =	vst.add.f32.msk $0xffff, v9  }
0x326: {  	[tilespmem:s25+$0xAD00] =	vst.add.f32.msk $0xffff, v10  }
0x327: {  	[tilespmem:s25+$0xAD10] =	vst.add.f32.msk $0xffff, v11  }
0x328: {  	[tilespmem:s25+$0xAD20] =	vst.add.f32.msk $0xffff, v12  }
0x329: {  	[tilespmem:s25+$0xAD30] =	vst.add.f32.msk $0xffff, v13  }
0x32a: {  	[tilespmem:s25+$0xAD40] =	vst.add.f32.msk $0xffff, v14  }
0x32b: {  	[tilespmem:s25+$0xAD50] =	vst.add.f32.msk $0xffff, v15  }
0x32c: {  	[tilespmem:s25+$0xAD60] =	vst.add.f32.msk $0xffff, v16  }
0x32d: {  	[tilespmem:s25+$0xAD70] =	vst.add.f32.msk $0xffff, v17  }
0x32e: {  	[tilespmem:s25+$0xB100] =	vst.add.f32.msk $0xffff, v18  }
0x32f: {  	[tilespmem:s25+$0xB110] =	vst.add.f32.msk $0xffff, v19  }
0x330: {  	[tilespmem:s25+$0xB120] =	vst.add.f32.msk $0xffff, v20  }
0x331: {  	[tilespmem:s25+$0xB130] =	vst.add.f32.msk $0xffff, v21  }
0x332: {  	[tilespmem:s25+$0xB140] =	vst.add.f32.msk $0xffff, v22  }
0x333: {  	[tilespmem:s25+$0xB150] =	vst.add.f32.msk $0xffff, v23  }
0x334: {  	[tilespmem:s25+$0xB160] =	vst.add.f32.msk $0xffff, v24  }
0x335: {  	[tilespmem:s25+$0xB170] =	vst.add.f32.msk $0xffff, v25  }
0x336: {  	[tilespmem:s25+$0xB500] =	vst.add.f32.msk $0xffff, v26  }
0x337: {  	[tilespmem:s25+$0xB510] =	vst.add.f32.msk $0xffff, v27  }
0x338: {  	[tilespmem:s25+$0xB520] =	vst.add.f32.msk $0xffff, v28  }
0x339: {  	[tilespmem:s25+$0xB530] =	vst.add.f32.msk $0xffff, v29  }
0x33a: {  	[tilespmem:s25+$0xB540] =	vst.add.f32.msk $0xffff, v30  }
0x33b: {  	[tilespmem:s25+$0xB550] =	vst.add.f32.msk $0xffff, v31  }
0x33c: {  	[tilespmem:s25+$0xB560] =	vst.add.f32.msk $0xffff, v32  }
0x33d: {  	[tilespmem:s25+$0xB570] =	vst.add.f32.msk $0xffff, v33  }
0x33e: {  	[tilespmem:s25+$0xB900] =	vst.add.f32.msk $0xffff, v34  }
0x33f: {  	[tilespmem:s25+$0xB910] =	vst.add.f32.msk $0xffff, v35  }
0x340: {  	[tilespmem:s25+$0xB920] =	vst.add.f32.msk $0xffff, v36  }
0x341: {  	[tilespmem:s25+$0xB930] =	vst.add.f32.msk $0xffff, v37  }
0x342: {  	[tilespmem:s25+$0xB940] =	vst.add.f32.msk $0xffff, v38  }
0x343: {  	[tilespmem:s25+$0xB950] =	vst.add.f32.msk $0xffff, v39  }
0x344: {  	[tilespmem:s25+$0xB960] =	vst.add.f32.msk $0xffff, v40  }
0x345: {  	[tilespmem:s25+$0xB970] =	vst.add.f32.msk $0xffff, v41  }
0x346: {  	[tilespmem:s25+$0xBD00] =	vst.add.f32.msk $0xffff, v42  }
0x347: {  	[tilespmem:s25+$0xBD10] =	vst.add.f32.msk $0xffff, v43  }
.Ltmp5:
0x348: {  	[tilespmem:s25+$0xBD20] =	vst.add.f32.msk $0xffff, v44;
	(pc) =	sbr.rel @p1 .LBB2_9-.Ltmp5, $4  }
0x349: {  	[tilespmem:s25+$0xBD30] =	vst.add.f32.msk $0xffff, v45  }
0x34a: {  	[tilespmem:s25+$0xBD40] =	vst.add.f32.msk $0xffff, v46  }
0x34b: {  	[tilespmem:s25+$0xBD50] =	vst.add.f32.msk $0xffff, v47  }
0x34c: {  	[tilespmem:s25+$0xBD60] =	vst.add.f32.msk $0xffff, v48;
	s25 =	sshra.s32 s26, $0x2;
	s26 =	sadd.s32 $0x200, s26  }
0x34d: {  	v2 =	vld [tilespmem:s25+$0x5D70]  }
0x34e: {  	v3 =	vld [tilespmem:s25+$0x4900]  }
0x34f: {  	v4 =	vld [tilespmem:s25+$0x4910]  }
0x350: {  	v5 =	vld [tilespmem:s25+$0x4920]  }
0x351: {  	v6 =	vld [tilespmem:s25+$0x4930]  }
0x352: {  	v7 =	vld [tilespmem:s25+$0x4950]  }
0x353: {  	v8 =	vld [tilespmem:s25+$0x4960]  }
0x354: {  	v9 =	vld [tilespmem:s25+$0x4970]  }
0x355: {  	v10 =	vld [tilespmem:s25+$0x4D00]  }
0x356: {  	v11 =	vld [tilespmem:s25+$0x4D10]  }
0x357: {  	v12 =	vld [tilespmem:s25+$0x4D20]  }
0x358: {  	v13 =	vld [tilespmem:s25+$0x4D30]  }
0x359: {  	v14 =	vld [tilespmem:s25+$0x4D40]  }
0x35a: {  	v15 =	vld [tilespmem:s25+$0x4D50]  }
0x35b: {  	v16 =	vld [tilespmem:s25+$0x4D60]  }
0x35c: {  	v17 =	vld [tilespmem:s25+$0x4D70]  }
0x35d: {  	v18 =	vld [tilespmem:s25+$0x5100]  }
0x35e: {  	v19 =	vld [tilespmem:s25+$0x5110]  }
0x35f: {  	v20 =	vld [tilespmem:s25+$0x5120]  }
0x360: {  	v21 =	vld [tilespmem:s25+$0x5130]  }
0x361: {  	v22 =	vld [tilespmem:s25+$0x5140]  }
0x362: {  	v23 =	vld [tilespmem:s25+$0x5150]  }
0x363: {  	v24 =	vld [tilespmem:s25+$0x5160]  }
0x364: {  	v25 =	vld [tilespmem:s25+$0x5170]  }
0x365: {  	v26 =	vld [tilespmem:s25+$0x5500]  }
0x366: {  	v27 =	vld [tilespmem:s25+$0x5510]  }
0x367: {  	v28 =	vld [tilespmem:s25+$0x5520]  }
0x368: {  	v29 =	vld [tilespmem:s25+$0x5530]  }
0x369: {  	v30 =	vld [tilespmem:s25+$0x5540]  }
0x36a: {  	v31 =	vld [tilespmem:s25+$0x5550]  }
0x36b: {  	v32 =	vld [tilespmem:s25+$0x5560]  }
0x36c: {  	v33 =	vld [tilespmem:s25+$0x5570]  }
0x36d: {  	v34 =	vld [tilespmem:s25+$0x5900]  }
0x36e: {  	v35 =	vld [tilespmem:s25+$0x5910]  }
0x36f: {  	v36 =	vld [tilespmem:s25+$0x5920]  }
0x370: {  	v37 =	vld [tilespmem:s25+$0x5930]  }
0x371: {  	v38 =	vld [tilespmem:s25+$0x5940]  }
0x372: {  	v39 =	vld [tilespmem:s25+$0x5950]  }
0x373: {  	v40 =	vld [tilespmem:s25+$0x5960]  }
0x374: {  	v41 =	vld [tilespmem:s25+$0x5970]  }
0x375: {  	v42 =	vld [tilespmem:s25+$0x5D00]  }
0x376: {  	v43 =	vld [tilespmem:s25+$0x5D10]  }
0x377: {  	v44 =	vld [tilespmem:s25+$0x5D20]  }
0x378: {  	v45 =	vld [tilespmem:s25+$0x5D30]  }
0x379: {  	v46 =	vld [tilespmem:s25+$0x5D40]  }
0x37a: {  	v47 =	vld [tilespmem:s25+$0x5D50]  }
0x37b: {  	v48 =	vld [tilespmem:s25+$0x5D60]  }
0x37c: {  	[tilespmem:s25+$0xBD70] =	vst.add.f32.msk $0xffff, v2  }
0x37d: {  	v2 =	vld [tilespmem:s25+$0x4940]  }
0x37e: {  	[tilespmem:s25+$0xA900] =	vst.add.f32.msk $0xffff, v3  }
0x37f: {  	[tilespmem:s25+$0xA910] =	vst.add.f32.msk $0xffff, v4  }
0x380: {  	[tilespmem:s25+$0xA920] =	vst.add.f32.msk $0xffff, v5  }
0x381: {  	[tilespmem:s25+$0xA930] =	vst.add.f32.msk $0xffff, v6  }
0x382: {  	[tilespmem:s25+$0xA950] =	vst.add.f32.msk $0xffff, v7  }
0x383: {  	[tilespmem:s25+$0xA960] =	vst.add.f32.msk $0xffff, v8  }
0x384: {  	[tilespmem:s25+$0xA970] =	vst.add.f32.msk $0xffff, v9  }
0x385: {  	[tilespmem:s25+$0xAD00] =	vst.add.f32.msk $0xffff, v10  }
0x386: {  	[tilespmem:s25+$0xAD10] =	vst.add.f32.msk $0xffff, v11  }
0x387: {  	[tilespmem:s25+$0xAD20] =	vst.add.f32.msk $0xffff, v12  }
0x388: {  	[tilespmem:s25+$0xAD30] =	vst.add.f32.msk $0xffff, v13  }
0x389: {  	[tilespmem:s25+$0xAD40] =	vst.add.f32.msk $0xffff, v14  }
0x38a: {  	[tilespmem:s25+$0xAD50] =	vst.add.f32.msk $0xffff, v15  }
0x38b: {  	[tilespmem:s25+$0xAD60] =	vst.add.f32.msk $0xffff, v16  }
0x38c: {  	[tilespmem:s25+$0xAD70] =	vst.add.f32.msk $0xffff, v17  }
0x38d: {  	[tilespmem:s25+$0xB100] =	vst.add.f32.msk $0xffff, v18  }
0x38e: {  	[tilespmem:s25+$0xB110] =	vst.add.f32.msk $0xffff, v19  }
0x38f: {  	[tilespmem:s25+$0xB120] =	vst.add.f32.msk $0xffff, v20  }
0x390: {  	[tilespmem:s25+$0xB130] =	vst.add.f32.msk $0xffff, v21  }
0x391: {  	[tilespmem:s25+$0xB140] =	vst.add.f32.msk $0xffff, v22  }
0x392: {  	[tilespmem:s25+$0xB150] =	vst.add.f32.msk $0xffff, v23  }
0x393: {  	[tilespmem:s25+$0xB160] =	vst.add.f32.msk $0xffff, v24  }
0x394: {  	[tilespmem:s25+$0xB170] =	vst.add.f32.msk $0xffff, v25  }
0x395: {  	[tilespmem:s25+$0xB500] =	vst.add.f32.msk $0xffff, v26  }
0x396: {  	[tilespmem:s25+$0xB510] =	vst.add.f32.msk $0xffff, v27  }
0x397: {  	[tilespmem:s25+$0xB520] =	vst.add.f32.msk $0xffff, v28  }
0x398: {  	[tilespmem:s25+$0xB530] =	vst.add.f32.msk $0xffff, v29  }
0x399: {  	[tilespmem:s25+$0xB540] =	vst.add.f32.msk $0xffff, v30  }
0x39a: {  	[tilespmem:s25+$0xB550] =	vst.add.f32.msk $0xffff, v31  }
0x39b: {  	[tilespmem:s25+$0xB560] =	vst.add.f32.msk $0xffff, v32  }
0x39c: {  	[tilespmem:s25+$0xB570] =	vst.add.f32.msk $0xffff, v33  }
0x39d: {  	[tilespmem:s25+$0xB900] =	vst.add.f32.msk $0xffff, v34  }
0x39e: {  	[tilespmem:s25+$0xB910] =	vst.add.f32.msk $0xffff, v35  }
0x39f: {  	[tilespmem:s25+$0xB920] =	vst.add.f32.msk $0xffff, v36  }
0x3a0: {  	[tilespmem:s25+$0xB930] =	vst.add.f32.msk $0xffff, v37  }
0x3a1: {  	[tilespmem:s25+$0xB940] =	vst.add.f32.msk $0xffff, v38  }
0x3a2: {  	[tilespmem:s25+$0xB950] =	vst.add.f32.msk $0xffff, v39  }
0x3a3: {  	[tilespmem:s25+$0xB960] =	vst.add.f32.msk $0xffff, v40  }
0x3a4: {  	[tilespmem:s25+$0xB970] =	vst.add.f32.msk $0xffff, v41  }
0x3a5: {  	[tilespmem:s25+$0xBD00] =	vst.add.f32.msk $0xffff, v42  }
0x3a6: {  	[tilespmem:s25+$0xBD10] =	vst.add.f32.msk $0xffff, v43  }
0x3a7: {  	[tilespmem:s25+$0xBD20] =	vst.add.f32.msk $0xffff, v44  }
0x3a8: {  	[tilespmem:s25+$0xBD30] =	vst.add.f32.msk $0xffff, v45  }
.Ltmp6:
0x3a9: {  	[tilespmem:s25+$0xBD40] =	vst.add.f32.msk $0xffff, v46;
	(pc) =	sbr.rel @p0 .LBB2_12-.Ltmp6, $4  }
0x3aa: {  	[tilespmem:s25+$0xBD50] =	vst.add.f32.msk $0xffff, v47  }
0x3ab: {  	[tilespmem:s25+$0xBD60] =	vst.add.f32.msk $0xffff, v48  }
0x3ac: {  	s2 =	sadd.s32 s4, s13;
	[tilespmem:s25+$0xA940] =	vst.add.f32.msk $0xffff, v2  }
0x3ad: {  	[hbm4b:s2+s6] =	stream.linear.scatter [tilespmem:s18], [sflag:$0xC], $0x1800, $0x38;
	[tilespmem:$0xC100] =	vst v63  }
0x3ae: {  	_ =	swait.ge [sflag:s9], $0x1800  }
0x3af: {  	[sflag:s9] =	ssyncset.done $0x0  }
0x3b0: {  	[sflag:s9] =	ssyncadd.s32 $0xFFFFE800  }
0x3b1: {  	v2 =	vld.msk [tilespmem:s16+$0x30], $0xff;
	_ =	sdelay $0x4  }
0x3b2: {  	v3 =	vshrl.u32 v2, $0x3  }
0x3b3: {  	v3 =	vmul.u32 $0x30, v3  }
0x3b4: {  	v2 =	vand.u32 $0x7, v2  }
0x3b5: {  	v2 =	vor.u32 v2, v3  }
0x3b6: {  	v2 =	vperm.xlane v2, v0;
	_ =	sdelay $0x1  }
0x3b7: {  	v2 =	vadd.s32 v1, v2;
	_ =	sdelay $0x3  }
0x3b8: {  	s2 =	simm.s32 $0x3100;
	s26 =	sadd.s32 $0x30, s16  }
0x3b9: {  	[tilespmem:s2], [sflag:$0x3] =	stream.indirect_vreg.gather [hbm4b:s1+s6], $0x80, v2, vm0, $0xb8;
	[tilespmem:$0xC100] =	vst v63  }
0x3ba: {  	s13 =	simm.s32 $0x3900;
	s2 =	sadd.s32 s5, s26  }
0x3bb: {  	[tilespmem:s13], [sflag:$0x3] =	stream.indirect_vreg.gather [hbm4b:s10+s6], $0x80, v2, vm0, $0xb8;
	[tilespmem:$0xC100] =	vst v63  }
.Ltmp7:
0x3bc: {  	s2 =	sshrl.u32 s2, $0x3;
	(pc) =	sbr.rel .LBB2_2-.Ltmp7, $4  }
0x3bd: {  	s28 =	simm.s32 $0x4100;
	s2 =	smul.u32 $0x300, s2  }
0x3be: {  	[tilespmem:s28], [sflag:$0x3] =	stream.indirect_vreg.gather [hbm4b:s11+s6], $0x80, v2, vm0, $0xb8;
	[tilespmem:$0xC100] =	vst v63  }
0x3bf: {  	s14 =	sadd.s32 $0x1, s14;
	s2 =	sadd.s32 s3, s2  }
0x3c0: {  	[tilespmem:s29], [sflag:$0x7] =	stream.linear.gather [hbm4b:s2+s6], $0x1800, $0x38;
	[tilespmem:$0xC100] =	vst v63  }
.LBB2_13:
0x3c1: {  	_ =	sfence.sel $0x180000  }
0x3c2: {  	[bflag:$0x0] =	sbarrier.arrive $0xFFFF  }
0x3c3: {  	_ =	strace $0x90000047  }
0x3c4: {  	s0 =	stileid.u32;
	[bflag:$0x2] =	sbarrier.arrive $0xFFFF  }
0x3c5: {  	p0 =	sne.s32 s0, $0x0;
	s0 =	rddreg [dreg:$0x4]  }
0x3c6: {  	s0 =	sadd.s32 @!p0 $0x100000, s0  }
0x3c7: {  	[sflag:s0] =	ssyncadd.tile.s32 @!p0 $0x1;
	_ =	shalt  }
.Lfunc_end2:
_tile_overlayer_lowered:
.L_overlay_start_2:
0x3c8: {  	(tag) =	ssettag $0x2  }
0x3c9: {  	s0 =	rddreg [dreg:$0x0];
	s2 =	stileid.u32  }
0x3ca: {  	s1 =	rddreg [dreg:$0x1];
	p0 =	sne.s32 s2, $0x0  }
0x3cb: {  	s3 =	rddreg [dreg:$0x2];
	[bflag:$0x3] =	sbarrier.arrive $0xFFFF;
	s2 =	simm.s32 @!p0 $0x1C0D  }
0x3cc: {  	[timem:s3], [sflag:s2] =	dma.local @!p0 [hbm:s0], s1  }
0x3cd: {  	s0 =	simm.s32 @!p0 $0xD  }
0x3ce: {  	_ =	swait.ge @!p0 [sflag:s0], s1  }
0x3cf: {  	s1 =	ssub.s32 @!p0 $0x0, s1;
	[sflag:s0] =	ssyncset.done @!p0 $0x0  }
0x3d0: {  	[sflag:s0] =	ssyncadd.s32 @!p0 s1  }
0x3d1: {  	[bflag:$0x3] =	sbarrier.arrive $0xFFFF  }
0x3d2: {  	_ =	shalt  }

</sc_bundles>
